<compile_context>
chip_gen: v7x
topology: tpu7x:2x2x1
jax: 0.10.2.dev20260603
libtpu: 0.0.44.dev20260713+nightly
codegen_flags: <defaults>
</compile_context>

<pallas_src>
import functools

import jax
import jax.numpy as jnp
from jax import lax
from jax.experimental import pallas as pl
from jax.experimental.pallas import tpu as pltpu
from jax.experimental.pallas import tpu_sc as plsc

NUM_WORKERS = 32
LANES = 16
NSLOT = 2


def kernel(tokens, embedding_weight, fusion_embedding_weight):
    B, S = tokens.shape
    V, D = embedding_weight.shape
    F = fusion_embedding_weight.shape[0]
    BW = B // NUM_WORKERS
    grp = BW // LANES
    DT = D // 8
    NBT = B // 128

    tok_t = tokens.T
    emb_pad = jnp.pad(embedding_weight, ((0, 0), (0, 128 - D)))
    emb2 = emb_pad.reshape(2 * V, D)

    mesh = plsc.VectorSubcoreMesh(core_axis_name="c", subcore_axis_name="s")

    @functools.partial(
        pl.kernel,
        mesh=mesh,
        out_type=jax.ShapeDtypeStruct((S, DT, NBT, 8, 128), jnp.float32),
        compiler_params=pltpu.CompilerParams(
            needs_layout_passes=False, use_tc_tiling_on_sc=False
        ),
        scratch_types=[
            pltpu.VMEM((F, D), jnp.float32),
            [pltpu.VMEM((BW,), jnp.int32)] * NSLOT,
            [pltpu.VMEM((BW,), jnp.int32)] * NSLOT,
            [pltpu.VMEM((BW, D), jnp.float32)] * NSLOT,
            [pltpu.VMEM((D, BW + 7), jnp.float32)] * NSLOT,
            [pltpu.SemaphoreType.DMA] * NSLOT,
            [pltpu.SemaphoreType.DMA] * NSLOT,
            [pltpu.SemaphoreType.DMA] * NSLOT,
            [pltpu.SMEM((1,), jnp.int32)] * NSLOT,
        ],
    )
    def run(tok_hbm, emb_hbm, fus_hbm, out_hbm, fus_v, tok_v, idx_v, rows_v,
            rows_t, sem_t, sem_g, sem_o, sany):
        wid = lax.axis_index("s") * 2 + lax.axis_index("c")
        b0 = wid * BW

        pltpu.sync_copy(fus_hbm, fus_v)

        def tok_copy(s, b):
            return pltpu.make_async_copy(
                tok_hbm.at[s, pl.ds(b0, BW)], tok_v[b], sem_t[b]
            )

        def gather_copy(b):
            return pltpu.make_async_copy(
                emb_hbm.at[idx_v[b]], rows_v[b], sem_g[b]
            )

        def out_copies(s, b):
            return [
                pltpu.make_async_copy(
                    rows_t[b].at[pl.ds(dt * 8, 8), pl.ds(0, BW)],
                    out_hbm.at[s, dt, wid],
                    sem_o[b],
                )
                for dt in range(DT)
            ]

        lanes = lax.iota(jnp.int32, LANES)
        dvec = [lanes + c * LANES for c in range(D // LANES)]

        def pass1(s, b):
            tok_copy(s, b).wait()
            fm_any = None
            for c in range(grp):
                t = tok_v[b][pl.ds(c * LANES, LANES)]
                idx_v[b][pl.ds(c * LANES, LANES)] = jnp.where(t < V, t + t, 0)
                fm = t >= V
                fm_any = fm if fm_any is None else (fm_any | fm)
            cnt = plsc.all_reduce_population_count(fm_any)
            sany[b][0] = cnt[0]

        def finish(s, b):
            gather_copy(b).wait()

            @pl.when(sany[b][0] > 0)
            def _():
                for c in range(grp):
                    t = tok_v[b][pl.ds(c * LANES, LANES)]
                    fm = t >= V
                    cnt = plsc.all_reduce_population_count(fm)

                    @pl.when(cnt[0] > 0)
                    def _():
                        fidx = jnp.where(fm, t - V, 0)
                        rowpos = lanes + c * LANES

                        @plsc.parallel_loop(0, D, 1, unroll=8)
                        def _(j):
                            colv = jnp.full((LANES,), 0, jnp.int32) + j
                            vals = plsc.load_gather(fus_v, [fidx, colv])
                            plsc.store_scatter(
                                rows_v[b], [rowpos, colv], vals, mask=fm
                            )

            @plsc.parallel_loop(0, BW, 1, unroll=8)
            def _(t):
                tb = jnp.full((LANES,), 0, jnp.int32) + t
                for c in range(D // LANES):
                    vals = rows_v[b][t, pl.ds(c * LANES, LANES)]
                    plsc.store_scatter(rows_t[b], [dvec[c], tb], vals)

            for cp in out_copies(s, b):
                cp.start()

        for b in range(NSLOT):
            tok_copy(b, b).start()
        pass1(0, 0)
        gather_copy(0).start()

        def step(i, carry):
            for b in range(NSLOT):
                s = i * NSLOT + b

                @pl.when(s + 1 < S)
                def _():
                    bn = (b + 1) % NSLOT
                    pass1(s + 1, bn)

                    @pl.when(s + 1 >= NSLOT)
                    def _():
                        for cp in out_copies(s + 1 - NSLOT, bn):
                            cp.wait()

                    gather_copy(bn).start()

                finish(s, b)

                @pl.when(s + NSLOT < S)
                def _():
                    tok_copy(s + NSLOT, b).start()
            return carry

        lax.fori_loop(0, S // NSLOT, step, 0)

        for b in range(NSLOT):
            for cp in out_copies(S - NSLOT + b, b):
                cp.wait()

    out = run(tok_t, emb2, fusion_embedding_weight)
    return out.transpose(2, 4, 0, 1, 3).reshape(B, S, D)

# --- scband reference (transcript-rebuilt; emitter-appended) ---
"""Pipeline reference for scband-fusion-embedding-61108794688022 (READ-ONLY COPY).

The authoritative reference and input builder live on the scoring server;
editing this copy changes nothing except your own understanding.
"""

import jax, jax.numpy as jnp
import numpy as np

VOCAB = 1000000
FUSION_VOCAB = 1024
DIM = 64
BATCH = 4096
SEQ = 200


def setup_inputs(seed: int = 0) -> dict:
    key = jax.random.key(seed)
    k1, k2, k3 = jax.random.split(key, 3)
    tokens = jax.random.randint(k1, (BATCH, SEQ), 0, VOCAB + FUSION_VOCAB, dtype=jnp.int32)
    embedding_weight = jax.random.normal(k2, (VOCAB, DIM), dtype=jnp.float32) * 0.02
    fusion_embedding_weight = jax.random.normal(k3, (FUSION_VOCAB, DIM), dtype=jnp.float32) * 0.02
    return {
        "tokens": tokens,
        "embedding_weight": embedding_weight,
        "fusion_embedding_weight": fusion_embedding_weight,
    }


def reference(tokens, embedding_weight, fusion_embedding_weight):
    # Faithful translation of torchtune FusionEmbedding.forward:
    # tokens < vocab_size come from the main embedding table,
    # tokens >= vocab_size come from the fusion table (offset by vocab_size),
    # then results are interleaved back into [bs, seq_len, dim].
    vocab_size = embedding_weight.shape[0]
    mask = tokens < vocab_size
    tok_idx = jnp.where(mask, tokens, 0)
    fus_idx = jnp.where(mask, 0, tokens - vocab_size)
    embeds = jnp.take(embedding_weight, tok_idx, axis=0)
    fusion_embeds = jnp.take(fusion_embedding_weight, fus_idx, axis=0)
    out = jnp.where(mask[..., None], embeds, fusion_embeds)
    return out

if __name__ == "__main__":
    import jax
    _d = setup_inputs()
    print(jax.jit(kernel)(*tuple(_d.values())))

</pallas_src>

<mosaic_0001>
#map = affine_map<(d0, d1) -> (0, 0)>
#map1 = affine_map<(d0, d1) -> (0, 0, 0, 0, 0)>
module attributes {stable_mosaic.version = 14 : i64} {
  func.func @run(%arg0: i32, %arg1: i32, %arg2: memref<200x4096xi32, #tpu.memory_space<hbm>>, %arg3: memref<2000000x64xf32, #tpu.memory_space<hbm>>, %arg4: memref<1024x64xf32, #tpu.memory_space<hbm>>, %arg5: memref<200x8x32x8x128xf32, #tpu.memory_space<hbm>>, %arg6: memref<1024x64xf32, #tpu.memory_space<vmem>>, %arg7: memref<128xi32, #tpu.memory_space<vmem>>, %arg8: memref<128xi32, #tpu.memory_space<vmem>>, %arg9: memref<128xi32, #tpu.memory_space<vmem>>, %arg10: memref<128xi32, #tpu.memory_space<vmem>>, %arg11: memref<128x64xf32, #tpu.memory_space<vmem>>, %arg12: memref<128x64xf32, #tpu.memory_space<vmem>>, %arg13: memref<64x135xf32, #tpu.memory_space<vmem>>, %arg14: memref<64x135xf32, #tpu.memory_space<vmem>>, %arg15: memref<!tpu.dma_semaphore, #tpu.memory_space<semaphore_mem>>, %arg16: memref<!tpu.dma_semaphore, #tpu.memory_space<semaphore_mem>>, %arg17: memref<!tpu.dma_semaphore, #tpu.memory_space<semaphore_mem>>, %arg18: memref<!tpu.dma_semaphore, #tpu.memory_space<semaphore_mem>>, %arg19: memref<!tpu.dma_semaphore, #tpu.memory_space<semaphore_mem>>, %arg20: memref<!tpu.dma_semaphore, #tpu.memory_space<semaphore_mem>>, %arg21: memref<1xi32, #tpu.memory_space<smem>>, %arg22: memref<1xi32, #tpu.memory_space<smem>>) attributes {dimension_semantics = [#tpu.dimension_semantics<core_parallel>, #tpu.dimension_semantics<subcore_parallel>], iteration_bounds = array<i64: 2, 16>, scalar_prefetch = 0 : i64, scratch_operands = 17 : i64, tpu.core_type = #tpu.core_type<sc_vector_subcore>, window_params = [{transform_indices = #map}, {transform_indices = #map}, {transform_indices = #map}, {transform_indices = #map1}]} {
    %mul3A = arith.constant 2 : i32
    %mul3A_0 = arith.muli %arg1, %mul3A : i32
    %add3A = arith.addi %mul3A_0, %arg0 : i32
    %mul3A_1 = arith.constant 128 : i32
    %mul3A_2 = arith.muli %add3A, %mul3A_1 : i32
    "tpu.region"() ({
      %run_scoped3A = tpu.sem_alloc : memref<!tpu.dma_semaphore, #tpu.memory_space<semaphore_mem>>
      tpu.enqueue_dma source(%arg4 : memref<1024x64xf32, #tpu.memory_space<hbm>>) target(%arg6 : memref<1024x64xf32, #tpu.memory_space<vmem>>) target_semaphore(%run_scoped3A : memref<!tpu.dma_semaphore, #tpu.memory_space<semaphore_mem>>)
      tpu.wait_dma2 semaphore(%run_scoped3A : memref<!tpu.dma_semaphore, #tpu.memory_space<semaphore_mem>>) src(%arg4 : memref<1024x64xf32, #tpu.memory_space<hbm>>) dst(%arg6 : memref<1024x64xf32, #tpu.memory_space<vmem>>)
      tpu.yield
    }) : () -> ()
    %iota3A = tpu.iota {dimensions = array<i32: 0>} : vector<16xi32>
    %add3A_3 = arith.constant 0 : i32
    %add3A_4 = vector.broadcast %add3A_3 : i32 to vector<16xi32>
    %add3A_5 = arith.addi %iota3A, %add3A_4 : vector<16xi32>
    %add3A_6 = arith.constant 16 : i32
    %add3A_7 = vector.broadcast %add3A_6 : i32 to vector<16xi32>
    %add3A_8 = arith.addi %iota3A, %add3A_7 : vector<16xi32>
    %add3A_9 = arith.constant 32 : i32
    %add3A_10 = vector.broadcast %add3A_9 : i32 to vector<16xi32>
    %add3A_11 = arith.addi %iota3A, %add3A_10 : vector<16xi32>
    %add3A_12 = arith.constant 48 : i32
    %add3A_13 = vector.broadcast %add3A_12 : i32 to vector<16xi32>
    %add3A_14 = arith.addi %iota3A, %add3A_13 : vector<16xi32>
    %dma_start3A = arith.constant 0 : i32
    %dma_start3A_15 = tpu.memref_slice %arg2[%dma_start3A, %mul3A_2] : memref<200x4096xi32, #tpu.memory_space<hbm>> -> memref<1x128xi32, #tpu.memory_space<hbm>>
    %dma_start3A_16 = tpu.memref_squeeze %dma_start3A_15 : memref<1x128xi32, #tpu.memory_space<hbm>> -> memref<128xi32, #tpu.memory_space<hbm>>
    %dma_start3A_17 = tpu.memref_slice %arg2[%dma_start3A, %mul3A_2] : memref<200x4096xi32, #tpu.memory_space<hbm>> -> memref<1x128xi32, #tpu.memory_space<hbm>>
    %dma_start3A_18 = tpu.memref_squeeze %dma_start3A_17 : memref<1x128xi32, #tpu.memory_space<hbm>> -> memref<128xi32, #tpu.memory_space<hbm>>
    tpu.enqueue_dma source(%dma_start3A_18 : memref<128xi32, #tpu.memory_space<hbm>>) target(%arg7 : memref<128xi32, #tpu.memory_space<vmem>>) target_semaphore(%arg15 : memref<!tpu.dma_semaphore, #tpu.memory_space<semaphore_mem>>)
    %dma_start3A_19 = arith.constant 1 : i32
    %dma_start3A_20 = tpu.memref_slice %arg2[%dma_start3A_19, %mul3A_2] : memref<200x4096xi32, #tpu.memory_space<hbm>> -> memref<1x128xi32, #tpu.memory_space<hbm>>
    %dma_start3A_21 = tpu.memref_squeeze %dma_start3A_20 : memref<1x128xi32, #tpu.memory_space<hbm>> -> memref<128xi32, #tpu.memory_space<hbm>>
    %dma_start3A_22 = tpu.memref_slice %arg2[%dma_start3A_19, %mul3A_2] : memref<200x4096xi32, #tpu.memory_space<hbm>> -> memref<1x128xi32, #tpu.memory_space<hbm>>
    %dma_start3A_23 = tpu.memref_squeeze %dma_start3A_22 : memref<1x128xi32, #tpu.memory_space<hbm>> -> memref<128xi32, #tpu.memory_space<hbm>>
    tpu.enqueue_dma source(%dma_start3A_23 : memref<128xi32, #tpu.memory_space<hbm>>) target(%arg8 : memref<128xi32, #tpu.memory_space<vmem>>) target_semaphore(%arg16 : memref<!tpu.dma_semaphore, #tpu.memory_space<semaphore_mem>>)
    %dma_wait3A = arith.constant 0 : i32
    %dma_wait3A_24 = tpu.memref_slice %arg2[%dma_wait3A, %mul3A_2] : memref<200x4096xi32, #tpu.memory_space<hbm>> -> memref<1x128xi32, #tpu.memory_space<hbm>>
    %dma_wait3A_25 = tpu.memref_squeeze %dma_wait3A_24 : memref<1x128xi32, #tpu.memory_space<hbm>> -> memref<128xi32, #tpu.memory_space<hbm>>
    %dma_wait3A_26 = tpu.memref_slice %arg2[%dma_wait3A, %mul3A_2] : memref<200x4096xi32, #tpu.memory_space<hbm>> -> memref<1x128xi32, #tpu.memory_space<hbm>>
    %dma_wait3A_27 = tpu.memref_squeeze %dma_wait3A_26 : memref<1x128xi32, #tpu.memory_space<hbm>> -> memref<128xi32, #tpu.memory_space<hbm>>
    tpu.wait_dma2 semaphore(%arg15 : memref<!tpu.dma_semaphore, #tpu.memory_space<semaphore_mem>>) src(%dma_wait3A_27 : memref<128xi32, #tpu.memory_space<hbm>>) dst(%arg7 : memref<128xi32, #tpu.memory_space<vmem>>)
    %get3A = arith.constant 0 : index
    %get3A_28 = tpu.vector_load %arg7[%get3A] {strides = array<i32>} : memref<128xi32, #tpu.memory_space<vmem>>, vector<16xi32>,
    %lt3A = arith.constant 1000000 : i32
    %lt3A_29 = vector.broadcast %lt3A : i32 to vector<16xi32>
    %lt3A_30 = arith.cmpi slt, %get3A_28, %lt3A_29 : vector<16xi32>
    %add3A_31 = arith.addi %get3A_28, %get3A_28 : vector<16xi32>
    %jit3A = arith.constant 0 : i32
    %broadcast_in_dim3A = vector.broadcast %jit3A : i32 to vector<16xi32>
    %select_n3A = arith.select %lt3A_30, %add3A_31, %broadcast_in_dim3A : vector<16xi1>, vector<16xi32>
    %swap3A = arith.constant 0 : index
    %swap3A_32 = tpu.vector_load %arg9[%swap3A] {strides = array<i32>} : memref<128xi32, #tpu.memory_space<vmem>>, vector<16xi32>,
    tpu.vector_store %arg9[%swap3A], %select_n3A {strides = array<i32>} : memref<128xi32, #tpu.memory_space<vmem>>, vector<16xi32>,
    %ge3A = arith.constant 1000000 : i32
    %ge3A_33 = vector.broadcast %ge3A : i32 to vector<16xi32>
    %ge3A_34 = arith.cmpi sge, %get3A_28, %ge3A_33 : vector<16xi32>
    %get3A_35 = arith.constant 16 : index
    %get3A_36 = tpu.vector_load %arg7[%get3A_35] {strides = array<i32>} : memref<128xi32, #tpu.memory_space<vmem>>, vector<16xi32>,
    %lt3A_37 = arith.constant 1000000 : i32
    %lt3A_38 = vector.broadcast %lt3A_37 : i32 to vector<16xi32>
    %lt3A_39 = arith.cmpi slt, %get3A_36, %lt3A_38 : vector<16xi32>
    %add3A_40 = arith.addi %get3A_36, %get3A_36 : vector<16xi32>
    %jit3A_41 = arith.constant 0 : i32
    %broadcast_in_dim3A_42 = vector.broadcast %jit3A_41 : i32 to vector<16xi32>
    %select_n3A_43 = arith.select %lt3A_39, %add3A_40, %broadcast_in_dim3A_42 : vector<16xi1>, vector<16xi32>
    %swap3A_44 = arith.constant 16 : index
    %swap3A_45 = tpu.vector_load %arg9[%swap3A_44] {strides = array<i32>} : memref<128xi32, #tpu.memory_space<vmem>>, vector<16xi32>,
    tpu.vector_store %arg9[%swap3A_44], %select_n3A_43 {strides = array<i32>} : memref<128xi32, #tpu.memory_space<vmem>>, vector<16xi32>,
    %ge3A_46 = arith.constant 1000000 : i32
    %ge3A_47 = vector.broadcast %ge3A_46 : i32 to vector<16xi32>
    %ge3A_48 = arith.cmpi sge, %get3A_36, %ge3A_47 : vector<16xi32>
    %or3A = arith.ori %ge3A_34, %ge3A_48 : vector<16xi1>
    %get3A_49 = arith.constant 32 : index
    %get3A_50 = tpu.vector_load %arg7[%get3A_49] {strides = array<i32>} : memref<128xi32, #tpu.memory_space<vmem>>, vector<16xi32>,
    %lt3A_51 = arith.constant 1000000 : i32
    %lt3A_52 = vector.broadcast %lt3A_51 : i32 to vector<16xi32>
    %lt3A_53 = arith.cmpi slt, %get3A_50, %lt3A_52 : vector<16xi32>
    %add3A_54 = arith.addi %get3A_50, %get3A_50 : vector<16xi32>
    %jit3A_55 = arith.constant 0 : i32
    %broadcast_in_dim3A_56 = vector.broadcast %jit3A_55 : i32 to vector<16xi32>
    %select_n3A_57 = arith.select %lt3A_53, %add3A_54, %broadcast_in_dim3A_56 : vector<16xi1>, vector<16xi32>
    %swap3A_58 = arith.constant 32 : index
    %swap3A_59 = tpu.vector_load %arg9[%swap3A_58] {strides = array<i32>} : memref<128xi32, #tpu.memory_space<vmem>>, vector<16xi32>,
    tpu.vector_store %arg9[%swap3A_58], %select_n3A_57 {strides = array<i32>} : memref<128xi32, #tpu.memory_space<vmem>>, vector<16xi32>,
    %ge3A_60 = arith.constant 1000000 : i32
    %ge3A_61 = vector.broadcast %ge3A_60 : i32 to vector<16xi32>
    %ge3A_62 = arith.cmpi sge, %get3A_50, %ge3A_61 : vector<16xi32>
    %or3A_63 = arith.ori %or3A, %ge3A_62 : vector<16xi1>
    %get3A_64 = arith.constant 48 : index
    %get3A_65 = tpu.vector_load %arg7[%get3A_64] {strides = array<i32>} : memref<128xi32, #tpu.memory_space<vmem>>, vector<16xi32>,
    %lt3A_66 = arith.constant 1000000 : i32
    %lt3A_67 = vector.broadcast %lt3A_66 : i32 to vector<16xi32>
    %lt3A_68 = arith.cmpi slt, %get3A_65, %lt3A_67 : vector<16xi32>
    %add3A_69 = arith.addi %get3A_65, %get3A_65 : vector<16xi32>
    %jit3A_70 = arith.constant 0 : i32
    %broadcast_in_dim3A_71 = vector.broadcast %jit3A_70 : i32 to vector<16xi32>
    %select_n3A_72 = arith.select %lt3A_68, %add3A_69, %broadcast_in_dim3A_71 : vector<16xi1>, vector<16xi32>
    %swap3A_73 = arith.constant 48 : index
    %swap3A_74 = tpu.vector_load %arg9[%swap3A_73] {strides = array<i32>} : memref<128xi32, #tpu.memory_space<vmem>>, vector<16xi32>,
    tpu.vector_store %arg9[%swap3A_73], %select_n3A_72 {strides = array<i32>} : memref<128xi32, #tpu.memory_space<vmem>>, vector<16xi32>,
    %ge3A_75 = arith.constant 1000000 : i32
    %ge3A_76 = vector.broadcast %ge3A_75 : i32 to vector<16xi32>
    %ge3A_77 = arith.cmpi sge, %get3A_65, %ge3A_76 : vector<16xi32>
    %or3A_78 = arith.ori %or3A_63, %ge3A_77 : vector<16xi1>
    %get3A_79 = arith.constant 64 : index
    %get3A_80 = tpu.vector_load %arg7[%get3A_79] {strides = array<i32>} : memref<128xi32, #tpu.memory_space<vmem>>, vector<16xi32>,
    %lt3A_81 = arith.constant 1000000 : i32
    %lt3A_82 = vector.broadcast %lt3A_81 : i32 to vector<16xi32>
    %lt3A_83 = arith.cmpi slt, %get3A_80, %lt3A_82 : vector<16xi32>
    %add3A_84 = arith.addi %get3A_80, %get3A_80 : vector<16xi32>
    %jit3A_85 = arith.constant 0 : i32
    %broadcast_in_dim3A_86 = vector.broadcast %jit3A_85 : i32 to vector<16xi32>
    %select_n3A_87 = arith.select %lt3A_83, %add3A_84, %broadcast_in_dim3A_86 : vector<16xi1>, vector<16xi32>
    %swap3A_88 = arith.constant 64 : index
    %swap3A_89 = tpu.vector_load %arg9[%swap3A_88] {strides = array<i32>} : memref<128xi32, #tpu.memory_space<vmem>>, vector<16xi32>,
    tpu.vector_store %arg9[%swap3A_88], %select_n3A_87 {strides = array<i32>} : memref<128xi32, #tpu.memory_space<vmem>>, vector<16xi32>,
    %ge3A_90 = arith.constant 1000000 : i32
    %ge3A_91 = vector.broadcast %ge3A_90 : i32 to vector<16xi32>
    %ge3A_92 = arith.cmpi sge, %get3A_80, %ge3A_91 : vector<16xi32>
    %or3A_93 = arith.ori %or3A_78, %ge3A_92 : vector<16xi1>
    %get3A_94 = arith.constant 80 : index
    %get3A_95 = tpu.vector_load %arg7[%get3A_94] {strides = array<i32>} : memref<128xi32, #tpu.memory_space<vmem>>, vector<16xi32>,
    %lt3A_96 = arith.constant 1000000 : i32
    %lt3A_97 = vector.broadcast %lt3A_96 : i32 to vector<16xi32>
    %lt3A_98 = arith.cmpi slt, %get3A_95, %lt3A_97 : vector<16xi32>
    %add3A_99 = arith.addi %get3A_95, %get3A_95 : vector<16xi32>
    %jit3A_100 = arith.constant 0 : i32
    %broadcast_in_dim3A_101 = vector.broadcast %jit3A_100 : i32 to vector<16xi32>
    %select_n3A_102 = arith.select %lt3A_98, %add3A_99, %broadcast_in_dim3A_101 : vector<16xi1>, vector<16xi32>
    %swap3A_103 = arith.constant 80 : index
    %swap3A_104 = tpu.vector_load %arg9[%swap3A_103] {strides = array<i32>} : memref<128xi32, #tpu.memory_space<vmem>>, vector<16xi32>,
    tpu.vector_store %arg9[%swap3A_103], %select_n3A_102 {strides = array<i32>} : memref<128xi32, #tpu.memory_space<vmem>>, vector<16xi32>,
    %ge3A_105 = arith.constant 1000000 : i32
    %ge3A_106 = vector.broadcast %ge3A_105 : i32 to vector<16xi32>
    %ge3A_107 = arith.cmpi sge, %get3A_95, %ge3A_106 : vector<16xi32>
    %or3A_108 = arith.ori %or3A_93, %ge3A_107 : vector<16xi1>
    %get3A_109 = arith.constant 96 : index
    %get3A_110 = tpu.vector_load %arg7[%get3A_109] {strides = array<i32>} : memref<128xi32, #tpu.memory_space<vmem>>, vector<16xi32>,
    %lt3A_111 = arith.constant 1000000 : i32
    %lt3A_112 = vector.broadcast %lt3A_111 : i32 to vector<16xi32>
    %lt3A_113 = arith.cmpi slt, %get3A_110, %lt3A_112 : vector<16xi32>
    %add3A_114 = arith.addi %get3A_110, %get3A_110 : vector<16xi32>
    %jit3A_115 = arith.constant 0 : i32
    %broadcast_in_dim3A_116 = vector.broadcast %jit3A_115 : i32 to vector<16xi32>
    %select_n3A_117 = arith.select %lt3A_113, %add3A_114, %broadcast_in_dim3A_116 : vector<16xi1>, vector<16xi32>
    %swap3A_118 = arith.constant 96 : index
    %swap3A_119 = tpu.vector_load %arg9[%swap3A_118] {strides = array<i32>} : memref<128xi32, #tpu.memory_space<vmem>>, vector<16xi32>,
    tpu.vector_store %arg9[%swap3A_118], %select_n3A_117 {strides = array<i32>} : memref<128xi32, #tpu.memory_space<vmem>>, vector<16xi32>,
    %ge3A_120 = arith.constant 1000000 : i32
    %ge3A_121 = vector.broadcast %ge3A_120 : i32 to vector<16xi32>
    %ge3A_122 = arith.cmpi sge, %get3A_110, %ge3A_121 : vector<16xi32>
    %or3A_123 = arith.ori %or3A_108, %ge3A_122 : vector<16xi1>
    %get3A_124 = arith.constant 112 : index
    %get3A_125 = tpu.vector_load %arg7[%get3A_124] {strides = array<i32>} : memref<128xi32, #tpu.memory_space<vmem>>, vector<16xi32>,
    %lt3A_126 = arith.constant 1000000 : i32
    %lt3A_127 = vector.broadcast %lt3A_126 : i32 to vector<16xi32>
    %lt3A_128 = arith.cmpi slt, %get3A_125, %lt3A_127 : vector<16xi32>
    %add3A_129 = arith.addi %get3A_125, %get3A_125 : vector<16xi32>
    %jit3A_130 = arith.constant 0 : i32
    %broadcast_in_dim3A_131 = vector.broadcast %jit3A_130 : i32 to vector<16xi32>
    %select_n3A_132 = arith.select %lt3A_128, %add3A_129, %broadcast_in_dim3A_131 : vector<16xi1>, vector<16xi32>
    %swap3A_133 = arith.constant 112 : index
    %swap3A_134 = tpu.vector_load %arg9[%swap3A_133] {strides = array<i32>} : memref<128xi32, #tpu.memory_space<vmem>>, vector<16xi32>,
    tpu.vector_store %arg9[%swap3A_133], %select_n3A_132 {strides = array<i32>} : memref<128xi32, #tpu.memory_space<vmem>>, vector<16xi32>,
    %ge3A_135 = arith.constant 1000000 : i32
    %ge3A_136 = vector.broadcast %ge3A_135 : i32 to vector<16xi32>
    %ge3A_137 = arith.cmpi sge, %get3A_125, %ge3A_136 : vector<16xi32>
    %or3A_138 = arith.ori %or3A_123, %ge3A_137 : vector<16xi1>
    %all_reduce_population_count3A = tpu.all_reduce %or3A_138 {dim = 0 : i64, kind = #tpu.reduction_kind<sum>} : vector<16xi1> -> vector<16xi32>
    %slice3A = vector.extract_strided_slice %all_reduce_population_count3A {offsets = [0], sizes = [1], strides = [1]} : vector<16xi32> to vector<1xi32>
    %squeeze3A = vector.extract %slice3A[0] : i32 from vector<1xi32>
    %swap3A_139 = arith.constant 0 : i32
    %swap3A_140 = arith.index_cast %swap3A_139 : i32 to index
    %swap3A_141 = memref.load %arg21[%swap3A_140] : memref<1xi32, #tpu.memory_space<smem>>
    memref.store %squeeze3A, %arg21[%swap3A_140] : memref<1xi32, #tpu.memory_space<smem>>
    %dma_start3A_142 = arith.constant 0 : i32
    %dma_start3A_143 = arith.constant 0 : i32
    %dma_start3A_144 = tpu.memref_slice %arg3[%dma_start3A_142, %dma_start3A_143] : memref<2000000x64xf32, #tpu.memory_space<hbm>> -> memref<2000000x64xf32, #tpu.memory_space<hbm>>
    tpu.enqueue_indirect_dma source(%dma_start3A_144 : memref<2000000x64xf32, #tpu.memory_space<hbm>>) target(%arg11 : memref<128x64xf32, #tpu.memory_space<vmem>>) offsets(%arg9 : memref<128xi32, #tpu.memory_space<vmem>>) semaphore(%arg17 : memref<!tpu.dma_semaphore, #tpu.memory_space<semaphore_mem>>)
    %scan3A = arith.constant 0 : i32
    %scan3A_145 = arith.constant 0 : i32
    %scan3A_146 = arith.constant 100 : i32
    %scan3A_147 = arith.addi %scan3A_145, %scan3A_146 : i32
    %scan3A_148 = arith.constant 1 : i32
    scf.for %scan3A_406 = %scan3A_145 to %scan3A_147 step %scan3A_148  : i32 {
      %mul3A_407 = arith.constant 2 : i32
      %mul3A_408 = arith.muli %scan3A_406, %mul3A_407 : i32
      %add3A_409 = arith.constant 0 : i32
      %add3A_410 = arith.addi %mul3A_408, %add3A_409 : i32
      %add3A_411 = arith.constant 1 : i32
      %add3A_412 = arith.addi %add3A_410, %add3A_411 : i32
      %lt3A_413 = arith.constant 200 : i32
      %lt3A_414 = arith.cmpi slt, %add3A_412, %lt3A_413 : i32
      %convert_element_type3A = arith.extui %lt3A_414 : i1 to i32
      %cond3A = arith.constant 0 : i32
      %cond3A_415 = arith.cmpi ne, %convert_element_type3A, %cond3A : i32
      scf.if %cond3A_415 {
        %add3A_707 = arith.constant 1 : i32
        %add3A_708 = arith.addi %add3A_410, %add3A_707 : i32
        %dma_wait3A_709 = tpu.memref_slice %arg2[%add3A_708, %mul3A_2] : memref<200x4096xi32, #tpu.memory_space<hbm>> -> memref<1x128xi32, #tpu.memory_space<hbm>>
        %dma_wait3A_710 = tpu.memref_squeeze %dma_wait3A_709 : memref<1x128xi32, #tpu.memory_space<hbm>> -> memref<128xi32, #tpu.memory_space<hbm>>
        %dma_wait3A_711 = tpu.memref_slice %arg2[%add3A_708, %mul3A_2] : memref<200x4096xi32, #tpu.memory_space<hbm>> -> memref<1x128xi32, #tpu.memory_space<hbm>>
        %dma_wait3A_712 = tpu.memref_squeeze %dma_wait3A_711 : memref<1x128xi32, #tpu.memory_space<hbm>> -> memref<128xi32, #tpu.memory_space<hbm>>
        tpu.wait_dma2 semaphore(%arg16 : memref<!tpu.dma_semaphore, #tpu.memory_space<semaphore_mem>>) src(%dma_wait3A_712 : memref<128xi32, #tpu.memory_space<hbm>>) dst(%arg8 : memref<128xi32, #tpu.memory_space<vmem>>)
        %get3A_713 = arith.constant 0 : index
        %get3A_714 = tpu.vector_load %arg8[%get3A_713] {strides = array<i32>} : memref<128xi32, #tpu.memory_space<vmem>>, vector<16xi32>,
        %lt3A_715 = arith.constant 1000000 : i32
        %lt3A_716 = vector.broadcast %lt3A_715 : i32 to vector<16xi32>
        %lt3A_717 = arith.cmpi slt, %get3A_714, %lt3A_716 : vector<16xi32>
        %add3A_718 = arith.addi %get3A_714, %get3A_714 : vector<16xi32>
        %jit3A_719 = arith.constant 0 : i32
        %broadcast_in_dim3A_720 = vector.broadcast %jit3A_719 : i32 to vector<16xi32>
        %select_n3A_721 = arith.select %lt3A_717, %add3A_718, %broadcast_in_dim3A_720 : vector<16xi1>, vector<16xi32>
        %swap3A_722 = arith.constant 0 : index
        %swap3A_723 = tpu.vector_load %arg10[%swap3A_722] {strides = array<i32>} : memref<128xi32, #tpu.memory_space<vmem>>, vector<16xi32>,
        tpu.vector_store %arg10[%swap3A_722], %select_n3A_721 {strides = array<i32>} : memref<128xi32, #tpu.memory_space<vmem>>, vector<16xi32>,
        %ge3A_724 = arith.constant 1000000 : i32
        %ge3A_725 = vector.broadcast %ge3A_724 : i32 to vector<16xi32>
        %ge3A_726 = arith.cmpi sge, %get3A_714, %ge3A_725 : vector<16xi32>
        %get3A_727 = arith.constant 16 : index
        %get3A_728 = tpu.vector_load %arg8[%get3A_727] {strides = array<i32>} : memref<128xi32, #tpu.memory_space<vmem>>, vector<16xi32>,
        %lt3A_729 = arith.constant 1000000 : i32
        %lt3A_730 = vector.broadcast %lt3A_729 : i32 to vector<16xi32>
        %lt3A_731 = arith.cmpi slt, %get3A_728, %lt3A_730 : vector<16xi32>
        %add3A_732 = arith.addi %get3A_728, %get3A_728 : vector<16xi32>
        %jit3A_733 = arith.constant 0 : i32
        %broadcast_in_dim3A_734 = vector.broadcast %jit3A_733 : i32 to vector<16xi32>
        %select_n3A_735 = arith.select %lt3A_731, %add3A_732, %broadcast_in_dim3A_734 : vector<16xi1>, vector<16xi32>
        %swap3A_736 = arith.constant 16 : index
        %swap3A_737 = tpu.vector_load %arg10[%swap3A_736] {strides = array<i32>} : memref<128xi32, #tpu.memory_space<vmem>>, vector<16xi32>,
        tpu.vector_store %arg10[%swap3A_736], %select_n3A_735 {strides = array<i32>} : memref<128xi32, #tpu.memory_space<vmem>>, vector<16xi32>,
        %ge3A_738 = arith.constant 1000000 : i32
        %ge3A_739 = vector.broadcast %ge3A_738 : i32 to vector<16xi32>
        %ge3A_740 = arith.cmpi sge, %get3A_728, %ge3A_739 : vector<16xi32>
        %or3A_741 = arith.ori %ge3A_726, %ge3A_740 : vector<16xi1>
        %get3A_742 = arith.constant 32 : index
        %get3A_743 = tpu.vector_load %arg8[%get3A_742] {strides = array<i32>} : memref<128xi32, #tpu.memory_space<vmem>>, vector<16xi32>,
        %lt3A_744 = arith.constant 1000000 : i32
        %lt3A_745 = vector.broadcast %lt3A_744 : i32 to vector<16xi32>
        %lt3A_746 = arith.cmpi slt, %get3A_743, %lt3A_745 : vector<16xi32>
        %add3A_747 = arith.addi %get3A_743, %get3A_743 : vector<16xi32>
        %jit3A_748 = arith.constant 0 : i32
        %broadcast_in_dim3A_749 = vector.broadcast %jit3A_748 : i32 to vector<16xi32>
        %select_n3A_750 = arith.select %lt3A_746, %add3A_747, %broadcast_in_dim3A_749 : vector<16xi1>, vector<16xi32>
        %swap3A_751 = arith.constant 32 : index
        %swap3A_752 = tpu.vector_load %arg10[%swap3A_751] {strides = array<i32>} : memref<128xi32, #tpu.memory_space<vmem>>, vector<16xi32>,
        tpu.vector_store %arg10[%swap3A_751], %select_n3A_750 {strides = array<i32>} : memref<128xi32, #tpu.memory_space<vmem>>, vector<16xi32>,
        %ge3A_753 = arith.constant 1000000 : i32
        %ge3A_754 = vector.broadcast %ge3A_753 : i32 to vector<16xi32>
        %ge3A_755 = arith.cmpi sge, %get3A_743, %ge3A_754 : vector<16xi32>
        %or3A_756 = arith.ori %or3A_741, %ge3A_755 : vector<16xi1>
        %get3A_757 = arith.constant 48 : index
        %get3A_758 = tpu.vector_load %arg8[%get3A_757] {strides = array<i32>} : memref<128xi32, #tpu.memory_space<vmem>>, vector<16xi32>,
        %lt3A_759 = arith.constant 1000000 : i32
        %lt3A_760 = vector.broadcast %lt3A_759 : i32 to vector<16xi32>
        %lt3A_761 = arith.cmpi slt, %get3A_758, %lt3A_760 : vector<16xi32>
        %add3A_762 = arith.addi %get3A_758, %get3A_758 : vector<16xi32>
        %jit3A_763 = arith.constant 0 : i32
        %broadcast_in_dim3A_764 = vector.broadcast %jit3A_763 : i32 to vector<16xi32>
        %select_n3A_765 = arith.select %lt3A_761, %add3A_762, %broadcast_in_dim3A_764 : vector<16xi1>, vector<16xi32>
        %swap3A_766 = arith.constant 48 : index
        %swap3A_767 = tpu.vector_load %arg10[%swap3A_766] {strides = array<i32>} : memref<128xi32, #tpu.memory_space<vmem>>, vector<16xi32>,
        tpu.vector_store %arg10[%swap3A_766], %select_n3A_765 {strides = array<i32>} : memref<128xi32, #tpu.memory_space<vmem>>, vector<16xi32>,
        %ge3A_768 = arith.constant 1000000 : i32
        %ge3A_769 = vector.broadcast %ge3A_768 : i32 to vector<16xi32>
        %ge3A_770 = arith.cmpi sge, %get3A_758, %ge3A_769 : vector<16xi32>
        %or3A_771 = arith.ori %or3A_756, %ge3A_770 : vector<16xi1>
        %get3A_772 = arith.constant 64 : index
        %get3A_773 = tpu.vector_load %arg8[%get3A_772] {strides = array<i32>} : memref<128xi32, #tpu.memory_space<vmem>>, vector<16xi32>,
        %lt3A_774 = arith.constant 1000000 : i32
        %lt3A_775 = vector.broadcast %lt3A_774 : i32 to vector<16xi32>
        %lt3A_776 = arith.cmpi slt, %get3A_773, %lt3A_775 : vector<16xi32>
        %add3A_777 = arith.addi %get3A_773, %get3A_773 : vector<16xi32>
        %jit3A_778 = arith.constant 0 : i32
        %broadcast_in_dim3A_779 = vector.broadcast %jit3A_778 : i32 to vector<16xi32>
        %select_n3A_780 = arith.select %lt3A_776, %add3A_777, %broadcast_in_dim3A_779 : vector<16xi1>, vector<16xi32>
        %swap3A_781 = arith.constant 64 : index
        %swap3A_782 = tpu.vector_load %arg10[%swap3A_781] {strides = array<i32>} : memref<128xi32, #tpu.memory_space<vmem>>, vector<16xi32>,
        tpu.vector_store %arg10[%swap3A_781], %select_n3A_780 {strides = array<i32>} : memref<128xi32, #tpu.memory_space<vmem>>, vector<16xi32>,
        %ge3A_783 = arith.constant 1000000 : i32
        %ge3A_784 = vector.broadcast %ge3A_783 : i32 to vector<16xi32>
        %ge3A_785 = arith.cmpi sge, %get3A_773, %ge3A_784 : vector<16xi32>
        %or3A_786 = arith.ori %or3A_771, %ge3A_785 : vector<16xi1>
        %get3A_787 = arith.constant 80 : index
        %get3A_788 = tpu.vector_load %arg8[%get3A_787] {strides = array<i32>} : memref<128xi32, #tpu.memory_space<vmem>>, vector<16xi32>,
        %lt3A_789 = arith.constant 1000000 : i32
        %lt3A_790 = vector.broadcast %lt3A_789 : i32 to vector<16xi32>
        %lt3A_791 = arith.cmpi slt, %get3A_788, %lt3A_790 : vector<16xi32>
        %add3A_792 = arith.addi %get3A_788, %get3A_788 : vector<16xi32>
        %jit3A_793 = arith.constant 0 : i32
        %broadcast_in_dim3A_794 = vector.broadcast %jit3A_793 : i32 to vector<16xi32>
        %select_n3A_795 = arith.select %lt3A_791, %add3A_792, %broadcast_in_dim3A_794 : vector<16xi1>, vector<16xi32>
        %swap3A_796 = arith.constant 80 : index
        %swap3A_797 = tpu.vector_load %arg10[%swap3A_796] {strides = array<i32>} : memref<128xi32, #tpu.memory_space<vmem>>, vector<16xi32>,
        tpu.vector_store %arg10[%swap3A_796], %select_n3A_795 {strides = array<i32>} : memref<128xi32, #tpu.memory_space<vmem>>, vector<16xi32>,
        %ge3A_798 = arith.constant 1000000 : i32
        %ge3A_799 = vector.broadcast %ge3A_798 : i32 to vector<16xi32>
        %ge3A_800 = arith.cmpi sge, %get3A_788, %ge3A_799 : vector<16xi32>
        %or3A_801 = arith.ori %or3A_786, %ge3A_800 : vector<16xi1>
        %get3A_802 = arith.constant 96 : index
        %get3A_803 = tpu.vector_load %arg8[%get3A_802] {strides = array<i32>} : memref<128xi32, #tpu.memory_space<vmem>>, vector<16xi32>,
        %lt3A_804 = arith.constant 1000000 : i32
        %lt3A_805 = vector.broadcast %lt3A_804 : i32 to vector<16xi32>
        %lt3A_806 = arith.cmpi slt, %get3A_803, %lt3A_805 : vector<16xi32>
        %add3A_807 = arith.addi %get3A_803, %get3A_803 : vector<16xi32>
        %jit3A_808 = arith.constant 0 : i32
        %broadcast_in_dim3A_809 = vector.broadcast %jit3A_808 : i32 to vector<16xi32>
        %select_n3A_810 = arith.select %lt3A_806, %add3A_807, %broadcast_in_dim3A_809 : vector<16xi1>, vector<16xi32>
        %swap3A_811 = arith.constant 96 : index
        %swap3A_812 = tpu.vector_load %arg10[%swap3A_811] {strides = array<i32>} : memref<128xi32, #tpu.memory_space<vmem>>, vector<16xi32>,
        tpu.vector_store %arg10[%swap3A_811], %select_n3A_810 {strides = array<i32>} : memref<128xi32, #tpu.memory_space<vmem>>, vector<16xi32>,
        %ge3A_813 = arith.constant 1000000 : i32
        %ge3A_814 = vector.broadcast %ge3A_813 : i32 to vector<16xi32>
        %ge3A_815 = arith.cmpi sge, %get3A_803, %ge3A_814 : vector<16xi32>
        %or3A_816 = arith.ori %or3A_801, %ge3A_815 : vector<16xi1>
        %get3A_817 = arith.constant 112 : index
        %get3A_818 = tpu.vector_load %arg8[%get3A_817] {strides = array<i32>} : memref<128xi32, #tpu.memory_space<vmem>>, vector<16xi32>,
        %lt3A_819 = arith.constant 1000000 : i32
        %lt3A_820 = vector.broadcast %lt3A_819 : i32 to vector<16xi32>
        %lt3A_821 = arith.cmpi slt, %get3A_818, %lt3A_820 : vector<16xi32>
        %add3A_822 = arith.addi %get3A_818, %get3A_818 : vector<16xi32>
        %jit3A_823 = arith.constant 0 : i32
        %broadcast_in_dim3A_824 = vector.broadcast %jit3A_823 : i32 to vector<16xi32>
        %select_n3A_825 = arith.select %lt3A_821, %add3A_822, %broadcast_in_dim3A_824 : vector<16xi1>, vector<16xi32>
        %swap3A_826 = arith.constant 112 : index
        %swap3A_827 = tpu.vector_load %arg10[%swap3A_826] {strides = array<i32>} : memref<128xi32, #tpu.memory_space<vmem>>, vector<16xi32>,
        tpu.vector_store %arg10[%swap3A_826], %select_n3A_825 {strides = array<i32>} : memref<128xi32, #tpu.memory_space<vmem>>, vector<16xi32>,
        %ge3A_828 = arith.constant 1000000 : i32
        %ge3A_829 = vector.broadcast %ge3A_828 : i32 to vector<16xi32>
        %ge3A_830 = arith.cmpi sge, %get3A_818, %ge3A_829 : vector<16xi32>
        %or3A_831 = arith.ori %or3A_816, %ge3A_830 : vector<16xi1>
        %all_reduce_population_count3A_832 = tpu.all_reduce %or3A_831 {dim = 0 : i64, kind = #tpu.reduction_kind<sum>} : vector<16xi1> -> vector<16xi32>
        %slice3A_833 = vector.extract_strided_slice %all_reduce_population_count3A_832 {offsets = [0], sizes = [1], strides = [1]} : vector<16xi32> to vector<1xi32>
        %squeeze3A_834 = vector.extract %slice3A_833[0] : i32 from vector<1xi32>
        %swap3A_835 = arith.constant 0 : i32
        %swap3A_836 = arith.index_cast %swap3A_835 : i32 to index
        %swap3A_837 = memref.load %arg22[%swap3A_836] : memref<1xi32, #tpu.memory_space<smem>>
        memref.store %squeeze3A_834, %arg22[%swap3A_836] : memref<1xi32, #tpu.memory_space<smem>>
        %add3A_838 = arith.constant 1 : i32
        %add3A_839 = arith.addi %add3A_410, %add3A_838 : i32
        %ge3A_840 = arith.constant 2 : i32
        %ge3A_841 = arith.cmpi sge, %add3A_839, %ge3A_840 : i32
        %convert_element_type3A_842 = arith.extui %ge3A_841 : i1 to i32
        %cond3A_843 = arith.constant 0 : i32
        %cond3A_844 = arith.cmpi ne, %convert_element_type3A_842, %cond3A_843 : i32
        scf.if %cond3A_844 {
          %add3A_848 = arith.constant 1 : i32
          %add3A_849 = arith.addi %add3A_410, %add3A_848 : i32
          %sub3A = arith.constant 2 : i32
          %sub3A_850 = arith.subi %add3A_849, %sub3A : i32
          %dma_wait3A_851 = arith.constant 0 : i32
          %dma_wait3A_852 = arith.constant 0 : i32
          %dma_wait3A_853 = arith.constant 0 : i32
          %dma_wait3A_854 = tpu.memref_slice %arg14[%dma_wait3A_852, %dma_wait3A_853] : memref<64x135xf32, #tpu.memory_space<vmem>> -> memref<8x128xf32, #tpu.memory_space<vmem>>
          %dma_wait3A_855 = arith.constant 0 : i32
          %dma_wait3A_856 = arith.constant 0 : i32
          %dma_wait3A_857 = tpu.memref_slice %arg5[%sub3A_850, %dma_wait3A_851, %add3A, %dma_wait3A_855, %dma_wait3A_856] : memref<200x8x32x8x128xf32, #tpu.memory_space<hbm>> -> memref<1x1x1x8x128xf32, #tpu.memory_space<hbm>>
          %dma_wait3A_858 = tpu.memref_squeeze %dma_wait3A_857 : memref<1x1x1x8x128xf32, #tpu.memory_space<hbm>> -> memref<8x128xf32, #tpu.memory_space<hbm>>
          %dma_wait3A_859 = arith.constant 0 : i32
          %dma_wait3A_860 = arith.constant 0 : i32
          %dma_wait3A_861 = tpu.memref_slice %arg5[%sub3A_850, %dma_wait3A_851, %add3A, %dma_wait3A_859, %dma_wait3A_860] : memref<200x8x32x8x128xf32, #tpu.memory_space<hbm>> -> memref<1x1x1x8x128xf32, #tpu.memory_space<hbm>>
          %dma_wait3A_862 = tpu.memref_squeeze %dma_wait3A_861 : memref<1x1x1x8x128xf32, #tpu.memory_space<hbm>> -> memref<8x128xf32, #tpu.memory_space<hbm>>
          %dma_wait3A_863 = arith.constant 0 : i32
          %dma_wait3A_864 = arith.constant 0 : i32
          %dma_wait3A_865 = tpu.memref_slice %arg14[%dma_wait3A_863, %dma_wait3A_864] : memref<64x135xf32, #tpu.memory_space<vmem>> -> memref<8x128xf32, #tpu.memory_space<vmem>>
          tpu.wait_dma2 semaphore(%arg20 : memref<!tpu.dma_semaphore, #tpu.memory_space<semaphore_mem>>) src(%dma_wait3A_865 : memref<8x128xf32, #tpu.memory_space<vmem>>) dst(%dma_wait3A_862 : memref<8x128xf32, #tpu.memory_space<hbm>>)
          %dma_wait3A_866 = arith.constant 1 : i32
          %dma_wait3A_867 = arith.constant 8 : i32
          %dma_wait3A_868 = arith.constant 0 : i32
          %dma_wait3A_869 = tpu.memref_slice %arg14[%dma_wait3A_867, %dma_wait3A_868] : memref<64x135xf32, #tpu.memory_space<vmem>> -> memref<8x128xf32, #tpu.memory_space<vmem>>
          %dma_wait3A_870 = arith.constant 0 : i32
          %dma_wait3A_871 = arith.constant 0 : i32
          %dma_wait3A_872 = tpu.memref_slice %arg5[%sub3A_850, %dma_wait3A_866, %add3A, %dma_wait3A_870, %dma_wait3A_871] : memref<200x8x32x8x128xf32, #tpu.memory_space<hbm>> -> memref<1x1x1x8x128xf32, #tpu.memory_space<hbm>>
          %dma_wait3A_873 = tpu.memref_squeeze %dma_wait3A_872 : memref<1x1x1x8x128xf32, #tpu.memory_space<hbm>> -> memref<8x128xf32, #tpu.memory_space<hbm>>
          %dma_wait3A_874 = arith.constant 0 : i32
          %dma_wait3A_875 = arith.constant 0 : i32
          %dma_wait3A_876 = tpu.memref_slice %arg5[%sub3A_850, %dma_wait3A_866, %add3A, %dma_wait3A_874, %dma_wait3A_875] : memref<200x8x32x8x128xf32, #tpu.memory_space<hbm>> -> memref<1x1x1x8x128xf32, #tpu.memory_space<hbm>>
          %dma_wait3A_877 = tpu.memref_squeeze %dma_wait3A_876 : memref<1x1x1x8x128xf32, #tpu.memory_space<hbm>> -> memref<8x128xf32, #tpu.memory_space<hbm>>
          %dma_wait3A_878 = arith.constant 8 : i32
          %dma_wait3A_879 = arith.constant 0 : i32
          %dma_wait3A_880 = tpu.memref_slice %arg14[%dma_wait3A_878, %dma_wait3A_879] : memref<64x135xf32, #tpu.memory_space<vmem>> -> memref<8x128xf32, #tpu.memory_space<vmem>>
          tpu.wait_dma2 semaphore(%arg20 : memref<!tpu.dma_semaphore, #tpu.memory_space<semaphore_mem>>) src(%dma_wait3A_880 : memref<8x128xf32, #tpu.memory_space<vmem>>) dst(%dma_wait3A_877 : memref<8x128xf32, #tpu.memory_space<hbm>>)
          %dma_wait3A_881 = arith.constant 2 : i32
          %dma_wait3A_882 = arith.constant 16 : i32
          %dma_wait3A_883 = arith.constant 0 : i32
          %dma_wait3A_884 = tpu.memref_slice %arg14[%dma_wait3A_882, %dma_wait3A_883] : memref<64x135xf32, #tpu.memory_space<vmem>> -> memref<8x128xf32, #tpu.memory_space<vmem>>
          %dma_wait3A_885 = arith.constant 0 : i32
          %dma_wait3A_886 = arith.constant 0 : i32
          %dma_wait3A_887 = tpu.memref_slice %arg5[%sub3A_850, %dma_wait3A_881, %add3A, %dma_wait3A_885, %dma_wait3A_886] : memref<200x8x32x8x128xf32, #tpu.memory_space<hbm>> -> memref<1x1x1x8x128xf32, #tpu.memory_space<hbm>>
          %dma_wait3A_888 = tpu.memref_squeeze %dma_wait3A_887 : memref<1x1x1x8x128xf32, #tpu.memory_space<hbm>> -> memref<8x128xf32, #tpu.memory_space<hbm>>
          %dma_wait3A_889 = arith.constant 0 : i32
          %dma_wait3A_890 = arith.constant 0 : i32
          %dma_wait3A_891 = tpu.memref_slice %arg5[%sub3A_850, %dma_wait3A_881, %add3A, %dma_wait3A_889, %dma_wait3A_890] : memref<200x8x32x8x128xf32, #tpu.memory_space<hbm>> -> memref<1x1x1x8x128xf32, #tpu.memory_space<hbm>>
          %dma_wait3A_892 = tpu.memref_squeeze %dma_wait3A_891 : memref<1x1x1x8x128xf32, #tpu.memory_space<hbm>> -> memref<8x128xf32, #tpu.memory_space<hbm>>
          %dma_wait3A_893 = arith.constant 16 : i32
          %dma_wait3A_894 = arith.constant 0 : i32
          %dma_wait3A_895 = tpu.memref_slice %arg14[%dma_wait3A_893, %dma_wait3A_894] : memref<64x135xf32, #tpu.memory_space<vmem>> -> memref<8x128xf32, #tpu.memory_space<vmem>>
          tpu.wait_dma2 semaphore(%arg20 : memref<!tpu.dma_semaphore, #tpu.memory_space<semaphore_mem>>) src(%dma_wait3A_895 : memref<8x128xf32, #tpu.memory_space<vmem>>) dst(%dma_wait3A_892 : memref<8x128xf32, #tpu.memory_space<hbm>>)
          %dma_wait3A_896 = arith.constant 3 : i32
          %dma_wait3A_897 = arith.constant 24 : i32
          %dma_wait3A_898 = arith.constant 0 : i32
          %dma_wait3A_899 = tpu.memref_slice %arg14[%dma_wait3A_897, %dma_wait3A_898] : memref<64x135xf32, #tpu.memory_space<vmem>> -> memref<8x128xf32, #tpu.memory_space<vmem>>
          %dma_wait3A_900 = arith.constant 0 : i32
          %dma_wait3A_901 = arith.constant 0 : i32
          %dma_wait3A_902 = tpu.memref_slice %arg5[%sub3A_850, %dma_wait3A_896, %add3A, %dma_wait3A_900, %dma_wait3A_901] : memref<200x8x32x8x128xf32, #tpu.memory_space<hbm>> -> memref<1x1x1x8x128xf32, #tpu.memory_space<hbm>>
          %dma_wait3A_903 = tpu.memref_squeeze %dma_wait3A_902 : memref<1x1x1x8x128xf32, #tpu.memory_space<hbm>> -> memref<8x128xf32, #tpu.memory_space<hbm>>
          %dma_wait3A_904 = arith.constant 0 : i32
          %dma_wait3A_905 = arith.constant 0 : i32
          %dma_wait3A_906 = tpu.memref_slice %arg5[%sub3A_850, %dma_wait3A_896, %add3A, %dma_wait3A_904, %dma_wait3A_905] : memref<200x8x32x8x128xf32, #tpu.memory_space<hbm>> -> memref<1x1x1x8x128xf32, #tpu.memory_space<hbm>>
          %dma_wait3A_907 = tpu.memref_squeeze %dma_wait3A_906 : memref<1x1x1x8x128xf32, #tpu.memory_space<hbm>> -> memref<8x128xf32, #tpu.memory_space<hbm>>
          %dma_wait3A_908 = arith.constant 24 : i32
          %dma_wait3A_909 = arith.constant 0 : i32
          %dma_wait3A_910 = tpu.memref_slice %arg14[%dma_wait3A_908, %dma_wait3A_909] : memref<64x135xf32, #tpu.memory_space<vmem>> -> memref<8x128xf32, #tpu.memory_space<vmem>>
          tpu.wait_dma2 semaphore(%arg20 : memref<!tpu.dma_semaphore, #tpu.memory_space<semaphore_mem>>) src(%dma_wait3A_910 : memref<8x128xf32, #tpu.memory_space<vmem>>) dst(%dma_wait3A_907 : memref<8x128xf32, #tpu.memory_space<hbm>>)
          %dma_wait3A_911 = arith.constant 4 : i32
          %dma_wait3A_912 = arith.constant 32 : i32
          %dma_wait3A_913 = arith.constant 0 : i32
          %dma_wait3A_914 = tpu.memref_slice %arg14[%dma_wait3A_912, %dma_wait3A_913] : memref<64x135xf32, #tpu.memory_space<vmem>> -> memref<8x128xf32, #tpu.memory_space<vmem>>
          %dma_wait3A_915 = arith.constant 0 : i32
          %dma_wait3A_916 = arith.constant 0 : i32
          %dma_wait3A_917 = tpu.memref_slice %arg5[%sub3A_850, %dma_wait3A_911, %add3A, %dma_wait3A_915, %dma_wait3A_916] : memref<200x8x32x8x128xf32, #tpu.memory_space<hbm>> -> memref<1x1x1x8x128xf32, #tpu.memory_space<hbm>>
          %dma_wait3A_918 = tpu.memref_squeeze %dma_wait3A_917 : memref<1x1x1x8x128xf32, #tpu.memory_space<hbm>> -> memref<8x128xf32, #tpu.memory_space<hbm>>
          %dma_wait3A_919 = arith.constant 0 : i32
          %dma_wait3A_920 = arith.constant 0 : i32
          %dma_wait3A_921 = tpu.memref_slice %arg5[%sub3A_850, %dma_wait3A_911, %add3A, %dma_wait3A_919, %dma_wait3A_920] : memref<200x8x32x8x128xf32, #tpu.memory_space<hbm>> -> memref<1x1x1x8x128xf32, #tpu.memory_space<hbm>>
          %dma_wait3A_922 = tpu.memref_squeeze %dma_wait3A_921 : memref<1x1x1x8x128xf32, #tpu.memory_space<hbm>> -> memref<8x128xf32, #tpu.memory_space<hbm>>
          %dma_wait3A_923 = arith.constant 32 : i32
          %dma_wait3A_924 = arith.constant 0 : i32
          %dma_wait3A_925 = tpu.memref_slice %arg14[%dma_wait3A_923, %dma_wait3A_924] : memref<64x135xf32, #tpu.memory_space<vmem>> -> memref<8x128xf32, #tpu.memory_space<vmem>>
          tpu.wait_dma2 semaphore(%arg20 : memref<!tpu.dma_semaphore, #tpu.memory_space<semaphore_mem>>) src(%dma_wait3A_925 : memref<8x128xf32, #tpu.memory_space<vmem>>) dst(%dma_wait3A_922 : memref<8x128xf32, #tpu.memory_space<hbm>>)
          %dma_wait3A_926 = arith.constant 5 : i32
          %dma_wait3A_927 = arith.constant 40 : i32
          %dma_wait3A_928 = arith.constant 0 : i32
          %dma_wait3A_929 = tpu.memref_slice %arg14[%dma_wait3A_927, %dma_wait3A_928] : memref<64x135xf32, #tpu.memory_space<vmem>> -> memref<8x128xf32, #tpu.memory_space<vmem>>
          %dma_wait3A_930 = arith.constant 0 : i32
          %dma_wait3A_931 = arith.constant 0 : i32
          %dma_wait3A_932 = tpu.memref_slice %arg5[%sub3A_850, %dma_wait3A_926, %add3A, %dma_wait3A_930, %dma_wait3A_931] : memref<200x8x32x8x128xf32, #tpu.memory_space<hbm>> -> memref<1x1x1x8x128xf32, #tpu.memory_space<hbm>>
          %dma_wait3A_933 = tpu.memref_squeeze %dma_wait3A_932 : memref<1x1x1x8x128xf32, #tpu.memory_space<hbm>> -> memref<8x128xf32, #tpu.memory_space<hbm>>
          %dma_wait3A_934 = arith.constant 0 : i32
          %dma_wait3A_935 = arith.constant 0 : i32
          %dma_wait3A_936 = tpu.memref_slice %arg5[%sub3A_850, %dma_wait3A_926, %add3A, %dma_wait3A_934, %dma_wait3A_935] : memref<200x8x32x8x128xf32, #tpu.memory_space<hbm>> -> memref<1x1x1x8x128xf32, #tpu.memory_space<hbm>>
          %dma_wait3A_937 = tpu.memref_squeeze %dma_wait3A_936 : memref<1x1x1x8x128xf32, #tpu.memory_space<hbm>> -> memref<8x128xf32, #tpu.memory_space<hbm>>
          %dma_wait3A_938 = arith.constant 40 : i32
          %dma_wait3A_939 = arith.constant 0 : i32
          %dma_wait3A_940 = tpu.memref_slice %arg14[%dma_wait3A_938, %dma_wait3A_939] : memref<64x135xf32, #tpu.memory_space<vmem>> -> memref<8x128xf32, #tpu.memory_space<vmem>>
          tpu.wait_dma2 semaphore(%arg20 : memref<!tpu.dma_semaphore, #tpu.memory_space<semaphore_mem>>) src(%dma_wait3A_940 : memref<8x128xf32, #tpu.memory_space<vmem>>) dst(%dma_wait3A_937 : memref<8x128xf32, #tpu.memory_space<hbm>>)
          %dma_wait3A_941 = arith.constant 6 : i32
          %dma_wait3A_942 = arith.constant 48 : i32
          %dma_wait3A_943 = arith.constant 0 : i32
          %dma_wait3A_944 = tpu.memref_slice %arg14[%dma_wait3A_942, %dma_wait3A_943] : memref<64x135xf32, #tpu.memory_space<vmem>> -> memref<8x128xf32, #tpu.memory_space<vmem>>
          %dma_wait3A_945 = arith.constant 0 : i32
          %dma_wait3A_946 = arith.constant 0 : i32
          %dma_wait3A_947 = tpu.memref_slice %arg5[%sub3A_850, %dma_wait3A_941, %add3A, %dma_wait3A_945, %dma_wait3A_946] : memref<200x8x32x8x128xf32, #tpu.memory_space<hbm>> -> memref<1x1x1x8x128xf32, #tpu.memory_space<hbm>>
          %dma_wait3A_948 = tpu.memref_squeeze %dma_wait3A_947 : memref<1x1x1x8x128xf32, #tpu.memory_space<hbm>> -> memref<8x128xf32, #tpu.memory_space<hbm>>
          %dma_wait3A_949 = arith.constant 0 : i32
          %dma_wait3A_950 = arith.constant 0 : i32
          %dma_wait3A_951 = tpu.memref_slice %arg5[%sub3A_850, %dma_wait3A_941, %add3A, %dma_wait3A_949, %dma_wait3A_950] : memref<200x8x32x8x128xf32, #tpu.memory_space<hbm>> -> memref<1x1x1x8x128xf32, #tpu.memory_space<hbm>>
          %dma_wait3A_952 = tpu.memref_squeeze %dma_wait3A_951 : memref<1x1x1x8x128xf32, #tpu.memory_space<hbm>> -> memref<8x128xf32, #tpu.memory_space<hbm>>
          %dma_wait3A_953 = arith.constant 48 : i32
          %dma_wait3A_954 = arith.constant 0 : i32
          %dma_wait3A_955 = tpu.memref_slice %arg14[%dma_wait3A_953, %dma_wait3A_954] : memref<64x135xf32, #tpu.memory_space<vmem>> -> memref<8x128xf32, #tpu.memory_space<vmem>>
          tpu.wait_dma2 semaphore(%arg20 : memref<!tpu.dma_semaphore, #tpu.memory_space<semaphore_mem>>) src(%dma_wait3A_955 : memref<8x128xf32, #tpu.memory_space<vmem>>) dst(%dma_wait3A_952 : memref<8x128xf32, #tpu.memory_space<hbm>>)
          %dma_wait3A_956 = arith.constant 7 : i32
          %dma_wait3A_957 = arith.constant 56 : i32
          %dma_wait3A_958 = arith.constant 0 : i32
          %dma_wait3A_959 = tpu.memref_slice %arg14[%dma_wait3A_957, %dma_wait3A_958] : memref<64x135xf32, #tpu.memory_space<vmem>> -> memref<8x128xf32, #tpu.memory_space<vmem>>
          %dma_wait3A_960 = arith.constant 0 : i32
          %dma_wait3A_961 = arith.constant 0 : i32
          %dma_wait3A_962 = tpu.memref_slice %arg5[%sub3A_850, %dma_wait3A_956, %add3A, %dma_wait3A_960, %dma_wait3A_961] : memref<200x8x32x8x128xf32, #tpu.memory_space<hbm>> -> memref<1x1x1x8x128xf32, #tpu.memory_space<hbm>>
          %dma_wait3A_963 = tpu.memref_squeeze %dma_wait3A_962 : memref<1x1x1x8x128xf32, #tpu.memory_space<hbm>> -> memref<8x128xf32, #tpu.memory_space<hbm>>
          %dma_wait3A_964 = arith.constant 0 : i32
          %dma_wait3A_965 = arith.constant 0 : i32
          %dma_wait3A_966 = tpu.memref_slice %arg5[%sub3A_850, %dma_wait3A_956, %add3A, %dma_wait3A_964, %dma_wait3A_965] : memref<200x8x32x8x128xf32, #tpu.memory_space<hbm>> -> memref<1x1x1x8x128xf32, #tpu.memory_space<hbm>>
          %dma_wait3A_967 = tpu.memref_squeeze %dma_wait3A_966 : memref<1x1x1x8x128xf32, #tpu.memory_space<hbm>> -> memref<8x128xf32, #tpu.memory_space<hbm>>
          %dma_wait3A_968 = arith.constant 56 : i32
          %dma_wait3A_969 = arith.constant 0 : i32
          %dma_wait3A_970 = tpu.memref_slice %arg14[%dma_wait3A_968, %dma_wait3A_969] : memref<64x135xf32, #tpu.memory_space<vmem>> -> memref<8x128xf32, #tpu.memory_space<vmem>>
          tpu.wait_dma2 semaphore(%arg20 : memref<!tpu.dma_semaphore, #tpu.memory_space<semaphore_mem>>) src(%dma_wait3A_970 : memref<8x128xf32, #tpu.memory_space<vmem>>) dst(%dma_wait3A_967 : memref<8x128xf32, #tpu.memory_space<hbm>>)
        } else {
        }
        %dma_start3A_845 = arith.constant 0 : i32
        %dma_start3A_846 = arith.constant 0 : i32
        %dma_start3A_847 = tpu.memref_slice %arg3[%dma_start3A_845, %dma_start3A_846] : memref<2000000x64xf32, #tpu.memory_space<hbm>> -> memref<2000000x64xf32, #tpu.memory_space<hbm>>
        tpu.enqueue_indirect_dma source(%dma_start3A_847 : memref<2000000x64xf32, #tpu.memory_space<hbm>>) target(%arg12 : memref<128x64xf32, #tpu.memory_space<vmem>>) offsets(%arg10 : memref<128xi32, #tpu.memory_space<vmem>>) semaphore(%arg18 : memref<!tpu.dma_semaphore, #tpu.memory_space<semaphore_mem>>)
      } else {
      }
      %dma_wait3A_416 = arith.constant 0 : i32
      %dma_wait3A_417 = arith.constant 0 : i32
      %dma_wait3A_418 = tpu.memref_slice %arg3[%dma_wait3A_416, %dma_wait3A_417] : memref<2000000x64xf32, #tpu.memory_space<hbm>> -> memref<2000000x64xf32, #tpu.memory_space<hbm>>
      tpu.wait_indirect_dma semaphore(%arg17 : memref<!tpu.dma_semaphore, #tpu.memory_space<semaphore_mem>>) src(%dma_wait3A_418 : memref<2000000x64xf32, #tpu.memory_space<hbm>>) dst(%arg11 : memref<128x64xf32, #tpu.memory_space<vmem>>)
      %get3A_419 = arith.constant 0 : i32
      %get3A_420 = arith.index_cast %get3A_419 : i32 to index
      %get3A_421 = memref.load %arg21[%get3A_420] : memref<1xi32, #tpu.memory_space<smem>>
      %gt3A = arith.constant 0 : i32
      %gt3A_422 = arith.cmpi sgt, %get3A_421, %gt3A : i32
      %convert_element_type3A_423 = arith.extui %gt3A_422 : i1 to i32
      %cond3A_424 = arith.constant 0 : i32
      %cond3A_425 = arith.cmpi ne, %convert_element_type3A_423, %cond3A_424 : i32
      scf.if %cond3A_425 {
        %get3A_707 = arith.constant 0 : index
        %get3A_708 = tpu.vector_load %arg7[%get3A_707] {strides = array<i32>} : memref<128xi32, #tpu.memory_space<vmem>>, vector<16xi32>,
        %ge3A_709 = arith.constant 1000000 : i32
        %ge3A_710 = vector.broadcast %ge3A_709 : i32 to vector<16xi32>
        %ge3A_711 = arith.cmpi sge, %get3A_708, %ge3A_710 : vector<16xi32>
        %all_reduce_population_count3A_712 = tpu.all_reduce %ge3A_711 {dim = 0 : i64, kind = #tpu.reduction_kind<sum>} : vector<16xi1> -> vector<16xi32>
        %slice3A_713 = vector.extract_strided_slice %all_reduce_population_count3A_712 {offsets = [0], sizes = [1], strides = [1]} : vector<16xi32> to vector<1xi32>
        %squeeze3A_714 = vector.extract %slice3A_713[0] : i32 from vector<1xi32>
        %gt3A_715 = arith.constant 0 : i32
        %gt3A_716 = arith.cmpi sgt, %squeeze3A_714, %gt3A_715 : i32
        %convert_element_type3A_717 = arith.extui %gt3A_716 : i1 to i32
        %cond3A_718 = arith.constant 0 : i32
        %cond3A_719 = arith.cmpi ne, %convert_element_type3A_717, %cond3A_718 : i32
        scf.if %cond3A_719 {
          %sub3A = arith.constant 1000000 : i32
          %sub3A_811 = vector.broadcast %sub3A : i32 to vector<16xi32>
          %sub3A_812 = arith.subi %get3A_708, %sub3A_811 : vector<16xi32>
          %jit3A_813 = arith.constant 0 : i32
          %broadcast_in_dim3A_814 = vector.broadcast %jit3A_813 : i32 to vector<16xi32>
          %select_n3A_815 = arith.select %ge3A_711, %sub3A_812, %broadcast_in_dim3A_814 : vector<16xi1>, vector<16xi32>
          %add3A_816 = arith.constant 0 : i32
          %add3A_817 = vector.broadcast %add3A_816 : i32 to vector<16xi32>
          %add3A_818 = arith.addi %iota3A, %add3A_817 : vector<16xi32>
          %parallel_loop3A_819 = arith.constant 0 : i32
          %parallel_loop3A_820 = arith.constant 64 : i32
          %parallel_loop3A_821 = arith.constant 1 : i32
          scf.for %parallel_loop3A_822 = %parallel_loop3A_819 to %parallel_loop3A_820 step %parallel_loop3A_821  : i32 {
            %parallel_loop3A_823 = arith.constant 0 : i32
            %parallel_loop3A_824 = vector.broadcast %parallel_loop3A_823 : i32 to vector<16xi32>
            %parallel_loop3A_825 = vector.broadcast %parallel_loop3A_822 : i32 to vector<16xi32>
            %parallel_loop3A_826 = arith.addi %parallel_loop3A_824, %parallel_loop3A_825 : vector<16xi32>
            %parallel_loop3A_827 = tpu.vector_load_idx %arg6[%select_n3A_815, %parallel_loop3A_826] : memref<1024x64xf32, #tpu.memory_space<vmem>>[vector<16xi32>, vector<16xi32>], vector<16xf32>,
            tpu.vector_store_idx %arg11[%add3A_818, %parallel_loop3A_826], %parallel_loop3A_827 masked %ge3A_711 : memref<128x64xf32, #tpu.memory_space<vmem>>[vector<16xi32>, vector<16xi32>], vector<16xf32>, vector<16xi1>
          } {sc.loop_unroll_factor = 8 : i64, sc.parallel_access}
        } else {
        }
        %get3A_720 = arith.constant 16 : index
        %get3A_721 = tpu.vector_load %arg7[%get3A_720] {strides = array<i32>} : memref<128xi32, #tpu.memory_space<vmem>>, vector<16xi32>,
        %ge3A_722 = arith.constant 1000000 : i32
        %ge3A_723 = vector.broadcast %ge3A_722 : i32 to vector<16xi32>
        %ge3A_724 = arith.cmpi sge, %get3A_721, %ge3A_723 : vector<16xi32>
        %all_reduce_population_count3A_725 = tpu.all_reduce %ge3A_724 {dim = 0 : i64, kind = #tpu.reduction_kind<sum>} : vector<16xi1> -> vector<16xi32>
        %slice3A_726 = vector.extract_strided_slice %all_reduce_population_count3A_725 {offsets = [0], sizes = [1], strides = [1]} : vector<16xi32> to vector<1xi32>
        %squeeze3A_727 = vector.extract %slice3A_726[0] : i32 from vector<1xi32>
        %gt3A_728 = arith.constant 0 : i32
        %gt3A_729 = arith.cmpi sgt, %squeeze3A_727, %gt3A_728 : i32
        %convert_element_type3A_730 = arith.extui %gt3A_729 : i1 to i32
        %cond3A_731 = arith.constant 0 : i32
        %cond3A_732 = arith.cmpi ne, %convert_element_type3A_730, %cond3A_731 : i32
        scf.if %cond3A_732 {
          %sub3A = arith.constant 1000000 : i32
          %sub3A_811 = vector.broadcast %sub3A : i32 to vector<16xi32>
          %sub3A_812 = arith.subi %get3A_721, %sub3A_811 : vector<16xi32>
          %jit3A_813 = arith.constant 0 : i32
          %broadcast_in_dim3A_814 = vector.broadcast %jit3A_813 : i32 to vector<16xi32>
          %select_n3A_815 = arith.select %ge3A_724, %sub3A_812, %broadcast_in_dim3A_814 : vector<16xi1>, vector<16xi32>
          %add3A_816 = arith.constant 16 : i32
          %add3A_817 = vector.broadcast %add3A_816 : i32 to vector<16xi32>
          %add3A_818 = arith.addi %iota3A, %add3A_817 : vector<16xi32>
          %parallel_loop3A_819 = arith.constant 0 : i32
          %parallel_loop3A_820 = arith.constant 64 : i32
          %parallel_loop3A_821 = arith.constant 1 : i32
          scf.for %parallel_loop3A_822 = %parallel_loop3A_819 to %parallel_loop3A_820 step %parallel_loop3A_821  : i32 {
            %parallel_loop3A_823 = arith.constant 0 : i32
            %parallel_loop3A_824 = vector.broadcast %parallel_loop3A_823 : i32 to vector<16xi32>
            %parallel_loop3A_825 = vector.broadcast %parallel_loop3A_822 : i32 to vector<16xi32>
            %parallel_loop3A_826 = arith.addi %parallel_loop3A_824, %parallel_loop3A_825 : vector<16xi32>
            %parallel_loop3A_827 = tpu.vector_load_idx %arg6[%select_n3A_815, %parallel_loop3A_826] : memref<1024x64xf32, #tpu.memory_space<vmem>>[vector<16xi32>, vector<16xi32>], vector<16xf32>,
            tpu.vector_store_idx %arg11[%add3A_818, %parallel_loop3A_826], %parallel_loop3A_827 masked %ge3A_724 : memref<128x64xf32, #tpu.memory_space<vmem>>[vector<16xi32>, vector<16xi32>], vector<16xf32>, vector<16xi1>
          } {sc.loop_unroll_factor = 8 : i64, sc.parallel_access}
        } else {
        }
        %get3A_733 = arith.constant 32 : index
        %get3A_734 = tpu.vector_load %arg7[%get3A_733] {strides = array<i32>} : memref<128xi32, #tpu.memory_space<vmem>>, vector<16xi32>,
        %ge3A_735 = arith.constant 1000000 : i32
        %ge3A_736 = vector.broadcast %ge3A_735 : i32 to vector<16xi32>
        %ge3A_737 = arith.cmpi sge, %get3A_734, %ge3A_736 : vector<16xi32>
        %all_reduce_population_count3A_738 = tpu.all_reduce %ge3A_737 {dim = 0 : i64, kind = #tpu.reduction_kind<sum>} : vector<16xi1> -> vector<16xi32>
        %slice3A_739 = vector.extract_strided_slice %all_reduce_population_count3A_738 {offsets = [0], sizes = [1], strides = [1]} : vector<16xi32> to vector<1xi32>
        %squeeze3A_740 = vector.extract %slice3A_739[0] : i32 from vector<1xi32>
        %gt3A_741 = arith.constant 0 : i32
        %gt3A_742 = arith.cmpi sgt, %squeeze3A_740, %gt3A_741 : i32
        %convert_element_type3A_743 = arith.extui %gt3A_742 : i1 to i32
        %cond3A_744 = arith.constant 0 : i32
        %cond3A_745 = arith.cmpi ne, %convert_element_type3A_743, %cond3A_744 : i32
        scf.if %cond3A_745 {
          %sub3A = arith.constant 1000000 : i32
          %sub3A_811 = vector.broadcast %sub3A : i32 to vector<16xi32>
          %sub3A_812 = arith.subi %get3A_734, %sub3A_811 : vector<16xi32>
          %jit3A_813 = arith.constant 0 : i32
          %broadcast_in_dim3A_814 = vector.broadcast %jit3A_813 : i32 to vector<16xi32>
          %select_n3A_815 = arith.select %ge3A_737, %sub3A_812, %broadcast_in_dim3A_814 : vector<16xi1>, vector<16xi32>
          %add3A_816 = arith.constant 32 : i32
          %add3A_817 = vector.broadcast %add3A_816 : i32 to vector<16xi32>
          %add3A_818 = arith.addi %iota3A, %add3A_817 : vector<16xi32>
          %parallel_loop3A_819 = arith.constant 0 : i32
          %parallel_loop3A_820 = arith.constant 64 : i32
          %parallel_loop3A_821 = arith.constant 1 : i32
          scf.for %parallel_loop3A_822 = %parallel_loop3A_819 to %parallel_loop3A_820 step %parallel_loop3A_821  : i32 {
            %parallel_loop3A_823 = arith.constant 0 : i32
            %parallel_loop3A_824 = vector.broadcast %parallel_loop3A_823 : i32 to vector<16xi32>
            %parallel_loop3A_825 = vector.broadcast %parallel_loop3A_822 : i32 to vector<16xi32>
            %parallel_loop3A_826 = arith.addi %parallel_loop3A_824, %parallel_loop3A_825 : vector<16xi32>
            %parallel_loop3A_827 = tpu.vector_load_idx %arg6[%select_n3A_815, %parallel_loop3A_826] : memref<1024x64xf32, #tpu.memory_space<vmem>>[vector<16xi32>, vector<16xi32>], vector<16xf32>,
            tpu.vector_store_idx %arg11[%add3A_818, %parallel_loop3A_826], %parallel_loop3A_827 masked %ge3A_737 : memref<128x64xf32, #tpu.memory_space<vmem>>[vector<16xi32>, vector<16xi32>], vector<16xf32>, vector<16xi1>
          } {sc.loop_unroll_factor = 8 : i64, sc.parallel_access}
        } else {
        }
        %get3A_746 = arith.constant 48 : index
        %get3A_747 = tpu.vector_load %arg7[%get3A_746] {strides = array<i32>} : memref<128xi32, #tpu.memory_space<vmem>>, vector<16xi32>,
        %ge3A_748 = arith.constant 1000000 : i32
        %ge3A_749 = vector.broadcast %ge3A_748 : i32 to vector<16xi32>
        %ge3A_750 = arith.cmpi sge, %get3A_747, %ge3A_749 : vector<16xi32>
        %all_reduce_population_count3A_751 = tpu.all_reduce %ge3A_750 {dim = 0 : i64, kind = #tpu.reduction_kind<sum>} : vector<16xi1> -> vector<16xi32>
        %slice3A_752 = vector.extract_strided_slice %all_reduce_population_count3A_751 {offsets = [0], sizes = [1], strides = [1]} : vector<16xi32> to vector<1xi32>
        %squeeze3A_753 = vector.extract %slice3A_752[0] : i32 from vector<1xi32>
        %gt3A_754 = arith.constant 0 : i32
        %gt3A_755 = arith.cmpi sgt, %squeeze3A_753, %gt3A_754 : i32
        %convert_element_type3A_756 = arith.extui %gt3A_755 : i1 to i32
        %cond3A_757 = arith.constant 0 : i32
        %cond3A_758 = arith.cmpi ne, %convert_element_type3A_756, %cond3A_757 : i32
        scf.if %cond3A_758 {
          %sub3A = arith.constant 1000000 : i32
          %sub3A_811 = vector.broadcast %sub3A : i32 to vector<16xi32>
          %sub3A_812 = arith.subi %get3A_747, %sub3A_811 : vector<16xi32>
          %jit3A_813 = arith.constant 0 : i32
          %broadcast_in_dim3A_814 = vector.broadcast %jit3A_813 : i32 to vector<16xi32>
          %select_n3A_815 = arith.select %ge3A_750, %sub3A_812, %broadcast_in_dim3A_814 : vector<16xi1>, vector<16xi32>
          %add3A_816 = arith.constant 48 : i32
          %add3A_817 = vector.broadcast %add3A_816 : i32 to vector<16xi32>
          %add3A_818 = arith.addi %iota3A, %add3A_817 : vector<16xi32>
          %parallel_loop3A_819 = arith.constant 0 : i32
          %parallel_loop3A_820 = arith.constant 64 : i32
          %parallel_loop3A_821 = arith.constant 1 : i32
          scf.for %parallel_loop3A_822 = %parallel_loop3A_819 to %parallel_loop3A_820 step %parallel_loop3A_821  : i32 {
            %parallel_loop3A_823 = arith.constant 0 : i32
            %parallel_loop3A_824 = vector.broadcast %parallel_loop3A_823 : i32 to vector<16xi32>
            %parallel_loop3A_825 = vector.broadcast %parallel_loop3A_822 : i32 to vector<16xi32>
            %parallel_loop3A_826 = arith.addi %parallel_loop3A_824, %parallel_loop3A_825 : vector<16xi32>
            %parallel_loop3A_827 = tpu.vector_load_idx %arg6[%select_n3A_815, %parallel_loop3A_826] : memref<1024x64xf32, #tpu.memory_space<vmem>>[vector<16xi32>, vector<16xi32>], vector<16xf32>,
            tpu.vector_store_idx %arg11[%add3A_818, %parallel_loop3A_826], %parallel_loop3A_827 masked %ge3A_750 : memref<128x64xf32, #tpu.memory_space<vmem>>[vector<16xi32>, vector<16xi32>], vector<16xf32>, vector<16xi1>
          } {sc.loop_unroll_factor = 8 : i64, sc.parallel_access}
        } else {
        }
        %get3A_759 = arith.constant 64 : index
        %get3A_760 = tpu.vector_load %arg7[%get3A_759] {strides = array<i32>} : memref<128xi32, #tpu.memory_space<vmem>>, vector<16xi32>,
        %ge3A_761 = arith.constant 1000000 : i32
        %ge3A_762 = vector.broadcast %ge3A_761 : i32 to vector<16xi32>
        %ge3A_763 = arith.cmpi sge, %get3A_760, %ge3A_762 : vector<16xi32>
        %all_reduce_population_count3A_764 = tpu.all_reduce %ge3A_763 {dim = 0 : i64, kind = #tpu.reduction_kind<sum>} : vector<16xi1> -> vector<16xi32>
        %slice3A_765 = vector.extract_strided_slice %all_reduce_population_count3A_764 {offsets = [0], sizes = [1], strides = [1]} : vector<16xi32> to vector<1xi32>
        %squeeze3A_766 = vector.extract %slice3A_765[0] : i32 from vector<1xi32>
        %gt3A_767 = arith.constant 0 : i32
        %gt3A_768 = arith.cmpi sgt, %squeeze3A_766, %gt3A_767 : i32
        %convert_element_type3A_769 = arith.extui %gt3A_768 : i1 to i32
        %cond3A_770 = arith.constant 0 : i32
        %cond3A_771 = arith.cmpi ne, %convert_element_type3A_769, %cond3A_770 : i32
        scf.if %cond3A_771 {
          %sub3A = arith.constant 1000000 : i32
          %sub3A_811 = vector.broadcast %sub3A : i32 to vector<16xi32>
          %sub3A_812 = arith.subi %get3A_760, %sub3A_811 : vector<16xi32>
          %jit3A_813 = arith.constant 0 : i32
          %broadcast_in_dim3A_814 = vector.broadcast %jit3A_813 : i32 to vector<16xi32>
          %select_n3A_815 = arith.select %ge3A_763, %sub3A_812, %broadcast_in_dim3A_814 : vector<16xi1>, vector<16xi32>
          %add3A_816 = arith.constant 64 : i32
          %add3A_817 = vector.broadcast %add3A_816 : i32 to vector<16xi32>
          %add3A_818 = arith.addi %iota3A, %add3A_817 : vector<16xi32>
          %parallel_loop3A_819 = arith.constant 0 : i32
          %parallel_loop3A_820 = arith.constant 64 : i32
          %parallel_loop3A_821 = arith.constant 1 : i32
          scf.for %parallel_loop3A_822 = %parallel_loop3A_819 to %parallel_loop3A_820 step %parallel_loop3A_821  : i32 {
            %parallel_loop3A_823 = arith.constant 0 : i32
            %parallel_loop3A_824 = vector.broadcast %parallel_loop3A_823 : i32 to vector<16xi32>
            %parallel_loop3A_825 = vector.broadcast %parallel_loop3A_822 : i32 to vector<16xi32>
            %parallel_loop3A_826 = arith.addi %parallel_loop3A_824, %parallel_loop3A_825 : vector<16xi32>
            %parallel_loop3A_827 = tpu.vector_load_idx %arg6[%select_n3A_815, %parallel_loop3A_826] : memref<1024x64xf32, #tpu.memory_space<vmem>>[vector<16xi32>, vector<16xi32>], vector<16xf32>,
            tpu.vector_store_idx %arg11[%add3A_818, %parallel_loop3A_826], %parallel_loop3A_827 masked %ge3A_763 : memref<128x64xf32, #tpu.memory_space<vmem>>[vector<16xi32>, vector<16xi32>], vector<16xf32>, vector<16xi1>
          } {sc.loop_unroll_factor = 8 : i64, sc.parallel_access}
        } else {
        }
        %get3A_772 = arith.constant 80 : index
        %get3A_773 = tpu.vector_load %arg7[%get3A_772] {strides = array<i32>} : memref<128xi32, #tpu.memory_space<vmem>>, vector<16xi32>,
        %ge3A_774 = arith.constant 1000000 : i32
        %ge3A_775 = vector.broadcast %ge3A_774 : i32 to vector<16xi32>
        %ge3A_776 = arith.cmpi sge, %get3A_773, %ge3A_775 : vector<16xi32>
        %all_reduce_population_count3A_777 = tpu.all_reduce %ge3A_776 {dim = 0 : i64, kind = #tpu.reduction_kind<sum>} : vector<16xi1> -> vector<16xi32>
        %slice3A_778 = vector.extract_strided_slice %all_reduce_population_count3A_777 {offsets = [0], sizes = [1], strides = [1]} : vector<16xi32> to vector<1xi32>
        %squeeze3A_779 = vector.extract %slice3A_778[0] : i32 from vector<1xi32>
        %gt3A_780 = arith.constant 0 : i32
        %gt3A_781 = arith.cmpi sgt, %squeeze3A_779, %gt3A_780 : i32
        %convert_element_type3A_782 = arith.extui %gt3A_781 : i1 to i32
        %cond3A_783 = arith.constant 0 : i32
        %cond3A_784 = arith.cmpi ne, %convert_element_type3A_782, %cond3A_783 : i32
        scf.if %cond3A_784 {
          %sub3A = arith.constant 1000000 : i32
          %sub3A_811 = vector.broadcast %sub3A : i32 to vector<16xi32>
          %sub3A_812 = arith.subi %get3A_773, %sub3A_811 : vector<16xi32>
          %jit3A_813 = arith.constant 0 : i32
          %broadcast_in_dim3A_814 = vector.broadcast %jit3A_813 : i32 to vector<16xi32>
          %select_n3A_815 = arith.select %ge3A_776, %sub3A_812, %broadcast_in_dim3A_814 : vector<16xi1>, vector<16xi32>
          %add3A_816 = arith.constant 80 : i32
          %add3A_817 = vector.broadcast %add3A_816 : i32 to vector<16xi32>
          %add3A_818 = arith.addi %iota3A, %add3A_817 : vector<16xi32>
          %parallel_loop3A_819 = arith.constant 0 : i32
          %parallel_loop3A_820 = arith.constant 64 : i32
          %parallel_loop3A_821 = arith.constant 1 : i32
          scf.for %parallel_loop3A_822 = %parallel_loop3A_819 to %parallel_loop3A_820 step %parallel_loop3A_821  : i32 {
            %parallel_loop3A_823 = arith.constant 0 : i32
            %parallel_loop3A_824 = vector.broadcast %parallel_loop3A_823 : i32 to vector<16xi32>
            %parallel_loop3A_825 = vector.broadcast %parallel_loop3A_822 : i32 to vector<16xi32>
            %parallel_loop3A_826 = arith.addi %parallel_loop3A_824, %parallel_loop3A_825 : vector<16xi32>
            %parallel_loop3A_827 = tpu.vector_load_idx %arg6[%select_n3A_815, %parallel_loop3A_826] : memref<1024x64xf32, #tpu.memory_space<vmem>>[vector<16xi32>, vector<16xi32>], vector<16xf32>,
            tpu.vector_store_idx %arg11[%add3A_818, %parallel_loop3A_826], %parallel_loop3A_827 masked %ge3A_776 : memref<128x64xf32, #tpu.memory_space<vmem>>[vector<16xi32>, vector<16xi32>], vector<16xf32>, vector<16xi1>
          } {sc.loop_unroll_factor = 8 : i64, sc.parallel_access}
        } else {
        }
        %get3A_785 = arith.constant 96 : index
        %get3A_786 = tpu.vector_load %arg7[%get3A_785] {strides = array<i32>} : memref<128xi32, #tpu.memory_space<vmem>>, vector<16xi32>,
        %ge3A_787 = arith.constant 1000000 : i32
        %ge3A_788 = vector.broadcast %ge3A_787 : i32 to vector<16xi32>
        %ge3A_789 = arith.cmpi sge, %get3A_786, %ge3A_788 : vector<16xi32>
        %all_reduce_population_count3A_790 = tpu.all_reduce %ge3A_789 {dim = 0 : i64, kind = #tpu.reduction_kind<sum>} : vector<16xi1> -> vector<16xi32>
        %slice3A_791 = vector.extract_strided_slice %all_reduce_population_count3A_790 {offsets = [0], sizes = [1], strides = [1]} : vector<16xi32> to vector<1xi32>
        %squeeze3A_792 = vector.extract %slice3A_791[0] : i32 from vector<1xi32>
        %gt3A_793 = arith.constant 0 : i32
        %gt3A_794 = arith.cmpi sgt, %squeeze3A_792, %gt3A_793 : i32
        %convert_element_type3A_795 = arith.extui %gt3A_794 : i1 to i32
        %cond3A_796 = arith.constant 0 : i32
        %cond3A_797 = arith.cmpi ne, %convert_element_type3A_795, %cond3A_796 : i32
        scf.if %cond3A_797 {
          %sub3A = arith.constant 1000000 : i32
          %sub3A_811 = vector.broadcast %sub3A : i32 to vector<16xi32>
          %sub3A_812 = arith.subi %get3A_786, %sub3A_811 : vector<16xi32>
          %jit3A_813 = arith.constant 0 : i32
          %broadcast_in_dim3A_814 = vector.broadcast %jit3A_813 : i32 to vector<16xi32>
          %select_n3A_815 = arith.select %ge3A_789, %sub3A_812, %broadcast_in_dim3A_814 : vector<16xi1>, vector<16xi32>
          %add3A_816 = arith.constant 96 : i32
          %add3A_817 = vector.broadcast %add3A_816 : i32 to vector<16xi32>
          %add3A_818 = arith.addi %iota3A, %add3A_817 : vector<16xi32>
          %parallel_loop3A_819 = arith.constant 0 : i32
          %parallel_loop3A_820 = arith.constant 64 : i32
          %parallel_loop3A_821 = arith.constant 1 : i32
          scf.for %parallel_loop3A_822 = %parallel_loop3A_819 to %parallel_loop3A_820 step %parallel_loop3A_821  : i32 {
            %parallel_loop3A_823 = arith.constant 0 : i32
            %parallel_loop3A_824 = vector.broadcast %parallel_loop3A_823 : i32 to vector<16xi32>
            %parallel_loop3A_825 = vector.broadcast %parallel_loop3A_822 : i32 to vector<16xi32>
            %parallel_loop3A_826 = arith.addi %parallel_loop3A_824, %parallel_loop3A_825 : vector<16xi32>
            %parallel_loop3A_827 = tpu.vector_load_idx %arg6[%select_n3A_815, %parallel_loop3A_826] : memref<1024x64xf32, #tpu.memory_space<vmem>>[vector<16xi32>, vector<16xi32>], vector<16xf32>,
            tpu.vector_store_idx %arg11[%add3A_818, %parallel_loop3A_826], %parallel_loop3A_827 masked %ge3A_789 : memref<128x64xf32, #tpu.memory_space<vmem>>[vector<16xi32>, vector<16xi32>], vector<16xf32>, vector<16xi1>
          } {sc.loop_unroll_factor = 8 : i64, sc.parallel_access}
        } else {
        }
        %get3A_798 = arith.constant 112 : index
        %get3A_799 = tpu.vector_load %arg7[%get3A_798] {strides = array<i32>} : memref<128xi32, #tpu.memory_space<vmem>>, vector<16xi32>,
        %ge3A_800 = arith.constant 1000000 : i32
        %ge3A_801 = vector.broadcast %ge3A_800 : i32 to vector<16xi32>
        %ge3A_802 = arith.cmpi sge, %get3A_799, %ge3A_801 : vector<16xi32>
        %all_reduce_population_count3A_803 = tpu.all_reduce %ge3A_802 {dim = 0 : i64, kind = #tpu.reduction_kind<sum>} : vector<16xi1> -> vector<16xi32>
        %slice3A_804 = vector.extract_strided_slice %all_reduce_population_count3A_803 {offsets = [0], sizes = [1], strides = [1]} : vector<16xi32> to vector<1xi32>
        %squeeze3A_805 = vector.extract %slice3A_804[0] : i32 from vector<1xi32>
        %gt3A_806 = arith.constant 0 : i32
        %gt3A_807 = arith.cmpi sgt, %squeeze3A_805, %gt3A_806 : i32
        %convert_element_type3A_808 = arith.extui %gt3A_807 : i1 to i32
        %cond3A_809 = arith.constant 0 : i32
        %cond3A_810 = arith.cmpi ne, %convert_element_type3A_808, %cond3A_809 : i32
        scf.if %cond3A_810 {
          %sub3A = arith.constant 1000000 : i32
          %sub3A_811 = vector.broadcast %sub3A : i32 to vector<16xi32>
          %sub3A_812 = arith.subi %get3A_799, %sub3A_811 : vector<16xi32>
          %jit3A_813 = arith.constant 0 : i32
          %broadcast_in_dim3A_814 = vector.broadcast %jit3A_813 : i32 to vector<16xi32>
          %select_n3A_815 = arith.select %ge3A_802, %sub3A_812, %broadcast_in_dim3A_814 : vector<16xi1>, vector<16xi32>
          %add3A_816 = arith.constant 112 : i32
          %add3A_817 = vector.broadcast %add3A_816 : i32 to vector<16xi32>
          %add3A_818 = arith.addi %iota3A, %add3A_817 : vector<16xi32>
          %parallel_loop3A_819 = arith.constant 0 : i32
          %parallel_loop3A_820 = arith.constant 64 : i32
          %parallel_loop3A_821 = arith.constant 1 : i32
          scf.for %parallel_loop3A_822 = %parallel_loop3A_819 to %parallel_loop3A_820 step %parallel_loop3A_821  : i32 {
            %parallel_loop3A_823 = arith.constant 0 : i32
            %parallel_loop3A_824 = vector.broadcast %parallel_loop3A_823 : i32 to vector<16xi32>
            %parallel_loop3A_825 = vector.broadcast %parallel_loop3A_822 : i32 to vector<16xi32>
            %parallel_loop3A_826 = arith.addi %parallel_loop3A_824, %parallel_loop3A_825 : vector<16xi32>
            %parallel_loop3A_827 = tpu.vector_load_idx %arg6[%select_n3A_815, %parallel_loop3A_826] : memref<1024x64xf32, #tpu.memory_space<vmem>>[vector<16xi32>, vector<16xi32>], vector<16xf32>,
            tpu.vector_store_idx %arg11[%add3A_818, %parallel_loop3A_826], %parallel_loop3A_827 masked %ge3A_802 : memref<128x64xf32, #tpu.memory_space<vmem>>[vector<16xi32>, vector<16xi32>], vector<16xf32>, vector<16xi1>
          } {sc.loop_unroll_factor = 8 : i64, sc.parallel_access}
        } else {
        }
      } else {
      }
      %parallel_loop3A = arith.constant 0 : i32
      %parallel_loop3A_426 = arith.constant 128 : i32
      %parallel_loop3A_427 = arith.constant 1 : i32
      scf.for %parallel_loop3A_707 = %parallel_loop3A to %parallel_loop3A_426 step %parallel_loop3A_427  : i32 {
        %parallel_loop3A_708 = arith.constant 0 : i32
        %parallel_loop3A_709 = vector.broadcast %parallel_loop3A_708 : i32 to vector<16xi32>
        %parallel_loop3A_710 = vector.broadcast %parallel_loop3A_707 : i32 to vector<16xi32>
        %parallel_loop3A_711 = arith.addi %parallel_loop3A_709, %parallel_loop3A_710 : vector<16xi32>
        %parallel_loop3A_712 = arith.index_cast %parallel_loop3A_707 : i32 to index
        %parallel_loop3A_713 = arith.constant 0 : index
        %parallel_loop3A_714 = tpu.vector_load %arg11[%parallel_loop3A_712, %parallel_loop3A_713] {strides = array<i32>} : memref<128x64xf32, #tpu.memory_space<vmem>>, vector<16xf32>,
        tpu.vector_store_idx %arg13[%add3A_5, %parallel_loop3A_711], %parallel_loop3A_714 : memref<64x135xf32, #tpu.memory_space<vmem>>[vector<16xi32>, vector<16xi32>], vector<16xf32>,
        %parallel_loop3A_715 = arith.index_cast %parallel_loop3A_707 : i32 to index
        %parallel_loop3A_716 = arith.constant 16 : index
        %parallel_loop3A_717 = tpu.vector_load %arg11[%parallel_loop3A_715, %parallel_loop3A_716] {strides = array<i32>} : memref<128x64xf32, #tpu.memory_space<vmem>>, vector<16xf32>,
        tpu.vector_store_idx %arg13[%add3A_8, %parallel_loop3A_711], %parallel_loop3A_717 : memref<64x135xf32, #tpu.memory_space<vmem>>[vector<16xi32>, vector<16xi32>], vector<16xf32>,
        %parallel_loop3A_718 = arith.index_cast %parallel_loop3A_707 : i32 to index
        %parallel_loop3A_719 = arith.constant 32 : index
        %parallel_loop3A_720 = tpu.vector_load %arg11[%parallel_loop3A_718, %parallel_loop3A_719] {strides = array<i32>} : memref<128x64xf32, #tpu.memory_space<vmem>>, vector<16xf32>,
        tpu.vector_store_idx %arg13[%add3A_11, %parallel_loop3A_711], %parallel_loop3A_720 : memref<64x135xf32, #tpu.memory_space<vmem>>[vector<16xi32>, vector<16xi32>], vector<16xf32>,
        %parallel_loop3A_721 = arith.index_cast %parallel_loop3A_707 : i32 to index
        %parallel_loop3A_722 = arith.constant 48 : index
        %parallel_loop3A_723 = tpu.vector_load %arg11[%parallel_loop3A_721, %parallel_loop3A_722] {strides = array<i32>} : memref<128x64xf32, #tpu.memory_space<vmem>>, vector<16xf32>,
        tpu.vector_store_idx %arg13[%add3A_14, %parallel_loop3A_711], %parallel_loop3A_723 : memref<64x135xf32, #tpu.memory_space<vmem>>[vector<16xi32>, vector<16xi32>], vector<16xf32>,
      } {sc.loop_unroll_factor = 8 : i64, sc.parallel_access}
      %dma_start3A_428 = arith.constant 0 : i32
      %dma_start3A_429 = arith.constant 0 : i32
      %dma_start3A_430 = arith.constant 0 : i32
      %dma_start3A_431 = tpu.memref_slice %arg13[%dma_start3A_429, %dma_start3A_430] : memref<64x135xf32, #tpu.memory_space<vmem>> -> memref<8x128xf32, #tpu.memory_space<vmem>>
      %dma_start3A_432 = arith.constant 0 : i32
      %dma_start3A_433 = arith.constant 0 : i32
      %dma_start3A_434 = tpu.memref_slice %arg5[%add3A_410, %dma_start3A_428, %add3A, %dma_start3A_432, %dma_start3A_433] : memref<200x8x32x8x128xf32, #tpu.memory_space<hbm>> -> memref<1x1x1x8x128xf32, #tpu.memory_space<hbm>>
      %dma_start3A_435 = tpu.memref_squeeze %dma_start3A_434 : memref<1x1x1x8x128xf32, #tpu.memory_space<hbm>> -> memref<8x128xf32, #tpu.memory_space<hbm>>
      %dma_start3A_436 = arith.constant 0 : i32
      %dma_start3A_437 = arith.constant 0 : i32
      %dma_start3A_438 = tpu.memref_slice %arg5[%add3A_410, %dma_start3A_428, %add3A, %dma_start3A_436, %dma_start3A_437] : memref<200x8x32x8x128xf32, #tpu.memory_space<hbm>> -> memref<1x1x1x8x128xf32, #tpu.memory_space<hbm>>
      %dma_start3A_439 = tpu.memref_squeeze %dma_start3A_438 : memref<1x1x1x8x128xf32, #tpu.memory_space<hbm>> -> memref<8x128xf32, #tpu.memory_space<hbm>>
      %dma_start3A_440 = arith.constant 0 : i32
      %dma_start3A_441 = arith.constant 0 : i32
      %dma_start3A_442 = tpu.memref_slice %arg13[%dma_start3A_440, %dma_start3A_441] : memref<64x135xf32, #tpu.memory_space<vmem>> -> memref<8x128xf32, #tpu.memory_space<vmem>>
      tpu.enqueue_dma source(%dma_start3A_442 : memref<8x128xf32, #tpu.memory_space<vmem>>) target(%dma_start3A_439 : memref<8x128xf32, #tpu.memory_space<hbm>>) target_semaphore(%arg19 : memref<!tpu.dma_semaphore, #tpu.memory_space<semaphore_mem>>)
      %dma_start3A_443 = arith.constant 1 : i32
      %dma_start3A_444 = arith.constant 8 : i32
      %dma_start3A_445 = arith.constant 0 : i32
      %dma_start3A_446 = tpu.memref_slice %arg13[%dma_start3A_444, %dma_start3A_445] : memref<64x135xf32, #tpu.memory_space<vmem>> -> memref<8x128xf32, #tpu.memory_space<vmem>>
      %dma_start3A_447 = arith.constant 0 : i32
      %dma_start3A_448 = arith.constant 0 : i32
      %dma_start3A_449 = tpu.memref_slice %arg5[%add3A_410, %dma_start3A_443, %add3A, %dma_start3A_447, %dma_start3A_448] : memref<200x8x32x8x128xf32, #tpu.memory_space<hbm>> -> memref<1x1x1x8x128xf32, #tpu.memory_space<hbm>>
      %dma_start3A_450 = tpu.memref_squeeze %dma_start3A_449 : memref<1x1x1x8x128xf32, #tpu.memory_space<hbm>> -> memref<8x128xf32, #tpu.memory_space<hbm>>
      %dma_start3A_451 = arith.constant 0 : i32
      %dma_start3A_452 = arith.constant 0 : i32
      %dma_start3A_453 = tpu.memref_slice %arg5[%add3A_410, %dma_start3A_443, %add3A, %dma_start3A_451, %dma_start3A_452] : memref<200x8x32x8x128xf32, #tpu.memory_space<hbm>> -> memref<1x1x1x8x128xf32, #tpu.memory_space<hbm>>
      %dma_start3A_454 = tpu.memref_squeeze %dma_start3A_453 : memref<1x1x1x8x128xf32, #tpu.memory_space<hbm>> -> memref<8x128xf32, #tpu.memory_space<hbm>>
      %dma_start3A_455 = arith.constant 8 : i32
      %dma_start3A_456 = arith.constant 0 : i32
      %dma_start3A_457 = tpu.memref_slice %arg13[%dma_start3A_455, %dma_start3A_456] : memref<64x135xf32, #tpu.memory_space<vmem>> -> memref<8x128xf32, #tpu.memory_space<vmem>>
      tpu.enqueue_dma source(%dma_start3A_457 : memref<8x128xf32, #tpu.memory_space<vmem>>) target(%dma_start3A_454 : memref<8x128xf32, #tpu.memory_space<hbm>>) target_semaphore(%arg19 : memref<!tpu.dma_semaphore, #tpu.memory_space<semaphore_mem>>)
      %dma_start3A_458 = arith.constant 2 : i32
      %dma_start3A_459 = arith.constant 16 : i32
      %dma_start3A_460 = arith.constant 0 : i32
      %dma_start3A_461 = tpu.memref_slice %arg13[%dma_start3A_459, %dma_start3A_460] : memref<64x135xf32, #tpu.memory_space<vmem>> -> memref<8x128xf32, #tpu.memory_space<vmem>>
      %dma_start3A_462 = arith.constant 0 : i32
      %dma_start3A_463 = arith.constant 0 : i32
      %dma_start3A_464 = tpu.memref_slice %arg5[%add3A_410, %dma_start3A_458, %add3A, %dma_start3A_462, %dma_start3A_463] : memref<200x8x32x8x128xf32, #tpu.memory_space<hbm>> -> memref<1x1x1x8x128xf32, #tpu.memory_space<hbm>>
      %dma_start3A_465 = tpu.memref_squeeze %dma_start3A_464 : memref<1x1x1x8x128xf32, #tpu.memory_space<hbm>> -> memref<8x128xf32, #tpu.memory_space<hbm>>
      %dma_start3A_466 = arith.constant 0 : i32
      %dma_start3A_467 = arith.constant 0 : i32
      %dma_start3A_468 = tpu.memref_slice %arg5[%add3A_410, %dma_start3A_458, %add3A, %dma_start3A_466, %dma_start3A_467] : memref<200x8x32x8x128xf32, #tpu.memory_space<hbm>> -> memref<1x1x1x8x128xf32, #tpu.memory_space<hbm>>
      %dma_start3A_469 = tpu.memref_squeeze %dma_start3A_468 : memref<1x1x1x8x128xf32, #tpu.memory_space<hbm>> -> memref<8x128xf32, #tpu.memory_space<hbm>>
      %dma_start3A_470 = arith.constant 16 : i32
      %dma_start3A_471 = arith.constant 0 : i32
      %dma_start3A_472 = tpu.memref_slice %arg13[%dma_start3A_470, %dma_start3A_471] : memref<64x135xf32, #tpu.memory_space<vmem>> -> memref<8x128xf32, #tpu.memory_space<vmem>>
      tpu.enqueue_dma source(%dma_start3A_472 : memref<8x128xf32, #tpu.memory_space<vmem>>) target(%dma_start3A_469 : memref<8x128xf32, #tpu.memory_space<hbm>>) target_semaphore(%arg19 : memref<!tpu.dma_semaphore, #tpu.memory_space<semaphore_mem>>)
      %dma_start3A_473 = arith.constant 3 : i32
      %dma_start3A_474 = arith.constant 24 : i32
      %dma_start3A_475 = arith.constant 0 : i32
      %dma_start3A_476 = tpu.memref_slice %arg13[%dma_start3A_474, %dma_start3A_475] : memref<64x135xf32, #tpu.memory_space<vmem>> -> memref<8x128xf32, #tpu.memory_space<vmem>>
      %dma_start3A_477 = arith.constant 0 : i32
      %dma_start3A_478 = arith.constant 0 : i32
      %dma_start3A_479 = tpu.memref_slice %arg5[%add3A_410, %dma_start3A_473, %add3A, %dma_start3A_477, %dma_start3A_478] : memref<200x8x32x8x128xf32, #tpu.memory_space<hbm>> -> memref<1x1x1x8x128xf32, #tpu.memory_space<hbm>>
      %dma_start3A_480 = tpu.memref_squeeze %dma_start3A_479 : memref<1x1x1x8x128xf32, #tpu.memory_space<hbm>> -> memref<8x128xf32, #tpu.memory_space<hbm>>
      %dma_start3A_481 = arith.constant 0 : i32
      %dma_start3A_482 = arith.constant 0 : i32
      %dma_start3A_483 = tpu.memref_slice %arg5[%add3A_410, %dma_start3A_473, %add3A, %dma_start3A_481, %dma_start3A_482] : memref<200x8x32x8x128xf32, #tpu.memory_space<hbm>> -> memref<1x1x1x8x128xf32, #tpu.memory_space<hbm>>
      %dma_start3A_484 = tpu.memref_squeeze %dma_start3A_483 : memref<1x1x1x8x128xf32, #tpu.memory_space<hbm>> -> memref<8x128xf32, #tpu.memory_space<hbm>>
      %dma_start3A_485 = arith.constant 24 : i32
      %dma_start3A_486 = arith.constant 0 : i32
      %dma_start3A_487 = tpu.memref_slice %arg13[%dma_start3A_485, %dma_start3A_486] : memref<64x135xf32, #tpu.memory_space<vmem>> -> memref<8x128xf32, #tpu.memory_space<vmem>>
      tpu.enqueue_dma source(%dma_start3A_487 : memref<8x128xf32, #tpu.memory_space<vmem>>) target(%dma_start3A_484 : memref<8x128xf32, #tpu.memory_space<hbm>>) target_semaphore(%arg19 : memref<!tpu.dma_semaphore, #tpu.memory_space<semaphore_mem>>)
      %dma_start3A_488 = arith.constant 4 : i32
      %dma_start3A_489 = arith.constant 32 : i32
      %dma_start3A_490 = arith.constant 0 : i32
      %dma_start3A_491 = tpu.memref_slice %arg13[%dma_start3A_489, %dma_start3A_490] : memref<64x135xf32, #tpu.memory_space<vmem>> -> memref<8x128xf32, #tpu.memory_space<vmem>>
      %dma_start3A_492 = arith.constant 0 : i32
      %dma_start3A_493 = arith.constant 0 : i32
      %dma_start3A_494 = tpu.memref_slice %arg5[%add3A_410, %dma_start3A_488, %add3A, %dma_start3A_492, %dma_start3A_493] : memref<200x8x32x8x128xf32, #tpu.memory_space<hbm>> -> memref<1x1x1x8x128xf32, #tpu.memory_space<hbm>>
      %dma_start3A_495 = tpu.memref_squeeze %dma_start3A_494 : memref<1x1x1x8x128xf32, #tpu.memory_space<hbm>> -> memref<8x128xf32, #tpu.memory_space<hbm>>
      %dma_start3A_496 = arith.constant 0 : i32
      %dma_start3A_497 = arith.constant 0 : i32
      %dma_start3A_498 = tpu.memref_slice %arg5[%add3A_410, %dma_start3A_488, %add3A, %dma_start3A_496, %dma_start3A_497] : memref<200x8x32x8x128xf32, #tpu.memory_space<hbm>> -> memref<1x1x1x8x128xf32, #tpu.memory_space<hbm>>
      %dma_start3A_499 = tpu.memref_squeeze %dma_start3A_498 : memref<1x1x1x8x128xf32, #tpu.memory_space<hbm>> -> memref<8x128xf32, #tpu.memory_space<hbm>>
      %dma_start3A_500 = arith.constant 32 : i32
      %dma_start3A_501 = arith.constant 0 : i32
      %dma_start3A_502 = tpu.memref_slice %arg13[%dma_start3A_500, %dma_start3A_501] : memref<64x135xf32, #tpu.memory_space<vmem>> -> memref<8x128xf32, #tpu.memory_space<vmem>>
      tpu.enqueue_dma source(%dma_start3A_502 : memref<8x128xf32, #tpu.memory_space<vmem>>) target(%dma_start3A_499 : memref<8x128xf32, #tpu.memory_space<hbm>>) target_semaphore(%arg19 : memref<!tpu.dma_semaphore, #tpu.memory_space<semaphore_mem>>)
      %dma_start3A_503 = arith.constant 5 : i32
      %dma_start3A_504 = arith.constant 40 : i32
      %dma_start3A_505 = arith.constant 0 : i32
      %dma_start3A_506 = tpu.memref_slice %arg13[%dma_start3A_504, %dma_start3A_505] : memref<64x135xf32, #tpu.memory_space<vmem>> -> memref<8x128xf32, #tpu.memory_space<vmem>>
      %dma_start3A_507 = arith.constant 0 : i32
      %dma_start3A_508 = arith.constant 0 : i32
      %dma_start3A_509 = tpu.memref_slice %arg5[%add3A_410, %dma_start3A_503, %add3A, %dma_start3A_507, %dma_start3A_508] : memref<200x8x32x8x128xf32, #tpu.memory_space<hbm>> -> memref<1x1x1x8x128xf32, #tpu.memory_space<hbm>>
      %dma_start3A_510 = tpu.memref_squeeze %dma_start3A_509 : memref<1x1x1x8x128xf32, #tpu.memory_space<hbm>> -> memref<8x128xf32, #tpu.memory_space<hbm>>
      %dma_start3A_511 = arith.constant 0 : i32
      %dma_start3A_512 = arith.constant 0 : i32
      %dma_start3A_513 = tpu.memref_slice %arg5[%add3A_410, %dma_start3A_503, %add3A, %dma_start3A_511, %dma_start3A_512] : memref<200x8x32x8x128xf32, #tpu.memory_space<hbm>> -> memref<1x1x1x8x128xf32, #tpu.memory_space<hbm>>
      %dma_start3A_514 = tpu.memref_squeeze %dma_start3A_513 : memref<1x1x1x8x128xf32, #tpu.memory_space<hbm>> -> memref<8x128xf32, #tpu.memory_space<hbm>>
      %dma_start3A_515 = arith.constant 40 : i32
      %dma_start3A_516 = arith.constant 0 : i32
      %dma_start3A_517 = tpu.memref_slice %arg13[%dma_start3A_515, %dma_start3A_516] : memref<64x135xf32, #tpu.memory_space<vmem>> -> memref<8x128xf32, #tpu.memory_space<vmem>>
      tpu.enqueue_dma source(%dma_start3A_517 : memref<8x128xf32, #tpu.memory_space<vmem>>) target(%dma_start3A_514 : memref<8x128xf32, #tpu.memory_space<hbm>>) target_semaphore(%arg19 : memref<!tpu.dma_semaphore, #tpu.memory_space<semaphore_mem>>)
      %dma_start3A_518 = arith.constant 6 : i32
      %dma_start3A_519 = arith.constant 48 : i32
      %dma_start3A_520 = arith.constant 0 : i32
      %dma_start3A_521 = tpu.memref_slice %arg13[%dma_start3A_519, %dma_start3A_520] : memref<64x135xf32, #tpu.memory_space<vmem>> -> memref<8x128xf32, #tpu.memory_space<vmem>>
      %dma_start3A_522 = arith.constant 0 : i32
      %dma_start3A_523 = arith.constant 0 : i32
      %dma_start3A_524 = tpu.memref_slice %arg5[%add3A_410, %dma_start3A_518, %add3A, %dma_start3A_522, %dma_start3A_523] : memref<200x8x32x8x128xf32, #tpu.memory_space<hbm>> -> memref<1x1x1x8x128xf32, #tpu.memory_space<hbm>>
      %dma_start3A_525 = tpu.memref_squeeze %dma_start3A_524 : memref<1x1x1x8x128xf32, #tpu.memory_space<hbm>> -> memref<8x128xf32, #tpu.memory_space<hbm>>
      %dma_start3A_526 = arith.constant 0 : i32
      %dma_start3A_527 = arith.constant 0 : i32
      %dma_start3A_528 = tpu.memref_slice %arg5[%add3A_410, %dma_start3A_518, %add3A, %dma_start3A_526, %dma_start3A_527] : memref<200x8x32x8x128xf32, #tpu.memory_space<hbm>> -> memref<1x1x1x8x128xf32, #tpu.memory_space<hbm>>
      %dma_start3A_529 = tpu.memref_squeeze %dma_start3A_528 : memref<1x1x1x8x128xf32, #tpu.memory_space<hbm>> -> memref<8x128xf32, #tpu.memory_space<hbm>>
      %dma_start3A_530 = arith.constant 48 : i32
      %dma_start3A_531 = arith.constant 0 : i32
      %dma_start3A_532 = tpu.memref_slice %arg13[%dma_start3A_530, %dma_start3A_531] : memref<64x135xf32, #tpu.memory_space<vmem>> -> memref<8x128xf32, #tpu.memory_space<vmem>>
      tpu.enqueue_dma source(%dma_start3A_532 : memref<8x128xf32, #tpu.memory_space<vmem>>) target(%dma_start3A_529 : memref<8x128xf32, #tpu.memory_space<hbm>>) target_semaphore(%arg19 : memref<!tpu.dma_semaphore, #tpu.memory_space<semaphore_mem>>)
      %dma_start3A_533 = arith.constant 7 : i32
      %dma_start3A_534 = arith.constant 56 : i32
      %dma_start3A_535 = arith.constant 0 : i32
      %dma_start3A_536 = tpu.memref_slice %arg13[%dma_start3A_534, %dma_start3A_535] : memref<64x135xf32, #tpu.memory_space<vmem>> -> memref<8x128xf32, #tpu.memory_space<vmem>>
      %dma_start3A_537 = arith.constant 0 : i32
      %dma_start3A_538 = arith.constant 0 : i32
      %dma_start3A_539 = tpu.memref_slice %arg5[%add3A_410, %dma_start3A_533, %add3A, %dma_start3A_537, %dma_start3A_538] : memref<200x8x32x8x128xf32, #tpu.memory_space<hbm>> -> memref<1x1x1x8x128xf32, #tpu.memory_space<hbm>>
      %dma_start3A_540 = tpu.memref_squeeze %dma_start3A_539 : memref<1x1x1x8x128xf32, #tpu.memory_space<hbm>> -> memref<8x128xf32, #tpu.memory_space<hbm>>
      %dma_start3A_541 = arith.constant 0 : i32
      %dma_start3A_542 = arith.constant 0 : i32
      %dma_start3A_543 = tpu.memref_slice %arg5[%add3A_410, %dma_start3A_533, %add3A, %dma_start3A_541, %dma_start3A_542] : memref<200x8x32x8x128xf32, #tpu.memory_space<hbm>> -> memref<1x1x1x8x128xf32, #tpu.memory_space<hbm>>
      %dma_start3A_544 = tpu.memref_squeeze %dma_start3A_543 : memref<1x1x1x8x128xf32, #tpu.memory_space<hbm>> -> memref<8x128xf32, #tpu.memory_space<hbm>>
      %dma_start3A_545 = arith.constant 56 : i32
      %dma_start3A_546 = arith.constant 0 : i32
      %dma_start3A_547 = tpu.memref_slice %arg13[%dma_start3A_545, %dma_start3A_546] : memref<64x135xf32, #tpu.memory_space<vmem>> -> memref<8x128xf32, #tpu.memory_space<vmem>>
      tpu.enqueue_dma source(%dma_start3A_547 : memref<8x128xf32, #tpu.memory_space<vmem>>) target(%dma_start3A_544 : memref<8x128xf32, #tpu.memory_space<hbm>>) target_semaphore(%arg19 : memref<!tpu.dma_semaphore, #tpu.memory_space<semaphore_mem>>)
      %add3A_548 = arith.constant 2 : i32
      %add3A_549 = arith.addi %add3A_410, %add3A_548 : i32
      %lt3A_550 = arith.constant 200 : i32
      %lt3A_551 = arith.cmpi slt, %add3A_549, %lt3A_550 : i32
      %convert_element_type3A_552 = arith.extui %lt3A_551 : i1 to i32
      %cond3A_553 = arith.constant 0 : i32
      %cond3A_554 = arith.cmpi ne, %convert_element_type3A_552, %cond3A_553 : i32
      scf.if %cond3A_554 {
        %add3A_707 = arith.constant 2 : i32
        %add3A_708 = arith.addi %add3A_410, %add3A_707 : i32
        %dma_start3A_709 = tpu.memref_slice %arg2[%add3A_708, %mul3A_2] : memref<200x4096xi32, #tpu.memory_space<hbm>> -> memref<1x128xi32, #tpu.memory_space<hbm>>
        %dma_start3A_710 = tpu.memref_squeeze %dma_start3A_709 : memref<1x128xi32, #tpu.memory_space<hbm>> -> memref<128xi32, #tpu.memory_space<hbm>>
        %dma_start3A_711 = tpu.memref_slice %arg2[%add3A_708, %mul3A_2] : memref<200x4096xi32, #tpu.memory_space<hbm>> -> memref<1x128xi32, #tpu.memory_space<hbm>>
        %dma_start3A_712 = tpu.memref_squeeze %dma_start3A_711 : memref<1x128xi32, #tpu.memory_space<hbm>> -> memref<128xi32, #tpu.memory_space<hbm>>
        tpu.enqueue_dma source(%dma_start3A_712 : memref<128xi32, #tpu.memory_space<hbm>>) target(%arg7 : memref<128xi32, #tpu.memory_space<vmem>>) target_semaphore(%arg15 : memref<!tpu.dma_semaphore, #tpu.memory_space<semaphore_mem>>)
      } else {
      }
      %mul3A_555 = arith.constant 2 : i32
      %mul3A_556 = arith.muli %scan3A_406, %mul3A_555 : i32
      %add3A_557 = arith.constant 1 : i32
      %add3A_558 = arith.addi %mul3A_556, %add3A_557 : i32
      %add3A_559 = arith.constant 1 : i32
      %add3A_560 = arith.addi %add3A_558, %add3A_559 : i32
      %lt3A_561 = arith.constant 200 : i32
      %lt3A_562 = arith.cmpi slt, %add3A_560, %lt3A_561 : i32
      %convert_element_type3A_563 = arith.extui %lt3A_562 : i1 to i32
      %cond3A_564 = arith.constant 0 : i32
      %cond3A_565 = arith.cmpi ne, %convert_element_type3A_563, %cond3A_564 : i32
      scf.if %cond3A_565 {
        %add3A_707 = arith.constant 1 : i32
        %add3A_708 = arith.addi %add3A_558, %add3A_707 : i32
        %dma_wait3A_709 = tpu.memref_slice %arg2[%add3A_708, %mul3A_2] : memref<200x4096xi32, #tpu.memory_space<hbm>> -> memref<1x128xi32, #tpu.memory_space<hbm>>
        %dma_wait3A_710 = tpu.memref_squeeze %dma_wait3A_709 : memref<1x128xi32, #tpu.memory_space<hbm>> -> memref<128xi32, #tpu.memory_space<hbm>>
        %dma_wait3A_711 = tpu.memref_slice %arg2[%add3A_708, %mul3A_2] : memref<200x4096xi32, #tpu.memory_space<hbm>> -> memref<1x128xi32, #tpu.memory_space<hbm>>
        %dma_wait3A_712 = tpu.memref_squeeze %dma_wait3A_711 : memref<1x128xi32, #tpu.memory_space<hbm>> -> memref<128xi32, #tpu.memory_space<hbm>>
        tpu.wait_dma2 semaphore(%arg15 : memref<!tpu.dma_semaphore, #tpu.memory_space<semaphore_mem>>) src(%dma_wait3A_712 : memref<128xi32, #tpu.memory_space<hbm>>) dst(%arg7 : memref<128xi32, #tpu.memory_space<vmem>>)
        %get3A_713 = arith.constant 0 : index
        %get3A_714 = tpu.vector_load %arg7[%get3A_713] {strides = array<i32>} : memref<128xi32, #tpu.memory_space<vmem>>, vector<16xi32>,
        %lt3A_715 = arith.constant 1000000 : i32
        %lt3A_716 = vector.broadcast %lt3A_715 : i32 to vector<16xi32>
        %lt3A_717 = arith.cmpi slt, %get3A_714, %lt3A_716 : vector<16xi32>
        %add3A_718 = arith.addi %get3A_714, %get3A_714 : vector<16xi32>
        %jit3A_719 = arith.constant 0 : i32
        %broadcast_in_dim3A_720 = vector.broadcast %jit3A_719 : i32 to vector<16xi32>
        %select_n3A_721 = arith.select %lt3A_717, %add3A_718, %broadcast_in_dim3A_720 : vector<16xi1>, vector<16xi32>
        %swap3A_722 = arith.constant 0 : index
        %swap3A_723 = tpu.vector_load %arg9[%swap3A_722] {strides = array<i32>} : memref<128xi32, #tpu.memory_space<vmem>>, vector<16xi32>,
        tpu.vector_store %arg9[%swap3A_722], %select_n3A_721 {strides = array<i32>} : memref<128xi32, #tpu.memory_space<vmem>>, vector<16xi32>,
        %ge3A_724 = arith.constant 1000000 : i32
        %ge3A_725 = vector.broadcast %ge3A_724 : i32 to vector<16xi32>
        %ge3A_726 = arith.cmpi sge, %get3A_714, %ge3A_725 : vector<16xi32>
        %get3A_727 = arith.constant 16 : index
        %get3A_728 = tpu.vector_load %arg7[%get3A_727] {strides = array<i32>} : memref<128xi32, #tpu.memory_space<vmem>>, vector<16xi32>,
        %lt3A_729 = arith.constant 1000000 : i32
        %lt3A_730 = vector.broadcast %lt3A_729 : i32 to vector<16xi32>
        %lt3A_731 = arith.cmpi slt, %get3A_728, %lt3A_730 : vector<16xi32>
        %add3A_732 = arith.addi %get3A_728, %get3A_728 : vector<16xi32>
        %jit3A_733 = arith.constant 0 : i32
        %broadcast_in_dim3A_734 = vector.broadcast %jit3A_733 : i32 to vector<16xi32>
        %select_n3A_735 = arith.select %lt3A_731, %add3A_732, %broadcast_in_dim3A_734 : vector<16xi1>, vector<16xi32>
        %swap3A_736 = arith.constant 16 : index
        %swap3A_737 = tpu.vector_load %arg9[%swap3A_736] {strides = array<i32>} : memref<128xi32, #tpu.memory_space<vmem>>, vector<16xi32>,
        tpu.vector_store %arg9[%swap3A_736], %select_n3A_735 {strides = array<i32>} : memref<128xi32, #tpu.memory_space<vmem>>, vector<16xi32>,
        %ge3A_738 = arith.constant 1000000 : i32
        %ge3A_739 = vector.broadcast %ge3A_738 : i32 to vector<16xi32>
        %ge3A_740 = arith.cmpi sge, %get3A_728, %ge3A_739 : vector<16xi32>
        %or3A_741 = arith.ori %ge3A_726, %ge3A_740 : vector<16xi1>
        %get3A_742 = arith.constant 32 : index
        %get3A_743 = tpu.vector_load %arg7[%get3A_742] {strides = array<i32>} : memref<128xi32, #tpu.memory_space<vmem>>, vector<16xi32>,
        %lt3A_744 = arith.constant 1000000 : i32
        %lt3A_745 = vector.broadcast %lt3A_744 : i32 to vector<16xi32>
        %lt3A_746 = arith.cmpi slt, %get3A_743, %lt3A_745 : vector<16xi32>
        %add3A_747 = arith.addi %get3A_743, %get3A_743 : vector<16xi32>
        %jit3A_748 = arith.constant 0 : i32
        %broadcast_in_dim3A_749 = vector.broadcast %jit3A_748 : i32 to vector<16xi32>
        %select_n3A_750 = arith.select %lt3A_746, %add3A_747, %broadcast_in_dim3A_749 : vector<16xi1>, vector<16xi32>
        %swap3A_751 = arith.constant 32 : index
        %swap3A_752 = tpu.vector_load %arg9[%swap3A_751] {strides = array<i32>} : memref<128xi32, #tpu.memory_space<vmem>>, vector<16xi32>,
        tpu.vector_store %arg9[%swap3A_751], %select_n3A_750 {strides = array<i32>} : memref<128xi32, #tpu.memory_space<vmem>>, vector<16xi32>,
        %ge3A_753 = arith.constant 1000000 : i32
        %ge3A_754 = vector.broadcast %ge3A_753 : i32 to vector<16xi32>
        %ge3A_755 = arith.cmpi sge, %get3A_743, %ge3A_754 : vector<16xi32>
        %or3A_756 = arith.ori %or3A_741, %ge3A_755 : vector<16xi1>
        %get3A_757 = arith.constant 48 : index
        %get3A_758 = tpu.vector_load %arg7[%get3A_757] {strides = array<i32>} : memref<128xi32, #tpu.memory_space<vmem>>, vector<16xi32>,
        %lt3A_759 = arith.constant 1000000 : i32
        %lt3A_760 = vector.broadcast %lt3A_759 : i32 to vector<16xi32>
        %lt3A_761 = arith.cmpi slt, %get3A_758, %lt3A_760 : vector<16xi32>
        %add3A_762 = arith.addi %get3A_758, %get3A_758 : vector<16xi32>
        %jit3A_763 = arith.constant 0 : i32
        %broadcast_in_dim3A_764 = vector.broadcast %jit3A_763 : i32 to vector<16xi32>
        %select_n3A_765 = arith.select %lt3A_761, %add3A_762, %broadcast_in_dim3A_764 : vector<16xi1>, vector<16xi32>
        %swap3A_766 = arith.constant 48 : index
        %swap3A_767 = tpu.vector_load %arg9[%swap3A_766] {strides = array<i32>} : memref<128xi32, #tpu.memory_space<vmem>>, vector<16xi32>,
        tpu.vector_store %arg9[%swap3A_766], %select_n3A_765 {strides = array<i32>} : memref<128xi32, #tpu.memory_space<vmem>>, vector<16xi32>,
        %ge3A_768 = arith.constant 1000000 : i32
        %ge3A_769 = vector.broadcast %ge3A_768 : i32 to vector<16xi32>
        %ge3A_770 = arith.cmpi sge, %get3A_758, %ge3A_769 : vector<16xi32>
        %or3A_771 = arith.ori %or3A_756, %ge3A_770 : vector<16xi1>
        %get3A_772 = arith.constant 64 : index
        %get3A_773 = tpu.vector_load %arg7[%get3A_772] {strides = array<i32>} : memref<128xi32, #tpu.memory_space<vmem>>, vector<16xi32>,
        %lt3A_774 = arith.constant 1000000 : i32
        %lt3A_775 = vector.broadcast %lt3A_774 : i32 to vector<16xi32>
        %lt3A_776 = arith.cmpi slt, %get3A_773, %lt3A_775 : vector<16xi32>
        %add3A_777 = arith.addi %get3A_773, %get3A_773 : vector<16xi32>
        %jit3A_778 = arith.constant 0 : i32
        %broadcast_in_dim3A_779 = vector.broadcast %jit3A_778 : i32 to vector<16xi32>
        %select_n3A_780 = arith.select %lt3A_776, %add3A_777, %broadcast_in_dim3A_779 : vector<16xi1>, vector<16xi32>
        %swap3A_781 = arith.constant 64 : index
        %swap3A_782 = tpu.vector_load %arg9[%swap3A_781] {strides = array<i32>} : memref<128xi32, #tpu.memory_space<vmem>>, vector<16xi32>,
        tpu.vector_store %arg9[%swap3A_781], %select_n3A_780 {strides = array<i32>} : memref<128xi32, #tpu.memory_space<vmem>>, vector<16xi32>,
        %ge3A_783 = arith.constant 1000000 : i32
        %ge3A_784 = vector.broadcast %ge3A_783 : i32 to vector<16xi32>
        %ge3A_785 = arith.cmpi sge, %get3A_773, %ge3A_784 : vector<16xi32>
        %or3A_786 = arith.ori %or3A_771, %ge3A_785 : vector<16xi1>
        %get3A_787 = arith.constant 80 : index
        %get3A_788 = tpu.vector_load %arg7[%get3A_787] {strides = array<i32>} : memref<128xi32, #tpu.memory_space<vmem>>, vector<16xi32>,
        %lt3A_789 = arith.constant 1000000 : i32
        %lt3A_790 = vector.broadcast %lt3A_789 : i32 to vector<16xi32>
        %lt3A_791 = arith.cmpi slt, %get3A_788, %lt3A_790 : vector<16xi32>
        %add3A_792 = arith.addi %get3A_788, %get3A_788 : vector<16xi32>
        %jit3A_793 = arith.constant 0 : i32
        %broadcast_in_dim3A_794 = vector.broadcast %jit3A_793 : i32 to vector<16xi32>
        %select_n3A_795 = arith.select %lt3A_791, %add3A_792, %broadcast_in_dim3A_794 : vector<16xi1>, vector<16xi32>
        %swap3A_796 = arith.constant 80 : index
        %swap3A_797 = tpu.vector_load %arg9[%swap3A_796] {strides = array<i32>} : memref<128xi32, #tpu.memory_space<vmem>>, vector<16xi32>,
        tpu.vector_store %arg9[%swap3A_796], %select_n3A_795 {strides = array<i32>} : memref<128xi32, #tpu.memory_space<vmem>>, vector<16xi32>,
        %ge3A_798 = arith.constant 1000000 : i32
        %ge3A_799 = vector.broadcast %ge3A_798 : i32 to vector<16xi32>
        %ge3A_800 = arith.cmpi sge, %get3A_788, %ge3A_799 : vector<16xi32>
        %or3A_801 = arith.ori %or3A_786, %ge3A_800 : vector<16xi1>
        %get3A_802 = arith.constant 96 : index
        %get3A_803 = tpu.vector_load %arg7[%get3A_802] {strides = array<i32>} : memref<128xi32, #tpu.memory_space<vmem>>, vector<16xi32>,
        %lt3A_804 = arith.constant 1000000 : i32
        %lt3A_805 = vector.broadcast %lt3A_804 : i32 to vector<16xi32>
        %lt3A_806 = arith.cmpi slt, %get3A_803, %lt3A_805 : vector<16xi32>
        %add3A_807 = arith.addi %get3A_803, %get3A_803 : vector<16xi32>
        %jit3A_808 = arith.constant 0 : i32
        %broadcast_in_dim3A_809 = vector.broadcast %jit3A_808 : i32 to vector<16xi32>
        %select_n3A_810 = arith.select %lt3A_806, %add3A_807, %broadcast_in_dim3A_809 : vector<16xi1>, vector<16xi32>
        %swap3A_811 = arith.constant 96 : index
        %swap3A_812 = tpu.vector_load %arg9[%swap3A_811] {strides = array<i32>} : memref<128xi32, #tpu.memory_space<vmem>>, vector<16xi32>,
        tpu.vector_store %arg9[%swap3A_811], %select_n3A_810 {strides = array<i32>} : memref<128xi32, #tpu.memory_space<vmem>>, vector<16xi32>,
        %ge3A_813 = arith.constant 1000000 : i32
        %ge3A_814 = vector.broadcast %ge3A_813 : i32 to vector<16xi32>
        %ge3A_815 = arith.cmpi sge, %get3A_803, %ge3A_814 : vector<16xi32>
        %or3A_816 = arith.ori %or3A_801, %ge3A_815 : vector<16xi1>
        %get3A_817 = arith.constant 112 : index
        %get3A_818 = tpu.vector_load %arg7[%get3A_817] {strides = array<i32>} : memref<128xi32, #tpu.memory_space<vmem>>, vector<16xi32>,
        %lt3A_819 = arith.constant 1000000 : i32
        %lt3A_820 = vector.broadcast %lt3A_819 : i32 to vector<16xi32>
        %lt3A_821 = arith.cmpi slt, %get3A_818, %lt3A_820 : vector<16xi32>
        %add3A_822 = arith.addi %get3A_818, %get3A_818 : vector<16xi32>
        %jit3A_823 = arith.constant 0 : i32
        %broadcast_in_dim3A_824 = vector.broadcast %jit3A_823 : i32 to vector<16xi32>
        %select_n3A_825 = arith.select %lt3A_821, %add3A_822, %broadcast_in_dim3A_824 : vector<16xi1>, vector<16xi32>
        %swap3A_826 = arith.constant 112 : index
        %swap3A_827 = tpu.vector_load %arg9[%swap3A_826] {strides = array<i32>} : memref<128xi32, #tpu.memory_space<vmem>>, vector<16xi32>,
        tpu.vector_store %arg9[%swap3A_826], %select_n3A_825 {strides = array<i32>} : memref<128xi32, #tpu.memory_space<vmem>>, vector<16xi32>,
        %ge3A_828 = arith.constant 1000000 : i32
        %ge3A_829 = vector.broadcast %ge3A_828 : i32 to vector<16xi32>
        %ge3A_830 = arith.cmpi sge, %get3A_818, %ge3A_829 : vector<16xi32>
        %or3A_831 = arith.ori %or3A_816, %ge3A_830 : vector<16xi1>
        %all_reduce_population_count3A_832 = tpu.all_reduce %or3A_831 {dim = 0 : i64, kind = #tpu.reduction_kind<sum>} : vector<16xi1> -> vector<16xi32>
        %slice3A_833 = vector.extract_strided_slice %all_reduce_population_count3A_832 {offsets = [0], sizes = [1], strides = [1]} : vector<16xi32> to vector<1xi32>
        %squeeze3A_834 = vector.extract %slice3A_833[0] : i32 from vector<1xi32>
        %swap3A_835 = arith.constant 0 : i32
        %swap3A_836 = arith.index_cast %swap3A_835 : i32 to index
        %swap3A_837 = memref.load %arg21[%swap3A_836] : memref<1xi32, #tpu.memory_space<smem>>
        memref.store %squeeze3A_834, %arg21[%swap3A_836] : memref<1xi32, #tpu.memory_space<smem>>
        %add3A_838 = arith.constant 1 : i32
        %add3A_839 = arith.addi %add3A_558, %add3A_838 : i32
        %ge3A_840 = arith.constant 2 : i32
        %ge3A_841 = arith.cmpi sge, %add3A_839, %ge3A_840 : i32
        %convert_element_type3A_842 = arith.extui %ge3A_841 : i1 to i32
        %cond3A_843 = arith.constant 0 : i32
        %cond3A_844 = arith.cmpi ne, %convert_element_type3A_842, %cond3A_843 : i32
        scf.if %cond3A_844 {
          %add3A_848 = arith.constant 1 : i32
          %add3A_849 = arith.addi %add3A_558, %add3A_848 : i32
          %sub3A = arith.constant 2 : i32
          %sub3A_850 = arith.subi %add3A_849, %sub3A : i32
          %dma_wait3A_851 = arith.constant 0 : i32
          %dma_wait3A_852 = arith.constant 0 : i32
          %dma_wait3A_853 = arith.constant 0 : i32
          %dma_wait3A_854 = tpu.memref_slice %arg13[%dma_wait3A_852, %dma_wait3A_853] : memref<64x135xf32, #tpu.memory_space<vmem>> -> memref<8x128xf32, #tpu.memory_space<vmem>>
          %dma_wait3A_855 = arith.constant 0 : i32
          %dma_wait3A_856 = arith.constant 0 : i32
          %dma_wait3A_857 = tpu.memref_slice %arg5[%sub3A_850, %dma_wait3A_851, %add3A, %dma_wait3A_855, %dma_wait3A_856] : memref<200x8x32x8x128xf32, #tpu.memory_space<hbm>> -> memref<1x1x1x8x128xf32, #tpu.memory_space<hbm>>
          %dma_wait3A_858 = tpu.memref_squeeze %dma_wait3A_857 : memref<1x1x1x8x128xf32, #tpu.memory_space<hbm>> -> memref<8x128xf32, #tpu.memory_space<hbm>>
          %dma_wait3A_859 = arith.constant 0 : i32
          %dma_wait3A_860 = arith.constant 0 : i32
          %dma_wait3A_861 = tpu.memref_slice %arg5[%sub3A_850, %dma_wait3A_851, %add3A, %dma_wait3A_859, %dma_wait3A_860] : memref<200x8x32x8x128xf32, #tpu.memory_space<hbm>> -> memref<1x1x1x8x128xf32, #tpu.memory_space<hbm>>
          %dma_wait3A_862 = tpu.memref_squeeze %dma_wait3A_861 : memref<1x1x1x8x128xf32, #tpu.memory_space<hbm>> -> memref<8x128xf32, #tpu.memory_space<hbm>>
          %dma_wait3A_863 = arith.constant 0 : i32
          %dma_wait3A_864 = arith.constant 0 : i32
          %dma_wait3A_865 = tpu.memref_slice %arg13[%dma_wait3A_863, %dma_wait3A_864] : memref<64x135xf32, #tpu.memory_space<vmem>> -> memref<8x128xf32, #tpu.memory_space<vmem>>
          tpu.wait_dma2 semaphore(%arg19 : memref<!tpu.dma_semaphore, #tpu.memory_space<semaphore_mem>>) src(%dma_wait3A_865 : memref<8x128xf32, #tpu.memory_space<vmem>>) dst(%dma_wait3A_862 : memref<8x128xf32, #tpu.memory_space<hbm>>)
          %dma_wait3A_866 = arith.constant 1 : i32
          %dma_wait3A_867 = arith.constant 8 : i32
          %dma_wait3A_868 = arith.constant 0 : i32
          %dma_wait3A_869 = tpu.memref_slice %arg13[%dma_wait3A_867, %dma_wait3A_868] : memref<64x135xf32, #tpu.memory_space<vmem>> -> memref<8x128xf32, #tpu.memory_space<vmem>>
          %dma_wait3A_870 = arith.constant 0 : i32
          %dma_wait3A_871 = arith.constant 0 : i32
          %dma_wait3A_872 = tpu.memref_slice %arg5[%sub3A_850, %dma_wait3A_866, %add3A, %dma_wait3A_870, %dma_wait3A_871] : memref<200x8x32x8x128xf32, #tpu.memory_space<hbm>> -> memref<1x1x1x8x128xf32, #tpu.memory_space<hbm>>
          %dma_wait3A_873 = tpu.memref_squeeze %dma_wait3A_872 : memref<1x1x1x8x128xf32, #tpu.memory_space<hbm>> -> memref<8x128xf32, #tpu.memory_space<hbm>>
          %dma_wait3A_874 = arith.constant 0 : i32
          %dma_wait3A_875 = arith.constant 0 : i32
          %dma_wait3A_876 = tpu.memref_slice %arg5[%sub3A_850, %dma_wait3A_866, %add3A, %dma_wait3A_874, %dma_wait3A_875] : memref<200x8x32x8x128xf32, #tpu.memory_space<hbm>> -> memref<1x1x1x8x128xf32, #tpu.memory_space<hbm>>
          %dma_wait3A_877 = tpu.memref_squeeze %dma_wait3A_876 : memref<1x1x1x8x128xf32, #tpu.memory_space<hbm>> -> memref<8x128xf32, #tpu.memory_space<hbm>>
          %dma_wait3A_878 = arith.constant 8 : i32
          %dma_wait3A_879 = arith.constant 0 : i32
          %dma_wait3A_880 = tpu.memref_slice %arg13[%dma_wait3A_878, %dma_wait3A_879] : memref<64x135xf32, #tpu.memory_space<vmem>> -> memref<8x128xf32, #tpu.memory_space<vmem>>
          tpu.wait_dma2 semaphore(%arg19 : memref<!tpu.dma_semaphore, #tpu.memory_space<semaphore_mem>>) src(%dma_wait3A_880 : memref<8x128xf32, #tpu.memory_space<vmem>>) dst(%dma_wait3A_877 : memref<8x128xf32, #tpu.memory_space<hbm>>)
          %dma_wait3A_881 = arith.constant 2 : i32
          %dma_wait3A_882 = arith.constant 16 : i32
          %dma_wait3A_883 = arith.constant 0 : i32
          %dma_wait3A_884 = tpu.memref_slice %arg13[%dma_wait3A_882, %dma_wait3A_883] : memref<64x135xf32, #tpu.memory_space<vmem>> -> memref<8x128xf32, #tpu.memory_space<vmem>>
          %dma_wait3A_885 = arith.constant 0 : i32
          %dma_wait3A_886 = arith.constant 0 : i32
          %dma_wait3A_887 = tpu.memref_slice %arg5[%sub3A_850, %dma_wait3A_881, %add3A, %dma_wait3A_885, %dma_wait3A_886] : memref<200x8x32x8x128xf32, #tpu.memory_space<hbm>> -> memref<1x1x1x8x128xf32, #tpu.memory_space<hbm>>
          %dma_wait3A_888 = tpu.memref_squeeze %dma_wait3A_887 : memref<1x1x1x8x128xf32, #tpu.memory_space<hbm>> -> memref<8x128xf32, #tpu.memory_space<hbm>>
          %dma_wait3A_889 = arith.constant 0 : i32
          %dma_wait3A_890 = arith.constant 0 : i32
          %dma_wait3A_891 = tpu.memref_slice %arg5[%sub3A_850, %dma_wait3A_881, %add3A, %dma_wait3A_889, %dma_wait3A_890] : memref<200x8x32x8x128xf32, #tpu.memory_space<hbm>> -> memref<1x1x1x8x128xf32, #tpu.memory_space<hbm>>
          %dma_wait3A_892 = tpu.memref_squeeze %dma_wait3A_891 : memref<1x1x1x8x128xf32, #tpu.memory_space<hbm>> -> memref<8x128xf32, #tpu.memory_space<hbm>>
          %dma_wait3A_893 = arith.constant 16 : i32
          %dma_wait3A_894 = arith.constant 0 : i32
          %dma_wait3A_895 = tpu.memref_slice %arg13[%dma_wait3A_893, %dma_wait3A_894] : memref<64x135xf32, #tpu.memory_space<vmem>> -> memref<8x128xf32, #tpu.memory_space<vmem>>
          tpu.wait_dma2 semaphore(%arg19 : memref<!tpu.dma_semaphore, #tpu.memory_space<semaphore_mem>>) src(%dma_wait3A_895 : memref<8x128xf32, #tpu.memory_space<vmem>>) dst(%dma_wait3A_892 : memref<8x128xf32, #tpu.memory_space<hbm>>)
          %dma_wait3A_896 = arith.constant 3 : i32
          %dma_wait3A_897 = arith.constant 24 : i32
          %dma_wait3A_898 = arith.constant 0 : i32
          %dma_wait3A_899 = tpu.memref_slice %arg13[%dma_wait3A_897, %dma_wait3A_898] : memref<64x135xf32, #tpu.memory_space<vmem>> -> memref<8x128xf32, #tpu.memory_space<vmem>>
          %dma_wait3A_900 = arith.constant 0 : i32
          %dma_wait3A_901 = arith.constant 0 : i32
          %dma_wait3A_902 = tpu.memref_slice %arg5[%sub3A_850, %dma_wait3A_896, %add3A, %dma_wait3A_900, %dma_wait3A_901] : memref<200x8x32x8x128xf32, #tpu.memory_space<hbm>> -> memref<1x1x1x8x128xf32, #tpu.memory_space<hbm>>
          %dma_wait3A_903 = tpu.memref_squeeze %dma_wait3A_902 : memref<1x1x1x8x128xf32, #tpu.memory_space<hbm>> -> memref<8x128xf32, #tpu.memory_space<hbm>>
          %dma_wait3A_904 = arith.constant 0 : i32
          %dma_wait3A_905 = arith.constant 0 : i32
          %dma_wait3A_906 = tpu.memref_slice %arg5[%sub3A_850, %dma_wait3A_896, %add3A, %dma_wait3A_904, %dma_wait3A_905] : memref<200x8x32x8x128xf32, #tpu.memory_space<hbm>> -> memref<1x1x1x8x128xf32, #tpu.memory_space<hbm>>
          %dma_wait3A_907 = tpu.memref_squeeze %dma_wait3A_906 : memref<1x1x1x8x128xf32, #tpu.memory_space<hbm>> -> memref<8x128xf32, #tpu.memory_space<hbm>>
          %dma_wait3A_908 = arith.constant 24 : i32
          %dma_wait3A_909 = arith.constant 0 : i32
          %dma_wait3A_910 = tpu.memref_slice %arg13[%dma_wait3A_908, %dma_wait3A_909] : memref<64x135xf32, #tpu.memory_space<vmem>> -> memref<8x128xf32, #tpu.memory_space<vmem>>
          tpu.wait_dma2 semaphore(%arg19 : memref<!tpu.dma_semaphore, #tpu.memory_space<semaphore_mem>>) src(%dma_wait3A_910 : memref<8x128xf32, #tpu.memory_space<vmem>>) dst(%dma_wait3A_907 : memref<8x128xf32, #tpu.memory_space<hbm>>)
          %dma_wait3A_911 = arith.constant 4 : i32
          %dma_wait3A_912 = arith.constant 32 : i32
          %dma_wait3A_913 = arith.constant 0 : i32
          %dma_wait3A_914 = tpu.memref_slice %arg13[%dma_wait3A_912, %dma_wait3A_913] : memref<64x135xf32, #tpu.memory_space<vmem>> -> memref<8x128xf32, #tpu.memory_space<vmem>>
          %dma_wait3A_915 = arith.constant 0 : i32
          %dma_wait3A_916 = arith.constant 0 : i32
          %dma_wait3A_917 = tpu.memref_slice %arg5[%sub3A_850, %dma_wait3A_911, %add3A, %dma_wait3A_915, %dma_wait3A_916] : memref<200x8x32x8x128xf32, #tpu.memory_space<hbm>> -> memref<1x1x1x8x128xf32, #tpu.memory_space<hbm>>
          %dma_wait3A_918 = tpu.memref_squeeze %dma_wait3A_917 : memref<1x1x1x8x128xf32, #tpu.memory_space<hbm>> -> memref<8x128xf32, #tpu.memory_space<hbm>>
          %dma_wait3A_919 = arith.constant 0 : i32
          %dma_wait3A_920 = arith.constant 0 : i32
          %dma_wait3A_921 = tpu.memref_slice %arg5[%sub3A_850, %dma_wait3A_911, %add3A, %dma_wait3A_919, %dma_wait3A_920] : memref<200x8x32x8x128xf32, #tpu.memory_space<hbm>> -> memref<1x1x1x8x128xf32, #tpu.memory_space<hbm>>
          %dma_wait3A_922 = tpu.memref_squeeze %dma_wait3A_921 : memref<1x1x1x8x128xf32, #tpu.memory_space<hbm>> -> memref<8x128xf32, #tpu.memory_space<hbm>>
          %dma_wait3A_923 = arith.constant 32 : i32
          %dma_wait3A_924 = arith.constant 0 : i32
          %dma_wait3A_925 = tpu.memref_slice %arg13[%dma_wait3A_923, %dma_wait3A_924] : memref<64x135xf32, #tpu.memory_space<vmem>> -> memref<8x128xf32, #tpu.memory_space<vmem>>
          tpu.wait_dma2 semaphore(%arg19 : memref<!tpu.dma_semaphore, #tpu.memory_space<semaphore_mem>>) src(%dma_wait3A_925 : memref<8x128xf32, #tpu.memory_space<vmem>>) dst(%dma_wait3A_922 : memref<8x128xf32, #tpu.memory_space<hbm>>)
          %dma_wait3A_926 = arith.constant 5 : i32
          %dma_wait3A_927 = arith.constant 40 : i32
          %dma_wait3A_928 = arith.constant 0 : i32
          %dma_wait3A_929 = tpu.memref_slice %arg13[%dma_wait3A_927, %dma_wait3A_928] : memref<64x135xf32, #tpu.memory_space<vmem>> -> memref<8x128xf32, #tpu.memory_space<vmem>>
          %dma_wait3A_930 = arith.constant 0 : i32
          %dma_wait3A_931 = arith.constant 0 : i32
          %dma_wait3A_932 = tpu.memref_slice %arg5[%sub3A_850, %dma_wait3A_926, %add3A, %dma_wait3A_930, %dma_wait3A_931] : memref<200x8x32x8x128xf32, #tpu.memory_space<hbm>> -> memref<1x1x1x8x128xf32, #tpu.memory_space<hbm>>
          %dma_wait3A_933 = tpu.memref_squeeze %dma_wait3A_932 : memref<1x1x1x8x128xf32, #tpu.memory_space<hbm>> -> memref<8x128xf32, #tpu.memory_space<hbm>>
          %dma_wait3A_934 = arith.constant 0 : i32
          %dma_wait3A_935 = arith.constant 0 : i32
          %dma_wait3A_936 = tpu.memref_slice %arg5[%sub3A_850, %dma_wait3A_926, %add3A, %dma_wait3A_934, %dma_wait3A_935] : memref<200x8x32x8x128xf32, #tpu.memory_space<hbm>> -> memref<1x1x1x8x128xf32, #tpu.memory_space<hbm>>
          %dma_wait3A_937 = tpu.memref_squeeze %dma_wait3A_936 : memref<1x1x1x8x128xf32, #tpu.memory_space<hbm>> -> memref<8x128xf32, #tpu.memory_space<hbm>>
          %dma_wait3A_938 = arith.constant 40 : i32
          %dma_wait3A_939 = arith.constant 0 : i32
          %dma_wait3A_940 = tpu.memref_slice %arg13[%dma_wait3A_938, %dma_wait3A_939] : memref<64x135xf32, #tpu.memory_space<vmem>> -> memref<8x128xf32, #tpu.memory_space<vmem>>
          tpu.wait_dma2 semaphore(%arg19 : memref<!tpu.dma_semaphore, #tpu.memory_space<semaphore_mem>>) src(%dma_wait3A_940 : memref<8x128xf32, #tpu.memory_space<vmem>>) dst(%dma_wait3A_937 : memref<8x128xf32, #tpu.memory_space<hbm>>)
          %dma_wait3A_941 = arith.constant 6 : i32
          %dma_wait3A_942 = arith.constant 48 : i32
          %dma_wait3A_943 = arith.constant 0 : i32
          %dma_wait3A_944 = tpu.memref_slice %arg13[%dma_wait3A_942, %dma_wait3A_943] : memref<64x135xf32, #tpu.memory_space<vmem>> -> memref<8x128xf32, #tpu.memory_space<vmem>>
          %dma_wait3A_945 = arith.constant 0 : i32
          %dma_wait3A_946 = arith.constant 0 : i32
          %dma_wait3A_947 = tpu.memref_slice %arg5[%sub3A_850, %dma_wait3A_941, %add3A, %dma_wait3A_945, %dma_wait3A_946] : memref<200x8x32x8x128xf32, #tpu.memory_space<hbm>> -> memref<1x1x1x8x128xf32, #tpu.memory_space<hbm>>
          %dma_wait3A_948 = tpu.memref_squeeze %dma_wait3A_947 : memref<1x1x1x8x128xf32, #tpu.memory_space<hbm>> -> memref<8x128xf32, #tpu.memory_space<hbm>>
          %dma_wait3A_949 = arith.constant 0 : i32
          %dma_wait3A_950 = arith.constant 0 : i32
          %dma_wait3A_951 = tpu.memref_slice %arg5[%sub3A_850, %dma_wait3A_941, %add3A, %dma_wait3A_949, %dma_wait3A_950] : memref<200x8x32x8x128xf32, #tpu.memory_space<hbm>> -> memref<1x1x1x8x128xf32, #tpu.memory_space<hbm>>
          %dma_wait3A_952 = tpu.memref_squeeze %dma_wait3A_951 : memref<1x1x1x8x128xf32, #tpu.memory_space<hbm>> -> memref<8x128xf32, #tpu.memory_space<hbm>>
          %dma_wait3A_953 = arith.constant 48 : i32
          %dma_wait3A_954 = arith.constant 0 : i32
          %dma_wait3A_955 = tpu.memref_slice %arg13[%dma_wait3A_953, %dma_wait3A_954] : memref<64x135xf32, #tpu.memory_space<vmem>> -> memref<8x128xf32, #tpu.memory_space<vmem>>
          tpu.wait_dma2 semaphore(%arg19 : memref<!tpu.dma_semaphore, #tpu.memory_space<semaphore_mem>>) src(%dma_wait3A_955 : memref<8x128xf32, #tpu.memory_space<vmem>>) dst(%dma_wait3A_952 : memref<8x128xf32, #tpu.memory_space<hbm>>)
          %dma_wait3A_956 = arith.constant 7 : i32
          %dma_wait3A_957 = arith.constant 56 : i32
          %dma_wait3A_958 = arith.constant 0 : i32
          %dma_wait3A_959 = tpu.memref_slice %arg13[%dma_wait3A_957, %dma_wait3A_958] : memref<64x135xf32, #tpu.memory_space<vmem>> -> memref<8x128xf32, #tpu.memory_space<vmem>>
          %dma_wait3A_960 = arith.constant 0 : i32
          %dma_wait3A_961 = arith.constant 0 : i32
          %dma_wait3A_962 = tpu.memref_slice %arg5[%sub3A_850, %dma_wait3A_956, %add3A, %dma_wait3A_960, %dma_wait3A_961] : memref<200x8x32x8x128xf32, #tpu.memory_space<hbm>> -> memref<1x1x1x8x128xf32, #tpu.memory_space<hbm>>
          %dma_wait3A_963 = tpu.memref_squeeze %dma_wait3A_962 : memref<1x1x1x8x128xf32, #tpu.memory_space<hbm>> -> memref<8x128xf32, #tpu.memory_space<hbm>>
          %dma_wait3A_964 = arith.constant 0 : i32
          %dma_wait3A_965 = arith.constant 0 : i32
          %dma_wait3A_966 = tpu.memref_slice %arg5[%sub3A_850, %dma_wait3A_956, %add3A, %dma_wait3A_964, %dma_wait3A_965] : memref<200x8x32x8x128xf32, #tpu.memory_space<hbm>> -> memref<1x1x1x8x128xf32, #tpu.memory_space<hbm>>
          %dma_wait3A_967 = tpu.memref_squeeze %dma_wait3A_966 : memref<1x1x1x8x128xf32, #tpu.memory_space<hbm>> -> memref<8x128xf32, #tpu.memory_space<hbm>>
          %dma_wait3A_968 = arith.constant 56 : i32
          %dma_wait3A_969 = arith.constant 0 : i32
          %dma_wait3A_970 = tpu.memref_slice %arg13[%dma_wait3A_968, %dma_wait3A_969] : memref<64x135xf32, #tpu.memory_space<vmem>> -> memref<8x128xf32, #tpu.memory_space<vmem>>
          tpu.wait_dma2 semaphore(%arg19 : memref<!tpu.dma_semaphore, #tpu.memory_space<semaphore_mem>>) src(%dma_wait3A_970 : memref<8x128xf32, #tpu.memory_space<vmem>>) dst(%dma_wait3A_967 : memref<8x128xf32, #tpu.memory_space<hbm>>)
        } else {
        }
        %dma_start3A_845 = arith.constant 0 : i32
        %dma_start3A_846 = arith.constant 0 : i32
        %dma_start3A_847 = tpu.memref_slice %arg3[%dma_start3A_845, %dma_start3A_846] : memref<2000000x64xf32, #tpu.memory_space<hbm>> -> memref<2000000x64xf32, #tpu.memory_space<hbm>>
        tpu.enqueue_indirect_dma source(%dma_start3A_847 : memref<2000000x64xf32, #tpu.memory_space<hbm>>) target(%arg11 : memref<128x64xf32, #tpu.memory_space<vmem>>) offsets(%arg9 : memref<128xi32, #tpu.memory_space<vmem>>) semaphore(%arg17 : memref<!tpu.dma_semaphore, #tpu.memory_space<semaphore_mem>>)
      } else {
      }
      %dma_wait3A_566 = arith.constant 0 : i32
      %dma_wait3A_567 = arith.constant 0 : i32
      %dma_wait3A_568 = tpu.memref_slice %arg3[%dma_wait3A_566, %dma_wait3A_567] : memref<2000000x64xf32, #tpu.memory_space<hbm>> -> memref<2000000x64xf32, #tpu.memory_space<hbm>>
      tpu.wait_indirect_dma semaphore(%arg18 : memref<!tpu.dma_semaphore, #tpu.memory_space<semaphore_mem>>) src(%dma_wait3A_568 : memref<2000000x64xf32, #tpu.memory_space<hbm>>) dst(%arg12 : memref<128x64xf32, #tpu.memory_space<vmem>>)
      %get3A_569 = arith.constant 0 : i32
      %get3A_570 = arith.index_cast %get3A_569 : i32 to index
      %get3A_571 = memref.load %arg22[%get3A_570] : memref<1xi32, #tpu.memory_space<smem>>
      %gt3A_572 = arith.constant 0 : i32
      %gt3A_573 = arith.cmpi sgt, %get3A_571, %gt3A_572 : i32
      %convert_element_type3A_574 = arith.extui %gt3A_573 : i1 to i32
      %cond3A_575 = arith.constant 0 : i32
      %cond3A_576 = arith.cmpi ne, %convert_element_type3A_574, %cond3A_575 : i32
      scf.if %cond3A_576 {
        %get3A_707 = arith.constant 0 : index
        %get3A_708 = tpu.vector_load %arg8[%get3A_707] {strides = array<i32>} : memref<128xi32, #tpu.memory_space<vmem>>, vector<16xi32>,
        %ge3A_709 = arith.constant 1000000 : i32
        %ge3A_710 = vector.broadcast %ge3A_709 : i32 to vector<16xi32>
        %ge3A_711 = arith.cmpi sge, %get3A_708, %ge3A_710 : vector<16xi32>
        %all_reduce_population_count3A_712 = tpu.all_reduce %ge3A_711 {dim = 0 : i64, kind = #tpu.reduction_kind<sum>} : vector<16xi1> -> vector<16xi32>
        %slice3A_713 = vector.extract_strided_slice %all_reduce_population_count3A_712 {offsets = [0], sizes = [1], strides = [1]} : vector<16xi32> to vector<1xi32>
        %squeeze3A_714 = vector.extract %slice3A_713[0] : i32 from vector<1xi32>
        %gt3A_715 = arith.constant 0 : i32
        %gt3A_716 = arith.cmpi sgt, %squeeze3A_714, %gt3A_715 : i32
        %convert_element_type3A_717 = arith.extui %gt3A_716 : i1 to i32
        %cond3A_718 = arith.constant 0 : i32
        %cond3A_719 = arith.cmpi ne, %convert_element_type3A_717, %cond3A_718 : i32
        scf.if %cond3A_719 {
          %sub3A = arith.constant 1000000 : i32
          %sub3A_811 = vector.broadcast %sub3A : i32 to vector<16xi32>
          %sub3A_812 = arith.subi %get3A_708, %sub3A_811 : vector<16xi32>
          %jit3A_813 = arith.constant 0 : i32
          %broadcast_in_dim3A_814 = vector.broadcast %jit3A_813 : i32 to vector<16xi32>
          %select_n3A_815 = arith.select %ge3A_711, %sub3A_812, %broadcast_in_dim3A_814 : vector<16xi1>, vector<16xi32>
          %add3A_816 = arith.constant 0 : i32
          %add3A_817 = vector.broadcast %add3A_816 : i32 to vector<16xi32>
          %add3A_818 = arith.addi %iota3A, %add3A_817 : vector<16xi32>
          %parallel_loop3A_819 = arith.constant 0 : i32
          %parallel_loop3A_820 = arith.constant 64 : i32
          %parallel_loop3A_821 = arith.constant 1 : i32
          scf.for %parallel_loop3A_822 = %parallel_loop3A_819 to %parallel_loop3A_820 step %parallel_loop3A_821  : i32 {
            %parallel_loop3A_823 = arith.constant 0 : i32
            %parallel_loop3A_824 = vector.broadcast %parallel_loop3A_823 : i32 to vector<16xi32>
            %parallel_loop3A_825 = vector.broadcast %parallel_loop3A_822 : i32 to vector<16xi32>
            %parallel_loop3A_826 = arith.addi %parallel_loop3A_824, %parallel_loop3A_825 : vector<16xi32>
            %parallel_loop3A_827 = tpu.vector_load_idx %arg6[%select_n3A_815, %parallel_loop3A_826] : memref<1024x64xf32, #tpu.memory_space<vmem>>[vector<16xi32>, vector<16xi32>], vector<16xf32>,
            tpu.vector_store_idx %arg12[%add3A_818, %parallel_loop3A_826], %parallel_loop3A_827 masked %ge3A_711 : memref<128x64xf32, #tpu.memory_space<vmem>>[vector<16xi32>, vector<16xi32>], vector<16xf32>, vector<16xi1>
          } {sc.loop_unroll_factor = 8 : i64, sc.parallel_access}
        } else {
        }
        %get3A_720 = arith.constant 16 : index
        %get3A_721 = tpu.vector_load %arg8[%get3A_720] {strides = array<i32>} : memref<128xi32, #tpu.memory_space<vmem>>, vector<16xi32>,
        %ge3A_722 = arith.constant 1000000 : i32
        %ge3A_723 = vector.broadcast %ge3A_722 : i32 to vector<16xi32>
        %ge3A_724 = arith.cmpi sge, %get3A_721, %ge3A_723 : vector<16xi32>
        %all_reduce_population_count3A_725 = tpu.all_reduce %ge3A_724 {dim = 0 : i64, kind = #tpu.reduction_kind<sum>} : vector<16xi1> -> vector<16xi32>
        %slice3A_726 = vector.extract_strided_slice %all_reduce_population_count3A_725 {offsets = [0], sizes = [1], strides = [1]} : vector<16xi32> to vector<1xi32>
        %squeeze3A_727 = vector.extract %slice3A_726[0] : i32 from vector<1xi32>
        %gt3A_728 = arith.constant 0 : i32
        %gt3A_729 = arith.cmpi sgt, %squeeze3A_727, %gt3A_728 : i32
        %convert_element_type3A_730 = arith.extui %gt3A_729 : i1 to i32
        %cond3A_731 = arith.constant 0 : i32
        %cond3A_732 = arith.cmpi ne, %convert_element_type3A_730, %cond3A_731 : i32
        scf.if %cond3A_732 {
          %sub3A = arith.constant 1000000 : i32
          %sub3A_811 = vector.broadcast %sub3A : i32 to vector<16xi32>
          %sub3A_812 = arith.subi %get3A_721, %sub3A_811 : vector<16xi32>
          %jit3A_813 = arith.constant 0 : i32
          %broadcast_in_dim3A_814 = vector.broadcast %jit3A_813 : i32 to vector<16xi32>
          %select_n3A_815 = arith.select %ge3A_724, %sub3A_812, %broadcast_in_dim3A_814 : vector<16xi1>, vector<16xi32>
          %add3A_816 = arith.constant 16 : i32
          %add3A_817 = vector.broadcast %add3A_816 : i32 to vector<16xi32>
          %add3A_818 = arith.addi %iota3A, %add3A_817 : vector<16xi32>
          %parallel_loop3A_819 = arith.constant 0 : i32
          %parallel_loop3A_820 = arith.constant 64 : i32
          %parallel_loop3A_821 = arith.constant 1 : i32
          scf.for %parallel_loop3A_822 = %parallel_loop3A_819 to %parallel_loop3A_820 step %parallel_loop3A_821  : i32 {
            %parallel_loop3A_823 = arith.constant 0 : i32
            %parallel_loop3A_824 = vector.broadcast %parallel_loop3A_823 : i32 to vector<16xi32>
            %parallel_loop3A_825 = vector.broadcast %parallel_loop3A_822 : i32 to vector<16xi32>
            %parallel_loop3A_826 = arith.addi %parallel_loop3A_824, %parallel_loop3A_825 : vector<16xi32>
            %parallel_loop3A_827 = tpu.vector_load_idx %arg6[%select_n3A_815, %parallel_loop3A_826] : memref<1024x64xf32, #tpu.memory_space<vmem>>[vector<16xi32>, vector<16xi32>], vector<16xf32>,
            tpu.vector_store_idx %arg12[%add3A_818, %parallel_loop3A_826], %parallel_loop3A_827 masked %ge3A_724 : memref<128x64xf32, #tpu.memory_space<vmem>>[vector<16xi32>, vector<16xi32>], vector<16xf32>, vector<16xi1>
          } {sc.loop_unroll_factor = 8 : i64, sc.parallel_access}
        } else {
        }
        %get3A_733 = arith.constant 32 : index
        %get3A_734 = tpu.vector_load %arg8[%get3A_733] {strides = array<i32>} : memref<128xi32, #tpu.memory_space<vmem>>, vector<16xi32>,
        %ge3A_735 = arith.constant 1000000 : i32
        %ge3A_736 = vector.broadcast %ge3A_735 : i32 to vector<16xi32>
        %ge3A_737 = arith.cmpi sge, %get3A_734, %ge3A_736 : vector<16xi32>
        %all_reduce_population_count3A_738 = tpu.all_reduce %ge3A_737 {dim = 0 : i64, kind = #tpu.reduction_kind<sum>} : vector<16xi1> -> vector<16xi32>
        %slice3A_739 = vector.extract_strided_slice %all_reduce_population_count3A_738 {offsets = [0], sizes = [1], strides = [1]} : vector<16xi32> to vector<1xi32>
        %squeeze3A_740 = vector.extract %slice3A_739[0] : i32 from vector<1xi32>
        %gt3A_741 = arith.constant 0 : i32
        %gt3A_742 = arith.cmpi sgt, %squeeze3A_740, %gt3A_741 : i32
        %convert_element_type3A_743 = arith.extui %gt3A_742 : i1 to i32
        %cond3A_744 = arith.constant 0 : i32
        %cond3A_745 = arith.cmpi ne, %convert_element_type3A_743, %cond3A_744 : i32
        scf.if %cond3A_745 {
          %sub3A = arith.constant 1000000 : i32
          %sub3A_811 = vector.broadcast %sub3A : i32 to vector<16xi32>
          %sub3A_812 = arith.subi %get3A_734, %sub3A_811 : vector<16xi32>
          %jit3A_813 = arith.constant 0 : i32
          %broadcast_in_dim3A_814 = vector.broadcast %jit3A_813 : i32 to vector<16xi32>
          %select_n3A_815 = arith.select %ge3A_737, %sub3A_812, %broadcast_in_dim3A_814 : vector<16xi1>, vector<16xi32>
          %add3A_816 = arith.constant 32 : i32
          %add3A_817 = vector.broadcast %add3A_816 : i32 to vector<16xi32>
          %add3A_818 = arith.addi %iota3A, %add3A_817 : vector<16xi32>
          %parallel_loop3A_819 = arith.constant 0 : i32
          %parallel_loop3A_820 = arith.constant 64 : i32
          %parallel_loop3A_821 = arith.constant 1 : i32
          scf.for %parallel_loop3A_822 = %parallel_loop3A_819 to %parallel_loop3A_820 step %parallel_loop3A_821  : i32 {
            %parallel_loop3A_823 = arith.constant 0 : i32
            %parallel_loop3A_824 = vector.broadcast %parallel_loop3A_823 : i32 to vector<16xi32>
            %parallel_loop3A_825 = vector.broadcast %parallel_loop3A_822 : i32 to vector<16xi32>
            %parallel_loop3A_826 = arith.addi %parallel_loop3A_824, %parallel_loop3A_825 : vector<16xi32>
            %parallel_loop3A_827 = tpu.vector_load_idx %arg6[%select_n3A_815, %parallel_loop3A_826] : memref<1024x64xf32, #tpu.memory_space<vmem>>[vector<16xi32>, vector<16xi32>], vector<16xf32>,
            tpu.vector_store_idx %arg12[%add3A_818, %parallel_loop3A_826], %parallel_loop3A_827 masked %ge3A_737 : memref<128x64xf32, #tpu.memory_space<vmem>>[vector<16xi32>, vector<16xi32>], vector<16xf32>, vector<16xi1>
          } {sc.loop_unroll_factor = 8 : i64, sc.parallel_access}
        } else {
        }
        %get3A_746 = arith.constant 48 : index
        %get3A_747 = tpu.vector_load %arg8[%get3A_746] {strides = array<i32>} : memref<128xi32, #tpu.memory_space<vmem>>, vector<16xi32>,
        %ge3A_748 = arith.constant 1000000 : i32
        %ge3A_749 = vector.broadcast %ge3A_748 : i32 to vector<16xi32>
        %ge3A_750 = arith.cmpi sge, %get3A_747, %ge3A_749 : vector<16xi32>
        %all_reduce_population_count3A_751 = tpu.all_reduce %ge3A_750 {dim = 0 : i64, kind = #tpu.reduction_kind<sum>} : vector<16xi1> -> vector<16xi32>
        %slice3A_752 = vector.extract_strided_slice %all_reduce_population_count3A_751 {offsets = [0], sizes = [1], strides = [1]} : vector<16xi32> to vector<1xi32>
        %squeeze3A_753 = vector.extract %slice3A_752[0] : i32 from vector<1xi32>
        %gt3A_754 = arith.constant 0 : i32
        %gt3A_755 = arith.cmpi sgt, %squeeze3A_753, %gt3A_754 : i32
        %convert_element_type3A_756 = arith.extui %gt3A_755 : i1 to i32
        %cond3A_757 = arith.constant 0 : i32
        %cond3A_758 = arith.cmpi ne, %convert_element_type3A_756, %cond3A_757 : i32
        scf.if %cond3A_758 {
          %sub3A = arith.constant 1000000 : i32
          %sub3A_811 = vector.broadcast %sub3A : i32 to vector<16xi32>
          %sub3A_812 = arith.subi %get3A_747, %sub3A_811 : vector<16xi32>
          %jit3A_813 = arith.constant 0 : i32
          %broadcast_in_dim3A_814 = vector.broadcast %jit3A_813 : i32 to vector<16xi32>
          %select_n3A_815 = arith.select %ge3A_750, %sub3A_812, %broadcast_in_dim3A_814 : vector<16xi1>, vector<16xi32>
          %add3A_816 = arith.constant 48 : i32
          %add3A_817 = vector.broadcast %add3A_816 : i32 to vector<16xi32>
          %add3A_818 = arith.addi %iota3A, %add3A_817 : vector<16xi32>
          %parallel_loop3A_819 = arith.constant 0 : i32
          %parallel_loop3A_820 = arith.constant 64 : i32
          %parallel_loop3A_821 = arith.constant 1 : i32
          scf.for %parallel_loop3A_822 = %parallel_loop3A_819 to %parallel_loop3A_820 step %parallel_loop3A_821  : i32 {
            %parallel_loop3A_823 = arith.constant 0 : i32
            %parallel_loop3A_824 = vector.broadcast %parallel_loop3A_823 : i32 to vector<16xi32>
            %parallel_loop3A_825 = vector.broadcast %parallel_loop3A_822 : i32 to vector<16xi32>
            %parallel_loop3A_826 = arith.addi %parallel_loop3A_824, %parallel_loop3A_825 : vector<16xi32>
            %parallel_loop3A_827 = tpu.vector_load_idx %arg6[%select_n3A_815, %parallel_loop3A_826] : memref<1024x64xf32, #tpu.memory_space<vmem>>[vector<16xi32>, vector<16xi32>], vector<16xf32>,
            tpu.vector_store_idx %arg12[%add3A_818, %parallel_loop3A_826], %parallel_loop3A_827 masked %ge3A_750 : memref<128x64xf32, #tpu.memory_space<vmem>>[vector<16xi32>, vector<16xi32>], vector<16xf32>, vector<16xi1>
          } {sc.loop_unroll_factor = 8 : i64, sc.parallel_access}
        } else {
        }
        %get3A_759 = arith.constant 64 : index
        %get3A_760 = tpu.vector_load %arg8[%get3A_759] {strides = array<i32>} : memref<128xi32, #tpu.memory_space<vmem>>, vector<16xi32>,
        %ge3A_761 = arith.constant 1000000 : i32
        %ge3A_762 = vector.broadcast %ge3A_761 : i32 to vector<16xi32>
        %ge3A_763 = arith.cmpi sge, %get3A_760, %ge3A_762 : vector<16xi32>
        %all_reduce_population_count3A_764 = tpu.all_reduce %ge3A_763 {dim = 0 : i64, kind = #tpu.reduction_kind<sum>} : vector<16xi1> -> vector<16xi32>
        %slice3A_765 = vector.extract_strided_slice %all_reduce_population_count3A_764 {offsets = [0], sizes = [1], strides = [1]} : vector<16xi32> to vector<1xi32>
        %squeeze3A_766 = vector.extract %slice3A_765[0] : i32 from vector<1xi32>
        %gt3A_767 = arith.constant 0 : i32
        %gt3A_768 = arith.cmpi sgt, %squeeze3A_766, %gt3A_767 : i32
        %convert_element_type3A_769 = arith.extui %gt3A_768 : i1 to i32
        %cond3A_770 = arith.constant 0 : i32
        %cond3A_771 = arith.cmpi ne, %convert_element_type3A_769, %cond3A_770 : i32
        scf.if %cond3A_771 {
          %sub3A = arith.constant 1000000 : i32
          %sub3A_811 = vector.broadcast %sub3A : i32 to vector<16xi32>
          %sub3A_812 = arith.subi %get3A_760, %sub3A_811 : vector<16xi32>
          %jit3A_813 = arith.constant 0 : i32
          %broadcast_in_dim3A_814 = vector.broadcast %jit3A_813 : i32 to vector<16xi32>
          %select_n3A_815 = arith.select %ge3A_763, %sub3A_812, %broadcast_in_dim3A_814 : vector<16xi1>, vector<16xi32>
          %add3A_816 = arith.constant 64 : i32
          %add3A_817 = vector.broadcast %add3A_816 : i32 to vector<16xi32>
          %add3A_818 = arith.addi %iota3A, %add3A_817 : vector<16xi32>
          %parallel_loop3A_819 = arith.constant 0 : i32
          %parallel_loop3A_820 = arith.constant 64 : i32
          %parallel_loop3A_821 = arith.constant 1 : i32
          scf.for %parallel_loop3A_822 = %parallel_loop3A_819 to %parallel_loop3A_820 step %parallel_loop3A_821  : i32 {
            %parallel_loop3A_823 = arith.constant 0 : i32
            %parallel_loop3A_824 = vector.broadcast %parallel_loop3A_823 : i32 to vector<16xi32>
            %parallel_loop3A_825 = vector.broadcast %parallel_loop3A_822 : i32 to vector<16xi32>
            %parallel_loop3A_826 = arith.addi %parallel_loop3A_824, %parallel_loop3A_825 : vector<16xi32>
            %parallel_loop3A_827 = tpu.vector_load_idx %arg6[%select_n3A_815, %parallel_loop3A_826] : memref<1024x64xf32, #tpu.memory_space<vmem>>[vector<16xi32>, vector<16xi32>], vector<16xf32>,
            tpu.vector_store_idx %arg12[%add3A_818, %parallel_loop3A_826], %parallel_loop3A_827 masked %ge3A_763 : memref<128x64xf32, #tpu.memory_space<vmem>>[vector<16xi32>, vector<16xi32>], vector<16xf32>, vector<16xi1>
          } {sc.loop_unroll_factor = 8 : i64, sc.parallel_access}
        } else {
        }
        %get3A_772 = arith.constant 80 : index
        %get3A_773 = tpu.vector_load %arg8[%get3A_772] {strides = array<i32>} : memref<128xi32, #tpu.memory_space<vmem>>, vector<16xi32>,
        %ge3A_774 = arith.constant 1000000 : i32
        %ge3A_775 = vector.broadcast %ge3A_774 : i32 to vector<16xi32>
        %ge3A_776 = arith.cmpi sge, %get3A_773, %ge3A_775 : vector<16xi32>
        %all_reduce_population_count3A_777 = tpu.all_reduce %ge3A_776 {dim = 0 : i64, kind = #tpu.reduction_kind<sum>} : vector<16xi1> -> vector<16xi32>
        %slice3A_778 = vector.extract_strided_slice %all_reduce_population_count3A_777 {offsets = [0], sizes = [1], strides = [1]} : vector<16xi32> to vector<1xi32>
        %squeeze3A_779 = vector.extract %slice3A_778[0] : i32 from vector<1xi32>
        %gt3A_780 = arith.constant 0 : i32
        %gt3A_781 = arith.cmpi sgt, %squeeze3A_779, %gt3A_780 : i32
        %convert_element_type3A_782 = arith.extui %gt3A_781 : i1 to i32
        %cond3A_783 = arith.constant 0 : i32
        %cond3A_784 = arith.cmpi ne, %convert_element_type3A_782, %cond3A_783 : i32
        scf.if %cond3A_784 {
          %sub3A = arith.constant 1000000 : i32
          %sub3A_811 = vector.broadcast %sub3A : i32 to vector<16xi32>
          %sub3A_812 = arith.subi %get3A_773, %sub3A_811 : vector<16xi32>
          %jit3A_813 = arith.constant 0 : i32
          %broadcast_in_dim3A_814 = vector.broadcast %jit3A_813 : i32 to vector<16xi32>
          %select_n3A_815 = arith.select %ge3A_776, %sub3A_812, %broadcast_in_dim3A_814 : vector<16xi1>, vector<16xi32>
          %add3A_816 = arith.constant 80 : i32
          %add3A_817 = vector.broadcast %add3A_816 : i32 to vector<16xi32>
          %add3A_818 = arith.addi %iota3A, %add3A_817 : vector<16xi32>
          %parallel_loop3A_819 = arith.constant 0 : i32
          %parallel_loop3A_820 = arith.constant 64 : i32
          %parallel_loop3A_821 = arith.constant 1 : i32
          scf.for %parallel_loop3A_822 = %parallel_loop3A_819 to %parallel_loop3A_820 step %parallel_loop3A_821  : i32 {
            %parallel_loop3A_823 = arith.constant 0 : i32
            %parallel_loop3A_824 = vector.broadcast %parallel_loop3A_823 : i32 to vector<16xi32>
            %parallel_loop3A_825 = vector.broadcast %parallel_loop3A_822 : i32 to vector<16xi32>
            %parallel_loop3A_826 = arith.addi %parallel_loop3A_824, %parallel_loop3A_825 : vector<16xi32>
            %parallel_loop3A_827 = tpu.vector_load_idx %arg6[%select_n3A_815, %parallel_loop3A_826] : memref<1024x64xf32, #tpu.memory_space<vmem>>[vector<16xi32>, vector<16xi32>], vector<16xf32>,
            tpu.vector_store_idx %arg12[%add3A_818, %parallel_loop3A_826], %parallel_loop3A_827 masked %ge3A_776 : memref<128x64xf32, #tpu.memory_space<vmem>>[vector<16xi32>, vector<16xi32>], vector<16xf32>, vector<16xi1>
          } {sc.loop_unroll_factor = 8 : i64, sc.parallel_access}
        } else {
        }
        %get3A_785 = arith.constant 96 : index
        %get3A_786 = tpu.vector_load %arg8[%get3A_785] {strides = array<i32>} : memref<128xi32, #tpu.memory_space<vmem>>, vector<16xi32>,
        %ge3A_787 = arith.constant 1000000 : i32
        %ge3A_788 = vector.broadcast %ge3A_787 : i32 to vector<16xi32>
        %ge3A_789 = arith.cmpi sge, %get3A_786, %ge3A_788 : vector<16xi32>
        %all_reduce_population_count3A_790 = tpu.all_reduce %ge3A_789 {dim = 0 : i64, kind = #tpu.reduction_kind<sum>} : vector<16xi1> -> vector<16xi32>
        %slice3A_791 = vector.extract_strided_slice %all_reduce_population_count3A_790 {offsets = [0], sizes = [1], strides = [1]} : vector<16xi32> to vector<1xi32>
        %squeeze3A_792 = vector.extract %slice3A_791[0] : i32 from vector<1xi32>
        %gt3A_793 = arith.constant 0 : i32
        %gt3A_794 = arith.cmpi sgt, %squeeze3A_792, %gt3A_793 : i32
        %convert_element_type3A_795 = arith.extui %gt3A_794 : i1 to i32
        %cond3A_796 = arith.constant 0 : i32
        %cond3A_797 = arith.cmpi ne, %convert_element_type3A_795, %cond3A_796 : i32
        scf.if %cond3A_797 {
          %sub3A = arith.constant 1000000 : i32
          %sub3A_811 = vector.broadcast %sub3A : i32 to vector<16xi32>
          %sub3A_812 = arith.subi %get3A_786, %sub3A_811 : vector<16xi32>
          %jit3A_813 = arith.constant 0 : i32
          %broadcast_in_dim3A_814 = vector.broadcast %jit3A_813 : i32 to vector<16xi32>
          %select_n3A_815 = arith.select %ge3A_789, %sub3A_812, %broadcast_in_dim3A_814 : vector<16xi1>, vector<16xi32>
          %add3A_816 = arith.constant 96 : i32
          %add3A_817 = vector.broadcast %add3A_816 : i32 to vector<16xi32>
          %add3A_818 = arith.addi %iota3A, %add3A_817 : vector<16xi32>
          %parallel_loop3A_819 = arith.constant 0 : i32
          %parallel_loop3A_820 = arith.constant 64 : i32
          %parallel_loop3A_821 = arith.constant 1 : i32
          scf.for %parallel_loop3A_822 = %parallel_loop3A_819 to %parallel_loop3A_820 step %parallel_loop3A_821  : i32 {
            %parallel_loop3A_823 = arith.constant 0 : i32
            %parallel_loop3A_824 = vector.broadcast %parallel_loop3A_823 : i32 to vector<16xi32>
            %parallel_loop3A_825 = vector.broadcast %parallel_loop3A_822 : i32 to vector<16xi32>
            %parallel_loop3A_826 = arith.addi %parallel_loop3A_824, %parallel_loop3A_825 : vector<16xi32>
            %parallel_loop3A_827 = tpu.vector_load_idx %arg6[%select_n3A_815, %parallel_loop3A_826] : memref<1024x64xf32, #tpu.memory_space<vmem>>[vector<16xi32>, vector<16xi32>], vector<16xf32>,
            tpu.vector_store_idx %arg12[%add3A_818, %parallel_loop3A_826], %parallel_loop3A_827 masked %ge3A_789 : memref<128x64xf32, #tpu.memory_space<vmem>>[vector<16xi32>, vector<16xi32>], vector<16xf32>, vector<16xi1>
          } {sc.loop_unroll_factor = 8 : i64, sc.parallel_access}
        } else {
        }
        %get3A_798 = arith.constant 112 : index
        %get3A_799 = tpu.vector_load %arg8[%get3A_798] {strides = array<i32>} : memref<128xi32, #tpu.memory_space<vmem>>, vector<16xi32>,
        %ge3A_800 = arith.constant 1000000 : i32
        %ge3A_801 = vector.broadcast %ge3A_800 : i32 to vector<16xi32>
        %ge3A_802 = arith.cmpi sge, %get3A_799, %ge3A_801 : vector<16xi32>
        %all_reduce_population_count3A_803 = tpu.all_reduce %ge3A_802 {dim = 0 : i64, kind = #tpu.reduction_kind<sum>} : vector<16xi1> -> vector<16xi32>
        %slice3A_804 = vector.extract_strided_slice %all_reduce_population_count3A_803 {offsets = [0], sizes = [1], strides = [1]} : vector<16xi32> to vector<1xi32>
        %squeeze3A_805 = vector.extract %slice3A_804[0] : i32 from vector<1xi32>
        %gt3A_806 = arith.constant 0 : i32
        %gt3A_807 = arith.cmpi sgt, %squeeze3A_805, %gt3A_806 : i32
        %convert_element_type3A_808 = arith.extui %gt3A_807 : i1 to i32
        %cond3A_809 = arith.constant 0 : i32
        %cond3A_810 = arith.cmpi ne, %convert_element_type3A_808, %cond3A_809 : i32
        scf.if %cond3A_810 {
          %sub3A = arith.constant 1000000 : i32
          %sub3A_811 = vector.broadcast %sub3A : i32 to vector<16xi32>
          %sub3A_812 = arith.subi %get3A_799, %sub3A_811 : vector<16xi32>
          %jit3A_813 = arith.constant 0 : i32
          %broadcast_in_dim3A_814 = vector.broadcast %jit3A_813 : i32 to vector<16xi32>
          %select_n3A_815 = arith.select %ge3A_802, %sub3A_812, %broadcast_in_dim3A_814 : vector<16xi1>, vector<16xi32>
          %add3A_816 = arith.constant 112 : i32
          %add3A_817 = vector.broadcast %add3A_816 : i32 to vector<16xi32>
          %add3A_818 = arith.addi %iota3A, %add3A_817 : vector<16xi32>
          %parallel_loop3A_819 = arith.constant 0 : i32
          %parallel_loop3A_820 = arith.constant 64 : i32
          %parallel_loop3A_821 = arith.constant 1 : i32
          scf.for %parallel_loop3A_822 = %parallel_loop3A_819 to %parallel_loop3A_820 step %parallel_loop3A_821  : i32 {
            %parallel_loop3A_823 = arith.constant 0 : i32
            %parallel_loop3A_824 = vector.broadcast %parallel_loop3A_823 : i32 to vector<16xi32>
            %parallel_loop3A_825 = vector.broadcast %parallel_loop3A_822 : i32 to vector<16xi32>
            %parallel_loop3A_826 = arith.addi %parallel_loop3A_824, %parallel_loop3A_825 : vector<16xi32>
            %parallel_loop3A_827 = tpu.vector_load_idx %arg6[%select_n3A_815, %parallel_loop3A_826] : memref<1024x64xf32, #tpu.memory_space<vmem>>[vector<16xi32>, vector<16xi32>], vector<16xf32>,
            tpu.vector_store_idx %arg12[%add3A_818, %parallel_loop3A_826], %parallel_loop3A_827 masked %ge3A_802 : memref<128x64xf32, #tpu.memory_space<vmem>>[vector<16xi32>, vector<16xi32>], vector<16xf32>, vector<16xi1>
          } {sc.loop_unroll_factor = 8 : i64, sc.parallel_access}
        } else {
        }
      } else {
      }
      %parallel_loop3A_577 = arith.constant 0 : i32
      %parallel_loop3A_578 = arith.constant 128 : i32
      %parallel_loop3A_579 = arith.constant 1 : i32
      scf.for %parallel_loop3A_707 = %parallel_loop3A_577 to %parallel_loop3A_578 step %parallel_loop3A_579  : i32 {
        %parallel_loop3A_708 = arith.constant 0 : i32
        %parallel_loop3A_709 = vector.broadcast %parallel_loop3A_708 : i32 to vector<16xi32>
        %parallel_loop3A_710 = vector.broadcast %parallel_loop3A_707 : i32 to vector<16xi32>
        %parallel_loop3A_711 = arith.addi %parallel_loop3A_709, %parallel_loop3A_710 : vector<16xi32>
        %parallel_loop3A_712 = arith.index_cast %parallel_loop3A_707 : i32 to index
        %parallel_loop3A_713 = arith.constant 0 : index
        %parallel_loop3A_714 = tpu.vector_load %arg12[%parallel_loop3A_712, %parallel_loop3A_713] {strides = array<i32>} : memref<128x64xf32, #tpu.memory_space<vmem>>, vector<16xf32>,
        tpu.vector_store_idx %arg14[%add3A_5, %parallel_loop3A_711], %parallel_loop3A_714 : memref<64x135xf32, #tpu.memory_space<vmem>>[vector<16xi32>, vector<16xi32>], vector<16xf32>,
        %parallel_loop3A_715 = arith.index_cast %parallel_loop3A_707 : i32 to index
        %parallel_loop3A_716 = arith.constant 16 : index
        %parallel_loop3A_717 = tpu.vector_load %arg12[%parallel_loop3A_715, %parallel_loop3A_716] {strides = array<i32>} : memref<128x64xf32, #tpu.memory_space<vmem>>, vector<16xf32>,
        tpu.vector_store_idx %arg14[%add3A_8, %parallel_loop3A_711], %parallel_loop3A_717 : memref<64x135xf32, #tpu.memory_space<vmem>>[vector<16xi32>, vector<16xi32>], vector<16xf32>,
        %parallel_loop3A_718 = arith.index_cast %parallel_loop3A_707 : i32 to index
        %parallel_loop3A_719 = arith.constant 32 : index
        %parallel_loop3A_720 = tpu.vector_load %arg12[%parallel_loop3A_718, %parallel_loop3A_719] {strides = array<i32>} : memref<128x64xf32, #tpu.memory_space<vmem>>, vector<16xf32>,
        tpu.vector_store_idx %arg14[%add3A_11, %parallel_loop3A_711], %parallel_loop3A_720 : memref<64x135xf32, #tpu.memory_space<vmem>>[vector<16xi32>, vector<16xi32>], vector<16xf32>,
        %parallel_loop3A_721 = arith.index_cast %parallel_loop3A_707 : i32 to index
        %parallel_loop3A_722 = arith.constant 48 : index
        %parallel_loop3A_723 = tpu.vector_load %arg12[%parallel_loop3A_721, %parallel_loop3A_722] {strides = array<i32>} : memref<128x64xf32, #tpu.memory_space<vmem>>, vector<16xf32>,
        tpu.vector_store_idx %arg14[%add3A_14, %parallel_loop3A_711], %parallel_loop3A_723 : memref<64x135xf32, #tpu.memory_space<vmem>>[vector<16xi32>, vector<16xi32>], vector<16xf32>,
      } {sc.loop_unroll_factor = 8 : i64, sc.parallel_access}
      %dma_start3A_580 = arith.constant 0 : i32
      %dma_start3A_581 = arith.constant 0 : i32
      %dma_start3A_582 = arith.constant 0 : i32
      %dma_start3A_583 = tpu.memref_slice %arg14[%dma_start3A_581, %dma_start3A_582] : memref<64x135xf32, #tpu.memory_space<vmem>> -> memref<8x128xf32, #tpu.memory_space<vmem>>
      %dma_start3A_584 = arith.constant 0 : i32
      %dma_start3A_585 = arith.constant 0 : i32
      %dma_start3A_586 = tpu.memref_slice %arg5[%add3A_558, %dma_start3A_580, %add3A, %dma_start3A_584, %dma_start3A_585] : memref<200x8x32x8x128xf32, #tpu.memory_space<hbm>> -> memref<1x1x1x8x128xf32, #tpu.memory_space<hbm>>
      %dma_start3A_587 = tpu.memref_squeeze %dma_start3A_586 : memref<1x1x1x8x128xf32, #tpu.memory_space<hbm>> -> memref<8x128xf32, #tpu.memory_space<hbm>>
      %dma_start3A_588 = arith.constant 0 : i32
      %dma_start3A_589 = arith.constant 0 : i32
      %dma_start3A_590 = tpu.memref_slice %arg5[%add3A_558, %dma_start3A_580, %add3A, %dma_start3A_588, %dma_start3A_589] : memref<200x8x32x8x128xf32, #tpu.memory_space<hbm>> -> memref<1x1x1x8x128xf32, #tpu.memory_space<hbm>>
      %dma_start3A_591 = tpu.memref_squeeze %dma_start3A_590 : memref<1x1x1x8x128xf32, #tpu.memory_space<hbm>> -> memref<8x128xf32, #tpu.memory_space<hbm>>
      %dma_start3A_592 = arith.constant 0 : i32
      %dma_start3A_593 = arith.constant 0 : i32
      %dma_start3A_594 = tpu.memref_slice %arg14[%dma_start3A_592, %dma_start3A_593] : memref<64x135xf32, #tpu.memory_space<vmem>> -> memref<8x128xf32, #tpu.memory_space<vmem>>
      tpu.enqueue_dma source(%dma_start3A_594 : memref<8x128xf32, #tpu.memory_space<vmem>>) target(%dma_start3A_591 : memref<8x128xf32, #tpu.memory_space<hbm>>) target_semaphore(%arg20 : memref<!tpu.dma_semaphore, #tpu.memory_space<semaphore_mem>>)
      %dma_start3A_595 = arith.constant 1 : i32
      %dma_start3A_596 = arith.constant 8 : i32
      %dma_start3A_597 = arith.constant 0 : i32
      %dma_start3A_598 = tpu.memref_slice %arg14[%dma_start3A_596, %dma_start3A_597] : memref<64x135xf32, #tpu.memory_space<vmem>> -> memref<8x128xf32, #tpu.memory_space<vmem>>
      %dma_start3A_599 = arith.constant 0 : i32
      %dma_start3A_600 = arith.constant 0 : i32
      %dma_start3A_601 = tpu.memref_slice %arg5[%add3A_558, %dma_start3A_595, %add3A, %dma_start3A_599, %dma_start3A_600] : memref<200x8x32x8x128xf32, #tpu.memory_space<hbm>> -> memref<1x1x1x8x128xf32, #tpu.memory_space<hbm>>
      %dma_start3A_602 = tpu.memref_squeeze %dma_start3A_601 : memref<1x1x1x8x128xf32, #tpu.memory_space<hbm>> -> memref<8x128xf32, #tpu.memory_space<hbm>>
      %dma_start3A_603 = arith.constant 0 : i32
      %dma_start3A_604 = arith.constant 0 : i32
      %dma_start3A_605 = tpu.memref_slice %arg5[%add3A_558, %dma_start3A_595, %add3A, %dma_start3A_603, %dma_start3A_604] : memref<200x8x32x8x128xf32, #tpu.memory_space<hbm>> -> memref<1x1x1x8x128xf32, #tpu.memory_space<hbm>>
      %dma_start3A_606 = tpu.memref_squeeze %dma_start3A_605 : memref<1x1x1x8x128xf32, #tpu.memory_space<hbm>> -> memref<8x128xf32, #tpu.memory_space<hbm>>
      %dma_start3A_607 = arith.constant 8 : i32
      %dma_start3A_608 = arith.constant 0 : i32
      %dma_start3A_609 = tpu.memref_slice %arg14[%dma_start3A_607, %dma_start3A_608] : memref<64x135xf32, #tpu.memory_space<vmem>> -> memref<8x128xf32, #tpu.memory_space<vmem>>
      tpu.enqueue_dma source(%dma_start3A_609 : memref<8x128xf32, #tpu.memory_space<vmem>>) target(%dma_start3A_606 : memref<8x128xf32, #tpu.memory_space<hbm>>) target_semaphore(%arg20 : memref<!tpu.dma_semaphore, #tpu.memory_space<semaphore_mem>>)
      %dma_start3A_610 = arith.constant 2 : i32
      %dma_start3A_611 = arith.constant 16 : i32
      %dma_start3A_612 = arith.constant 0 : i32
      %dma_start3A_613 = tpu.memref_slice %arg14[%dma_start3A_611, %dma_start3A_612] : memref<64x135xf32, #tpu.memory_space<vmem>> -> memref<8x128xf32, #tpu.memory_space<vmem>>
      %dma_start3A_614 = arith.constant 0 : i32
      %dma_start3A_615 = arith.constant 0 : i32
      %dma_start3A_616 = tpu.memref_slice %arg5[%add3A_558, %dma_start3A_610, %add3A, %dma_start3A_614, %dma_start3A_615] : memref<200x8x32x8x128xf32, #tpu.memory_space<hbm>> -> memref<1x1x1x8x128xf32, #tpu.memory_space<hbm>>
      %dma_start3A_617 = tpu.memref_squeeze %dma_start3A_616 : memref<1x1x1x8x128xf32, #tpu.memory_space<hbm>> -> memref<8x128xf32, #tpu.memory_space<hbm>>
      %dma_start3A_618 = arith.constant 0 : i32
      %dma_start3A_619 = arith.constant 0 : i32
      %dma_start3A_620 = tpu.memref_slice %arg5[%add3A_558, %dma_start3A_610, %add3A, %dma_start3A_618, %dma_start3A_619] : memref<200x8x32x8x128xf32, #tpu.memory_space<hbm>> -> memref<1x1x1x8x128xf32, #tpu.memory_space<hbm>>
      %dma_start3A_621 = tpu.memref_squeeze %dma_start3A_620 : memref<1x1x1x8x128xf32, #tpu.memory_space<hbm>> -> memref<8x128xf32, #tpu.memory_space<hbm>>
      %dma_start3A_622 = arith.constant 16 : i32
      %dma_start3A_623 = arith.constant 0 : i32
      %dma_start3A_624 = tpu.memref_slice %arg14[%dma_start3A_622, %dma_start3A_623] : memref<64x135xf32, #tpu.memory_space<vmem>> -> memref<8x128xf32, #tpu.memory_space<vmem>>
      tpu.enqueue_dma source(%dma_start3A_624 : memref<8x128xf32, #tpu.memory_space<vmem>>) target(%dma_start3A_621 : memref<8x128xf32, #tpu.memory_space<hbm>>) target_semaphore(%arg20 : memref<!tpu.dma_semaphore, #tpu.memory_space<semaphore_mem>>)
      %dma_start3A_625 = arith.constant 3 : i32
      %dma_start3A_626 = arith.constant 24 : i32
      %dma_start3A_627 = arith.constant 0 : i32
      %dma_start3A_628 = tpu.memref_slice %arg14[%dma_start3A_626, %dma_start3A_627] : memref<64x135xf32, #tpu.memory_space<vmem>> -> memref<8x128xf32, #tpu.memory_space<vmem>>
      %dma_start3A_629 = arith.constant 0 : i32
      %dma_start3A_630 = arith.constant 0 : i32
      %dma_start3A_631 = tpu.memref_slice %arg5[%add3A_558, %dma_start3A_625, %add3A, %dma_start3A_629, %dma_start3A_630] : memref<200x8x32x8x128xf32, #tpu.memory_space<hbm>> -> memref<1x1x1x8x128xf32, #tpu.memory_space<hbm>>
      %dma_start3A_632 = tpu.memref_squeeze %dma_start3A_631 : memref<1x1x1x8x128xf32, #tpu.memory_space<hbm>> -> memref<8x128xf32, #tpu.memory_space<hbm>>
      %dma_start3A_633 = arith.constant 0 : i32
      %dma_start3A_634 = arith.constant 0 : i32
      %dma_start3A_635 = tpu.memref_slice %arg5[%add3A_558, %dma_start3A_625, %add3A, %dma_start3A_633, %dma_start3A_634] : memref<200x8x32x8x128xf32, #tpu.memory_space<hbm>> -> memref<1x1x1x8x128xf32, #tpu.memory_space<hbm>>
      %dma_start3A_636 = tpu.memref_squeeze %dma_start3A_635 : memref<1x1x1x8x128xf32, #tpu.memory_space<hbm>> -> memref<8x128xf32, #tpu.memory_space<hbm>>
      %dma_start3A_637 = arith.constant 24 : i32
      %dma_start3A_638 = arith.constant 0 : i32
      %dma_start3A_639 = tpu.memref_slice %arg14[%dma_start3A_637, %dma_start3A_638] : memref<64x135xf32, #tpu.memory_space<vmem>> -> memref<8x128xf32, #tpu.memory_space<vmem>>
      tpu.enqueue_dma source(%dma_start3A_639 : memref<8x128xf32, #tpu.memory_space<vmem>>) target(%dma_start3A_636 : memref<8x128xf32, #tpu.memory_space<hbm>>) target_semaphore(%arg20 : memref<!tpu.dma_semaphore, #tpu.memory_space<semaphore_mem>>)
      %dma_start3A_640 = arith.constant 4 : i32
      %dma_start3A_641 = arith.constant 32 : i32
      %dma_start3A_642 = arith.constant 0 : i32
      %dma_start3A_643 = tpu.memref_slice %arg14[%dma_start3A_641, %dma_start3A_642] : memref<64x135xf32, #tpu.memory_space<vmem>> -> memref<8x128xf32, #tpu.memory_space<vmem>>
      %dma_start3A_644 = arith.constant 0 : i32
      %dma_start3A_645 = arith.constant 0 : i32
      %dma_start3A_646 = tpu.memref_slice %arg5[%add3A_558, %dma_start3A_640, %add3A, %dma_start3A_644, %dma_start3A_645] : memref<200x8x32x8x128xf32, #tpu.memory_space<hbm>> -> memref<1x1x1x8x128xf32, #tpu.memory_space<hbm>>
      %dma_start3A_647 = tpu.memref_squeeze %dma_start3A_646 : memref<1x1x1x8x128xf32, #tpu.memory_space<hbm>> -> memref<8x128xf32, #tpu.memory_space<hbm>>
      %dma_start3A_648 = arith.constant 0 : i32
      %dma_start3A_649 = arith.constant 0 : i32
      %dma_start3A_650 = tpu.memref_slice %arg5[%add3A_558, %dma_start3A_640, %add3A, %dma_start3A_648, %dma_start3A_649] : memref<200x8x32x8x128xf32, #tpu.memory_space<hbm>> -> memref<1x1x1x8x128xf32, #tpu.memory_space<hbm>>
      %dma_start3A_651 = tpu.memref_squeeze %dma_start3A_650 : memref<1x1x1x8x128xf32, #tpu.memory_space<hbm>> -> memref<8x128xf32, #tpu.memory_space<hbm>>
      %dma_start3A_652 = arith.constant 32 : i32
      %dma_start3A_653 = arith.constant 0 : i32
      %dma_start3A_654 = tpu.memref_slice %arg14[%dma_start3A_652, %dma_start3A_653] : memref<64x135xf32, #tpu.memory_space<vmem>> -> memref<8x128xf32, #tpu.memory_space<vmem>>
      tpu.enqueue_dma source(%dma_start3A_654 : memref<8x128xf32, #tpu.memory_space<vmem>>) target(%dma_start3A_651 : memref<8x128xf32, #tpu.memory_space<hbm>>) target_semaphore(%arg20 : memref<!tpu.dma_semaphore, #tpu.memory_space<semaphore_mem>>)
      %dma_start3A_655 = arith.constant 5 : i32
      %dma_start3A_656 = arith.constant 40 : i32
      %dma_start3A_657 = arith.constant 0 : i32
      %dma_start3A_658 = tpu.memref_slice %arg14[%dma_start3A_656, %dma_start3A_657] : memref<64x135xf32, #tpu.memory_space<vmem>> -> memref<8x128xf32, #tpu.memory_space<vmem>>
      %dma_start3A_659 = arith.constant 0 : i32
      %dma_start3A_660 = arith.constant 0 : i32
      %dma_start3A_661 = tpu.memref_slice %arg5[%add3A_558, %dma_start3A_655, %add3A, %dma_start3A_659, %dma_start3A_660] : memref<200x8x32x8x128xf32, #tpu.memory_space<hbm>> -> memref<1x1x1x8x128xf32, #tpu.memory_space<hbm>>
      %dma_start3A_662 = tpu.memref_squeeze %dma_start3A_661 : memref<1x1x1x8x128xf32, #tpu.memory_space<hbm>> -> memref<8x128xf32, #tpu.memory_space<hbm>>
      %dma_start3A_663 = arith.constant 0 : i32
      %dma_start3A_664 = arith.constant 0 : i32
      %dma_start3A_665 = tpu.memref_slice %arg5[%add3A_558, %dma_start3A_655, %add3A, %dma_start3A_663, %dma_start3A_664] : memref<200x8x32x8x128xf32, #tpu.memory_space<hbm>> -> memref<1x1x1x8x128xf32, #tpu.memory_space<hbm>>
      %dma_start3A_666 = tpu.memref_squeeze %dma_start3A_665 : memref<1x1x1x8x128xf32, #tpu.memory_space<hbm>> -> memref<8x128xf32, #tpu.memory_space<hbm>>
      %dma_start3A_667 = arith.constant 40 : i32
      %dma_start3A_668 = arith.constant 0 : i32
      %dma_start3A_669 = tpu.memref_slice %arg14[%dma_start3A_667, %dma_start3A_668] : memref<64x135xf32, #tpu.memory_space<vmem>> -> memref<8x128xf32, #tpu.memory_space<vmem>>
      tpu.enqueue_dma source(%dma_start3A_669 : memref<8x128xf32, #tpu.memory_space<vmem>>) target(%dma_start3A_666 : memref<8x128xf32, #tpu.memory_space<hbm>>) target_semaphore(%arg20 : memref<!tpu.dma_semaphore, #tpu.memory_space<semaphore_mem>>)
      %dma_start3A_670 = arith.constant 6 : i32
      %dma_start3A_671 = arith.constant 48 : i32
      %dma_start3A_672 = arith.constant 0 : i32
      %dma_start3A_673 = tpu.memref_slice %arg14[%dma_start3A_671, %dma_start3A_672] : memref<64x135xf32, #tpu.memory_space<vmem>> -> memref<8x128xf32, #tpu.memory_space<vmem>>
      %dma_start3A_674 = arith.constant 0 : i32
      %dma_start3A_675 = arith.constant 0 : i32
      %dma_start3A_676 = tpu.memref_slice %arg5[%add3A_558, %dma_start3A_670, %add3A, %dma_start3A_674, %dma_start3A_675] : memref<200x8x32x8x128xf32, #tpu.memory_space<hbm>> -> memref<1x1x1x8x128xf32, #tpu.memory_space<hbm>>
      %dma_start3A_677 = tpu.memref_squeeze %dma_start3A_676 : memref<1x1x1x8x128xf32, #tpu.memory_space<hbm>> -> memref<8x128xf32, #tpu.memory_space<hbm>>
      %dma_start3A_678 = arith.constant 0 : i32
      %dma_start3A_679 = arith.constant 0 : i32
      %dma_start3A_680 = tpu.memref_slice %arg5[%add3A_558, %dma_start3A_670, %add3A, %dma_start3A_678, %dma_start3A_679] : memref<200x8x32x8x128xf32, #tpu.memory_space<hbm>> -> memref<1x1x1x8x128xf32, #tpu.memory_space<hbm>>
      %dma_start3A_681 = tpu.memref_squeeze %dma_start3A_680 : memref<1x1x1x8x128xf32, #tpu.memory_space<hbm>> -> memref<8x128xf32, #tpu.memory_space<hbm>>
      %dma_start3A_682 = arith.constant 48 : i32
      %dma_start3A_683 = arith.constant 0 : i32
      %dma_start3A_684 = tpu.memref_slice %arg14[%dma_start3A_682, %dma_start3A_683] : memref<64x135xf32, #tpu.memory_space<vmem>> -> memref<8x128xf32, #tpu.memory_space<vmem>>
      tpu.enqueue_dma source(%dma_start3A_684 : memref<8x128xf32, #tpu.memory_space<vmem>>) target(%dma_start3A_681 : memref<8x128xf32, #tpu.memory_space<hbm>>) target_semaphore(%arg20 : memref<!tpu.dma_semaphore, #tpu.memory_space<semaphore_mem>>)
      %dma_start3A_685 = arith.constant 7 : i32
      %dma_start3A_686 = arith.constant 56 : i32
      %dma_start3A_687 = arith.constant 0 : i32
      %dma_start3A_688 = tpu.memref_slice %arg14[%dma_start3A_686, %dma_start3A_687] : memref<64x135xf32, #tpu.memory_space<vmem>> -> memref<8x128xf32, #tpu.memory_space<vmem>>
      %dma_start3A_689 = arith.constant 0 : i32
      %dma_start3A_690 = arith.constant 0 : i32
      %dma_start3A_691 = tpu.memref_slice %arg5[%add3A_558, %dma_start3A_685, %add3A, %dma_start3A_689, %dma_start3A_690] : memref<200x8x32x8x128xf32, #tpu.memory_space<hbm>> -> memref<1x1x1x8x128xf32, #tpu.memory_space<hbm>>
      %dma_start3A_692 = tpu.memref_squeeze %dma_start3A_691 : memref<1x1x1x8x128xf32, #tpu.memory_space<hbm>> -> memref<8x128xf32, #tpu.memory_space<hbm>>
      %dma_start3A_693 = arith.constant 0 : i32
      %dma_start3A_694 = arith.constant 0 : i32
      %dma_start3A_695 = tpu.memref_slice %arg5[%add3A_558, %dma_start3A_685, %add3A, %dma_start3A_693, %dma_start3A_694] : memref<200x8x32x8x128xf32, #tpu.memory_space<hbm>> -> memref<1x1x1x8x128xf32, #tpu.memory_space<hbm>>
      %dma_start3A_696 = tpu.memref_squeeze %dma_start3A_695 : memref<1x1x1x8x128xf32, #tpu.memory_space<hbm>> -> memref<8x128xf32, #tpu.memory_space<hbm>>
      %dma_start3A_697 = arith.constant 56 : i32
      %dma_start3A_698 = arith.constant 0 : i32
      %dma_start3A_699 = tpu.memref_slice %arg14[%dma_start3A_697, %dma_start3A_698] : memref<64x135xf32, #tpu.memory_space<vmem>> -> memref<8x128xf32, #tpu.memory_space<vmem>>
      tpu.enqueue_dma source(%dma_start3A_699 : memref<8x128xf32, #tpu.memory_space<vmem>>) target(%dma_start3A_696 : memref<8x128xf32, #tpu.memory_space<hbm>>) target_semaphore(%arg20 : memref<!tpu.dma_semaphore, #tpu.memory_space<semaphore_mem>>)
      %add3A_700 = arith.constant 2 : i32
      %add3A_701 = arith.addi %add3A_558, %add3A_700 : i32
      %lt3A_702 = arith.constant 200 : i32
      %lt3A_703 = arith.cmpi slt, %add3A_701, %lt3A_702 : i32
      %convert_element_type3A_704 = arith.extui %lt3A_703 : i1 to i32
      %cond3A_705 = arith.constant 0 : i32
      %cond3A_706 = arith.cmpi ne, %convert_element_type3A_704, %cond3A_705 : i32
      scf.if %cond3A_706 {
        %add3A_707 = arith.constant 2 : i32
        %add3A_708 = arith.addi %add3A_558, %add3A_707 : i32
        %dma_start3A_709 = tpu.memref_slice %arg2[%add3A_708, %mul3A_2] : memref<200x4096xi32, #tpu.memory_space<hbm>> -> memref<1x128xi32, #tpu.memory_space<hbm>>
        %dma_start3A_710 = tpu.memref_squeeze %dma_start3A_709 : memref<1x128xi32, #tpu.memory_space<hbm>> -> memref<128xi32, #tpu.memory_space<hbm>>
        %dma_start3A_711 = tpu.memref_slice %arg2[%add3A_708, %mul3A_2] : memref<200x4096xi32, #tpu.memory_space<hbm>> -> memref<1x128xi32, #tpu.memory_space<hbm>>
        %dma_start3A_712 = tpu.memref_squeeze %dma_start3A_711 : memref<1x128xi32, #tpu.memory_space<hbm>> -> memref<128xi32, #tpu.memory_space<hbm>>
        tpu.enqueue_dma source(%dma_start3A_712 : memref<128xi32, #tpu.memory_space<hbm>>) target(%arg8 : memref<128xi32, #tpu.memory_space<vmem>>) target_semaphore(%arg16 : memref<!tpu.dma_semaphore, #tpu.memory_space<semaphore_mem>>)
      } else {
      }
    }
    %scan3A_149 = arith.constant 100 : i32
    %dma_wait3A_150 = arith.constant 198 : i32
    %dma_wait3A_151 = arith.constant 0 : i32
    %dma_wait3A_152 = arith.constant 0 : i32
    %dma_wait3A_153 = arith.constant 0 : i32
    %dma_wait3A_154 = tpu.memref_slice %arg13[%dma_wait3A_152, %dma_wait3A_153] : memref<64x135xf32, #tpu.memory_space<vmem>> -> memref<8x128xf32, #tpu.memory_space<vmem>>
    %dma_wait3A_155 = arith.constant 0 : i32
    %dma_wait3A_156 = arith.constant 0 : i32
    %dma_wait3A_157 = tpu.memref_slice %arg5[%dma_wait3A_150, %dma_wait3A_151, %add3A, %dma_wait3A_155, %dma_wait3A_156] : memref<200x8x32x8x128xf32, #tpu.memory_space<hbm>> -> memref<1x1x1x8x128xf32, #tpu.memory_space<hbm>>
    %dma_wait3A_158 = tpu.memref_squeeze %dma_wait3A_157 : memref<1x1x1x8x128xf32, #tpu.memory_space<hbm>> -> memref<8x128xf32, #tpu.memory_space<hbm>>
    %dma_wait3A_159 = arith.constant 0 : i32
    %dma_wait3A_160 = arith.constant 0 : i32
    %dma_wait3A_161 = tpu.memref_slice %arg5[%dma_wait3A_150, %dma_wait3A_151, %add3A, %dma_wait3A_159, %dma_wait3A_160] : memref<200x8x32x8x128xf32, #tpu.memory_space<hbm>> -> memref<1x1x1x8x128xf32, #tpu.memory_space<hbm>>
    %dma_wait3A_162 = tpu.memref_squeeze %dma_wait3A_161 : memref<1x1x1x8x128xf32, #tpu.memory_space<hbm>> -> memref<8x128xf32, #tpu.memory_space<hbm>>
    %dma_wait3A_163 = arith.constant 0 : i32
    %dma_wait3A_164 = arith.constant 0 : i32
    %dma_wait3A_165 = tpu.memref_slice %arg13[%dma_wait3A_163, %dma_wait3A_164] : memref<64x135xf32, #tpu.memory_space<vmem>> -> memref<8x128xf32, #tpu.memory_space<vmem>>
    tpu.wait_dma2 semaphore(%arg19 : memref<!tpu.dma_semaphore, #tpu.memory_space<semaphore_mem>>) src(%dma_wait3A_165 : memref<8x128xf32, #tpu.memory_space<vmem>>) dst(%dma_wait3A_162 : memref<8x128xf32, #tpu.memory_space<hbm>>)
    %dma_wait3A_166 = arith.constant 198 : i32
    %dma_wait3A_167 = arith.constant 1 : i32
    %dma_wait3A_168 = arith.constant 8 : i32
    %dma_wait3A_169 = arith.constant 0 : i32
    %dma_wait3A_170 = tpu.memref_slice %arg13[%dma_wait3A_168, %dma_wait3A_169] : memref<64x135xf32, #tpu.memory_space<vmem>> -> memref<8x128xf32, #tpu.memory_space<vmem>>
    %dma_wait3A_171 = arith.constant 0 : i32
    %dma_wait3A_172 = arith.constant 0 : i32
    %dma_wait3A_173 = tpu.memref_slice %arg5[%dma_wait3A_166, %dma_wait3A_167, %add3A, %dma_wait3A_171, %dma_wait3A_172] : memref<200x8x32x8x128xf32, #tpu.memory_space<hbm>> -> memref<1x1x1x8x128xf32, #tpu.memory_space<hbm>>
    %dma_wait3A_174 = tpu.memref_squeeze %dma_wait3A_173 : memref<1x1x1x8x128xf32, #tpu.memory_space<hbm>> -> memref<8x128xf32, #tpu.memory_space<hbm>>
    %dma_wait3A_175 = arith.constant 0 : i32
    %dma_wait3A_176 = arith.constant 0 : i32
    %dma_wait3A_177 = tpu.memref_slice %arg5[%dma_wait3A_166, %dma_wait3A_167, %add3A, %dma_wait3A_175, %dma_wait3A_176] : memref<200x8x32x8x128xf32, #tpu.memory_space<hbm>> -> memref<1x1x1x8x128xf32, #tpu.memory_space<hbm>>
    %dma_wait3A_178 = tpu.memref_squeeze %dma_wait3A_177 : memref<1x1x1x8x128xf32, #tpu.memory_space<hbm>> -> memref<8x128xf32, #tpu.memory_space<hbm>>
    %dma_wait3A_179 = arith.constant 8 : i32
    %dma_wait3A_180 = arith.constant 0 : i32
    %dma_wait3A_181 = tpu.memref_slice %arg13[%dma_wait3A_179, %dma_wait3A_180] : memref<64x135xf32, #tpu.memory_space<vmem>> -> memref<8x128xf32, #tpu.memory_space<vmem>>
    tpu.wait_dma2 semaphore(%arg19 : memref<!tpu.dma_semaphore, #tpu.memory_space<semaphore_mem>>) src(%dma_wait3A_181 : memref<8x128xf32, #tpu.memory_space<vmem>>) dst(%dma_wait3A_178 : memref<8x128xf32, #tpu.memory_space<hbm>>)
    %dma_wait3A_182 = arith.constant 198 : i32
    %dma_wait3A_183 = arith.constant 2 : i32
    %dma_wait3A_184 = arith.constant 16 : i32
    %dma_wait3A_185 = arith.constant 0 : i32
    %dma_wait3A_186 = tpu.memref_slice %arg13[%dma_wait3A_184, %dma_wait3A_185] : memref<64x135xf32, #tpu.memory_space<vmem>> -> memref<8x128xf32, #tpu.memory_space<vmem>>
    %dma_wait3A_187 = arith.constant 0 : i32
    %dma_wait3A_188 = arith.constant 0 : i32
    %dma_wait3A_189 = tpu.memref_slice %arg5[%dma_wait3A_182, %dma_wait3A_183, %add3A, %dma_wait3A_187, %dma_wait3A_188] : memref<200x8x32x8x128xf32, #tpu.memory_space<hbm>> -> memref<1x1x1x8x128xf32, #tpu.memory_space<hbm>>
    %dma_wait3A_190 = tpu.memref_squeeze %dma_wait3A_189 : memref<1x1x1x8x128xf32, #tpu.memory_space<hbm>> -> memref<8x128xf32, #tpu.memory_space<hbm>>
    %dma_wait3A_191 = arith.constant 0 : i32
    %dma_wait3A_192 = arith.constant 0 : i32
    %dma_wait3A_193 = tpu.memref_slice %arg5[%dma_wait3A_182, %dma_wait3A_183, %add3A, %dma_wait3A_191, %dma_wait3A_192] : memref<200x8x32x8x128xf32, #tpu.memory_space<hbm>> -> memref<1x1x1x8x128xf32, #tpu.memory_space<hbm>>
    %dma_wait3A_194 = tpu.memref_squeeze %dma_wait3A_193 : memref<1x1x1x8x128xf32, #tpu.memory_space<hbm>> -> memref<8x128xf32, #tpu.memory_space<hbm>>
    %dma_wait3A_195 = arith.constant 16 : i32
    %dma_wait3A_196 = arith.constant 0 : i32
    %dma_wait3A_197 = tpu.memref_slice %arg13[%dma_wait3A_195, %dma_wait3A_196] : memref<64x135xf32, #tpu.memory_space<vmem>> -> memref<8x128xf32, #tpu.memory_space<vmem>>
    tpu.wait_dma2 semaphore(%arg19 : memref<!tpu.dma_semaphore, #tpu.memory_space<semaphore_mem>>) src(%dma_wait3A_197 : memref<8x128xf32, #tpu.memory_space<vmem>>) dst(%dma_wait3A_194 : memref<8x128xf32, #tpu.memory_space<hbm>>)
    %dma_wait3A_198 = arith.constant 198 : i32
    %dma_wait3A_199 = arith.constant 3 : i32
    %dma_wait3A_200 = arith.constant 24 : i32
    %dma_wait3A_201 = arith.constant 0 : i32
    %dma_wait3A_202 = tpu.memref_slice %arg13[%dma_wait3A_200, %dma_wait3A_201] : memref<64x135xf32, #tpu.memory_space<vmem>> -> memref<8x128xf32, #tpu.memory_space<vmem>>
    %dma_wait3A_203 = arith.constant 0 : i32
    %dma_wait3A_204 = arith.constant 0 : i32
    %dma_wait3A_205 = tpu.memref_slice %arg5[%dma_wait3A_198, %dma_wait3A_199, %add3A, %dma_wait3A_203, %dma_wait3A_204] : memref<200x8x32x8x128xf32, #tpu.memory_space<hbm>> -> memref<1x1x1x8x128xf32, #tpu.memory_space<hbm>>
    %dma_wait3A_206 = tpu.memref_squeeze %dma_wait3A_205 : memref<1x1x1x8x128xf32, #tpu.memory_space<hbm>> -> memref<8x128xf32, #tpu.memory_space<hbm>>
    %dma_wait3A_207 = arith.constant 0 : i32
    %dma_wait3A_208 = arith.constant 0 : i32
    %dma_wait3A_209 = tpu.memref_slice %arg5[%dma_wait3A_198, %dma_wait3A_199, %add3A, %dma_wait3A_207, %dma_wait3A_208] : memref<200x8x32x8x128xf32, #tpu.memory_space<hbm>> -> memref<1x1x1x8x128xf32, #tpu.memory_space<hbm>>
    %dma_wait3A_210 = tpu.memref_squeeze %dma_wait3A_209 : memref<1x1x1x8x128xf32, #tpu.memory_space<hbm>> -> memref<8x128xf32, #tpu.memory_space<hbm>>
    %dma_wait3A_211 = arith.constant 24 : i32
    %dma_wait3A_212 = arith.constant 0 : i32
    %dma_wait3A_213 = tpu.memref_slice %arg13[%dma_wait3A_211, %dma_wait3A_212] : memref<64x135xf32, #tpu.memory_space<vmem>> -> memref<8x128xf32, #tpu.memory_space<vmem>>
    tpu.wait_dma2 semaphore(%arg19 : memref<!tpu.dma_semaphore, #tpu.memory_space<semaphore_mem>>) src(%dma_wait3A_213 : memref<8x128xf32, #tpu.memory_space<vmem>>) dst(%dma_wait3A_210 : memref<8x128xf32, #tpu.memory_space<hbm>>)
    %dma_wait3A_214 = arith.constant 198 : i32
    %dma_wait3A_215 = arith.constant 4 : i32
    %dma_wait3A_216 = arith.constant 32 : i32
    %dma_wait3A_217 = arith.constant 0 : i32
    %dma_wait3A_218 = tpu.memref_slice %arg13[%dma_wait3A_216, %dma_wait3A_217] : memref<64x135xf32, #tpu.memory_space<vmem>> -> memref<8x128xf32, #tpu.memory_space<vmem>>
    %dma_wait3A_219 = arith.constant 0 : i32
    %dma_wait3A_220 = arith.constant 0 : i32
    %dma_wait3A_221 = tpu.memref_slice %arg5[%dma_wait3A_214, %dma_wait3A_215, %add3A, %dma_wait3A_219, %dma_wait3A_220] : memref<200x8x32x8x128xf32, #tpu.memory_space<hbm>> -> memref<1x1x1x8x128xf32, #tpu.memory_space<hbm>>
    %dma_wait3A_222 = tpu.memref_squeeze %dma_wait3A_221 : memref<1x1x1x8x128xf32, #tpu.memory_space<hbm>> -> memref<8x128xf32, #tpu.memory_space<hbm>>
    %dma_wait3A_223 = arith.constant 0 : i32
    %dma_wait3A_224 = arith.constant 0 : i32
    %dma_wait3A_225 = tpu.memref_slice %arg5[%dma_wait3A_214, %dma_wait3A_215, %add3A, %dma_wait3A_223, %dma_wait3A_224] : memref<200x8x32x8x128xf32, #tpu.memory_space<hbm>> -> memref<1x1x1x8x128xf32, #tpu.memory_space<hbm>>
    %dma_wait3A_226 = tpu.memref_squeeze %dma_wait3A_225 : memref<1x1x1x8x128xf32, #tpu.memory_space<hbm>> -> memref<8x128xf32, #tpu.memory_space<hbm>>
    %dma_wait3A_227 = arith.constant 32 : i32
    %dma_wait3A_228 = arith.constant 0 : i32
    %dma_wait3A_229 = tpu.memref_slice %arg13[%dma_wait3A_227, %dma_wait3A_228] : memref<64x135xf32, #tpu.memory_space<vmem>> -> memref<8x128xf32, #tpu.memory_space<vmem>>
    tpu.wait_dma2 semaphore(%arg19 : memref<!tpu.dma_semaphore, #tpu.memory_space<semaphore_mem>>) src(%dma_wait3A_229 : memref<8x128xf32, #tpu.memory_space<vmem>>) dst(%dma_wait3A_226 : memref<8x128xf32, #tpu.memory_space<hbm>>)
    %dma_wait3A_230 = arith.constant 198 : i32
    %dma_wait3A_231 = arith.constant 5 : i32
    %dma_wait3A_232 = arith.constant 40 : i32
    %dma_wait3A_233 = arith.constant 0 : i32
    %dma_wait3A_234 = tpu.memref_slice %arg13[%dma_wait3A_232, %dma_wait3A_233] : memref<64x135xf32, #tpu.memory_space<vmem>> -> memref<8x128xf32, #tpu.memory_space<vmem>>
    %dma_wait3A_235 = arith.constant 0 : i32
    %dma_wait3A_236 = arith.constant 0 : i32
    %dma_wait3A_237 = tpu.memref_slice %arg5[%dma_wait3A_230, %dma_wait3A_231, %add3A, %dma_wait3A_235, %dma_wait3A_236] : memref<200x8x32x8x128xf32, #tpu.memory_space<hbm>> -> memref<1x1x1x8x128xf32, #tpu.memory_space<hbm>>
    %dma_wait3A_238 = tpu.memref_squeeze %dma_wait3A_237 : memref<1x1x1x8x128xf32, #tpu.memory_space<hbm>> -> memref<8x128xf32, #tpu.memory_space<hbm>>
    %dma_wait3A_239 = arith.constant 0 : i32
    %dma_wait3A_240 = arith.constant 0 : i32
    %dma_wait3A_241 = tpu.memref_slice %arg5[%dma_wait3A_230, %dma_wait3A_231, %add3A, %dma_wait3A_239, %dma_wait3A_240] : memref<200x8x32x8x128xf32, #tpu.memory_space<hbm>> -> memref<1x1x1x8x128xf32, #tpu.memory_space<hbm>>
    %dma_wait3A_242 = tpu.memref_squeeze %dma_wait3A_241 : memref<1x1x1x8x128xf32, #tpu.memory_space<hbm>> -> memref<8x128xf32, #tpu.memory_space<hbm>>
    %dma_wait3A_243 = arith.constant 40 : i32
    %dma_wait3A_244 = arith.constant 0 : i32
    %dma_wait3A_245 = tpu.memref_slice %arg13[%dma_wait3A_243, %dma_wait3A_244] : memref<64x135xf32, #tpu.memory_space<vmem>> -> memref<8x128xf32, #tpu.memory_space<vmem>>
    tpu.wait_dma2 semaphore(%arg19 : memref<!tpu.dma_semaphore, #tpu.memory_space<semaphore_mem>>) src(%dma_wait3A_245 : memref<8x128xf32, #tpu.memory_space<vmem>>) dst(%dma_wait3A_242 : memref<8x128xf32, #tpu.memory_space<hbm>>)
    %dma_wait3A_246 = arith.constant 198 : i32
    %dma_wait3A_247 = arith.constant 6 : i32
    %dma_wait3A_248 = arith.constant 48 : i32
    %dma_wait3A_249 = arith.constant 0 : i32
    %dma_wait3A_250 = tpu.memref_slice %arg13[%dma_wait3A_248, %dma_wait3A_249] : memref<64x135xf32, #tpu.memory_space<vmem>> -> memref<8x128xf32, #tpu.memory_space<vmem>>
    %dma_wait3A_251 = arith.constant 0 : i32
    %dma_wait3A_252 = arith.constant 0 : i32
    %dma_wait3A_253 = tpu.memref_slice %arg5[%dma_wait3A_246, %dma_wait3A_247, %add3A, %dma_wait3A_251, %dma_wait3A_252] : memref<200x8x32x8x128xf32, #tpu.memory_space<hbm>> -> memref<1x1x1x8x128xf32, #tpu.memory_space<hbm>>
    %dma_wait3A_254 = tpu.memref_squeeze %dma_wait3A_253 : memref<1x1x1x8x128xf32, #tpu.memory_space<hbm>> -> memref<8x128xf32, #tpu.memory_space<hbm>>
    %dma_wait3A_255 = arith.constant 0 : i32
    %dma_wait3A_256 = arith.constant 0 : i32
    %dma_wait3A_257 = tpu.memref_slice %arg5[%dma_wait3A_246, %dma_wait3A_247, %add3A, %dma_wait3A_255, %dma_wait3A_256] : memref<200x8x32x8x128xf32, #tpu.memory_space<hbm>> -> memref<1x1x1x8x128xf32, #tpu.memory_space<hbm>>
    %dma_wait3A_258 = tpu.memref_squeeze %dma_wait3A_257 : memref<1x1x1x8x128xf32, #tpu.memory_space<hbm>> -> memref<8x128xf32, #tpu.memory_space<hbm>>
    %dma_wait3A_259 = arith.constant 48 : i32
    %dma_wait3A_260 = arith.constant 0 : i32
    %dma_wait3A_261 = tpu.memref_slice %arg13[%dma_wait3A_259, %dma_wait3A_260] : memref<64x135xf32, #tpu.memory_space<vmem>> -> memref<8x128xf32, #tpu.memory_space<vmem>>
    tpu.wait_dma2 semaphore(%arg19 : memref<!tpu.dma_semaphore, #tpu.memory_space<semaphore_mem>>) src(%dma_wait3A_261 : memref<8x128xf32, #tpu.memory_space<vmem>>) dst(%dma_wait3A_258 : memref<8x128xf32, #tpu.memory_space<hbm>>)
    %dma_wait3A_262 = arith.constant 198 : i32
    %dma_wait3A_263 = arith.constant 7 : i32
    %dma_wait3A_264 = arith.constant 56 : i32
    %dma_wait3A_265 = arith.constant 0 : i32
    %dma_wait3A_266 = tpu.memref_slice %arg13[%dma_wait3A_264, %dma_wait3A_265] : memref<64x135xf32, #tpu.memory_space<vmem>> -> memref<8x128xf32, #tpu.memory_space<vmem>>
    %dma_wait3A_267 = arith.constant 0 : i32
    %dma_wait3A_268 = arith.constant 0 : i32
    %dma_wait3A_269 = tpu.memref_slice %arg5[%dma_wait3A_262, %dma_wait3A_263, %add3A, %dma_wait3A_267, %dma_wait3A_268] : memref<200x8x32x8x128xf32, #tpu.memory_space<hbm>> -> memref<1x1x1x8x128xf32, #tpu.memory_space<hbm>>
    %dma_wait3A_270 = tpu.memref_squeeze %dma_wait3A_269 : memref<1x1x1x8x128xf32, #tpu.memory_space<hbm>> -> memref<8x128xf32, #tpu.memory_space<hbm>>
    %dma_wait3A_271 = arith.constant 0 : i32
    %dma_wait3A_272 = arith.constant 0 : i32
    %dma_wait3A_273 = tpu.memref_slice %arg5[%dma_wait3A_262, %dma_wait3A_263, %add3A, %dma_wait3A_271, %dma_wait3A_272] : memref<200x8x32x8x128xf32, #tpu.memory_space<hbm>> -> memref<1x1x1x8x128xf32, #tpu.memory_space<hbm>>
    %dma_wait3A_274 = tpu.memref_squeeze %dma_wait3A_273 : memref<1x1x1x8x128xf32, #tpu.memory_space<hbm>> -> memref<8x128xf32, #tpu.memory_space<hbm>>
    %dma_wait3A_275 = arith.constant 56 : i32
    %dma_wait3A_276 = arith.constant 0 : i32
    %dma_wait3A_277 = tpu.memref_slice %arg13[%dma_wait3A_275, %dma_wait3A_276] : memref<64x135xf32, #tpu.memory_space<vmem>> -> memref<8x128xf32, #tpu.memory_space<vmem>>
    tpu.wait_dma2 semaphore(%arg19 : memref<!tpu.dma_semaphore, #tpu.memory_space<semaphore_mem>>) src(%dma_wait3A_277 : memref<8x128xf32, #tpu.memory_space<vmem>>) dst(%dma_wait3A_274 : memref<8x128xf32, #tpu.memory_space<hbm>>)
    %dma_wait3A_278 = arith.constant 199 : i32
    %dma_wait3A_279 = arith.constant 0 : i32
    %dma_wait3A_280 = arith.constant 0 : i32
    %dma_wait3A_281 = arith.constant 0 : i32
    %dma_wait3A_282 = tpu.memref_slice %arg14[%dma_wait3A_280, %dma_wait3A_281] : memref<64x135xf32, #tpu.memory_space<vmem>> -> memref<8x128xf32, #tpu.memory_space<vmem>>
    %dma_wait3A_283 = arith.constant 0 : i32
    %dma_wait3A_284 = arith.constant 0 : i32
    %dma_wait3A_285 = tpu.memref_slice %arg5[%dma_wait3A_278, %dma_wait3A_279, %add3A, %dma_wait3A_283, %dma_wait3A_284] : memref<200x8x32x8x128xf32, #tpu.memory_space<hbm>> -> memref<1x1x1x8x128xf32, #tpu.memory_space<hbm>>
    %dma_wait3A_286 = tpu.memref_squeeze %dma_wait3A_285 : memref<1x1x1x8x128xf32, #tpu.memory_space<hbm>> -> memref<8x128xf32, #tpu.memory_space<hbm>>
    %dma_wait3A_287 = arith.constant 0 : i32
    %dma_wait3A_288 = arith.constant 0 : i32
    %dma_wait3A_289 = tpu.memref_slice %arg5[%dma_wait3A_278, %dma_wait3A_279, %add3A, %dma_wait3A_287, %dma_wait3A_288] : memref<200x8x32x8x128xf32, #tpu.memory_space<hbm>> -> memref<1x1x1x8x128xf32, #tpu.memory_space<hbm>>
    %dma_wait3A_290 = tpu.memref_squeeze %dma_wait3A_289 : memref<1x1x1x8x128xf32, #tpu.memory_space<hbm>> -> memref<8x128xf32, #tpu.memory_space<hbm>>
    %dma_wait3A_291 = arith.constant 0 : i32
    %dma_wait3A_292 = arith.constant 0 : i32
    %dma_wait3A_293 = tpu.memref_slice %arg14[%dma_wait3A_291, %dma_wait3A_292] : memref<64x135xf32, #tpu.memory_space<vmem>> -> memref<8x128xf32, #tpu.memory_space<vmem>>
    tpu.wait_dma2 semaphore(%arg20 : memref<!tpu.dma_semaphore, #tpu.memory_space<semaphore_mem>>) src(%dma_wait3A_293 : memref<8x128xf32, #tpu.memory_space<vmem>>) dst(%dma_wait3A_290 : memref<8x128xf32, #tpu.memory_space<hbm>>)
    %dma_wait3A_294 = arith.constant 199 : i32
    %dma_wait3A_295 = arith.constant 1 : i32
    %dma_wait3A_296 = arith.constant 8 : i32
    %dma_wait3A_297 = arith.constant 0 : i32
    %dma_wait3A_298 = tpu.memref_slice %arg14[%dma_wait3A_296, %dma_wait3A_297] : memref<64x135xf32, #tpu.memory_space<vmem>> -> memref<8x128xf32, #tpu.memory_space<vmem>>
    %dma_wait3A_299 = arith.constant 0 : i32
    %dma_wait3A_300 = arith.constant 0 : i32
    %dma_wait3A_301 = tpu.memref_slice %arg5[%dma_wait3A_294, %dma_wait3A_295, %add3A, %dma_wait3A_299, %dma_wait3A_300] : memref<200x8x32x8x128xf32, #tpu.memory_space<hbm>> -> memref<1x1x1x8x128xf32, #tpu.memory_space<hbm>>
    %dma_wait3A_302 = tpu.memref_squeeze %dma_wait3A_301 : memref<1x1x1x8x128xf32, #tpu.memory_space<hbm>> -> memref<8x128xf32, #tpu.memory_space<hbm>>
    %dma_wait3A_303 = arith.constant 0 : i32
    %dma_wait3A_304 = arith.constant 0 : i32
    %dma_wait3A_305 = tpu.memref_slice %arg5[%dma_wait3A_294, %dma_wait3A_295, %add3A, %dma_wait3A_303, %dma_wait3A_304] : memref<200x8x32x8x128xf32, #tpu.memory_space<hbm>> -> memref<1x1x1x8x128xf32, #tpu.memory_space<hbm>>
    %dma_wait3A_306 = tpu.memref_squeeze %dma_wait3A_305 : memref<1x1x1x8x128xf32, #tpu.memory_space<hbm>> -> memref<8x128xf32, #tpu.memory_space<hbm>>
    %dma_wait3A_307 = arith.constant 8 : i32
    %dma_wait3A_308 = arith.constant 0 : i32
    %dma_wait3A_309 = tpu.memref_slice %arg14[%dma_wait3A_307, %dma_wait3A_308] : memref<64x135xf32, #tpu.memory_space<vmem>> -> memref<8x128xf32, #tpu.memory_space<vmem>>
    tpu.wait_dma2 semaphore(%arg20 : memref<!tpu.dma_semaphore, #tpu.memory_space<semaphore_mem>>) src(%dma_wait3A_309 : memref<8x128xf32, #tpu.memory_space<vmem>>) dst(%dma_wait3A_306 : memref<8x128xf32, #tpu.memory_space<hbm>>)
    %dma_wait3A_310 = arith.constant 199 : i32
    %dma_wait3A_311 = arith.constant 2 : i32
    %dma_wait3A_312 = arith.constant 16 : i32
    %dma_wait3A_313 = arith.constant 0 : i32
    %dma_wait3A_314 = tpu.memref_slice %arg14[%dma_wait3A_312, %dma_wait3A_313] : memref<64x135xf32, #tpu.memory_space<vmem>> -> memref<8x128xf32, #tpu.memory_space<vmem>>
    %dma_wait3A_315 = arith.constant 0 : i32
    %dma_wait3A_316 = arith.constant 0 : i32
    %dma_wait3A_317 = tpu.memref_slice %arg5[%dma_wait3A_310, %dma_wait3A_311, %add3A, %dma_wait3A_315, %dma_wait3A_316] : memref<200x8x32x8x128xf32, #tpu.memory_space<hbm>> -> memref<1x1x1x8x128xf32, #tpu.memory_space<hbm>>
    %dma_wait3A_318 = tpu.memref_squeeze %dma_wait3A_317 : memref<1x1x1x8x128xf32, #tpu.memory_space<hbm>> -> memref<8x128xf32, #tpu.memory_space<hbm>>
    %dma_wait3A_319 = arith.constant 0 : i32
    %dma_wait3A_320 = arith.constant 0 : i32
    %dma_wait3A_321 = tpu.memref_slice %arg5[%dma_wait3A_310, %dma_wait3A_311, %add3A, %dma_wait3A_319, %dma_wait3A_320] : memref<200x8x32x8x128xf32, #tpu.memory_space<hbm>> -> memref<1x1x1x8x128xf32, #tpu.memory_space<hbm>>
    %dma_wait3A_322 = tpu.memref_squeeze %dma_wait3A_321 : memref<1x1x1x8x128xf32, #tpu.memory_space<hbm>> -> memref<8x128xf32, #tpu.memory_space<hbm>>
    %dma_wait3A_323 = arith.constant 16 : i32
    %dma_wait3A_324 = arith.constant 0 : i32
    %dma_wait3A_325 = tpu.memref_slice %arg14[%dma_wait3A_323, %dma_wait3A_324] : memref<64x135xf32, #tpu.memory_space<vmem>> -> memref<8x128xf32, #tpu.memory_space<vmem>>
    tpu.wait_dma2 semaphore(%arg20 : memref<!tpu.dma_semaphore, #tpu.memory_space<semaphore_mem>>) src(%dma_wait3A_325 : memref<8x128xf32, #tpu.memory_space<vmem>>) dst(%dma_wait3A_322 : memref<8x128xf32, #tpu.memory_space<hbm>>)
    %dma_wait3A_326 = arith.constant 199 : i32
    %dma_wait3A_327 = arith.constant 3 : i32
    %dma_wait3A_328 = arith.constant 24 : i32
    %dma_wait3A_329 = arith.constant 0 : i32
    %dma_wait3A_330 = tpu.memref_slice %arg14[%dma_wait3A_328, %dma_wait3A_329] : memref<64x135xf32, #tpu.memory_space<vmem>> -> memref<8x128xf32, #tpu.memory_space<vmem>>
    %dma_wait3A_331 = arith.constant 0 : i32
    %dma_wait3A_332 = arith.constant 0 : i32
    %dma_wait3A_333 = tpu.memref_slice %arg5[%dma_wait3A_326, %dma_wait3A_327, %add3A, %dma_wait3A_331, %dma_wait3A_332] : memref<200x8x32x8x128xf32, #tpu.memory_space<hbm>> -> memref<1x1x1x8x128xf32, #tpu.memory_space<hbm>>
    %dma_wait3A_334 = tpu.memref_squeeze %dma_wait3A_333 : memref<1x1x1x8x128xf32, #tpu.memory_space<hbm>> -> memref<8x128xf32, #tpu.memory_space<hbm>>
    %dma_wait3A_335 = arith.constant 0 : i32
    %dma_wait3A_336 = arith.constant 0 : i32
    %dma_wait3A_337 = tpu.memref_slice %arg5[%dma_wait3A_326, %dma_wait3A_327, %add3A, %dma_wait3A_335, %dma_wait3A_336] : memref<200x8x32x8x128xf32, #tpu.memory_space<hbm>> -> memref<1x1x1x8x128xf32, #tpu.memory_space<hbm>>
    %dma_wait3A_338 = tpu.memref_squeeze %dma_wait3A_337 : memref<1x1x1x8x128xf32, #tpu.memory_space<hbm>> -> memref<8x128xf32, #tpu.memory_space<hbm>>
    %dma_wait3A_339 = arith.constant 24 : i32
    %dma_wait3A_340 = arith.constant 0 : i32
    %dma_wait3A_341 = tpu.memref_slice %arg14[%dma_wait3A_339, %dma_wait3A_340] : memref<64x135xf32, #tpu.memory_space<vmem>> -> memref<8x128xf32, #tpu.memory_space<vmem>>
    tpu.wait_dma2 semaphore(%arg20 : memref<!tpu.dma_semaphore, #tpu.memory_space<semaphore_mem>>) src(%dma_wait3A_341 : memref<8x128xf32, #tpu.memory_space<vmem>>) dst(%dma_wait3A_338 : memref<8x128xf32, #tpu.memory_space<hbm>>)
    %dma_wait3A_342 = arith.constant 199 : i32
    %dma_wait3A_343 = arith.constant 4 : i32
    %dma_wait3A_344 = arith.constant 32 : i32
    %dma_wait3A_345 = arith.constant 0 : i32
    %dma_wait3A_346 = tpu.memref_slice %arg14[%dma_wait3A_344, %dma_wait3A_345] : memref<64x135xf32, #tpu.memory_space<vmem>> -> memref<8x128xf32, #tpu.memory_space<vmem>>
    %dma_wait3A_347 = arith.constant 0 : i32
    %dma_wait3A_348 = arith.constant 0 : i32
    %dma_wait3A_349 = tpu.memref_slice %arg5[%dma_wait3A_342, %dma_wait3A_343, %add3A, %dma_wait3A_347, %dma_wait3A_348] : memref<200x8x32x8x128xf32, #tpu.memory_space<hbm>> -> memref<1x1x1x8x128xf32, #tpu.memory_space<hbm>>
    %dma_wait3A_350 = tpu.memref_squeeze %dma_wait3A_349 : memref<1x1x1x8x128xf32, #tpu.memory_space<hbm>> -> memref<8x128xf32, #tpu.memory_space<hbm>>
    %dma_wait3A_351 = arith.constant 0 : i32
    %dma_wait3A_352 = arith.constant 0 : i32
    %dma_wait3A_353 = tpu.memref_slice %arg5[%dma_wait3A_342, %dma_wait3A_343, %add3A, %dma_wait3A_351, %dma_wait3A_352] : memref<200x8x32x8x128xf32, #tpu.memory_space<hbm>> -> memref<1x1x1x8x128xf32, #tpu.memory_space<hbm>>
    %dma_wait3A_354 = tpu.memref_squeeze %dma_wait3A_353 : memref<1x1x1x8x128xf32, #tpu.memory_space<hbm>> -> memref<8x128xf32, #tpu.memory_space<hbm>>
    %dma_wait3A_355 = arith.constant 32 : i32
    %dma_wait3A_356 = arith.constant 0 : i32
    %dma_wait3A_357 = tpu.memref_slice %arg14[%dma_wait3A_355, %dma_wait3A_356] : memref<64x135xf32, #tpu.memory_space<vmem>> -> memref<8x128xf32, #tpu.memory_space<vmem>>
    tpu.wait_dma2 semaphore(%arg20 : memref<!tpu.dma_semaphore, #tpu.memory_space<semaphore_mem>>) src(%dma_wait3A_357 : memref<8x128xf32, #tpu.memory_space<vmem>>) dst(%dma_wait3A_354 : memref<8x128xf32, #tpu.memory_space<hbm>>)
    %dma_wait3A_358 = arith.constant 199 : i32
    %dma_wait3A_359 = arith.constant 5 : i32
    %dma_wait3A_360 = arith.constant 40 : i32
    %dma_wait3A_361 = arith.constant 0 : i32
    %dma_wait3A_362 = tpu.memref_slice %arg14[%dma_wait3A_360, %dma_wait3A_361] : memref<64x135xf32, #tpu.memory_space<vmem>> -> memref<8x128xf32, #tpu.memory_space<vmem>>
    %dma_wait3A_363 = arith.constant 0 : i32
    %dma_wait3A_364 = arith.constant 0 : i32
    %dma_wait3A_365 = tpu.memref_slice %arg5[%dma_wait3A_358, %dma_wait3A_359, %add3A, %dma_wait3A_363, %dma_wait3A_364] : memref<200x8x32x8x128xf32, #tpu.memory_space<hbm>> -> memref<1x1x1x8x128xf32, #tpu.memory_space<hbm>>
    %dma_wait3A_366 = tpu.memref_squeeze %dma_wait3A_365 : memref<1x1x1x8x128xf32, #tpu.memory_space<hbm>> -> memref<8x128xf32, #tpu.memory_space<hbm>>
    %dma_wait3A_367 = arith.constant 0 : i32
    %dma_wait3A_368 = arith.constant 0 : i32
    %dma_wait3A_369 = tpu.memref_slice %arg5[%dma_wait3A_358, %dma_wait3A_359, %add3A, %dma_wait3A_367, %dma_wait3A_368] : memref<200x8x32x8x128xf32, #tpu.memory_space<hbm>> -> memref<1x1x1x8x128xf32, #tpu.memory_space<hbm>>
    %dma_wait3A_370 = tpu.memref_squeeze %dma_wait3A_369 : memref<1x1x1x8x128xf32, #tpu.memory_space<hbm>> -> memref<8x128xf32, #tpu.memory_space<hbm>>
    %dma_wait3A_371 = arith.constant 40 : i32
    %dma_wait3A_372 = arith.constant 0 : i32
    %dma_wait3A_373 = tpu.memref_slice %arg14[%dma_wait3A_371, %dma_wait3A_372] : memref<64x135xf32, #tpu.memory_space<vmem>> -> memref<8x128xf32, #tpu.memory_space<vmem>>
    tpu.wait_dma2 semaphore(%arg20 : memref<!tpu.dma_semaphore, #tpu.memory_space<semaphore_mem>>) src(%dma_wait3A_373 : memref<8x128xf32, #tpu.memory_space<vmem>>) dst(%dma_wait3A_370 : memref<8x128xf32, #tpu.memory_space<hbm>>)
    %dma_wait3A_374 = arith.constant 199 : i32
    %dma_wait3A_375 = arith.constant 6 : i32
    %dma_wait3A_376 = arith.constant 48 : i32
    %dma_wait3A_377 = arith.constant 0 : i32
    %dma_wait3A_378 = tpu.memref_slice %arg14[%dma_wait3A_376, %dma_wait3A_377] : memref<64x135xf32, #tpu.memory_space<vmem>> -> memref<8x128xf32, #tpu.memory_space<vmem>>
    %dma_wait3A_379 = arith.constant 0 : i32
    %dma_wait3A_380 = arith.constant 0 : i32
    %dma_wait3A_381 = tpu.memref_slice %arg5[%dma_wait3A_374, %dma_wait3A_375, %add3A, %dma_wait3A_379, %dma_wait3A_380] : memref<200x8x32x8x128xf32, #tpu.memory_space<hbm>> -> memref<1x1x1x8x128xf32, #tpu.memory_space<hbm>>
    %dma_wait3A_382 = tpu.memref_squeeze %dma_wait3A_381 : memref<1x1x1x8x128xf32, #tpu.memory_space<hbm>> -> memref<8x128xf32, #tpu.memory_space<hbm>>
    %dma_wait3A_383 = arith.constant 0 : i32
    %dma_wait3A_384 = arith.constant 0 : i32
    %dma_wait3A_385 = tpu.memref_slice %arg5[%dma_wait3A_374, %dma_wait3A_375, %add3A, %dma_wait3A_383, %dma_wait3A_384] : memref<200x8x32x8x128xf32, #tpu.memory_space<hbm>> -> memref<1x1x1x8x128xf32, #tpu.memory_space<hbm>>
    %dma_wait3A_386 = tpu.memref_squeeze %dma_wait3A_385 : memref<1x1x1x8x128xf32, #tpu.memory_space<hbm>> -> memref<8x128xf32, #tpu.memory_space<hbm>>
    %dma_wait3A_387 = arith.constant 48 : i32
    %dma_wait3A_388 = arith.constant 0 : i32
    %dma_wait3A_389 = tpu.memref_slice %arg14[%dma_wait3A_387, %dma_wait3A_388] : memref<64x135xf32, #tpu.memory_space<vmem>> -> memref<8x128xf32, #tpu.memory_space<vmem>>
    tpu.wait_dma2 semaphore(%arg20 : memref<!tpu.dma_semaphore, #tpu.memory_space<semaphore_mem>>) src(%dma_wait3A_389 : memref<8x128xf32, #tpu.memory_space<vmem>>) dst(%dma_wait3A_386 : memref<8x128xf32, #tpu.memory_space<hbm>>)
    %dma_wait3A_390 = arith.constant 199 : i32
    %dma_wait3A_391 = arith.constant 7 : i32
    %dma_wait3A_392 = arith.constant 56 : i32
    %dma_wait3A_393 = arith.constant 0 : i32
    %dma_wait3A_394 = tpu.memref_slice %arg14[%dma_wait3A_392, %dma_wait3A_393] : memref<64x135xf32, #tpu.memory_space<vmem>> -> memref<8x128xf32, #tpu.memory_space<vmem>>
    %dma_wait3A_395 = arith.constant 0 : i32
    %dma_wait3A_396 = arith.constant 0 : i32
    %dma_wait3A_397 = tpu.memref_slice %arg5[%dma_wait3A_390, %dma_wait3A_391, %add3A, %dma_wait3A_395, %dma_wait3A_396] : memref<200x8x32x8x128xf32, #tpu.memory_space<hbm>> -> memref<1x1x1x8x128xf32, #tpu.memory_space<hbm>>
    %dma_wait3A_398 = tpu.memref_squeeze %dma_wait3A_397 : memref<1x1x1x8x128xf32, #tpu.memory_space<hbm>> -> memref<8x128xf32, #tpu.memory_space<hbm>>
    %dma_wait3A_399 = arith.constant 0 : i32
    %dma_wait3A_400 = arith.constant 0 : i32
    %dma_wait3A_401 = tpu.memref_slice %arg5[%dma_wait3A_390, %dma_wait3A_391, %add3A, %dma_wait3A_399, %dma_wait3A_400] : memref<200x8x32x8x128xf32, #tpu.memory_space<hbm>> -> memref<1x1x1x8x128xf32, #tpu.memory_space<hbm>>
    %dma_wait3A_402 = tpu.memref_squeeze %dma_wait3A_401 : memref<1x1x1x8x128xf32, #tpu.memory_space<hbm>> -> memref<8x128xf32, #tpu.memory_space<hbm>>
    %dma_wait3A_403 = arith.constant 56 : i32
    %dma_wait3A_404 = arith.constant 0 : i32
    %dma_wait3A_405 = tpu.memref_slice %arg14[%dma_wait3A_403, %dma_wait3A_404] : memref<64x135xf32, #tpu.memory_space<vmem>> -> memref<8x128xf32, #tpu.memory_space<vmem>>
    tpu.wait_dma2 semaphore(%arg20 : memref<!tpu.dma_semaphore, #tpu.memory_space<semaphore_mem>>) src(%dma_wait3A_405 : memref<8x128xf32, #tpu.memory_space<vmem>>) dst(%dma_wait3A_402 : memref<8x128xf32, #tpu.memory_space<hbm>>)
    return
  }
}

</mosaic_0001>

<sc_bundles>
// kernel: kernel.3.cloned.1.call-start
scs
__scs_entry_jumppad:
0x0: {  	(pc) =	sbr.rel $0x88, $3  }
0x1: {  	(tag) =	ssettag $0x0;
	lr =	simm.s32 $0x1  }
0x2: {  	[smem:$0x3F9E] =	sst lr;
	_ =	strace $0xD0000000  }
0x3: {  	_ = 	snop  }
0x4: {  	_ = 	snop  }
0x5: {  	_ = 	snop  }
0x6: {  	_ = 	snop  }
0x7: {  	_ = 	snop  }
__scs_overlays_trampoline_lowered:
0x8: {  	[smem:$0x3FAD] =	sst s0  }
0x9: {  	[smem:$0x3FAE] =	sst s1  }
0xa: {  	[smem:$0x3FAF] =	sst s2  }
0xb: {  	[smem:$0x3FB0] =	sst s3  }
0xc: {  	[smem:$0x3FB1] =	sst s4  }
0xd: {  	[smem:$0x3FB2] =	sst s5  }
0xe: {  	[smem:$0x3FB3] =	sst s6  }
0xf: {  	[smem:$0x3FB4] =	sst s7  }
0x10: {  	[smem:$0x3FB5] =	sst s8  }
0x11: {  	[smem:$0x3FB6] =	sst s9;
	s0 =	simm.s32 @!p0 $0x0  }
0x12: {  	s1 =	sld [smem:$0x3F9C];
	s0 =	simm.s32 @p0 $0x1  }
0x13: {  	[smem:$0x3FB7] =	sst s0;
	s0 =	simm.s32 @!p1 $0x0  }
0x14: {  	s2 =	sld [smem:$0x3F9B];
	s0 =	simm.s32 @p1 $0x1  }
0x15: {  	[smem:$0x3FB8] =	sst s0;
	s0 =	simm.s32 @!p2 $0x0  }
0x16: {  	s3 =	sld [smem:$0x3FDB];
	s0 =	simm.s32 @p2 $0x1  }
0x17: {  	s4 =	simm.s32 $0x1BF5;
	[smem:$0x3FBA] =	sst s0  }
0x18: {  	s0 =	sld [smem:$0x3F9D];
	_ =	swait.ge [sflag:s4], $0x0  }
0x19: {  	s7 =	sld [smem:$0x3F9E]  }
0x1a: {  	s8 =	sadd.s32 $0xFFFFE003, lr  }
0x1b: {  	s9 =	sadd.s32 $0xFFFFFEF7, lr;
	s5 =	simm.s32 $0xFFFFFFFF;
	p2 =	slt.u32 s8, $0xFFFFF086  }
0x1c: {  	p1 =	slt.u32 s9, $0xF7A;
	s5 =	simm.s32 @!p2 $0x0  }
0x1d: {  	s5 =	simm.s32 @p1 $0x1;
	p0 =	seq.s32 s7, s2  }
0x1e: {  	s7 =	smul.u32 @!p0 $0xF7A, s2;
	p2 =	seq.s32 @!p0 s5, $0x0  }
0x1f: {  	s9 =	smul.u32 $0xF7A, s1;
	s8 =	simm.s32 @!p0 $0x1BF5;
	p2 =	por !p2, p0  }
0x20: {  	[sflag:s8] =	ssyncset.s32 @!p0 $0xFFFFF086;
	s6 =	sadd.s32 @!p0 s3, s7;
	s7 =	simm.s32 @!p0 $0x108  }
0x21: {  	s3 =	sadd.s32 s3, s9;
	s6 =	sadd.s32 @!p0 $0x88, s6;
	s7 =	simm.s32 @p2 $0x1082  }
0x22: {  	[simem:s7], [sflag:s8] =	dma.local @!p0 [hbm:s6], $0xF7A  }
0x23: {  	s9 =	sor.u32 $0xD0000000, s2;
	s6 =	simm.s32 $0x108;
	_ =	swait.ge @!p0 [sflag:s8], $0x0  }
0x24: {  	s3 =	sadd.s32 $0x88, s3;
	s6 =	simm.s32 @!p1 $0x1082;
	[sflag:s4] =	ssyncset.s32 $0xFFFFF086  }
0x25: {  	[simem:s6], [sflag:s4] =	dma.local [hbm:s3], $0xF7A  }
0x26: {  	[smem:$0x3F9E] =	sst s1;
	(tag) =	ssettag s2;
	_ =	strace s9  }
0x27: {  	s1 =	sld [smem:$0x3FAE]  }
0x28: {  	s2 =	sld [smem:$0x3FAF]  }
0x29: {  	s4 =	sld [smem:$0x3FB1]  }
0x2a: {  	p0 =	seq.s32 s5, $0x0;
	s5 =	sld [smem:$0x3FB2]  }
0x2b: {  	s6 =	sld [smem:$0x3FB3]  }
0x2c: {  	s7 =	sld [smem:$0x3FB4]  }
0x2d: {  	s3 =	simm.s32 $0x108;
	s8 =	sld [smem:$0x3FB5]  }
0x2e: {  	s3 =	simm.s32 @!p0 $0x1082;
	s9 =	sld [smem:$0x3FB6]  }
0x2f: {  	lr =	sadd.s32 s0, s3;
	s0 =	sld [smem:$0x3FAD]  }
0x30: {  	s3 =	sld [smem:$0x3FB0]  }
0x31: {  	[smem:$0x3FB9] =	sst s10  }
0x32: {  	s10 =	sld [smem:$0x3FB7];
	_ =	sdelay $0x3  }
0x33: {  	p0 =	seq.s32 s10, $0x1;
	s10 =	sld [smem:$0x3FB9];
	_ =	sdelay $0x3  }
0x34: {  	[smem:$0x3FB9] =	sst s10  }
0x35: {  	s10 =	sld [smem:$0x3FB8];
	_ =	sdelay $0x3  }
0x36: {  	p1 =	seq.s32 s10, $0x1;
	s10 =	sld [smem:$0x3FB9];
	_ =	sdelay $0x3  }
0x37: {  	[smem:$0x3FB9] =	sst s10  }
0x38: {  	s10 =	sld [smem:$0x3FBA]  }
0x39: {  	_ = 	snop;
	(pc) =	sbr.ind lr, $3  }
0x3a: {  	_ = 	snop  }
0x3b: {  	_ = 	snop  }
0x3c: {  	p2 =	seq.s32 s10, $0x1;
	s10 =	sld [smem:$0x3FB9]  }
0x3d: {  	_ =	shalt  }
0x3e: {  	_ =	shalt  }
0x3f: {  	_ =	shalt  }
0x40: {  	_ =	shalt  }
0x41: {  	_ =	shalt  }
0x42: {  	_ =	shalt  }
0x43: {  	_ =	shalt  }
0x44: {  	_ =	shalt  }
0x45: {  	_ =	shalt  }
0x46: {  	_ =	shalt  }
0x47: {  	_ =	shalt  }
0x48: {  	_ =	shalt  }
0x49: {  	_ =	shalt  }
0x4a: {  	_ =	shalt  }
0x4b: {  	_ =	shalt  }
0x4c: {  	_ =	shalt  }
0x4d: {  	_ =	shalt  }
0x4e: {  	_ =	shalt  }
0x4f: {  	_ =	shalt  }
0x50: {  	_ =	shalt  }
0x51: {  	_ =	shalt  }
0x52: {  	_ =	shalt  }
0x53: {  	_ =	shalt  }
0x54: {  	_ =	shalt  }
0x55: {  	_ =	shalt  }
0x56: {  	_ =	shalt  }
0x57: {  	_ =	shalt  }
0x58: {  	_ =	shalt  }
0x59: {  	_ =	shalt  }
0x5a: {  	_ =	shalt  }
0x5b: {  	_ =	shalt  }
0x5c: {  	_ =	shalt  }
0x5d: {  	_ =	shalt  }
0x5e: {  	_ =	shalt  }
0x5f: {  	_ =	shalt  }
0x60: {  	_ =	shalt  }
0x61: {  	_ =	shalt  }
0x62: {  	_ =	shalt  }
0x63: {  	_ =	shalt  }
0x64: {  	_ =	shalt  }
0x65: {  	_ =	shalt  }
0x66: {  	_ =	shalt  }
0x67: {  	_ =	shalt  }
0x68: {  	_ =	shalt  }
0x69: {  	_ =	shalt  }
0x6a: {  	_ =	shalt  }
0x6b: {  	_ =	shalt  }
0x6c: {  	_ =	shalt  }
0x6d: {  	_ =	shalt  }
0x6e: {  	_ =	shalt  }
0x6f: {  	_ =	shalt  }
0x70: {  	_ =	shalt  }
0x71: {  	_ =	shalt  }
0x72: {  	_ =	shalt  }
0x73: {  	_ =	shalt  }
0x74: {  	_ =	shalt  }
0x75: {  	_ =	shalt  }
0x76: {  	_ =	shalt  }
0x77: {  	_ =	shalt  }
0x78: {  	_ =	shalt  }
0x79: {  	_ =	shalt  }
0x7a: {  	_ =	shalt  }
0x7b: {  	_ =	shalt  }
0x7c: {  	_ =	shalt  }
0x7d: {  	_ =	shalt  }
0x7e: {  	_ =	shalt  }
0x7f: {  	_ =	shalt  }
0x80: {  	_ =	shalt  }
0x81: {  	_ =	shalt  }
0x82: {  	_ =	shalt  }
0x83: {  	_ =	shalt  }
0x84: {  	_ =	shalt  }
0x85: {  	_ =	shalt  }
0x86: {  	_ =	shalt  }
0x87: {  	_ =	shalt  }
.Lfunc_end0:
.L_simem_size_0:
called_computation.1_lowered:
.L_overlay_start_0:
0x88: {  	s2 =	sld [smem:$0x3FD9]  }
0x89: {  	s3 =	sld [smem:$0x3FFE];
	_ =	sdelay $0x1  }
0x8a: {  	s1 =	srdreg.scid  }
0x8b: {  	s0 =	sand.u32 $0x1, s1  }
0x8c: {  	s17 =	sshll.u32 s0, $0xA;
	s2 =	sadd.s32 s3, s2  }
0x8d: {  	s2 =	sadd.s32 s2, s17  }
0x8e: {  	[smem:$0x3FC5] =	sst s2  }
0x8f: {  	_ = 	snop  }
0x90: {  	s2 =	sld [smem:$0x3FD0];
	(tm) =	ssettm $0x1  }
0x91: {  	s18 =	sld [smem:$0x3FFB];
	_ =	sdelay $0x3  }
0x92: {  	_ =	strace s18  }
0x93: {  	s3 =	sld [smem:$0x3FFC];
	_ =	sdelay $0x3  }
0x94: {  	_ =	strace s3  }
0x95: {  	s3 =	sld [smem:$0x3FFD];
	_ =	sdelay $0x3  }
0x96: {  	_ =	strace s3  }
0x97: {  	_ =	strace $0x8FFFFFFF  }
0x98: {  	s19 =	sld [smem:$0x3FDB];
	_ =	sdelay $0x1  }
0x99: {  	s4 =	simm.s32 $_scs_section_size  }
0x9a: {  	s5 =	simm.s32 $_size__tile_overlayer_lowered;
	s6 =	simm.s32 $_tile_overlayer_lowered  }
0x9b: {  	s22 =	simm.s32 $0x1BFF;
	s21 =	sshll.u32 s6, $0x1;
	s3 =	sadd.s32 s4, s19  }
0x9c: {  	s7 =	simm.s32 $0x0;
	s20 =	sshll.u32 s5, $0x1;
	s5 =	sadd.s32 s21, s3  }
0x9d: {  	[timem:s7], [sflag:s22] =	dma.local [hbm:s5], s20  }
0x9e: {  	_ =	swait.ge [sflag:s22], s20  }
0x9f: {  	s4 =	ssub.s32 $0x0, s20;
	[sflag:s22] =	ssyncset.done $0x0  }
0xa0: {  	[sflag:s22] =	ssyncadd.s32 s4;
	_ =	sdelay $0x1  }
0xa1: {  	s23 =	simm.s32 $0x1B8B  }
0xa2: {  	_ =	swait.ge [sflag:s23], $0x1  }
0xa3: {  	[sflag:s23] =	ssyncset.done $0x0  }
0xa4: {  	s25 =	simm.s32 $0x1B8E;
	s24 =	sld [smem:$0x3FFE];
	[sflag:s23] =	ssyncadd.s32 $0xFFFFFFFF  }
0xa5: {  	s26 =	simm.s32 $execute0_lowered;
	[smem:$0x3FD2] =	sst s25  }
0xa6: {  	s5 =	sshll.u32 s26, $0x1;
	_ =	strace $0x80000049;
	[dreg:$0x1] =	wrdreg $0xFFFFFFFF  }
0xa7: {  	s28 =	simm.s32 $_size_execute0_lowered;
	s3 =	sadd.s32 s3, s5;
	[dreg:$0x0] =	wrdreg $0x0  }
0xa8: {  	s5 =	sshll.u32 s28, $0x1;
	[dreg:$0x2] =	wrdreg s3  }
0xa9: {  	[dreg:$0x3] =	wrdreg s5  }
0xaa: {  	[dreg:$0x4] =	wrdreg $0xC0  }
0xab: {  	_ =	task [dreg:s7], $0x5FFFF  }
0xac: {  	[dreg:$0x1] =	wrdreg $0xFFFFFFFF  }
0xad: {  	[dreg:$0x0] =	wrdreg $0x60  }
0xae: {  	[dreg:$0x2] =	wrdreg s24  }
0xaf: {  	[dreg:$0x3] =	wrdreg s2  }
0xb0: {  	[dreg:$0x4] =	wrdreg $0x9  }
0xb1: {  	_ =	task.clear_ibuf [dreg:s7], $0x5FFFF;
	_ =	strace $0x90000049  }
0xb2: {  	s29 =	simm.s32 $0x9;
	_ =	strace $0x8000004B  }
0xb3: {  	_ =	swait.ge [sflag:s29], $0x1  }
0xb4: {  	[sflag:s29] =	ssyncadd.s32 $0xFFFFFFFF  }
0xb5: {  	_ =	strace $0x9000004B  }
0xb6: {  	_ =	sfence  }
0xb7: {  	s30 =	sld [smem:$0x0];
	_ =	sdelay $0x2  }
0xb8: {  	s31 =	sshll.u32 s1, $0xD;
	s1 =	sshrl.u32 s1, $0x2  }
0xb9: {  	s3 =	sand.u32 $0x4000, s31;
	s1 =	sadd.s32 s1, s30  }
0xba: {  	s0 =	sor.u32 s3, s0;
	s1 =	sshll.u32 s1, $0x11  }
0xbb: {  	s0 =	sor.u32 s1, s0  }
0xbc: {  	s0 =	sadd.s32 $0x8F2B, s0  }
0xbd: {  	[sflag:s0] =	ssyncadd.remote.s32 $0x1  }
0xbe: {  	_ =	sfence.sel $0xFFFF  }
0xbf: {  	[dreg:$0x0] =	wrdreg $0xFFFFFFFF;
	(pc) =	sbr.abs _section_cstart, $3  }
0xc0: {  	[dreg:$0x1] =	wrdreg $0xFFFFFFFF  }
0xc1: {  	_ =	task.clear_ibuf [dreg:s7], $0x2FFFF;
	_ =	strace $0x9FFFFFFF  }
0xc2: {  	(tm) =	ssettm $0x7FFFFFFF  }
0xc3: {  	_ =	shalt  }
tec
execute0_lowered:
.L_overlay_start_1:
0x0: {  	(tag) =	ssettag $0x1  }
0x1: {  	v0 =	vlaneseq.u32  }
0x2: {  	s0 =	rddreg [dreg:$0x0];
	s3 =	simm.s32 $0x0;
	v9 =	vmul.u32 $0x40, v0  }
0x3: {  	[smem:$0x7FF] =	sst s3;
	v59 =	vmul.u32 $0x88, v0  }
0x4: {  	s8 =	rddreg [dreg:$0x1];
	_ =	strace $0x8000004A;
	[tilespmem:$0x1FDC0] =	vst v9  }
0x5: {  	v1 =	vor.u32 $0x5, v9;
	[tilespmem:$0x1FFE0] =	vst v59  }
0x6: {  	v19 =	vor.u32 $0x7, v9;
	[tilespmem:$0x1FC90] =	vst v1  }
0x7: {  	v20 =	vor.u32 $0x800, v9;
	[tilespmem:$0x1FCA0] =	vst v19  }
0x8: {  	v21 =	vor.u32 $0x801, v9;
	[tilespmem:$0x1FCB0] =	vst v20  }
0x9: {  	v22 =	vor.u32 $0xC00, v9;
	[tilespmem:$0x1FCC0] =	vst v21  }
0xa: {  	v23 =	vor.u32 $0xC01, v9;
	[tilespmem:$0x1FCD0] =	vst v22  }
0xb: {  	v24 =	vor.u32 $0x1000, v9;
	[tilespmem:$0x1FCE0] =	vst v23  }
0xc: {  	v25 =	vor.u32 $0x1001, v9;
	[tilespmem:$0x1FCF0] =	vst v24  }
0xd: {  	v26 =	vor.u32 $0x1400, v9;
	[tilespmem:$0x1FD00] =	vst v25  }
0xe: {  	v27 =	vor.u32 $0x1402, v9;
	[tilespmem:$0x1FD10] =	vst v26  }
0xf: {  	v28 =	vor.u32 $0x1403, v9;
	[tilespmem:$0x1FD20] =	vst v27  }
0x10: {  	v29 =	vor.u32 $0x1404, v9;
	[tilespmem:$0x1FD30] =	vst v28  }
0x11: {  	v30 =	vor.u32 $0x1405, v9;
	[tilespmem:$0x1FD40] =	vst v29  }
0x12: {  	v32 =	vor.u32 $0x1406, v9;
	[tilespmem:$0x1FD50] =	vst v30  }
0x13: {  	v33 =	vadd.s32 $0x1100, v59;
	[tilespmem:$0x1FD60] =	vst v32  }
0x14: {  	v34 =	vadd.s32 $0x1980, v59;
	[tilespmem:$0x1FD70] =	vst v33  }
0x15: {  	v35 =	vor.u32 $0x1, v59;
	[tilespmem:$0x1FD80] =	vst v34  }
0x16: {  	v36 =	vadd.s32 $0x881, v59;
	[tilespmem:$0x1FD90] =	vst v35  }
0x17: {  	v37 =	vadd.s32 $0x1101, v59;
	[tilespmem:$0x1FDA0] =	vst v36  }
0x18: {  	v2 =	vor.u32 $0x1, v9;
	[tilespmem:$0x1FDB0] =	vst v37  }
0x19: {  	v8 =	vor.u32 $0x2, v9;
	[tilespmem:$0x1FDD0] =	vst v2  }
0x1a: {  	v3 =	vor.u32 $0x3, v9;
	[tilespmem:$0x1FDE0] =	vst v8  }
0x1b: {  	v4 =	vor.u32 $0x4, v9;
	[tilespmem:$0x1FDF0] =	vst v3  }
0x1c: {  	v7 =	vor.u32 $0x6, v9;
	[tilespmem:$0x1FE00] =	vst v4  }
0x1d: {  	v44 =	vor.u32 $0x400, v9;
	[tilespmem:$0x1FE10] =	vst v7  }
0x1e: {  	v61 =	vor.u32 $0x401, v9;
	[tilespmem:$0x1FE20] =	vst v44  }
0x1f: {  	v55 =	vor.u32 $0x402, v9;
	[tilespmem:$0x1FE30] =	vst v61  }
0x20: {  	v52 =	vor.u32 $0x403, v9;
	[tilespmem:$0x1FE40] =	vst v55  }
0x21: {  	v54 =	vor.u32 $0x404, v9;
	[tilespmem:$0x1FE50] =	vst v52  }
0x22: {  	v46 =	vor.u32 $0x407, v9;
	[tilespmem:$0x1FE60] =	vst v54  }
0x23: {  	v38 =	vor.u32 $0xC06, v9;
	[tilespmem:$0x1FE70] =	vst v46  }
0x24: {  	v39 =	vor.u32 $0x1002, v9;
	[tilespmem:$0x1FE80] =	vst v38  }
0x25: {  	v40 =	vor.u32 $0x1003, v9;
	[tilespmem:$0x1FE90] =	vst v39  }
0x26: {  	v5 =	vor.u32 $0x1004, v9;
	[tilespmem:$0x1FEA0] =	vst v40  }
0x27: {  	v41 =	vor.u32 $0x1005, v9;
	[tilespmem:$0x1FEB0] =	vst v5  }
0x28: {  	v42 =	vor.u32 $0x1006, v9;
	[tilespmem:$0x1FEC0] =	vst v41  }
0x29: {  	s1 =	srdreg.scid;
	v6 =	vor.u32 $0x1007, v9;
	[tilespmem:$0x1FED0] =	vst v42  }
0x2a: {  	s2 =	stileid.u32;
	s9 =	simm.s32 $0x10200;
	s29 =	simm.s32 $0x12200;
	v10 =	vor.u32 $0x1407, v9;
	[tilespmem:$0x1FEE0] =	vst v6  }
0x2b: {  	s30 =	simm.s32 $0x3;
	s10 =	simm.s32 $0x16400;
	s11 =	simm.s32 $0x0;
	v11 =	vor.u32 $0x405, v9;
	[tilespmem:$0x1FEF0] =	vst v10  }
0x2c: {  	s4 =	sadd.s32 $0xF43000, s0;
	s1 =	sand.u32 $0x1, s1;
	s2 =	sshll.u32 s2, $0x1;
	v12 =	vor.u32 $0x406, v9;
	[tilespmem:$0x1FF00] =	vst v11  }
0x2d: {  	s5 =	sadd.s32 $0xF5E000, s0;
	s0 =	sadd.s32 $0xF5C000, s0;
	s25 =	sadd.s32 $0x1000, s8;
	v45 =	vor.u32 $0x802, v9;
	[tilespmem:$0x1FF10] =	vst v12  }
0x2e: {  	s26 =	sadd.s32 $0x2000, s8;
	s31 =	sadd.s32 $0x3000, s8;
	s15 =	sadd.s32 $0x4000, s8;
	v48 =	vor.u32 $0x803, v9;
	[tilespmem:$0x1FF20] =	vst v45  }
0x2f: {  	s16 =	sadd.s32 $0x5000, s8;
	s17 =	sadd.s32 $0x6000, s8;
	[dreg:$0x3] =	wrdreg s0;
	v50 =	vor.u32 $0x804, v9;
	[tilespmem:$0x1FF30] =	vst v48  }
0x30: {  	s18 =	sadd.s32 $0x7000, s8;
	s19 =	sadd.s32 $0x8000, s8;
	[dreg:$0x8] =	wrdreg s25;
	v53 =	vor.u32 $0x805, v9;
	[tilespmem:$0x1FF40] =	vst v50  }
0x31: {  	s20 =	sadd.s32 $0x9000, s8;
	s28 =	sadd.s32 $0xF000, s8;
	[dreg:$0x9] =	wrdreg s26;
	v56 =	vor.u32 $0x806, v9;
	[tilespmem:$0x1FF50] =	vst v53  }
0x32: {  	s6 =	ssub.s32 $0x2, s1;
	s1 =	sor.u32 s1, s2;
	[dreg:$0xa] =	wrdreg s31;
	v57 =	vor.u32 $0x807, v9;
	[tilespmem:$0x1FF60] =	vst v56  }
0x33: {  	s26 =	sadd.s32 $0xE000, s8;
	s25 =	simm.s32 $0x2;
	s21 =	sshrl.u32 s6, $0x1;
	v43 =	vor.u32 $0xC02, v9;
	[tilespmem:$0x1FF70] =	vst v57  }
0x34: {  	s2 =	sshll.u32 s1, $0x4;
	s7 =	sshll.u32 s1, $0x7;
	v60 =	vor.u32 $0xC03, v9;
	s0 =	ssub.s32 s6, s21;
	[tilespmem:$0x1FF80] =	vst v43  }
0x35: {  	v62 =	vor.u32 $0xC04, v9;
	s22 =	sadd.s32 s4, s2;
	s23 =	sor.u32 $0x2000, s7;
	s24 =	sor.u32 $0x3000, s7;
	[tilespmem:$0x1FF90] =	vst v60  }
.Ltmp0:
0x36: {  	v63 =	vor.u32 $0xC05, v9;
	s21 =	sadd.s32 $0xA000, s8;
	[tilespmem:$0x1FFA0] =	vst v62;
	[dreg:$0x4] =	wrdreg s22;
	(pc) =	sbr.rel .LBB2_1-.Ltmp0, $4  }
0x37: {  	v51 =	vor.u32 $0xC07, v9;
	s6 =	simm.s32 $0x14200;
	[tilespmem:$0x1FFB0] =	vst v63;
	s1 =	sadd.s32 $0x200, s22;
	[dreg:$0x6] =	wrdreg s23  }
0x38: {  	v47 =	vor.u32 $0x1401, v9;
	[tilespmem:$0x1FFC0] =	vst v51;
	[dreg:$0x7] =	wrdreg s24;
	s22 =	sadd.s32 $0xB000, s8;
	s23 =	sadd.s32 $0xC000, s8  }
0x39: {  	v31 =	vimm.s32 $0x0;
	vm0 =	vcmask $0x300;
	v58 =	vadd.s32 $0x880, v59;
	[tilespmem:$0x1FFD0] =	vst v47;
	s24 =	sadd.s32 $0xD000, s8;
	s0 =	smax.u32 s0, $0x1;
	[dreg:$0x5] =	wrdreg s1  }
0x3a: {  	v49 =	vsel vm0, $0x3, v31;
	[tilespmem:$0x1FFF0] =	vst v58;
	s8 =	simm.s32 $0x5;
	[dreg:$0xb] =	wrdreg s0;
	s1 =	simm.s32 $0x4  }
.LBB2_76:
0x3b: {  	_ =	swait.ge [sflag:s8], $0x400  }
0x3c: {  	[sflag:s8] =	ssyncset.done $0x0  }
0x3d: {  	[sflag:s8] =	ssyncadd.s32 $0xFFFFFC00  }
0x3e: {  	_ =	swait.ge [sflag:s8], $0x400  }
0x3f: {  	[sflag:s8] =	ssyncset.done $0x0  }
0x40: {  	[sflag:s8] =	ssyncadd.s32 $0xFFFFFC00  }
0x41: {  	_ =	swait.ge [sflag:s8], $0x400  }
0x42: {  	[sflag:s8] =	ssyncset.done $0x0  }
0x43: {  	[sflag:s8] =	ssyncadd.s32 $0xFFFFFC00  }
0x44: {  	_ =	swait.ge [sflag:s8], $0x400  }
0x45: {  	[sflag:s8] =	ssyncset.done $0x0  }
0x46: {  	[sflag:s8] =	ssyncadd.s32 $0xFFFFFC00  }
0x47: {  	_ =	swait.ge [sflag:s8], $0x400  }
0x48: {  	[sflag:s8] =	ssyncset.done $0x0  }
0x49: {  	[sflag:s8] =	ssyncadd.s32 $0xFFFFFC00  }
0x4a: {  	_ =	swait.ge [sflag:s8], $0x400  }
0x4b: {  	[sflag:s8] =	ssyncset.done $0x0  }
0x4c: {  	[sflag:s8] =	ssyncadd.s32 $0xFFFFFC00  }
0x4d: {  	_ =	swait.ge [sflag:s8], $0x400  }
0x4e: {  	[sflag:s8] =	ssyncset.done $0x0  }
0x4f: {  	[sflag:s8] =	ssyncadd.s32 $0xFFFFFC00  }
0x50: {  	_ =	swait.ge [sflag:s8], $0x400  }
0x51: {  	[sflag:s8] =	ssyncset.done $0x0  }
0x52: {  	s2 =	simm.s32 $0x6;
	[sflag:s8] =	ssyncadd.s32 $0xFFFFFC00  }
0x53: {  	_ =	swait.ge [sflag:s2], $0x400  }
0x54: {  	[sflag:s2] =	ssyncset.done $0x0  }
0x55: {  	[sflag:s2] =	ssyncadd.s32 $0xFFFFFC00  }
0x56: {  	_ =	swait.ge [sflag:s2], $0x400  }
0x57: {  	[sflag:s2] =	ssyncset.done $0x0  }
0x58: {  	[sflag:s2] =	ssyncadd.s32 $0xFFFFFC00  }
0x59: {  	_ =	swait.ge [sflag:s2], $0x400  }
0x5a: {  	[sflag:s2] =	ssyncset.done $0x0  }
0x5b: {  	[sflag:s2] =	ssyncadd.s32 $0xFFFFFC00  }
0x5c: {  	_ =	swait.ge [sflag:s2], $0x400  }
0x5d: {  	[sflag:s2] =	ssyncset.done $0x0  }
0x5e: {  	[sflag:s2] =	ssyncadd.s32 $0xFFFFFC00  }
0x5f: {  	_ =	swait.ge [sflag:s2], $0x400  }
0x60: {  	[sflag:s2] =	ssyncset.done $0x0  }
0x61: {  	[sflag:s2] =	ssyncadd.s32 $0xFFFFFC00  }
0x62: {  	_ =	swait.ge [sflag:s2], $0x400  }
0x63: {  	[sflag:s2] =	ssyncset.done $0x0  }
0x64: {  	[sflag:s2] =	ssyncadd.s32 $0xFFFFFC00  }
0x65: {  	_ =	swait.ge [sflag:s2], $0x400  }
0x66: {  	[sflag:s2] =	ssyncset.done $0x0  }
0x67: {  	[sflag:s2] =	ssyncadd.s32 $0xFFFFFC00  }
0x68: {  	_ =	swait.ge [sflag:s2], $0x400  }
0x69: {  	v45 =	vld [tilespmem:$0x1FF20]  }
0x6a: {  	v48 =	vld [tilespmem:$0x1FF30]  }
0x6b: {  	v50 =	vld [tilespmem:$0x1FF40]  }
0x6c: {  	v53 =	vld [tilespmem:$0x1FF50]  }
0x6d: {  	v56 =	vld [tilespmem:$0x1FF60]  }
0x6e: {  	v57 =	vld [tilespmem:$0x1FF70]  }
0x6f: {  	v62 =	vld [tilespmem:$0x1FFA0]  }
0x70: {  	v63 =	vld [tilespmem:$0x1FFB0]  }
0x71: {  	v38 =	vld [tilespmem:$0x1FE80]  }
0x72: {  	v39 =	vld [tilespmem:$0x1FE90]  }
0x73: {  	v40 =	vld [tilespmem:$0x1FEA0]  }
0x74: {  	s11 =	rddreg [dreg:$0xc];
	v41 =	vld [tilespmem:$0x1FEC0]  }
0x75: {  	s0 =	rddreg [dreg:$0xb];
	v42 =	vld [tilespmem:$0x1FED0];
	s11 =	sadd.s32 $0x1, s11  }
0x76: {  	v43 =	vld [tilespmem:$0x1FF80];
	p0 =	sne.s32 s11, s0  }
.Ltmp1:
0x77: {  	v61 =	vld [tilespmem:$0x1FE30];
	(pc) =	sbr.rel @!p0 .LBB2_77-.Ltmp1, $4  }
0x78: {  	v44 =	vld [tilespmem:$0x1FE20]  }
0x79: {  	v46 =	vld [tilespmem:$0x1FE70]  }
0x7a: {  	[sflag:s2] =	ssyncset.done $0x0;
	v51 =	vld [tilespmem:$0x1FFC0]  }
0x7b: {  	v52 =	vld [tilespmem:$0x1FE50];
	[sflag:s2] =	ssyncadd.s32 $0xFFFFFC00  }
.LBB2_1:
0x7c: {  	[dreg:$0xc] =	wrdreg s11  }
0x7d: {  	s0 =	rddreg [dreg:$0x3];
	s11 =	simm.s32 $0x7  }
0x7e: {  	[tilespmem:s3], [sflag:$0x7] =	stream.linear.gather [hbm4b:s0+s3], $0x10000, $0x38;
	[tilespmem:$0x18600] =	vst v63  }
0x7f: {  	_ =	swait.ge [sflag:s11], $0x10000  }
0x80: {  	[sflag:s11] =	ssyncset.done $0x0  }
0x81: {  	s2 =	simm.s32 $0x10000;
	s12 =	rddreg [dreg:$0x4];
	[sflag:s11] =	ssyncadd.s32 $0xFFFF0000  }
0x82: {  	[tilespmem:s2], [sflag:$0x1] =	stream.linear.gather [hbm4b:s12+s3], $0x80, $0x38;
	[tilespmem:$0x18600] =	vst v63  }
0x83: {  	s14 =	simm.s32 $0x10080;
	s13 =	rddreg [dreg:$0x5];
	s11 =	simm.s32 $0x1  }
0x84: {  	[tilespmem:s14], [sflag:$0x2] =	stream.linear.gather [hbm4b:s13+s3], $0x80, $0x38;
	[tilespmem:$0x18600] =	vst v63  }
0x85: {  	_ =	swait.ge [sflag:s11], $0x80  }
0x86: {  	[sflag:s11] =	ssyncset.done $0x0  }
0x87: {  	[sflag:s11] =	ssyncadd.s32 $0xFFFFFF80  }
0x88: {  	v0 =	vld [tilespmem:$0x10000]  }
0x89: {  	v1 =	vld [tilespmem:$0x10010]  }
0x8a: {  	v2 =	vld [tilespmem:$0x10020]  }
0x8b: {  	v3 =	vld [tilespmem:$0x10030]  }
0x8c: {  	v4 =	vld [tilespmem:$0x10040]  }
0x8d: {  	v5 =	vld [tilespmem:$0x10050]  }
0x8e: {  	v6 =	vld [tilespmem:$0x10060];
	vm0 =	vgt.s32 v0, $0xF423F;
	vm1 =	vgt.s32 v1, $0xF423F  }
0x8f: {  	v7 =	vld [tilespmem:$0x10070];
	vm14 =	vgt.s32 v2, $0xF423F;
	vm0 =	vmor vm0, vm1  }
0x90: {  	vm15 =	vgt.s32 v3, $0xF423F;
	vm0 =	vmor vm0, vm14  }
0x91: {  	vm4 =	vgt.s32 v4, $0xF423F;
	vm0 =	vmor vm0, vm15  }
0x92: {  	vm5 =	vgt.s32 v5, $0xF423F;
	vm0 =	vmor vm0, vm4  }
0x93: {  	vm6 =	vgt.s32 v6, $0xF423F;
	vm0 =	vmor vm0, vm5  }
0x94: {  	vm7 =	vgt.s32 v7, $0xF423F;
	vm0 =	vmor vm0, vm6  }
0x95: {  	vm0 =	vmor vm0, vm7  }
0x96: {  	v8 =	vmpcnt.ones.xlane vm0;
	_ =	sdelay $0x1  }
0x97: {  	(v2sf) =	vpush v8, $0x0;
	_ =	sdelay $0x3  }
0x98: {  	vm8 =	vlt.s32 v0, $0xF4240;
	v0 =	vshll.u32 v0, $0x1  }
0x99: {  	vm9 =	vlt.s32 v1, $0xF4240;
	v1 =	vshll.u32 v1, $0x1;
	v0 =	vnsel vm8, $0x0, v0  }
0x9a: {  	vm10 =	vlt.s32 v2, $0xF4240;
	v27 =	vshll.u32 v2, $0x1;
	v26 =	vnsel vm9, $0x0, v1;
	[tilespmem:$0x10100] =	vst v0  }
0x9b: {  	vm11 =	vlt.s32 v3, $0xF4240;
	v29 =	vshll.u32 v3, $0x1;
	v28 =	vnsel vm10, $0x0, v27;
	[tilespmem:$0x10110] =	vst v26  }
0x9c: {  	vm12 =	vlt.s32 v4, $0xF4240;
	v31 =	vshll.u32 v4, $0x1;
	v30 =	vnsel vm11, $0x0, v29;
	[tilespmem:$0x10120] =	vst v28  }
0x9d: {  	vm13 =	vlt.s32 v5, $0xF4240;
	v33 =	vshll.u32 v5, $0x1;
	v32 =	vnsel vm12, $0x0, v31;
	[tilespmem:$0x10130] =	vst v30  }
0x9e: {  	v35 =	vshll.u32 v6, $0x1;
	v34 =	vnsel vm13, $0x0, v33;
	[tilespmem:$0x10140] =	vst v32;
	vm14 =	vlt.s32 v6, $0xF4240  }
0x9f: {  	v37 =	vshll.u32 v7, $0x1;
	[tilespmem:$0x10150] =	vst v34;
	v36 =	vnsel vm14, $0x0, v35;
	vm15 =	vlt.s32 v7, $0xF4240  }
0xa0: {  	[tilespmem:$0x10160] =	vst v36;
	v47 =	vnsel vm15, $0x0, v37  }
0xa1: {  	s12 =	simm.s32 $0x80;
	s13 =	simm.s32 $0x10100;
	[tilespmem:$0x10170] =	vst v47  }
0xa2: {  	[tilespmem:s9], [sflag:$0x3] =	stream.indirect.gather [hbm4b:s5+s12], $0x40, s13, s12, $0xb8;
	[tilespmem:$0x18600] =	vst v63  }
0xa3: {  	s14 =	spop (v2sf)  }
0xa4: {  	s31 =	simm.s32 $0x0;
	[smem:$0x0] =	sst s14  }
.LBB2_2:
0xa5: {  	_ =	swait.ge [sflag:s25], $0x80  }
0xa6: {  	[sflag:s25] =	ssyncset.done $0x0  }
0xa7: {  	[sflag:s25] =	ssyncadd.s32 $0xFFFFFF80  }
0xa8: {  	v0 =	vld [tilespmem:$0x10080]  }
0xa9: {  	v1 =	vld [tilespmem:$0x10090]  }
0xaa: {  	v2 =	vld [tilespmem:$0x100A0]  }
0xab: {  	v3 =	vld [tilespmem:$0x100B0]  }
0xac: {  	v4 =	vld [tilespmem:$0x100C0]  }
0xad: {  	v5 =	vld [tilespmem:$0x100D0]  }
0xae: {  	v6 =	vld [tilespmem:$0x100E0];
	vm0 =	vgt.s32 v0, $0xF423F;
	vm1 =	vgt.s32 v1, $0xF423F  }
0xaf: {  	v7 =	vld [tilespmem:$0x100F0];
	vm14 =	vgt.s32 v2, $0xF423F;
	vm0 =	vmor vm0, vm1  }
0xb0: {  	vm15 =	vgt.s32 v3, $0xF423F;
	vm0 =	vmor vm0, vm14  }
0xb1: {  	vm4 =	vgt.s32 v4, $0xF423F;
	vm0 =	vmor vm0, vm15  }
0xb2: {  	vm5 =	vgt.s32 v5, $0xF423F;
	vm0 =	vmor vm0, vm4  }
0xb3: {  	vm6 =	vgt.s32 v6, $0xF423F;
	vm0 =	vmor vm0, vm5  }
0xb4: {  	vm7 =	vgt.s32 v7, $0xF423F;
	vm0 =	vmor vm0, vm6  }
0xb5: {  	vm0 =	vmor vm0, vm7  }
0xb6: {  	v8 =	vmpcnt.ones.xlane vm0;
	_ =	sdelay $0x1  }
0xb7: {  	(v2sf) =	vpush v8, $0x0;
	_ =	sdelay $0x6  }
0xb8: {  	vm8 =	vlt.s32 v0, $0xF4240;
	v0 =	vshll.u32 v0, $0x1  }
0xb9: {  	vm9 =	vlt.s32 v1, $0xF4240;
	v1 =	vshll.u32 v1, $0x1;
	v0 =	vnsel vm8, $0x0, v0  }
0xba: {  	vm10 =	vlt.s32 v2, $0xF4240;
	v27 =	vshll.u32 v2, $0x1;
	v26 =	vnsel vm9, $0x0, v1;
	[tilespmem:$0x10180] =	vst v0  }
0xbb: {  	vm11 =	vlt.s32 v3, $0xF4240;
	v29 =	vshll.u32 v3, $0x1;
	v28 =	vnsel vm10, $0x0, v27;
	[tilespmem:$0x10190] =	vst v26  }
0xbc: {  	vm12 =	vlt.s32 v4, $0xF4240;
	v31 =	vshll.u32 v4, $0x1;
	v30 =	vnsel vm11, $0x0, v29;
	[tilespmem:$0x101A0] =	vst v28  }
0xbd: {  	vm13 =	vlt.s32 v5, $0xF4240;
	v33 =	vshll.u32 v5, $0x1;
	v32 =	vnsel vm12, $0x0, v31;
	[tilespmem:$0x101B0] =	vst v30  }
0xbe: {  	v35 =	vshll.u32 v6, $0x1;
	v34 =	vnsel vm13, $0x0, v33;
	[tilespmem:$0x101C0] =	vst v32;
	vm14 =	vlt.s32 v6, $0xF4240  }
0xbf: {  	v37 =	vshll.u32 v7, $0x1;
	[tilespmem:$0x101D0] =	vst v34;
	v36 =	vnsel vm14, $0x0, v35;
	vm15 =	vlt.s32 v7, $0xF4240  }
0xc0: {  	p0 =	seq.s32 s31, $0x0;
	[tilespmem:$0x101E0] =	vst v36;
	v47 =	vnsel vm15, $0x0, v37;
	s0 =	spop (v2sf)  }
0xc1: {  	[tilespmem:$0x101F0] =	vst v47;
	[smem:$0x8] =	sst s0;
	s0 =	simm.s32 @!p0 $0x6  }
0xc2: {  	_ =	swait.ge @!p0 [sflag:s0], $0x400  }
0xc3: {  	[sflag:s0] =	ssyncset.done @!p0 $0x0  }
0xc4: {  	[sflag:s0] =	ssyncadd.s32 @!p0 $0xFFFFFC00  }
0xc5: {  	_ =	swait.ge @!p0 [sflag:s0], $0x400  }
0xc6: {  	[sflag:s0] =	ssyncset.done @!p0 $0x0  }
0xc7: {  	[sflag:s0] =	ssyncadd.s32 @!p0 $0xFFFFFC00  }
0xc8: {  	_ =	swait.ge @!p0 [sflag:s0], $0x400  }
0xc9: {  	[sflag:s0] =	ssyncset.done @!p0 $0x0  }
0xca: {  	[sflag:s0] =	ssyncadd.s32 @!p0 $0xFFFFFC00  }
0xcb: {  	_ =	swait.ge @!p0 [sflag:s0], $0x400  }
0xcc: {  	[sflag:s0] =	ssyncset.done @!p0 $0x0  }
0xcd: {  	[sflag:s0] =	ssyncadd.s32 @!p0 $0xFFFFFC00  }
0xce: {  	_ =	swait.ge @!p0 [sflag:s0], $0x400  }
0xcf: {  	[sflag:s0] =	ssyncset.done @!p0 $0x0  }
0xd0: {  	[sflag:s0] =	ssyncadd.s32 @!p0 $0xFFFFFC00  }
0xd1: {  	_ =	swait.ge @!p0 [sflag:s0], $0x400  }
0xd2: {  	[sflag:s0] =	ssyncset.done @!p0 $0x0  }
0xd3: {  	[sflag:s0] =	ssyncadd.s32 @!p0 $0xFFFFFC00  }
0xd4: {  	_ =	swait.ge @!p0 [sflag:s0], $0x400  }
0xd5: {  	[sflag:s0] =	ssyncset.done @!p0 $0x0  }
0xd6: {  	[sflag:s0] =	ssyncadd.s32 @!p0 $0xFFFFFC00  }
0xd7: {  	_ =	swait.ge @!p0 [sflag:s0], $0x400  }
0xd8: {  	[sflag:s0] =	ssyncset.done @!p0 $0x0  }
0xd9: {  	s13 =	simm.s32 $0x80;
	s2 =	simm.s32 $0x10180;
	[sflag:s0] =	ssyncadd.s32 @!p0 $0xFFFFFC00  }
0xda: {  	[tilespmem:s29], [sflag:$0x4] =	stream.indirect.gather [hbm4b:s5+s13], $0x40, s2, s13, $0xb8;
	[tilespmem:$0x18600] =	vst v63  }
0xdb: {  	_ =	swait.ge [sflag:s30], $0x2000  }
0xdc: {  	[sflag:s30] =	ssyncset.done $0x0  }
0xdd: {  	[sflag:s30] =	ssyncadd.s32 $0xFFFFE000  }
0xde: {  	s14 =	sld [smem:$0x0];
	_ =	sdelay $0x2  }
0xdf: {  	p0 =	slt.s32 s14, $0x1  }
.Ltmp2:
0xe0: {  	_ = 	snop;
	(pc) =	sbr.rel @p0 .LBB2_35-.Ltmp2, $1  }
0xe1: {  	_ =	sdelay $0x3  }
0xe2: {  	v0 =	vld [tilespmem:$0x10000];
	_ =	sdelay $0x4  }
0xe3: {  	vm0 =	vgt.s32 v0, $0xF423F  }
0xe4: {  	v1 =	vmpcnt.ones.xlane vm0;
	_ =	sdelay $0x1  }
0xe5: {  	(v2sf) =	vpush v1, $0x0;
	_ =	sdelay $0xe  }
0xe6: {  	s0 =	spop (v2sf)  }
0xe7: {  	p0 =	slt.s32 s0, $0x1  }
.Ltmp3:
0xe8: {  	_ = 	snop;
	(pc) =	sbr.rel @p0 .LBB2_7-.Ltmp3, $2  }
0xe9: {  	_ =	sdelay $0x2  }
0xea: {  	v47 =	vld [tilespmem:$0x1FCD0]  }
0xeb: {  	s0 =	simm.s32 $0x0  }
0xec: {  	v1 =	vmov s0  }
0xed: {  	vm1 =	vgt.s32 v0, $0xF4240;
	v1 =	vshrl.u32 v1, $0x3  }
0xee: {  	v51 =	vld [tilespmem:$0x1FDF0];
	v0 =	vnsel vm1, $0xF4240, v0;
	v1 =	vshll.u32 v1, $0x3  }
0xef: {  	v60 =	vld [tilespmem:$0x1FDC0];
	v0 =	vshll.u32 v0, $0x6;
	v14 =	vbroadcast v1, $0x0  }
0xf0: {  	v46 =	vld [tilespmem:$0x1FDD0];
	v1 =	vadd.s32 $0xFC2F7000, v0  }
0xf1: {  	v47 =	vld [tilespmem:$0x1FE00];
	v2 =	vadd.s32 $0xFC2F7007, v0;
	v3 =	vadd.s32 $0xFC2F7001, v0;
	v10 =	vor.u32 v1, v14  }
0xf2: {  	v43 =	vld [tilespmem:$0x1FCA0];
	v4 =	vadd.s32 $0xFC2F7002, v0;
	v6 =	vadd.s32 $0xFC2F7003, v0;
	v11 =	vor.u32 v14, v2  }
0xf3: {  	v61 =	vld [tilespmem:$0x1FC90];
	s0 =	simm.s32 $0x8;
	v5 =	vadd.s32 $0xFC2F7006, v0;
	v7 =	vadd.s32 $0xFC2F7004, v0;
	v15 =	vor.u32 v14, v3  }
0xf4: {  	v44 =	vld [tilespmem:$0x1FE10];
	v8 =	vadd.s32 $0xFC2F7005, v0;
	v0 =	vmov s0;
	v16 =	vor.u32 v14, v5  }
0xf5: {  	v59 =	vld [tilespmem:$0x1FDE0];
	v12 =	vshrl.u32 v0, $0x3;
	v21 =	vor.u32 v14, v8  }
0xf6: {  	v9 =	vor.u32 v14, v6;
	v24 =	vor.u32 v14, v7;
	v23 =	vor.u32 v14, v4;
	v30 =	vld.idx.msk [tilespmem:v10+s3+$0x0], $0xffff  }
0xf7: {  	v0 =	vor.u32 v51, v14;
	v31 =	vor.u32 v60, v14;
	v10 =	vshll.u32 v12, $0x3;
	v22 =	vld.idx.msk [tilespmem:v11+s3+$0x0], $0xffff  }
0xf8: {  	v13 =	vor.u32 v46, v14;
	v29 =	vor.u32 v43, v14;
	v18 =	vld.idx.msk [tilespmem:v15+s3+$0x0], $0xffff;
	v12 =	vbroadcast v10, $0x0  }
0xf9: {  	v20 =	vor.u32 v44, v14;
	v11 =	vor.u32 v47, v14;
	v15 =	vor.u32 v61, v14;
	v19 =	vld.idx.msk [tilespmem:v16+s3+$0x0], $0xffff  }
0xfa: {  	v21 =	vld.idx.msk [tilespmem:v21+s3+$0x0], $0xffff;
	v10 =	vor.u32 v59, v14;
	v27 =	vor.u32 v1, v12;
	v17 =	vor.u32 v12, v3  }
0xfb: {  	v23 =	vld.idx.msk [tilespmem:v23+s3+$0x0], $0xffff;
	v25 =	vor.u32 v12, v6;
	v26 =	vor.u32 v12, v7;
	v28 =	vor.u32 v12, v2  }
0xfc: {  	v24 =	vld.idx.msk [tilespmem:v24+s3+$0x0], $0xffff;
	v14 =	vor.u32 v12, v4;
	v16 =	vor.u32 v12, v8;
	[tilespmem:v31+s9+$0x0] =	vst.idx.msk vm0, v30  }
.LBB2_5:
0xfd: {  	v30 =	vor.u32 v12, v5;
	[tilespmem:v29+s9+$0x0] =	vst.idx.msk vm0, v22;
	v32 =	vmov v0  }
0xfe: {  	s0 =	sadd.s32 $0x8, s0;
	v31 =	vld.idx.msk [tilespmem:v9+s3+$0x0], $0xffff;
	v0 =	vor.u32 v51, v12;
	v33 =	vmovc v11;
	v34 =	vmovc v12;
	v9 =	vmov v25;
	v35 =	vmov v26  }
0xff: {  	v12 =	vmov s0;
	p0 =	slt.u32 s0, $0x38;
	v11 =	vor.u32 v47, v34;
	[tilespmem:v13+s9+$0x0] =	vst.idx.msk vm0, v18;
	v13 =	vor.u32 v46, v34  }
0x100: {  	v25 =	vor.u32 v59, v34;
	v12 =	vshrl.u32 v12, $0x3;
	v36 =	vld.idx.msk [tilespmem:v27+s3+$0x0], $0xffff;
	[tilespmem:v20+s9+$0x0] =	vst.idx.msk vm0, v19  }
0x101: {  	v37 =	vor.u32 v60, v34;
	v12 =	vshll.u32 v12, $0x3;
	v22 =	vld.idx.msk [tilespmem:v28+s3+$0x0], $0xffff;
	[tilespmem:v15+s9+$0x0] =	vst.idx.msk vm0, v21  }
.Ltmp4:
0x102: {  	v29 =	vor.u32 v43, v34;
	v12 =	vbroadcast v12, $0x0;
	v18 =	vld.idx.msk [tilespmem:v17+s3+$0x0], $0xffff;
	[tilespmem:v10+s9+$0x0] =	vst.idx.msk vm0, v23;
	v10 =	vmov v25;
	(pc) =	sbr.rel @p0 .LBB2_5-.Ltmp4, $4  }
0x103: {  	v20 =	vor.u32 v44, v34;
	v15 =	vor.u32 v61, v34;
	v19 =	vld.idx.msk [tilespmem:v30+s3+$0x0], $0xffff;
	[tilespmem:v33+s9+$0x0] =	vst.idx.msk vm0, v24  }
0x104: {  	v27 =	vor.u32 v1, v12;
	v17 =	vor.u32 v12, v3;
	v21 =	vld.idx.msk [tilespmem:v16+s3+$0x0], $0xffff;
	[tilespmem:v32+s9+$0x0] =	vst.idx.msk vm0, v31  }
0x105: {  	v25 =	vor.u32 v12, v6;
	v26 =	vor.u32 v12, v7;
	v28 =	vor.u32 v12, v2;
	v23 =	vld.idx.msk [tilespmem:v14+s3+$0x0], $0xffff  }
0x106: {  	v16 =	vor.u32 v12, v8;
	v14 =	vor.u32 v12, v4;
	[tilespmem:v37+s9+$0x0] =	vst.idx.msk vm0, v36;
	v24 =	vld.idx.msk [tilespmem:v35+s3+$0x0], $0xffff  }
0x107: {  	_ =	sdelay $0x4  }
0x108: {  	[tilespmem:v29+s9+$0x0] =	vst.idx.msk vm0, v22  }
0x109: {  	v2 =	vld.idx.msk [tilespmem:v9+s3+$0x0], $0xffff;
	[tilespmem:v13+s9+$0x0] =	vst.idx.msk vm0, v18  }
0x10a: {  	v3 =	vld.idx.msk [tilespmem:v27+s3+$0x0], $0xffff;
	v4 =	vor.u32 v60, v12;
	[tilespmem:v20+s9+$0x0] =	vst.idx.msk vm0, v19  }
0x10b: {  	v35 =	vld.idx.msk [tilespmem:v28+s3+$0x0], $0xffff;
	v6 =	vor.u32 v43, v12;
	[tilespmem:v15+s9+$0x0] =	vst.idx.msk vm0, v21  }
0x10c: {  	v1 =	vor.u32 v12, v5;
	v7 =	vor.u32 v46, v12;
	v8 =	vld.idx.msk [tilespmem:v17+s3+$0x0], $0xffff;
	[tilespmem:v10+s9+$0x0] =	vst.idx.msk vm0, v23  }
0x10d: {  	v37 =	vor.u32 v61, v12;
	v43 =	vld.idx.msk [tilespmem:v16+s3+$0x0], $0xffff;
	[tilespmem:v11+s9+$0x0] =	vst.idx.msk vm0, v24  }
0x10e: {  	v36 =	vor.u32 v44, v12;
	v44 =	vor.u32 v59, v12;
	v46 =	vld.idx.msk [tilespmem:v14+s3+$0x0], $0xffff;
	[tilespmem:v0+s9+$0x0] =	vst.idx.msk vm0, v2  }
0x10f: {  	v47 =	vor.u32 v47, v12;
	v59 =	vld.idx.msk [tilespmem:v26+s3+$0x0], $0xffff;
	[tilespmem:v4+s9+$0x0] =	vst.idx.msk vm0, v3  }
0x110: {  	v60 =	vor.u32 v51, v12;
	v61 =	vld.idx.msk [tilespmem:v25+s3+$0x0], $0xffff;
	[tilespmem:v6+s9+$0x0] =	vst.idx.msk vm0, v35  }
0x111: {  	v1 =	vld.idx.msk [tilespmem:v1+s3+$0x0], $0xffff;
	[tilespmem:v7+s9+$0x0] =	vst.idx.msk vm0, v8  }
0x112: {  	[tilespmem:v37+s9+$0x0] =	vst.idx.msk vm0, v43  }
0x113: {  	[tilespmem:v44+s9+$0x0] =	vst.idx.msk vm0, v46  }
0x114: {  	[tilespmem:v47+s9+$0x0] =	vst.idx.msk vm0, v59  }
0x115: {  	[tilespmem:v60+s9+$0x0] =	vst.idx.msk vm0, v61  }
0x116: {  	[tilespmem:v36+s9+$0x0] =	vst.idx.msk vm0, v1  }
0x117: {  	v51 =	vld [tilespmem:$0x1FFC0]  }
0x118: {  	v47 =	vld [tilespmem:$0x1FCD0]  }
0x119: {  	v46 =	vld [tilespmem:$0x1FE70]  }
0x11a: {  	v44 =	vld [tilespmem:$0x1FE20]  }
0x11b: {  	v60 =	vld [tilespmem:$0x1FF90]  }
0x11c: {  	v61 =	vld [tilespmem:$0x1FE30]  }
0x11d: {  	v43 =	vld [tilespmem:$0x1FF80]  }
0x11e: {  	v59 =	vld [tilespmem:$0x1FFE0]  }
.LBB2_7:
0x11f: {  	v0 =	vld [tilespmem:$0x10010];
	_ =	sdelay $0x4  }
0x120: {  	vm0 =	vgt.s32 v0, $0xF423F  }
0x121: {  	v1 =	vmpcnt.ones.xlane vm0;
	_ =	sdelay $0x1  }
0x122: {  	(v2sf) =	vpush v1, $0x0;
	_ =	sdelay $0xe  }
0x123: {  	s0 =	spop (v2sf)  }
0x124: {  	p0 =	slt.s32 s0, $0x1  }
.Ltmp5:
0x125: {  	_ = 	snop;
	(pc) =	sbr.rel @p0 .LBB2_11-.Ltmp5, $1  }
0x126: {  	_ =	sdelay $0x3  }
0x127: {  	s0 =	simm.s32 $0x0  }
0x128: {  	v1 =	vmov s0  }
0x129: {  	vm1 =	vgt.s32 v0, $0xF4240;
	v1 =	vshrl.u32 v1, $0x3  }
0x12a: {  	v0 =	vnsel vm1, $0xF4240, v0;
	v1 =	vshll.u32 v1, $0x3  }
0x12b: {  	v0 =	vshll.u32 v0, $0x6;
	v14 =	vbroadcast v1, $0x0  }
0x12c: {  	v2 =	vadd.s32 $0xFC2F7007, v0;
	v3 =	vadd.s32 $0xFC2F7001, v0;
	v1 =	vadd.s32 $0xFC2F7000, v0  }
0x12d: {  	v4 =	vadd.s32 $0xFC2F7002, v0;
	v6 =	vadd.s32 $0xFC2F7003, v0;
	v10 =	vor.u32 v1, v14  }
0x12e: {  	s0 =	simm.s32 $0x8;
	v5 =	vadd.s32 $0xFC2F7006, v0;
	v7 =	vadd.s32 $0xFC2F7004, v0;
	v11 =	vor.u32 v14, v2  }
0x12f: {  	v60 =	vld [tilespmem:$0x1FF00];
	v8 =	vadd.s32 $0xFC2F7005, v0;
	v0 =	vmov s0;
	v15 =	vor.u32 v14, v3  }
0x130: {  	v45 =	vmovc v52;
	v12 =	vshrl.u32 v0, $0x3;
	v16 =	vor.u32 v14, v5;
	v0 =	vor.u32 v52, v14;
	v52 =	vld [tilespmem:$0x1FF10]  }
0x131: {  	v21 =	vor.u32 v14, v8  }
0x132: {  	v9 =	vor.u32 v14, v6;
	v23 =	vor.u32 v14, v4;
	v30 =	vld.idx.msk [tilespmem:v10+s3+$0x0], $0xffff  }
0x133: {  	v24 =	vor.u32 v14, v7;
	v31 =	vor.u32 v44, v14;
	v10 =	vshll.u32 v12, $0x3;
	v22 =	vld.idx.msk [tilespmem:v11+s3+$0x0], $0xffff  }
0x134: {  	v13 =	vor.u32 v61, v14;
	v29 =	vor.u32 v46, v14;
	v18 =	vld.idx.msk [tilespmem:v15+s3+$0x0], $0xffff;
	v12 =	vbroadcast v10, $0x0  }
0x135: {  	v11 =	vor.u32 v54, v14;
	v15 =	vor.u32 v60, v14;
	v19 =	vld.idx.msk [tilespmem:v16+s3+$0x0], $0xffff;
	v20 =	vor.u32 v52, v14  }
0x136: {  	v21 =	vld.idx.msk [tilespmem:v21+s3+$0x0], $0xffff;
	v10 =	vor.u32 v55, v14;
	v27 =	vor.u32 v1, v12;
	v17 =	vor.u32 v12, v3  }
0x137: {  	v23 =	vld.idx.msk [tilespmem:v23+s3+$0x0], $0xffff;
	v25 =	vor.u32 v12, v6;
	v26 =	vor.u32 v12, v7;
	v28 =	vor.u32 v12, v2  }
0x138: {  	v24 =	vld.idx.msk [tilespmem:v24+s3+$0x0], $0xffff;
	v14 =	vor.u32 v12, v4;
	v16 =	vor.u32 v12, v8;
	[tilespmem:v31+s9+$0x0] =	vst.idx.msk vm0, v30  }
.LBB2_9:
0x139: {  	v30 =	vor.u32 v12, v5;
	[tilespmem:v29+s9+$0x0] =	vst.idx.msk vm0, v22;
	v32 =	vmov v0  }
0x13a: {  	s0 =	sadd.s32 $0x8, s0;
	v31 =	vld.idx.msk [tilespmem:v9+s3+$0x0], $0xffff;
	v0 =	vor.u32 v45, v12;
	v33 =	vmovc v11;
	v34 =	vmovc v12;
	v9 =	vmov v25;
	v35 =	vmov v26  }
0x13b: {  	v12 =	vmov s0;
	p0 =	slt.u32 s0, $0x38;
	v11 =	vor.u32 v54, v34;
	[tilespmem:v13+s9+$0x0] =	vst.idx.msk vm0, v18;
	v13 =	vor.u32 v61, v34  }
0x13c: {  	v25 =	vor.u32 v55, v34;
	v12 =	vshrl.u32 v12, $0x3;
	v36 =	vld.idx.msk [tilespmem:v27+s3+$0x0], $0xffff;
	[tilespmem:v20+s9+$0x0] =	vst.idx.msk vm0, v19  }
0x13d: {  	v37 =	vor.u32 v44, v34;
	v12 =	vshll.u32 v12, $0x3;
	v22 =	vld.idx.msk [tilespmem:v28+s3+$0x0], $0xffff;
	[tilespmem:v15+s9+$0x0] =	vst.idx.msk vm0, v21  }
.Ltmp6:
0x13e: {  	v29 =	vor.u32 v46, v34;
	v12 =	vbroadcast v12, $0x0;
	v18 =	vld.idx.msk [tilespmem:v17+s3+$0x0], $0xffff;
	[tilespmem:v10+s9+$0x0] =	vst.idx.msk vm0, v23;
	v10 =	vmov v25;
	(pc) =	sbr.rel @p0 .LBB2_9-.Ltmp6, $4  }
0x13f: {  	v20 =	vor.u32 v52, v34;
	v15 =	vor.u32 v60, v34;
	v19 =	vld.idx.msk [tilespmem:v30+s3+$0x0], $0xffff;
	[tilespmem:v33+s9+$0x0] =	vst.idx.msk vm0, v24  }
0x140: {  	v27 =	vor.u32 v1, v12;
	v17 =	vor.u32 v12, v3;
	v21 =	vld.idx.msk [tilespmem:v16+s3+$0x0], $0xffff;
	[tilespmem:v32+s9+$0x0] =	vst.idx.msk vm0, v31  }
0x141: {  	v25 =	vor.u32 v12, v6;
	v26 =	vor.u32 v12, v7;
	v28 =	vor.u32 v12, v2;
	v23 =	vld.idx.msk [tilespmem:v14+s3+$0x0], $0xffff  }
0x142: {  	v16 =	vor.u32 v12, v8;
	v14 =	vor.u32 v12, v4;
	[tilespmem:v37+s9+$0x0] =	vst.idx.msk vm0, v36;
	v24 =	vld.idx.msk [tilespmem:v35+s3+$0x0], $0xffff  }
0x143: {  	_ =	sdelay $0x4  }
0x144: {  	[tilespmem:v29+s9+$0x0] =	vst.idx.msk vm0, v22  }
0x145: {  	v2 =	vld.idx.msk [tilespmem:v9+s3+$0x0], $0xffff;
	[tilespmem:v13+s9+$0x0] =	vst.idx.msk vm0, v18  }
0x146: {  	v3 =	vld.idx.msk [tilespmem:v27+s3+$0x0], $0xffff;
	v4 =	vor.u32 v44, v12;
	[tilespmem:v20+s9+$0x0] =	vst.idx.msk vm0, v19  }
0x147: {  	v33 =	vld.idx.msk [tilespmem:v28+s3+$0x0], $0xffff;
	v6 =	vor.u32 v46, v12;
	[tilespmem:v15+s9+$0x0] =	vst.idx.msk vm0, v21  }
0x148: {  	v1 =	vor.u32 v12, v5;
	v7 =	vor.u32 v61, v12;
	v8 =	vld.idx.msk [tilespmem:v17+s3+$0x0], $0xffff;
	[tilespmem:v10+s9+$0x0] =	vst.idx.msk vm0, v23  }
0x149: {  	v35 =	vor.u32 v60, v12;
	v36 =	vld.idx.msk [tilespmem:v16+s3+$0x0], $0xffff;
	[tilespmem:v11+s9+$0x0] =	vst.idx.msk vm0, v24  }
0x14a: {  	v37 =	vor.u32 v55, v12;
	v44 =	vld.idx.msk [tilespmem:v14+s3+$0x0], $0xffff;
	[tilespmem:v0+s9+$0x0] =	vst.idx.msk vm0, v2  }
0x14b: {  	v34 =	vor.u32 v52, v12;
	v46 =	vor.u32 v54, v12;
	v52 =	vld.idx.msk [tilespmem:v26+s3+$0x0], $0xffff;
	[tilespmem:v4+s9+$0x0] =	vst.idx.msk vm0, v3  }
0x14c: {  	v60 =	vor.u32 v45, v12;
	v61 =	vld.idx.msk [tilespmem:v25+s3+$0x0], $0xffff;
	[tilespmem:v6+s9+$0x0] =	vst.idx.msk vm0, v33  }
0x14d: {  	v1 =	vld.idx.msk [tilespmem:v1+s3+$0x0], $0xffff;
	[tilespmem:v7+s9+$0x0] =	vst.idx.msk vm0, v8  }
0x14e: {  	[tilespmem:v35+s9+$0x0] =	vst.idx.msk vm0, v36  }
0x14f: {  	[tilespmem:v37+s9+$0x0] =	vst.idx.msk vm0, v44  }
0x150: {  	[tilespmem:v46+s9+$0x0] =	vst.idx.msk vm0, v52  }
0x151: {  	[tilespmem:v60+s9+$0x0] =	vst.idx.msk vm0, v61  }
0x152: {  	[tilespmem:v34+s9+$0x0] =	vst.idx.msk vm0, v1  }
0x153: {  	v60 =	vld [tilespmem:$0x1FF90];
	_ =	sdelay $0x1  }
0x154: {  	v45 =	vld [tilespmem:$0x1FF20]  }
.LBB2_11:
0x155: {  	v0 =	vld [tilespmem:$0x10020];
	_ =	sdelay $0x4  }
0x156: {  	vm0 =	vgt.s32 v0, $0xF423F  }
0x157: {  	v1 =	vmpcnt.ones.xlane vm0;
	_ =	sdelay $0x1  }
0x158: {  	(v2sf) =	vpush v1, $0x0;
	_ =	sdelay $0xe  }
0x159: {  	s0 =	spop (v2sf)  }
0x15a: {  	p0 =	slt.s32 s0, $0x1  }
.Ltmp7:
0x15b: {  	_ = 	snop;
	(pc) =	sbr.rel @p0 .LBB2_15-.Ltmp7, $2  }
0x15c: {  	_ =	sdelay $0x2  }
0x15d: {  	v61 =	vld [tilespmem:$0x1FEF0]  }
0x15e: {  	s0 =	simm.s32 $0x0  }
0x15f: {  	v1 =	vmov s0  }
0x160: {  	vm1 =	vgt.s32 v0, $0xF4240;
	v1 =	vshrl.u32 v1, $0x3  }
0x161: {  	v0 =	vnsel vm1, $0xF4240, v0;
	v1 =	vshll.u32 v1, $0x3  }
0x162: {  	v0 =	vshll.u32 v0, $0x6;
	v14 =	vbroadcast v1, $0x0  }
0x163: {  	v1 =	vadd.s32 $0xFC2F7000, v0  }
0x164: {  	v2 =	vadd.s32 $0xFC2F7007, v0;
	v3 =	vadd.s32 $0xFC2F7001, v0;
	v10 =	vor.u32 v1, v14  }
0x165: {  	v46 =	vld [tilespmem:$0x1FCB0];
	v4 =	vadd.s32 $0xFC2F7002, v0;
	v6 =	vadd.s32 $0xFC2F7003, v0;
	v11 =	vor.u32 v14, v2  }
0x166: {  	s0 =	simm.s32 $0x8;
	v5 =	vadd.s32 $0xFC2F7006, v0;
	v7 =	vadd.s32 $0xFC2F7004, v0;
	v15 =	vor.u32 v14, v3  }
0x167: {  	v8 =	vadd.s32 $0xFC2F7005, v0;
	v47 =	vmovc v61;
	v0 =	vmov s0;
	v61 =	vld [tilespmem:$0x1FCC0];
	v16 =	vor.u32 v14, v5  }
0x168: {  	v12 =	vshrl.u32 v0, $0x3;
	v21 =	vor.u32 v14, v8  }
0x169: {  	v9 =	vor.u32 v14, v6;
	v24 =	vor.u32 v14, v7;
	v23 =	vor.u32 v14, v4;
	v30 =	vld.idx.msk [tilespmem:v10+s3+$0x0], $0xffff  }
0x16a: {  	v0 =	vor.u32 v48, v14;
	v31 =	vor.u32 v46, v14;
	v10 =	vshll.u32 v12, $0x3;
	v22 =	vld.idx.msk [tilespmem:v11+s3+$0x0], $0xffff  }
0x16b: {  	v29 =	vor.u32 v57, v14;
	v20 =	vor.u32 v56, v14;
	v18 =	vld.idx.msk [tilespmem:v15+s3+$0x0], $0xffff;
	v12 =	vbroadcast v10, $0x0  }
0x16c: {  	v13 =	vor.u32 v61, v14;
	v11 =	vor.u32 v50, v14;
	v15 =	vor.u32 v53, v14;
	v19 =	vld.idx.msk [tilespmem:v16+s3+$0x0], $0xffff  }
0x16d: {  	v21 =	vld.idx.msk [tilespmem:v21+s3+$0x0], $0xffff;
	v10 =	vor.u32 v45, v14;
	v27 =	vor.u32 v1, v12;
	v17 =	vor.u32 v12, v3  }
0x16e: {  	v23 =	vld.idx.msk [tilespmem:v23+s3+$0x0], $0xffff;
	v25 =	vor.u32 v12, v6;
	v26 =	vor.u32 v12, v7;
	v28 =	vor.u32 v12, v2  }
0x16f: {  	v24 =	vld.idx.msk [tilespmem:v24+s3+$0x0], $0xffff;
	v14 =	vor.u32 v12, v4;
	v16 =	vor.u32 v12, v8;
	[tilespmem:v31+s9+$0x0] =	vst.idx.msk vm0, v30  }
.LBB2_13:
0x170: {  	v30 =	vor.u32 v12, v5;
	[tilespmem:v29+s9+$0x0] =	vst.idx.msk vm0, v22;
	v32 =	vmov v0  }
0x171: {  	s0 =	sadd.s32 $0x8, s0;
	v31 =	vld.idx.msk [tilespmem:v9+s3+$0x0], $0xffff;
	v0 =	vor.u32 v48, v12;
	v33 =	vmovc v11;
	v34 =	vmovc v12;
	v9 =	vmov v25;
	v35 =	vmov v26  }
0x172: {  	v12 =	vmov s0;
	p0 =	slt.u32 s0, $0x38;
	v11 =	vor.u32 v50, v34;
	[tilespmem:v13+s9+$0x0] =	vst.idx.msk vm0, v18;
	v13 =	vor.u32 v61, v34  }
0x173: {  	v25 =	vor.u32 v45, v34;
	v12 =	vshrl.u32 v12, $0x3;
	v36 =	vld.idx.msk [tilespmem:v27+s3+$0x0], $0xffff;
	[tilespmem:v20+s9+$0x0] =	vst.idx.msk vm0, v19  }
0x174: {  	v37 =	vor.u32 v46, v34;
	v12 =	vshll.u32 v12, $0x3;
	v22 =	vld.idx.msk [tilespmem:v28+s3+$0x0], $0xffff;
	[tilespmem:v15+s9+$0x0] =	vst.idx.msk vm0, v21  }
.Ltmp8:
0x175: {  	v29 =	vor.u32 v57, v34;
	v12 =	vbroadcast v12, $0x0;
	v18 =	vld.idx.msk [tilespmem:v17+s3+$0x0], $0xffff;
	[tilespmem:v10+s9+$0x0] =	vst.idx.msk vm0, v23;
	v10 =	vmov v25;
	(pc) =	sbr.rel @p0 .LBB2_13-.Ltmp8, $4  }
0x176: {  	v20 =	vor.u32 v56, v34;
	v15 =	vor.u32 v53, v34;
	v19 =	vld.idx.msk [tilespmem:v30+s3+$0x0], $0xffff;
	[tilespmem:v33+s9+$0x0] =	vst.idx.msk vm0, v24  }
0x177: {  	v27 =	vor.u32 v1, v12;
	v17 =	vor.u32 v12, v3;
	v21 =	vld.idx.msk [tilespmem:v16+s3+$0x0], $0xffff;
	[tilespmem:v32+s9+$0x0] =	vst.idx.msk vm0, v31  }
0x178: {  	v25 =	vor.u32 v12, v6;
	v26 =	vor.u32 v12, v7;
	v28 =	vor.u32 v12, v2;
	v23 =	vld.idx.msk [tilespmem:v14+s3+$0x0], $0xffff  }
0x179: {  	v16 =	vor.u32 v12, v8;
	v14 =	vor.u32 v12, v4;
	[tilespmem:v37+s9+$0x0] =	vst.idx.msk vm0, v36;
	v24 =	vld.idx.msk [tilespmem:v35+s3+$0x0], $0xffff  }
0x17a: {  	_ =	sdelay $0x4  }
0x17b: {  	[tilespmem:v29+s9+$0x0] =	vst.idx.msk vm0, v22  }
0x17c: {  	v2 =	vld.idx.msk [tilespmem:v9+s3+$0x0], $0xffff;
	[tilespmem:v13+s9+$0x0] =	vst.idx.msk vm0, v18  }
0x17d: {  	v3 =	vld.idx.msk [tilespmem:v27+s3+$0x0], $0xffff;
	v4 =	vor.u32 v46, v12;
	[tilespmem:v20+s9+$0x0] =	vst.idx.msk vm0, v19  }
0x17e: {  	v36 =	vld.idx.msk [tilespmem:v28+s3+$0x0], $0xffff;
	v6 =	vor.u32 v57, v12;
	[tilespmem:v15+s9+$0x0] =	vst.idx.msk vm0, v21  }
0x17f: {  	v1 =	vor.u32 v12, v5;
	v7 =	vor.u32 v61, v12;
	v8 =	vld.idx.msk [tilespmem:v17+s3+$0x0], $0xffff;
	[tilespmem:v10+s9+$0x0] =	vst.idx.msk vm0, v23  }
0x180: {  	v43 =	vor.u32 v53, v12;
	v44 =	vld.idx.msk [tilespmem:v16+s3+$0x0], $0xffff;
	[tilespmem:v11+s9+$0x0] =	vst.idx.msk vm0, v24  }
0x181: {  	v46 =	vor.u32 v45, v12;
	v52 =	vld.idx.msk [tilespmem:v14+s3+$0x0], $0xffff;
	[tilespmem:v0+s9+$0x0] =	vst.idx.msk vm0, v2  }
0x182: {  	v37 =	vor.u32 v56, v12;
	v53 =	vor.u32 v50, v12;
	v56 =	vld.idx.msk [tilespmem:v26+s3+$0x0], $0xffff;
	[tilespmem:v4+s9+$0x0] =	vst.idx.msk vm0, v3  }
0x183: {  	v57 =	vor.u32 v48, v12;
	v61 =	vld.idx.msk [tilespmem:v25+s3+$0x0], $0xffff;
	[tilespmem:v6+s9+$0x0] =	vst.idx.msk vm0, v36  }
0x184: {  	v1 =	vld.idx.msk [tilespmem:v1+s3+$0x0], $0xffff;
	[tilespmem:v7+s9+$0x0] =	vst.idx.msk vm0, v8  }
0x185: {  	[tilespmem:v43+s9+$0x0] =	vst.idx.msk vm0, v44  }
0x186: {  	[tilespmem:v46+s9+$0x0] =	vst.idx.msk vm0, v52  }
0x187: {  	[tilespmem:v53+s9+$0x0] =	vst.idx.msk vm0, v56  }
0x188: {  	[tilespmem:v57+s9+$0x0] =	vst.idx.msk vm0, v61  }
0x189: {  	[tilespmem:v37+s9+$0x0] =	vst.idx.msk vm0, v1  }
0x18a: {  	v43 =	vld [tilespmem:$0x1FF80]  }
0x18b: {  	v61 =	vmov v47;
	v47 =	vld [tilespmem:$0x1FCD0]  }
.LBB2_15:
0x18c: {  	v0 =	vld [tilespmem:$0x10030];
	_ =	sdelay $0x4  }
0x18d: {  	vm0 =	vgt.s32 v0, $0xF423F  }
0x18e: {  	v1 =	vmpcnt.ones.xlane vm0;
	_ =	sdelay $0x1  }
0x18f: {  	(v2sf) =	vpush v1, $0x0;
	_ =	sdelay $0xe  }
0x190: {  	s0 =	spop (v2sf)  }
0x191: {  	p0 =	slt.s32 s0, $0x1  }
.Ltmp9:
0x192: {  	_ = 	snop;
	(pc) =	sbr.rel @p0 .LBB2_19-.Ltmp9, $1  }
0x193: {  	_ =	sdelay $0x3  }
0x194: {  	s0 =	simm.s32 $0x0  }
0x195: {  	v1 =	vmov s0  }
0x196: {  	vm1 =	vgt.s32 v0, $0xF4240;
	v1 =	vshrl.u32 v1, $0x3  }
0x197: {  	v0 =	vnsel vm1, $0xF4240, v0;
	v1 =	vshll.u32 v1, $0x3  }
0x198: {  	v0 =	vshll.u32 v0, $0x6;
	v14 =	vbroadcast v1, $0x0  }
0x199: {  	v1 =	vadd.s32 $0xFC2F7000, v0  }
0x19a: {  	v2 =	vadd.s32 $0xFC2F7007, v0;
	v3 =	vadd.s32 $0xFC2F7001, v0;
	v10 =	vor.u32 v1, v14  }
0x19b: {  	v4 =	vadd.s32 $0xFC2F7002, v0;
	v6 =	vadd.s32 $0xFC2F7003, v0;
	v11 =	vor.u32 v14, v2  }
0x19c: {  	v46 =	vld [tilespmem:$0x1FCE0];
	s0 =	simm.s32 $0x8;
	v5 =	vadd.s32 $0xFC2F7006, v0;
	v7 =	vadd.s32 $0xFC2F7004, v0;
	v15 =	vor.u32 v14, v3  }
0x19d: {  	v8 =	vadd.s32 $0xFC2F7005, v0;
	v0 =	vmov s0;
	v16 =	vor.u32 v14, v5  }
0x19e: {  	v12 =	vshrl.u32 v0, $0x3;
	v21 =	vor.u32 v14, v8  }
0x19f: {  	v9 =	vor.u32 v14, v6;
	v24 =	vor.u32 v14, v7;
	v23 =	vor.u32 v14, v4;
	v30 =	vld.idx.msk [tilespmem:v10+s3+$0x0], $0xffff  }
0x1a0: {  	v0 =	vor.u32 v60, v14;
	v31 =	vor.u32 v47, v14;
	v10 =	vshll.u32 v12, $0x3;
	v22 =	vld.idx.msk [tilespmem:v11+s3+$0x0], $0xffff  }
0x1a1: {  	v13 =	vor.u32 v46, v14;
	v29 =	vor.u32 v51, v14;
	v18 =	vld.idx.msk [tilespmem:v15+s3+$0x0], $0xffff;
	v12 =	vbroadcast v10, $0x0  }
0x1a2: {  	v20 =	vor.u32 v38, v14;
	v11 =	vor.u32 v62, v14;
	v15 =	vor.u32 v63, v14;
	v19 =	vld.idx.msk [tilespmem:v16+s3+$0x0], $0xffff  }
0x1a3: {  	v21 =	vld.idx.msk [tilespmem:v21+s3+$0x0], $0xffff;
	v10 =	vor.u32 v43, v14;
	v27 =	vor.u32 v1, v12;
	v17 =	vor.u32 v12, v3  }
0x1a4: {  	v23 =	vld.idx.msk [tilespmem:v23+s3+$0x0], $0xffff;
	v25 =	vor.u32 v12, v6;
	v26 =	vor.u32 v12, v7;
	v28 =	vor.u32 v12, v2  }
0x1a5: {  	v24 =	vld.idx.msk [tilespmem:v24+s3+$0x0], $0xffff;
	v14 =	vor.u32 v12, v4;
	v16 =	vor.u32 v12, v8;
	[tilespmem:v31+s9+$0x0] =	vst.idx.msk vm0, v30  }
.LBB2_17:
0x1a6: {  	v30 =	vor.u32 v12, v5;
	[tilespmem:v29+s9+$0x0] =	vst.idx.msk vm0, v22;
	v32 =	vmov v0  }
0x1a7: {  	s0 =	sadd.s32 $0x8, s0;
	v31 =	vld.idx.msk [tilespmem:v9+s3+$0x0], $0xffff;
	v0 =	vor.u32 v60, v12;
	v33 =	vmovc v11;
	v34 =	vmovc v12;
	v9 =	vmov v25;
	v35 =	vmov v26  }
0x1a8: {  	v12 =	vmov s0;
	p0 =	slt.u32 s0, $0x38;
	v11 =	vor.u32 v62, v34;
	[tilespmem:v13+s9+$0x0] =	vst.idx.msk vm0, v18;
	v13 =	vor.u32 v46, v34  }
0x1a9: {  	v25 =	vor.u32 v43, v34;
	v12 =	vshrl.u32 v12, $0x3;
	v36 =	vld.idx.msk [tilespmem:v27+s3+$0x0], $0xffff;
	[tilespmem:v20+s9+$0x0] =	vst.idx.msk vm0, v19  }
0x1aa: {  	v37 =	vor.u32 v47, v34;
	v12 =	vshll.u32 v12, $0x3;
	v22 =	vld.idx.msk [tilespmem:v28+s3+$0x0], $0xffff;
	[tilespmem:v15+s9+$0x0] =	vst.idx.msk vm0, v21  }
.Ltmp10:
0x1ab: {  	v29 =	vor.u32 v51, v34;
	v12 =	vbroadcast v12, $0x0;
	v18 =	vld.idx.msk [tilespmem:v17+s3+$0x0], $0xffff;
	[tilespmem:v10+s9+$0x0] =	vst.idx.msk vm0, v23;
	v10 =	vmov v25;
	(pc) =	sbr.rel @p0 .LBB2_17-.Ltmp10, $4  }
0x1ac: {  	v20 =	vor.u32 v38, v34;
	v15 =	vor.u32 v63, v34;
	v19 =	vld.idx.msk [tilespmem:v30+s3+$0x0], $0xffff;
	[tilespmem:v33+s9+$0x0] =	vst.idx.msk vm0, v24  }
0x1ad: {  	v27 =	vor.u32 v1, v12;
	v17 =	vor.u32 v12, v3;
	v21 =	vld.idx.msk [tilespmem:v16+s3+$0x0], $0xffff;
	[tilespmem:v32+s9+$0x0] =	vst.idx.msk vm0, v31  }
0x1ae: {  	v25 =	vor.u32 v12, v6;
	v26 =	vor.u32 v12, v7;
	v28 =	vor.u32 v12, v2;
	v23 =	vld.idx.msk [tilespmem:v14+s3+$0x0], $0xffff  }
0x1af: {  	v16 =	vor.u32 v12, v8;
	v14 =	vor.u32 v12, v4;
	[tilespmem:v37+s9+$0x0] =	vst.idx.msk vm0, v36;
	v24 =	vld.idx.msk [tilespmem:v35+s3+$0x0], $0xffff  }
0x1b0: {  	_ =	sdelay $0x4  }
0x1b1: {  	[tilespmem:v29+s9+$0x0] =	vst.idx.msk vm0, v22  }
0x1b2: {  	v2 =	vld.idx.msk [tilespmem:v9+s3+$0x0], $0xffff;
	[tilespmem:v13+s9+$0x0] =	vst.idx.msk vm0, v18  }
0x1b3: {  	v3 =	vld.idx.msk [tilespmem:v27+s3+$0x0], $0xffff;
	v4 =	vor.u32 v47, v12;
	[tilespmem:v20+s9+$0x0] =	vst.idx.msk vm0, v19  }
0x1b4: {  	v47 =	vld.idx.msk [tilespmem:v28+s3+$0x0], $0xffff;
	v6 =	vor.u32 v51, v12;
	[tilespmem:v15+s9+$0x0] =	vst.idx.msk vm0, v21  }
0x1b5: {  	v1 =	vor.u32 v12, v5;
	v7 =	vor.u32 v46, v12;
	v8 =	vld.idx.msk [tilespmem:v17+s3+$0x0], $0xffff;
	[tilespmem:v10+s9+$0x0] =	vst.idx.msk vm0, v23  }
0x1b6: {  	v50 =	vor.u32 v63, v12;
	v51 =	vld.idx.msk [tilespmem:v16+s3+$0x0], $0xffff;
	[tilespmem:v11+s9+$0x0] =	vst.idx.msk vm0, v24  }
0x1b7: {  	v52 =	vor.u32 v43, v12;
	v53 =	vld.idx.msk [tilespmem:v14+s3+$0x0], $0xffff;
	[tilespmem:v0+s9+$0x0] =	vst.idx.msk vm0, v2  }
0x1b8: {  	v56 =	vor.u32 v62, v12;
	v57 =	vld.idx.msk [tilespmem:v26+s3+$0x0], $0xffff;
	[tilespmem:v4+s9+$0x0] =	vst.idx.msk vm0, v3  }
0x1b9: {  	v62 =	vor.u32 v60, v12;
	v63 =	vld.idx.msk [tilespmem:v25+s3+$0x0], $0xffff;
	[tilespmem:v6+s9+$0x0] =	vst.idx.msk vm0, v47  }
0x1ba: {  	v48 =	vor.u32 v38, v12;
	v1 =	vld.idx.msk [tilespmem:v1+s3+$0x0], $0xffff;
	[tilespmem:v7+s9+$0x0] =	vst.idx.msk vm0, v8  }
0x1bb: {  	[tilespmem:v50+s9+$0x0] =	vst.idx.msk vm0, v51  }
0x1bc: {  	[tilespmem:v52+s9+$0x0] =	vst.idx.msk vm0, v53  }
0x1bd: {  	[tilespmem:v56+s9+$0x0] =	vst.idx.msk vm0, v57  }
0x1be: {  	[tilespmem:v62+s9+$0x0] =	vst.idx.msk vm0, v63  }
0x1bf: {  	[tilespmem:v48+s9+$0x0] =	vst.idx.msk vm0, v1  }
.LBB2_19:
0x1c0: {  	v0 =	vld [tilespmem:$0x10040];
	_ =	sdelay $0x4  }
0x1c1: {  	vm0 =	vgt.s32 v0, $0xF423F  }
0x1c2: {  	v1 =	vmpcnt.ones.xlane vm0;
	_ =	sdelay $0x1  }
0x1c3: {  	(v2sf) =	vpush v1, $0x0;
	_ =	sdelay $0xe  }
0x1c4: {  	s0 =	spop (v2sf)  }
0x1c5: {  	p0 =	slt.s32 s0, $0x1  }
.Ltmp11:
0x1c6: {  	_ = 	snop;
	(pc) =	sbr.rel @p0 .LBB2_23-.Ltmp11, $2  }
0x1c7: {  	_ = 	snop  }
0x1c8: {  	v38 =	vld [tilespmem:$0x1FD00];
	_ =	sdelay $0x2  }
0x1c9: {  	s0 =	simm.s32 $0x0  }
0x1ca: {  	v1 =	vmov s0  }
0x1cb: {  	vm1 =	vgt.s32 v0, $0xF4240;
	v1 =	vshrl.u32 v1, $0x3  }
0x1cc: {  	v0 =	vnsel vm1, $0xF4240, v0;
	v1 =	vshll.u32 v1, $0x3  }
0x1cd: {  	v0 =	vshll.u32 v0, $0x6;
	v14 =	vbroadcast v1, $0x0  }
0x1ce: {  	v1 =	vadd.s32 $0xFC2F7000, v0  }
0x1cf: {  	v2 =	vadd.s32 $0xFC2F7007, v0;
	v3 =	vadd.s32 $0xFC2F7001, v0;
	v10 =	vor.u32 v1, v14  }
0x1d0: {  	v47 =	vld [tilespmem:$0x1FCF0];
	v4 =	vadd.s32 $0xFC2F7002, v0;
	v6 =	vadd.s32 $0xFC2F7003, v0;
	v11 =	vor.u32 v14, v2  }
0x1d1: {  	v61 =	vld [tilespmem:$0x1FEE0];
	s0 =	simm.s32 $0x8;
	v5 =	vadd.s32 $0xFC2F7006, v0;
	v7 =	vadd.s32 $0xFC2F7004, v0;
	v15 =	vor.u32 v14, v3  }
0x1d2: {  	v46 =	vld [tilespmem:$0x1FEB0];
	v8 =	vadd.s32 $0xFC2F7005, v0;
	v0 =	vmov s0;
	v16 =	vor.u32 v14, v5  }
0x1d3: {  	v12 =	vshrl.u32 v0, $0x3;
	v21 =	vor.u32 v14, v8  }
0x1d4: {  	v9 =	vor.u32 v14, v6;
	v24 =	vor.u32 v14, v7;
	v23 =	vor.u32 v14, v4;
	v30 =	vld.idx.msk [tilespmem:v10+s3+$0x0], $0xffff  }
0x1d5: {  	v0 =	vor.u32 v40, v14;
	v31 =	vor.u32 v47, v14;
	v10 =	vshll.u32 v12, $0x3;
	v22 =	vld.idx.msk [tilespmem:v11+s3+$0x0], $0xffff  }
0x1d6: {  	v13 =	vor.u32 v38, v14;
	v29 =	vor.u32 v61, v14;
	v18 =	vld.idx.msk [tilespmem:v15+s3+$0x0], $0xffff;
	v12 =	vbroadcast v10, $0x0  }
0x1d7: {  	v20 =	vor.u32 v42, v14;
	v11 =	vor.u32 v46, v14;
	v15 =	vor.u32 v41, v14;
	v19 =	vld.idx.msk [tilespmem:v16+s3+$0x0], $0xffff  }
0x1d8: {  	v21 =	vld.idx.msk [tilespmem:v21+s3+$0x0], $0xffff;
	v10 =	vor.u32 v39, v14;
	v27 =	vor.u32 v1, v12;
	v17 =	vor.u32 v12, v3  }
0x1d9: {  	v23 =	vld.idx.msk [tilespmem:v23+s3+$0x0], $0xffff;
	v25 =	vor.u32 v12, v6;
	v26 =	vor.u32 v12, v7;
	v28 =	vor.u32 v12, v2  }
0x1da: {  	v24 =	vld.idx.msk [tilespmem:v24+s3+$0x0], $0xffff;
	v14 =	vor.u32 v12, v4;
	v16 =	vor.u32 v12, v8;
	[tilespmem:v31+s9+$0x0] =	vst.idx.msk vm0, v30  }
.LBB2_21:
0x1db: {  	v30 =	vor.u32 v12, v5;
	[tilespmem:v29+s9+$0x0] =	vst.idx.msk vm0, v22;
	v32 =	vmov v0  }
0x1dc: {  	s0 =	sadd.s32 $0x8, s0;
	v31 =	vld.idx.msk [tilespmem:v9+s3+$0x0], $0xffff;
	v0 =	vor.u32 v40, v12;
	v33 =	vmovc v11;
	v34 =	vmovc v12;
	v9 =	vmov v25;
	v35 =	vmov v26  }
0x1dd: {  	v12 =	vmov s0;
	p0 =	slt.u32 s0, $0x38;
	v11 =	vor.u32 v46, v34;
	[tilespmem:v13+s9+$0x0] =	vst.idx.msk vm0, v18;
	v13 =	vor.u32 v38, v34  }
0x1de: {  	v25 =	vor.u32 v39, v34;
	v12 =	vshrl.u32 v12, $0x3;
	v36 =	vld.idx.msk [tilespmem:v27+s3+$0x0], $0xffff;
	[tilespmem:v20+s9+$0x0] =	vst.idx.msk vm0, v19  }
0x1df: {  	v37 =	vor.u32 v47, v34;
	v12 =	vshll.u32 v12, $0x3;
	v22 =	vld.idx.msk [tilespmem:v28+s3+$0x0], $0xffff;
	[tilespmem:v15+s9+$0x0] =	vst.idx.msk vm0, v21  }
.Ltmp12:
0x1e0: {  	v29 =	vor.u32 v61, v34;
	v12 =	vbroadcast v12, $0x0;
	v18 =	vld.idx.msk [tilespmem:v17+s3+$0x0], $0xffff;
	[tilespmem:v10+s9+$0x0] =	vst.idx.msk vm0, v23;
	v10 =	vmov v25;
	(pc) =	sbr.rel @p0 .LBB2_21-.Ltmp12, $4  }
0x1e1: {  	v20 =	vor.u32 v42, v34;
	v15 =	vor.u32 v41, v34;
	v19 =	vld.idx.msk [tilespmem:v30+s3+$0x0], $0xffff;
	[tilespmem:v33+s9+$0x0] =	vst.idx.msk vm0, v24  }
0x1e2: {  	v27 =	vor.u32 v1, v12;
	v17 =	vor.u32 v12, v3;
	v21 =	vld.idx.msk [tilespmem:v16+s3+$0x0], $0xffff;
	[tilespmem:v32+s9+$0x0] =	vst.idx.msk vm0, v31  }
0x1e3: {  	v25 =	vor.u32 v12, v6;
	v26 =	vor.u32 v12, v7;
	v28 =	vor.u32 v12, v2;
	v23 =	vld.idx.msk [tilespmem:v14+s3+$0x0], $0xffff  }
0x1e4: {  	v16 =	vor.u32 v12, v8;
	v14 =	vor.u32 v12, v4;
	[tilespmem:v37+s9+$0x0] =	vst.idx.msk vm0, v36;
	v24 =	vld.idx.msk [tilespmem:v35+s3+$0x0], $0xffff  }
0x1e5: {  	_ =	sdelay $0x4  }
0x1e6: {  	[tilespmem:v29+s9+$0x0] =	vst.idx.msk vm0, v22  }
0x1e7: {  	v2 =	vld.idx.msk [tilespmem:v9+s3+$0x0], $0xffff;
	[tilespmem:v13+s9+$0x0] =	vst.idx.msk vm0, v18  }
0x1e8: {  	v3 =	vld.idx.msk [tilespmem:v27+s3+$0x0], $0xffff;
	v4 =	vor.u32 v47, v12;
	[tilespmem:v20+s9+$0x0] =	vst.idx.msk vm0, v19  }
0x1e9: {  	v50 =	vld.idx.msk [tilespmem:v28+s3+$0x0], $0xffff;
	v6 =	vor.u32 v61, v12;
	[tilespmem:v15+s9+$0x0] =	vst.idx.msk vm0, v21  }
0x1ea: {  	v1 =	vor.u32 v12, v5;
	v7 =	vor.u32 v38, v12;
	v8 =	vld.idx.msk [tilespmem:v17+s3+$0x0], $0xffff;
	[tilespmem:v10+s9+$0x0] =	vst.idx.msk vm0, v23  }
0x1eb: {  	v52 =	vor.u32 v41, v12;
	v53 =	vld.idx.msk [tilespmem:v16+s3+$0x0], $0xffff;
	[tilespmem:v11+s9+$0x0] =	vst.idx.msk vm0, v24  }
0x1ec: {  	v56 =	vor.u32 v39, v12;
	v57 =	vld.idx.msk [tilespmem:v14+s3+$0x0], $0xffff;
	[tilespmem:v0+s9+$0x0] =	vst.idx.msk vm0, v2  }
0x1ed: {  	v60 =	vor.u32 v46, v12;
	v61 =	vld.idx.msk [tilespmem:v26+s3+$0x0], $0xffff;
	[tilespmem:v4+s9+$0x0] =	vst.idx.msk vm0, v3  }
0x1ee: {  	v62 =	vor.u32 v40, v12;
	v63 =	vld.idx.msk [tilespmem:v25+s3+$0x0], $0xffff;
	[tilespmem:v6+s9+$0x0] =	vst.idx.msk vm0, v50  }
0x1ef: {  	v51 =	vor.u32 v42, v12;
	v1 =	vld.idx.msk [tilespmem:v1+s3+$0x0], $0xffff;
	[tilespmem:v7+s9+$0x0] =	vst.idx.msk vm0, v8  }
0x1f0: {  	[tilespmem:v52+s9+$0x0] =	vst.idx.msk vm0, v53  }
0x1f1: {  	[tilespmem:v56+s9+$0x0] =	vst.idx.msk vm0, v57  }
0x1f2: {  	[tilespmem:v60+s9+$0x0] =	vst.idx.msk vm0, v61  }
0x1f3: {  	[tilespmem:v62+s9+$0x0] =	vst.idx.msk vm0, v63  }
0x1f4: {  	[tilespmem:v51+s9+$0x0] =	vst.idx.msk vm0, v1  }
0x1f5: {  	v61 =	vld [tilespmem:$0x1FEF0]  }
.LBB2_23:
0x1f6: {  	v0 =	vld [tilespmem:$0x10050];
	_ =	sdelay $0x4  }
0x1f7: {  	vm0 =	vgt.s32 v0, $0xF423F  }
0x1f8: {  	v1 =	vmpcnt.ones.xlane vm0;
	_ =	sdelay $0x1  }
0x1f9: {  	(v2sf) =	vpush v1, $0x0;
	_ =	sdelay $0xe  }
0x1fa: {  	s0 =	spop (v2sf)  }
0x1fb: {  	p0 =	slt.s32 s0, $0x1  }
.Ltmp13:
0x1fc: {  	_ = 	snop;
	(pc) =	sbr.rel @p0 .LBB2_27-.Ltmp13, $2  }
0x1fd: {  	_ = 	snop  }
0x1fe: {  	v47 =	vld [tilespmem:$0x1FFD0];
	_ =	sdelay $0x2  }
0x1ff: {  	s0 =	simm.s32 $0x0  }
0x200: {  	v1 =	vmov s0  }
0x201: {  	vm1 =	vgt.s32 v0, $0xF4240;
	v1 =	vshrl.u32 v1, $0x3  }
0x202: {  	v0 =	vnsel vm1, $0xF4240, v0;
	v1 =	vshll.u32 v1, $0x3  }
0x203: {  	v0 =	vshll.u32 v0, $0x6;
	v14 =	vbroadcast v1, $0x0  }
0x204: {  	v39 =	vld [tilespmem:$0x1FD30];
	v1 =	vadd.s32 $0xFC2F7000, v0  }
0x205: {  	v46 =	vld [tilespmem:$0x1FD10];
	v2 =	vadd.s32 $0xFC2F7007, v0;
	v3 =	vadd.s32 $0xFC2F7001, v0;
	v10 =	vor.u32 v1, v14  }
0x206: {  	v40 =	vld [tilespmem:$0x1FD40];
	v4 =	vadd.s32 $0xFC2F7002, v0;
	v6 =	vadd.s32 $0xFC2F7003, v0;
	v11 =	vor.u32 v14, v2  }
0x207: {  	v41 =	vld [tilespmem:$0x1FD50];
	s0 =	simm.s32 $0x8;
	v5 =	vadd.s32 $0xFC2F7006, v0;
	v7 =	vadd.s32 $0xFC2F7004, v0;
	v15 =	vor.u32 v14, v3  }
0x208: {  	v42 =	vld [tilespmem:$0x1FD60];
	v8 =	vadd.s32 $0xFC2F7005, v0;
	v0 =	vmov s0;
	v16 =	vor.u32 v14, v5  }
0x209: {  	v38 =	vld [tilespmem:$0x1FD20];
	v12 =	vshrl.u32 v0, $0x3;
	v21 =	vor.u32 v14, v8  }
0x20a: {  	v9 =	vor.u32 v14, v6;
	v24 =	vor.u32 v14, v7;
	v23 =	vor.u32 v14, v4;
	v30 =	vld.idx.msk [tilespmem:v10+s3+$0x0], $0xffff  }
0x20b: {  	v0 =	vor.u32 v39, v14;
	v31 =	vor.u32 v46, v14;
	v10 =	vshll.u32 v12, $0x3;
	v22 =	vld.idx.msk [tilespmem:v11+s3+$0x0], $0xffff  }
0x20c: {  	v13 =	vor.u32 v47, v14;
	v29 =	vor.u32 v61, v14;
	v18 =	vld.idx.msk [tilespmem:v15+s3+$0x0], $0xffff;
	v12 =	vbroadcast v10, $0x0  }
0x20d: {  	v20 =	vor.u32 v42, v14;
	v11 =	vor.u32 v40, v14;
	v15 =	vor.u32 v41, v14;
	v19 =	vld.idx.msk [tilespmem:v16+s3+$0x0], $0xffff  }
0x20e: {  	v21 =	vld.idx.msk [tilespmem:v21+s3+$0x0], $0xffff;
	v10 =	vor.u32 v38, v14;
	v27 =	vor.u32 v1, v12;
	v17 =	vor.u32 v12, v3  }
0x20f: {  	v23 =	vld.idx.msk [tilespmem:v23+s3+$0x0], $0xffff;
	v25 =	vor.u32 v12, v6;
	v26 =	vor.u32 v12, v7;
	v28 =	vor.u32 v12, v2  }
0x210: {  	v24 =	vld.idx.msk [tilespmem:v24+s3+$0x0], $0xffff;
	v14 =	vor.u32 v12, v4;
	v16 =	vor.u32 v12, v8;
	[tilespmem:v31+s9+$0x0] =	vst.idx.msk vm0, v30  }
.LBB2_25:
0x211: {  	v30 =	vor.u32 v12, v5;
	[tilespmem:v29+s9+$0x0] =	vst.idx.msk vm0, v22;
	v32 =	vmov v0  }
0x212: {  	s0 =	sadd.s32 $0x8, s0;
	v31 =	vld.idx.msk [tilespmem:v9+s3+$0x0], $0xffff;
	v0 =	vor.u32 v39, v12;
	v33 =	vmovc v11;
	v34 =	vmovc v12;
	v9 =	vmov v25;
	v35 =	vmov v26  }
0x213: {  	v12 =	vmov s0;
	p0 =	slt.u32 s0, $0x38;
	v11 =	vor.u32 v40, v34;
	[tilespmem:v13+s9+$0x0] =	vst.idx.msk vm0, v18;
	v13 =	vor.u32 v47, v34  }
0x214: {  	v25 =	vor.u32 v38, v34;
	v12 =	vshrl.u32 v12, $0x3;
	v36 =	vld.idx.msk [tilespmem:v27+s3+$0x0], $0xffff;
	[tilespmem:v20+s9+$0x0] =	vst.idx.msk vm0, v19  }
0x215: {  	v37 =	vor.u32 v46, v34;
	v12 =	vshll.u32 v12, $0x3;
	v22 =	vld.idx.msk [tilespmem:v28+s3+$0x0], $0xffff;
	[tilespmem:v15+s9+$0x0] =	vst.idx.msk vm0, v21  }
.Ltmp14:
0x216: {  	v29 =	vor.u32 v61, v34;
	v12 =	vbroadcast v12, $0x0;
	v18 =	vld.idx.msk [tilespmem:v17+s3+$0x0], $0xffff;
	[tilespmem:v10+s9+$0x0] =	vst.idx.msk vm0, v23;
	v10 =	vmov v25;
	(pc) =	sbr.rel @p0 .LBB2_25-.Ltmp14, $4  }
0x217: {  	v20 =	vor.u32 v42, v34;
	v15 =	vor.u32 v41, v34;
	v19 =	vld.idx.msk [tilespmem:v30+s3+$0x0], $0xffff;
	[tilespmem:v33+s9+$0x0] =	vst.idx.msk vm0, v24  }
0x218: {  	v27 =	vor.u32 v1, v12;
	v17 =	vor.u32 v12, v3;
	v21 =	vld.idx.msk [tilespmem:v16+s3+$0x0], $0xffff;
	[tilespmem:v32+s9+$0x0] =	vst.idx.msk vm0, v31  }
0x219: {  	v25 =	vor.u32 v12, v6;
	v26 =	vor.u32 v12, v7;
	v28 =	vor.u32 v12, v2;
	v23 =	vld.idx.msk [tilespmem:v14+s3+$0x0], $0xffff  }
0x21a: {  	v16 =	vor.u32 v12, v8;
	v14 =	vor.u32 v12, v4;
	[tilespmem:v37+s9+$0x0] =	vst.idx.msk vm0, v36;
	v24 =	vld.idx.msk [tilespmem:v35+s3+$0x0], $0xffff  }
0x21b: {  	_ =	sdelay $0x4  }
0x21c: {  	[tilespmem:v29+s9+$0x0] =	vst.idx.msk vm0, v22  }
0x21d: {  	v2 =	vld.idx.msk [tilespmem:v9+s3+$0x0], $0xffff;
	[tilespmem:v13+s9+$0x0] =	vst.idx.msk vm0, v18  }
0x21e: {  	v3 =	vld.idx.msk [tilespmem:v27+s3+$0x0], $0xffff;
	v4 =	vor.u32 v46, v12;
	[tilespmem:v20+s9+$0x0] =	vst.idx.msk vm0, v19  }
0x21f: {  	v50 =	vld.idx.msk [tilespmem:v28+s3+$0x0], $0xffff;
	v6 =	vor.u32 v61, v12;
	[tilespmem:v15+s9+$0x0] =	vst.idx.msk vm0, v21  }
0x220: {  	v1 =	vor.u32 v12, v5;
	v7 =	vor.u32 v47, v12;
	v8 =	vld.idx.msk [tilespmem:v17+s3+$0x0], $0xffff;
	[tilespmem:v10+s9+$0x0] =	vst.idx.msk vm0, v23  }
0x221: {  	v52 =	vor.u32 v41, v12;
	v53 =	vld.idx.msk [tilespmem:v16+s3+$0x0], $0xffff;
	[tilespmem:v11+s9+$0x0] =	vst.idx.msk vm0, v24  }
0x222: {  	v56 =	vor.u32 v38, v12;
	v57 =	vld.idx.msk [tilespmem:v14+s3+$0x0], $0xffff;
	[tilespmem:v0+s9+$0x0] =	vst.idx.msk vm0, v2  }
0x223: {  	v60 =	vor.u32 v40, v12;
	v61 =	vld.idx.msk [tilespmem:v26+s3+$0x0], $0xffff;
	[tilespmem:v4+s9+$0x0] =	vst.idx.msk vm0, v3  }
0x224: {  	v62 =	vor.u32 v39, v12;
	v63 =	vld.idx.msk [tilespmem:v25+s3+$0x0], $0xffff;
	[tilespmem:v6+s9+$0x0] =	vst.idx.msk vm0, v50  }
0x225: {  	v51 =	vor.u32 v42, v12;
	v1 =	vld.idx.msk [tilespmem:v1+s3+$0x0], $0xffff;
	[tilespmem:v7+s9+$0x0] =	vst.idx.msk vm0, v8  }
0x226: {  	[tilespmem:v52+s9+$0x0] =	vst.idx.msk vm0, v53  }
0x227: {  	[tilespmem:v56+s9+$0x0] =	vst.idx.msk vm0, v57  }
0x228: {  	[tilespmem:v60+s9+$0x0] =	vst.idx.msk vm0, v61  }
0x229: {  	[tilespmem:v62+s9+$0x0] =	vst.idx.msk vm0, v63  }
0x22a: {  	[tilespmem:v51+s9+$0x0] =	vst.idx.msk vm0, v1  }
.LBB2_27:
0x22b: {  	v0 =	vld [tilespmem:$0x10060];
	_ =	sdelay $0x4  }
0x22c: {  	vm0 =	vgt.s32 v0, $0xF423F  }
0x22d: {  	v1 =	vmpcnt.ones.xlane vm0;
	_ =	sdelay $0x1  }
0x22e: {  	(v2sf) =	vpush v1, $0x0;
	_ =	sdelay $0xe  }
0x22f: {  	s0 =	spop (v2sf)  }
0x230: {  	p0 =	slt.s32 s0, $0x1  }
.Ltmp15:
0x231: {  	_ = 	snop;
	(pc) =	sbr.rel @p0 .LBB2_31-.Ltmp15, $1  }
0x232: {  	_ =	sdelay $0x3  }
0x233: {  	vm1 =	vgt.s32 v0, $0xF4240;
	s0 =	simm.s32 $0x0  }
0x234: {  	v0 =	vnsel vm1, $0xF4240, v0;
	v1 =	vmov s0  }
0x235: {  	v22 =	vld [tilespmem:$0x1FDC0];
	s0 =	simm.s32 $0x8;
	v0 =	vshll.u32 v0, $0x6;
	v3 =	vshrl.u32 v1, $0x3  }
0x236: {  	v15 =	vmov s0;
	v1 =	vadd.s32 $0xFC2F7000, v0;
	v5 =	vshll.u32 v3, $0x3  }
0x237: {  	v2 =	vadd.s32 $0xFC2F7001, v0;
	v3 =	vadd.s32 $0xFC2F7002, v0;
	v17 =	vbroadcast v5, $0x0  }
0x238: {  	v4 =	vadd.s32 $0xFC2F7003, v0;
	v6 =	vadd.s32 $0xFC2F7005, v0;
	v7 =	vadd.s32 $0xFC2F7006, v0  }
0x239: {  	v8 =	vadd.s32 $0xFC2F7007, v0;
	v15 =	vshrl.u32 v15, $0x3;
	v13 =	vor.u32 v17, v4  }
0x23a: {  	v5 =	vadd.s32 $0xFC2F7004, v0;
	v9 =	vor.u32 $0x1801, v22;
	v0 =	vor.u32 v17, v6  }
0x23b: {  	v14 =	vor.u32 $0x1802, v22;
	v10 =	vor.u32 $0x1804, v22;
	v20 =	vor.u32 v17, v5  }
0x23c: {  	v16 =	vor.u32 $0x1803, v22;
	v18 =	vor.u32 $0x1805, v22;
	v19 =	vor.u32 v17, v2  }
0x23d: {  	v23 =	vor.u32 v1, v17;
	v27 =	vor.u32 v17, v3;
	v26 =	vor.u32 v17, v8  }
0x23e: {  	v24 =	vor.u32 v17, v7;
	v11 =	vor.u32 v9, v17;
	v12 =	vor.u32 v14, v17;
	v29 =	vld.idx.msk [tilespmem:v13+s3+$0x0], $0xffff  }
0x23f: {  	v37 =	vor.u32 v10, v17;
	v33 =	vor.u32 v16, v17;
	v13 =	vshll.u32 v15, $0x3;
	v34 =	vld.idx.msk [tilespmem:v0+s3+$0x0], $0xffff  }
0x240: {  	v38 =	vor.u32 v18, v17;
	v15 =	vor.u32 $0x1807, v22;
	v39 =	vld.idx.msk [tilespmem:v20+s3+$0x0], $0xffff;
	v21 =	vbroadcast v13, $0x0  }
0x241: {  	v0 =	vor.u32 $0x1806, v22;
	v35 =	vld.idx.msk [tilespmem:v19+s3+$0x0], $0xffff;
	v13 =	vor.u32 $0x1800, v22;
	v25 =	vor.u32 v15, v17  }
0x242: {  	v32 =	vld.idx.msk [tilespmem:v26+s3+$0x0], $0xffff;
	v22 =	vor.u32 v0, v17;
	v19 =	vor.u32 v13, v17;
	v31 =	vor.u32 v21, v2  }
0x243: {  	v17 =	vor.u32 v1, v21;
	v28 =	vor.u32 v21, v6;
	v36 =	vor.u32 v21, v4  }
0x244: {  	v26 =	vld.idx.msk [tilespmem:v24+s3+$0x0], $0xffff;
	v20 =	vor.u32 v21, v3;
	v30 =	vor.u32 v21, v5;
	[tilespmem:v33+s9+$0x0] =	vst.idx.msk vm0, v29  }
0x245: {  	v24 =	vor.u32 v21, v7;
	v29 =	vor.u32 v21, v8;
	[tilespmem:v38+s9+$0x0] =	vst.idx.msk vm0, v34;
	v33 =	vld.idx.msk [tilespmem:v27+s3+$0x0], $0xffff  }
0x246: {  	v23 =	vld.idx.msk [tilespmem:v23+s3+$0x0], $0xffff;
	v34 =	vor.u32 v9, v21;
	v27 =	vor.u32 v14, v21;
	[tilespmem:v37+s9+$0x0] =	vst.idx.msk vm0, v39  }
.LBB2_29:
0x247: {  	s0 =	sadd.s32 $0x8, s0;
	v37 =	vld.idx.msk [tilespmem:v31+s3+$0x0], $0xffff;
	v38 =	vor.u32 v10, v21;
	[tilespmem:v25+s9+$0x0] =	vst.idx.msk vm0, v32  }
0x248: {  	v25 =	vmov s0;
	p0 =	slt.u32 s0, $0x38;
	v39 =	vld.idx.msk [tilespmem:v36+s3+$0x0], $0xffff;
	[tilespmem:v11+s9+$0x0] =	vst.idx.msk vm0, v35;
	v11 =	vmov v34  }
0x249: {  	v34 =	vor.u32 v16, v21;
	v25 =	vshrl.u32 v25, $0x3;
	v35 =	vld.idx.msk [tilespmem:v28+s3+$0x0], $0xffff;
	[tilespmem:v22+s9+$0x0] =	vst.idx.msk vm0, v26  }
0x24a: {  	v22 =	vshll.u32 v25, $0x3;
	v40 =	vld.idx.msk [tilespmem:v30+s3+$0x0], $0xffff;
	v25 =	vor.u32 v15, v21;
	[tilespmem:v12+s9+$0x0] =	vst.idx.msk vm0, v33  }
0x24b: {  	v42 =	vor.u32 v18, v21;
	v12 =	vmovc v27;
	v41 =	vbroadcast v22, $0x0;
	v22 =	vor.u32 v0, v21;
	v32 =	vld.idx.msk [tilespmem:v29+s3+$0x0], $0xffff  }
0x24c: {  	v26 =	vld.idx.msk [tilespmem:v24+s3+$0x0], $0xffff;
	[tilespmem:v19+s9+$0x0] =	vst.idx.msk vm0, v23;
	v19 =	vor.u32 v13, v21  }
.Ltmp16:
0x24d: {  	v31 =	vor.u32 v41, v2;
	v28 =	vor.u32 v41, v6;
	v23 =	vld.idx.msk [tilespmem:v17+s3+$0x0], $0xffff;
	v17 =	vor.u32 v1, v41;
	(pc) =	sbr.rel @p0 .LBB2_29-.Ltmp16, $4  }
0x24e: {  	v36 =	vor.u32 v41, v4;
	v30 =	vor.u32 v41, v5;
	v33 =	vld.idx.msk [tilespmem:v20+s3+$0x0], $0xffff;
	v20 =	vor.u32 v41, v3  }
0x24f: {  	v24 =	vor.u32 v41, v7;
	v29 =	vor.u32 v41, v8;
	[tilespmem:v34+s9+$0x0] =	vst.idx.msk vm0, v39  }
0x250: {  	v27 =	vor.u32 v14, v41;
	v34 =	vor.u32 v9, v41;
	[tilespmem:v42+s9+$0x0] =	vst.idx.msk vm0, v35;
	v35 =	vmov v37  }
0x251: {  	v21 =	vmov v41;
	[tilespmem:v38+s9+$0x0] =	vst.idx.msk vm0, v40  }
0x252: {  	_ =	sdelay $0x4  }
0x253: {  	[tilespmem:v25+s9+$0x0] =	vst.idx.msk vm0, v32;
	v1 =	vld.idx.msk [tilespmem:v36+s3+$0x0], $0xffff;
	v2 =	vor.u32 v16, v21  }
0x254: {  	[tilespmem:v11+s9+$0x0] =	vst.idx.msk vm0, v35;
	v3 =	vld.idx.msk [tilespmem:v28+s3+$0x0], $0xffff;
	v4 =	vor.u32 v18, v21  }
0x255: {  	v5 =	vor.u32 v10, v21;
	[tilespmem:v22+s9+$0x0] =	vst.idx.msk vm0, v26;
	v6 =	vld.idx.msk [tilespmem:v30+s3+$0x0], $0xffff  }
0x256: {  	v7 =	vor.u32 v15, v21;
	v8 =	vld.idx.msk [tilespmem:v29+s3+$0x0], $0xffff;
	[tilespmem:v19+s9+$0x0] =	vst.idx.msk vm0, v23  }
0x257: {  	v9 =	vld.idx.msk [tilespmem:v31+s3+$0x0], $0xffff;
	[tilespmem:v12+s9+$0x0] =	vst.idx.msk vm0, v33  }
0x258: {  	v0 =	vor.u32 v0, v21;
	v60 =	vld.idx.msk [tilespmem:v24+s3+$0x0], $0xffff;
	[tilespmem:v2+s9+$0x0] =	vst.idx.msk vm0, v1  }
0x259: {  	v61 =	vld.idx.msk [tilespmem:v20+s3+$0x0], $0xffff;
	[tilespmem:v4+s9+$0x0] =	vst.idx.msk vm0, v3  }
0x25a: {  	v62 =	vor.u32 v13, v21;
	v63 =	vld.idx.msk [tilespmem:v17+s3+$0x0], $0xffff;
	[tilespmem:v5+s9+$0x0] =	vst.idx.msk vm0, v6  }
0x25b: {  	[tilespmem:v7+s9+$0x0] =	vst.idx.msk vm0, v8  }
0x25c: {  	[tilespmem:v34+s9+$0x0] =	vst.idx.msk vm0, v9  }
0x25d: {  	[tilespmem:v0+s9+$0x0] =	vst.idx.msk vm0, v60  }
0x25e: {  	[tilespmem:v27+s9+$0x0] =	vst.idx.msk vm0, v61  }
0x25f: {  	[tilespmem:v62+s9+$0x0] =	vst.idx.msk vm0, v63  }
.LBB2_31:
0x260: {  	v0 =	vld [tilespmem:$0x10070];
	_ =	sdelay $0x4  }
0x261: {  	vm0 =	vgt.s32 v0, $0xF423F  }
0x262: {  	v1 =	vmpcnt.ones.xlane vm0;
	_ =	sdelay $0x1  }
0x263: {  	(v2sf) =	vpush v1, $0x0;
	_ =	sdelay $0xe  }
0x264: {  	s0 =	spop (v2sf)  }
0x265: {  	p0 =	slt.s32 s0, $0x1  }
.Ltmp17:
0x266: {  	_ = 	snop;
	(pc) =	sbr.rel @p0 .LBB2_35-.Ltmp17, $1  }
0x267: {  	_ =	sdelay $0x3  }
0x268: {  	vm1 =	vgt.s32 v0, $0xF4240;
	s0 =	simm.s32 $0x0  }
0x269: {  	v0 =	vnsel vm1, $0xF4240, v0;
	v1 =	vmov s0  }
0x26a: {  	v22 =	vld [tilespmem:$0x1FDC0];
	s0 =	simm.s32 $0x8;
	v0 =	vshll.u32 v0, $0x6;
	v3 =	vshrl.u32 v1, $0x3  }
0x26b: {  	v15 =	vmov s0;
	v1 =	vadd.s32 $0xFC2F7000, v0;
	v5 =	vshll.u32 v3, $0x3  }
0x26c: {  	v2 =	vadd.s32 $0xFC2F7001, v0;
	v3 =	vadd.s32 $0xFC2F7002, v0;
	v17 =	vbroadcast v5, $0x0  }
0x26d: {  	v4 =	vadd.s32 $0xFC2F7003, v0;
	v6 =	vadd.s32 $0xFC2F7005, v0;
	v7 =	vadd.s32 $0xFC2F7006, v0  }
0x26e: {  	v8 =	vadd.s32 $0xFC2F7007, v0;
	v15 =	vshrl.u32 v15, $0x3;
	v13 =	vor.u32 v17, v4  }
0x26f: {  	v5 =	vadd.s32 $0xFC2F7004, v0;
	v9 =	vor.u32 $0x1C01, v22;
	v0 =	vor.u32 v17, v6  }
0x270: {  	v14 =	vor.u32 $0x1C02, v22;
	v10 =	vor.u32 $0x1C04, v22;
	v20 =	vor.u32 v17, v5  }
0x271: {  	v16 =	vor.u32 $0x1C03, v22;
	v18 =	vor.u32 $0x1C05, v22;
	v19 =	vor.u32 v17, v2  }
0x272: {  	v23 =	vor.u32 v1, v17;
	v27 =	vor.u32 v17, v3;
	v26 =	vor.u32 v17, v8  }
0x273: {  	v24 =	vor.u32 v17, v7;
	v11 =	vor.u32 v9, v17;
	v12 =	vor.u32 v14, v17;
	v29 =	vld.idx.msk [tilespmem:v13+s3+$0x0], $0xffff  }
0x274: {  	v37 =	vor.u32 v10, v17;
	v33 =	vor.u32 v16, v17;
	v13 =	vshll.u32 v15, $0x3;
	v34 =	vld.idx.msk [tilespmem:v0+s3+$0x0], $0xffff  }
0x275: {  	v38 =	vor.u32 v18, v17;
	v15 =	vor.u32 $0x1C07, v22;
	v39 =	vld.idx.msk [tilespmem:v20+s3+$0x0], $0xffff;
	v21 =	vbroadcast v13, $0x0  }
0x276: {  	v0 =	vor.u32 $0x1C06, v22;
	v35 =	vld.idx.msk [tilespmem:v19+s3+$0x0], $0xffff;
	v13 =	vor.u32 $0x1C00, v22;
	v25 =	vor.u32 v15, v17  }
0x277: {  	v32 =	vld.idx.msk [tilespmem:v26+s3+$0x0], $0xffff;
	v22 =	vor.u32 v0, v17;
	v19 =	vor.u32 v13, v17;
	v31 =	vor.u32 v21, v2  }
0x278: {  	v17 =	vor.u32 v1, v21;
	v28 =	vor.u32 v21, v6;
	v36 =	vor.u32 v21, v4  }
0x279: {  	v26 =	vld.idx.msk [tilespmem:v24+s3+$0x0], $0xffff;
	v20 =	vor.u32 v21, v3;
	v30 =	vor.u32 v21, v5;
	[tilespmem:v33+s9+$0x0] =	vst.idx.msk vm0, v29  }
0x27a: {  	v24 =	vor.u32 v21, v7;
	v29 =	vor.u32 v21, v8;
	[tilespmem:v38+s9+$0x0] =	vst.idx.msk vm0, v34;
	v33 =	vld.idx.msk [tilespmem:v27+s3+$0x0], $0xffff  }
0x27b: {  	v23 =	vld.idx.msk [tilespmem:v23+s3+$0x0], $0xffff;
	v34 =	vor.u32 v9, v21;
	v27 =	vor.u32 v14, v21;
	[tilespmem:v37+s9+$0x0] =	vst.idx.msk vm0, v39  }
.LBB2_33:
0x27c: {  	s0 =	sadd.s32 $0x8, s0;
	v37 =	vld.idx.msk [tilespmem:v31+s3+$0x0], $0xffff;
	v38 =	vor.u32 v10, v21;
	[tilespmem:v25+s9+$0x0] =	vst.idx.msk vm0, v32  }
0x27d: {  	v25 =	vmov s0;
	p0 =	slt.u32 s0, $0x38;
	v39 =	vld.idx.msk [tilespmem:v36+s3+$0x0], $0xffff;
	[tilespmem:v11+s9+$0x0] =	vst.idx.msk vm0, v35;
	v11 =	vmov v34  }
0x27e: {  	v34 =	vor.u32 v16, v21;
	v25 =	vshrl.u32 v25, $0x3;
	v35 =	vld.idx.msk [tilespmem:v28+s3+$0x0], $0xffff;
	[tilespmem:v22+s9+$0x0] =	vst.idx.msk vm0, v26  }
0x27f: {  	v22 =	vshll.u32 v25, $0x3;
	v40 =	vld.idx.msk [tilespmem:v30+s3+$0x0], $0xffff;
	v25 =	vor.u32 v15, v21;
	[tilespmem:v12+s9+$0x0] =	vst.idx.msk vm0, v33  }
0x280: {  	v42 =	vor.u32 v18, v21;
	v12 =	vmovc v27;
	v41 =	vbroadcast v22, $0x0;
	v22 =	vor.u32 v0, v21;
	v32 =	vld.idx.msk [tilespmem:v29+s3+$0x0], $0xffff  }
0x281: {  	v26 =	vld.idx.msk [tilespmem:v24+s3+$0x0], $0xffff;
	[tilespmem:v19+s9+$0x0] =	vst.idx.msk vm0, v23;
	v19 =	vor.u32 v13, v21  }
.Ltmp18:
0x282: {  	v31 =	vor.u32 v41, v2;
	v28 =	vor.u32 v41, v6;
	v23 =	vld.idx.msk [tilespmem:v17+s3+$0x0], $0xffff;
	v17 =	vor.u32 v1, v41;
	(pc) =	sbr.rel @p0 .LBB2_33-.Ltmp18, $4  }
0x283: {  	v36 =	vor.u32 v41, v4;
	v30 =	vor.u32 v41, v5;
	v33 =	vld.idx.msk [tilespmem:v20+s3+$0x0], $0xffff;
	v20 =	vor.u32 v41, v3  }
0x284: {  	v24 =	vor.u32 v41, v7;
	v29 =	vor.u32 v41, v8;
	[tilespmem:v34+s9+$0x0] =	vst.idx.msk vm0, v39  }
0x285: {  	v27 =	vor.u32 v14, v41;
	v34 =	vor.u32 v9, v41;
	[tilespmem:v42+s9+$0x0] =	vst.idx.msk vm0, v35;
	v35 =	vmov v37  }
0x286: {  	v21 =	vmov v41;
	[tilespmem:v38+s9+$0x0] =	vst.idx.msk vm0, v40  }
0x287: {  	_ =	sdelay $0x4  }
0x288: {  	[tilespmem:v25+s9+$0x0] =	vst.idx.msk vm0, v32;
	v1 =	vld.idx.msk [tilespmem:v36+s3+$0x0], $0xffff;
	v2 =	vor.u32 v16, v21  }
0x289: {  	[tilespmem:v11+s9+$0x0] =	vst.idx.msk vm0, v35;
	v3 =	vld.idx.msk [tilespmem:v28+s3+$0x0], $0xffff;
	v4 =	vor.u32 v18, v21  }
0x28a: {  	v5 =	vor.u32 v10, v21;
	[tilespmem:v22+s9+$0x0] =	vst.idx.msk vm0, v26;
	v6 =	vld.idx.msk [tilespmem:v30+s3+$0x0], $0xffff  }
0x28b: {  	v7 =	vor.u32 v15, v21;
	v8 =	vld.idx.msk [tilespmem:v29+s3+$0x0], $0xffff;
	[tilespmem:v19+s9+$0x0] =	vst.idx.msk vm0, v23  }
0x28c: {  	v9 =	vld.idx.msk [tilespmem:v31+s3+$0x0], $0xffff;
	[tilespmem:v12+s9+$0x0] =	vst.idx.msk vm0, v33  }
0x28d: {  	v0 =	vor.u32 v0, v21;
	v60 =	vld.idx.msk [tilespmem:v24+s3+$0x0], $0xffff;
	[tilespmem:v2+s9+$0x0] =	vst.idx.msk vm0, v1  }
0x28e: {  	v61 =	vld.idx.msk [tilespmem:v20+s3+$0x0], $0xffff;
	[tilespmem:v4+s9+$0x0] =	vst.idx.msk vm0, v3  }
0x28f: {  	v62 =	vor.u32 v13, v21;
	v63 =	vld.idx.msk [tilespmem:v17+s3+$0x0], $0xffff;
	[tilespmem:v5+s9+$0x0] =	vst.idx.msk vm0, v6  }
0x290: {  	[tilespmem:v7+s9+$0x0] =	vst.idx.msk vm0, v8  }
0x291: {  	[tilespmem:v34+s9+$0x0] =	vst.idx.msk vm0, v9  }
0x292: {  	[tilespmem:v0+s9+$0x0] =	vst.idx.msk vm0, v60  }
0x293: {  	[tilespmem:v27+s9+$0x0] =	vst.idx.msk vm0, v61  }
0x294: {  	[tilespmem:v62+s9+$0x0] =	vst.idx.msk vm0, v63  }
.LBB2_35:
0x295: {  	s0 =	simm.s32 $0x0;
	s12 =	simm.s32 $0x1  }
0x296: {  	s2 =	simm.s32 $0x2;
	s11 =	simm.s32 $0x5;
	v0 =	vmov s0;
	v1 =	vmov s12  }
0x297: {  	v2 =	vmov s2;
	s2 =	simm.s32 $0x6;
	v5 =	vmov s11;
	s11 =	simm.s32 $0x7;
	v0 =	vshrl.u32 v0, $0x3  }
0x298: {  	v6 =	vmov s2;
	v7 =	vmov s11;
	v1 =	vshrl.u32 v1, $0x3  }
0x299: {  	v57 =	vld [tilespmem:$0x1FD90];
	v2 =	vshrl.u32 v2, $0x3;
	v0 =	vshll.u32 v0, v49;
	v7 =	vshrl.u32 v7, $0x3  }
0x29a: {  	v8 =	vshrl.u32 v6, $0x3;
	v7 =	vshll.u32 v7, v49;
	v18 =	vbroadcast v0, $0x0  }
0x29b: {  	s0 =	simm.s32 $0x10300;
	v6 =	vor.u32 $0x7, v59;
	v0 =	vshll.u32 v1, v49;
	v12 =	vbroadcast v7, $0x0  }
0x29c: {  	v23 =	vbroadcast v0, $0x0;
	v0 =	vshll.u32 v2, v49;
	v7 =	vld [tilespmem:s0+$0xFFFFFF00];
	v9 =	vadd.s32 v59, v18  }
0x29d: {  	s13 =	simm.s32 $0x3;
	v1 =	vld [tilespmem:s0+$0xC0];
	v24 =	vbroadcast v0, $0x0;
	v2 =	vadd.s32 v6, v12  }
0x29e: {  	v63 =	vor.u32 $0x2, v59;
	s14 =	simm.s32 $0x4;
	v3 =	vmov s13;
	v10 =	vld [tilespmem:s0+$0xFFFFFF40];
	v11 =	vadd.s32 v57, v23  }
0x29f: {  	v4 =	vmov s14;
	v3 =	vshrl.u32 v3, $0x3;
	v13 =	vld [tilespmem:s0+$0xFFFFFF80];
	v14 =	vadd.s32 v63, v24  }
0x2a0: {  	v53 =	vor.u32 $0x3, v59;
	v4 =	vshrl.u32 v4, $0x3;
	v0 =	vshll.u32 v3, v49  }
0x2a1: {  	v5 =	vshrl.u32 v5, $0x3;
	v19 =	vbroadcast v0, $0x0;
	v0 =	vshll.u32 v4, v49;
	[tilespmem:v9+s6+$0x0] =	vst.idx.msk $0xffff, v7  }
0x2a2: {  	v15 =	vld [tilespmem:s0+$0xFFFFFFC0];
	v3 =	vor.u32 $0x4, v59;
	v20 =	vbroadcast v0, $0x0;
	v0 =	vshll.u32 v5, v49;
	[tilespmem:v2+s6+$0x0] =	vst.idx.msk $0xffff, v1  }
0x2a3: {  	v4 =	vshll.u32 v8, v49;
	v8 =	vld [tilespmem:s0+$0x0];
	v16 =	vadd.s32 v53, v19;
	v22 =	vbroadcast v0, $0x0;
	[tilespmem:v11+s6+$0x0] =	vst.idx.msk $0xffff, v10  }
0x2a4: {  	v52 =	vor.u32 $0x5, v59;
	v17 =	vadd.s32 v3, v20;
	v10 =	vld [tilespmem:s0+$0x40];
	[tilespmem:v14+s6+$0x0] =	vst.idx.msk $0xffff, v13  }
0x2a5: {  	v21 =	vbroadcast v4, $0x0;
	v2 =	vadd.s32 $0x887, v59;
	v11 =	vadd.s32 v52, v22;
	v48 =	vld [tilespmem:$0x1FDA0]  }
0x2a6: {  	v4 =	vor.u32 $0x6, v59;
	v0 =	vld [tilespmem:s0+$0xD0];
	v9 =	vadd.s32 v2, v12  }
0x2a7: {  	v5 =	vadd.s32 $0x882, v59;
	v13 =	vld [tilespmem:s0+$0x80];
	v14 =	vadd.s32 v4, v21  }
0x2a8: {  	v7 =	vadd.s32 $0x883, v59;
	[tilespmem:v16+s6+$0x0] =	vst.idx.msk $0xffff, v15;
	v15 =	vld [tilespmem:s0+$0xFFFFFF90];
	v16 =	vadd.s32 v5, v24  }
0x2a9: {  	v27 =	vadd.s32 v7, v19;
	[tilespmem:v17+s6+$0x0] =	vst.idx.msk $0xffff, v8;
	v17 =	vld [tilespmem:s0+$0xFFFFFFD0]  }
0x2aa: {  	v25 =	vld [tilespmem:s0+$0xFFFFFF50];
	[tilespmem:v11+s6+$0x0] =	vst.idx.msk $0xffff, v10;
	v26 =	vadd.s32 v48, v23  }
0x2ab: {  	[tilespmem:v9+s6+$0x0] =	vst.idx.msk $0xffff, v0  }
0x2ac: {  	[tilespmem:v14+s6+$0x0] =	vst.idx.msk $0xffff, v13  }
0x2ad: {  	v9 =	vadd.s32 $0x1107, v59;
	[tilespmem:v16+s6+$0x0] =	vst.idx.msk $0xffff, v15  }
0x2ae: {  	v0 =	vld [tilespmem:s0+$0xE0];
	v28 =	vadd.s32 v9, v12;
	[tilespmem:v27+s6+$0x0] =	vst.idx.msk $0xffff, v17  }
0x2af: {  	v8 =	vadd.s32 $0x884, v59;
	v29 =	vld [tilespmem:s0+$0x10];
	[tilespmem:v26+s6+$0x0] =	vst.idx.msk $0xffff, v25  }
0x2b0: {  	v30 =	vadd.s32 v8, v20;
	v11 =	vadd.s32 $0x886, v59;
	v50 =	vld [tilespmem:$0x1FDB0]  }
0x2b1: {  	v32 =	vadd.s32 v11, v21;
	v31 =	vld [tilespmem:s0+$0x90]  }
0x2b2: {  	v34 =	vadd.s32 v58, v18;
	v33 =	vld [tilespmem:s0+$0xFFFFFF10];
	v10 =	vadd.s32 $0x885, v59  }
0x2b3: {  	v14 =	vadd.s32 $0x1987, v59;
	v25 =	vld [tilespmem:s0+$0x50];
	v26 =	vadd.s32 v10, v22;
	[tilespmem:v28+s6+$0x0] =	vst.idx.msk $0xffff, v0  }
0x2b4: {  	v28 =	vadd.s32 v14, v12;
	v0 =	vld [tilespmem:s0+$0xF0]  }
0x2b5: {  	v27 =	vld [tilespmem:s0+$0xFFFFFF60];
	[tilespmem:v30+s6+$0x0] =	vst.idx.msk $0xffff, v29;
	v35 =	vadd.s32 v50, v23  }
0x2b6: {  	[tilespmem:v32+s6+$0x0] =	vst.idx.msk $0xffff, v31  }
0x2b7: {  	[tilespmem:v34+s6+$0x0] =	vst.idx.msk $0xffff, v33  }
0x2b8: {  	v60 =	vadd.s32 $0x1982, v59;
	[tilespmem:v26+s6+$0x0] =	vst.idx.msk $0xffff, v25  }
0x2b9: {  	v51 =	vadd.s32 $0x1983, v59;
	v61 =	vadd.s32 $0x1984, v59;
	v13 =	vadd.s32 $0x1102, v59;
	v36 =	vld [tilespmem:s0+$0xFFFFFFA0];
	[tilespmem:v28+s6+$0x0] =	vst.idx.msk $0xffff, v0  }
0x2ba: {  	v46 =	vadd.s32 $0x1985, v59;
	v16 =	vadd.s32 $0x1103, v59;
	v38 =	vadd.s32 v13, v24;
	v39 =	vld [tilespmem:s0+$0xFFFFFFE0];
	[tilespmem:v35+s6+$0x0] =	vst.idx.msk $0xffff, v27  }
0x2bb: {  	v47 =	vadd.s32 $0x1986, v59;
	s13 =	simm.s32 $0x9;
	s14 =	simm.s32 $0xA;
	v40 =	vadd.s32 v16, v19;
	v12 =	vadd.s32 $0x1104, v59;
	v62 =	vld [tilespmem:$0x1FD70]  }
0x2bc: {  	v43 =	vmov s13;
	v44 =	vmov s14;
	s11 =	simm.s32 $0xB;
	v41 =	vld [tilespmem:s0+$0x20];
	v42 =	vadd.s32 v12, v20  }
0x2bd: {  	v45 =	vmov s11;
	v1 =	vadd.s32 $0x1981, v59;
	v15 =	vadd.s32 $0x1105, v59;
	v32 =	vld [tilespmem:s0+$0xA0]  }
0x2be: {  	s12 =	simm.s32 $0x8;
	s13 =	simm.s32 $0xD;
	v24 =	vadd.s32 v60, v24;
	v17 =	vadd.s32 $0x1106, v59;
	v31 =	vadd.s32 v15, v22;
	v29 =	vld [tilespmem:s0+$0x60]  }
0x2bf: {  	v34 =	vadd.s32 v17, v21;
	v25 =	vmov s12;
	s12 =	simm.s32 $0xC;
	v26 =	vmov s13;
	v35 =	vld [tilespmem:s0+$0xFFFFFF20];
	[tilespmem:v38+s6+$0x0] =	vst.idx.msk $0xffff, v36  }
0x2c0: {  	s14 =	simm.s32 $0xE;
	v25 =	vshrl.u32 v25, $0x3;
	v30 =	vmov s12;
	v36 =	vld [tilespmem:s0+$0xFFFFFF70];
	[tilespmem:v40+s6+$0x0] =	vst.idx.msk $0xffff, v39;
	v37 =	vadd.s32 v62, v18  }
0x2c1: {  	v23 =	vadd.s32 v1, v23;
	v0 =	vmov s14;
	v33 =	vshll.u32 v25, v49;
	[tilespmem:v42+s6+$0x0] =	vst.idx.msk $0xffff, v41;
	v38 =	vld [tilespmem:s0+$0xFFFFFFB0]  }
0x2c2: {  	s2 =	sshll.u32 s31, $0xD;
	s11 =	simm.s32 $0x10;
	s12 =	simm.s32 $0xF;
	v28 =	vshrl.u32 v43, $0x3;
	v43 =	vmovc v1;
	v25 =	vshrl.u32 v45, $0x3;
	v27 =	vshrl.u32 v44, $0x3;
	v56 =	vld [tilespmem:$0x1FD80]  }
.LBB2_36:
0x2c3: {  	p0 =	slt.u32 s11, $0x78;
	v30 =	vshrl.u32 v30, $0x3;
	v39 =	vmov s12;
	v40 =	vld [tilespmem:s0+$0xFFFFFFF0];
	v19 =	vadd.s32 v51, v19;
	[tilespmem:v31+s6+$0x0] =	vst.idx.msk $0xffff, v29  }
0x2c4: {  	v26 =	vshrl.u32 v26, $0x3;
	v20 =	vadd.s32 v61, v20;
	v29 =	vshrl.u32 v39, $0x3;
	v31 =	vld [tilespmem:s0+$0x30];
	[tilespmem:v34+s6+$0x0] =	vst.idx.msk $0xffff, v32  }
0x2c5: {  	v0 =	vshrl.u32 v0, $0x3;
	v22 =	vadd.s32 v46, v22;
	v29 =	vshll.u32 v29, v49;
	[tilespmem:v37+s6+$0x0] =	vst.idx.msk $0xffff, v35;
	v32 =	vld [tilespmem:s0+$0x70]  }
0x2c6: {  	v33 =	vbroadcast v33, $0x0;
	v21 =	vadd.s32 v47, v21;
	v29 =	vbroadcast v29, $0x0;
	[tilespmem:v23+s6+$0x0] =	vst.idx.msk $0xffff, v36;
	v34 =	vld [tilespmem:s0+$0xB0]  }
0x2c7: {  	v18 =	vadd.s32 v56, v18;
	v23 =	vshll.u32 v28, v49;
	v28 =	vld [tilespmem:s0+$0xFFFFFF30];
	[tilespmem:v24+s6+$0x0] =	vst.idx.msk $0xffff, v38;
	s0 =	sadd.s32 $0x200, s0  }
0x2c8: {  	v23 =	vbroadcast v23, $0x0;
	v24 =	vshll.u32 v27, v49;
	v27 =	vld [tilespmem:s0+$0xC0];
	v35 =	vadd.s32 v6, v29;
	[tilespmem:v19+s6+$0x0] =	vst.idx.msk $0xffff, v40  }
0x2c9: {  	v37 =	vadd.s32 v59, v33;
	v24 =	vbroadcast v24, $0x0;
	v19 =	vshll.u32 v25, v49;
	v36 =	vld [tilespmem:s0+$0xFFFFFF00];
	[tilespmem:v20+s6+$0x0] =	vst.idx.msk $0xffff, v31  }
0x2ca: {  	v31 =	vadd.s32 v57, v23;
	v19 =	vbroadcast v19, $0x0;
	v20 =	vshll.u32 v30, v49;
	v25 =	vld [tilespmem:s0+$0xFFFFFF40];
	[tilespmem:v22+s6+$0x0] =	vst.idx.msk $0xffff, v32  }
0x2cb: {  	v32 =	vadd.s32 v63, v24;
	v20 =	vbroadcast v20, $0x0;
	v22 =	vshll.u32 v26, v49;
	v30 =	vld [tilespmem:s0+$0xFFFFFF80];
	[tilespmem:v21+s6+$0x0] =	vst.idx.msk $0xffff, v34  }
0x2cc: {  	v0 =	vshll.u32 v0, v49;
	v34 =	vadd.s32 v53, v19;
	v26 =	vld [tilespmem:s0+$0xFFFFFFC0];
	[tilespmem:v18+s6+$0x0] =	vst.idx.msk $0xffff, v28  }
0x2cd: {  	v22 =	vbroadcast v22, $0x0;
	v38 =	vadd.s32 v3, v20;
	v18 =	vmov v33;
	v28 =	vld [tilespmem:s0+$0x0];
	[tilespmem:v35+s6+$0x0] =	vst.idx.msk $0xffff, v27  }
0x2ce: {  	v21 =	vbroadcast v0, $0x0;
	v27 =	vadd.s32 v2, v29;
	[tilespmem:v37+s6+$0x0] =	vst.idx.msk $0xffff, v36;
	v0 =	vld [tilespmem:s0+$0xD0]  }
0x2cf: {  	[tilespmem:v31+s6+$0x0] =	vst.idx.msk $0xffff, v25;
	v25 =	vld [tilespmem:s0+$0x40];
	v31 =	vadd.s32 v52, v22  }
0x2d0: {  	[tilespmem:v32+s6+$0x0] =	vst.idx.msk $0xffff, v30;
	v30 =	vld [tilespmem:s0+$0x80];
	v32 =	vadd.s32 v4, v21  }
0x2d1: {  	v35 =	vadd.s32 v48, v23;
	v33 =	vld [tilespmem:s0+$0xFFFFFF50];
	[tilespmem:v34+s6+$0x0] =	vst.idx.msk $0xffff, v26  }
0x2d2: {  	v34 =	vadd.s32 v5, v24;
	v26 =	vld [tilespmem:s0+$0xFFFFFF90];
	[tilespmem:v38+s6+$0x0] =	vst.idx.msk $0xffff, v28  }
0x2d3: {  	v36 =	vadd.s32 v7, v19;
	v28 =	vld [tilespmem:s0+$0xFFFFFFD0];
	[tilespmem:v27+s6+$0x0] =	vst.idx.msk $0xffff, v0  }
0x2d4: {  	[tilespmem:v31+s6+$0x0] =	vst.idx.msk $0xffff, v25;
	v0 =	vld [tilespmem:s0+$0xE0];
	v25 =	vadd.s32 v9, v29  }
0x2d5: {  	v31 =	vadd.s32 v8, v20;
	v27 =	vld [tilespmem:s0+$0x10];
	[tilespmem:v32+s6+$0x0] =	vst.idx.msk $0xffff, v30  }
0x2d6: {  	v32 =	vadd.s32 v10, v22;
	[tilespmem:v35+s6+$0x0] =	vst.idx.msk $0xffff, v33;
	v30 =	vld [tilespmem:s0+$0x50]  }
0x2d7: {  	v33 =	vadd.s32 v11, v21;
	[tilespmem:v34+s6+$0x0] =	vst.idx.msk $0xffff, v26;
	v26 =	vld [tilespmem:s0+$0x90]  }
0x2d8: {  	v35 =	vadd.s32 v58, v18;
	v34 =	vld [tilespmem:s0+$0xFFFFFF10];
	[tilespmem:v36+s6+$0x0] =	vst.idx.msk $0xffff, v28  }
0x2d9: {  	v36 =	vadd.s32 v50, v23;
	v28 =	vld [tilespmem:s0+$0xFFFFFF60];
	[tilespmem:v25+s6+$0x0] =	vst.idx.msk $0xffff, v0  }
0x2da: {  	v25 =	vadd.s32 v14, v29;
	[tilespmem:v31+s6+$0x0] =	vst.idx.msk $0xffff, v27;
	v0 =	vld [tilespmem:s0+$0xF0]  }
0x2db: {  	v38 =	vadd.s32 v13, v24;
	v27 =	vld [tilespmem:s0+$0xFFFFFFA0];
	[tilespmem:v32+s6+$0x0] =	vst.idx.msk $0xffff, v30  }
0x2dc: {  	s12 =	sadd.s32 $0x1, s11;
	v40 =	vadd.s32 v16, v19;
	v29 =	vmov s11;
	v39 =	vld [tilespmem:s0+$0xFFFFFFE0];
	[tilespmem:v33+s6+$0x0] =	vst.idx.msk $0xffff, v26  }
0x2dd: {  	s13 =	sadd.s32 $0x2, s11;
	v1 =	vmovc v43;
	v43 =	vmov s12;
	s12 =	sadd.s32 $0x3, s11;
	v42 =	vadd.s32 v12, v20;
	v33 =	vshrl.u32 v29, $0x3;
	[tilespmem:v35+s6+$0x0] =	vst.idx.msk $0xffff, v34;
	v41 =	vld [tilespmem:s0+$0x20]  }
.Ltmp19:
0x2de: {  	v44 =	vmov s13;
	s13 =	sadd.s32 $0x4, s11;
	v45 =	vmov s12;
	v31 =	vadd.s32 v15, v22;
	[tilespmem:v36+s6+$0x0] =	vst.idx.msk $0xffff, v28;
	v29 =	vld [tilespmem:s0+$0x60];
	(pc) =	sbr.rel @p0 .LBB2_36-.Ltmp19, $4  }
0x2df: {  	s12 =	sadd.s32 $0x5, s11;
	v37 =	vadd.s32 v62, v18;
	v30 =	vmov s13;
	s13 =	sadd.s32 $0x6, s11;
	v34 =	vadd.s32 v17, v21;
	v32 =	vld [tilespmem:s0+$0xA0];
	[tilespmem:v25+s6+$0x0] =	vst.idx.msk $0xffff, v0  }
0x2e0: {  	v23 =	vadd.s32 v1, v23;
	v26 =	vmov s12;
	v0 =	vmov s13;
	v35 =	vld [tilespmem:s0+$0xFFFFFF20];
	[tilespmem:v38+s6+$0x0] =	vst.idx.msk $0xffff, v27  }
0x2e1: {  	v33 =	vshll.u32 v33, v49;
	v28 =	vshrl.u32 v43, $0x3;
	v43 =	vmov v1;
	v36 =	vld [tilespmem:s0+$0xFFFFFF70];
	[tilespmem:v40+s6+$0x0] =	vst.idx.msk $0xffff, v39  }
0x2e2: {  	v24 =	vadd.s32 v60, v24;
	s12 =	sadd.s32 $0x7, s11;
	s11 =	sadd.s32 $0x8, s11;
	v25 =	vshrl.u32 v45, $0x3;
	v27 =	vshrl.u32 v44, $0x3;
	v38 =	vld [tilespmem:s0+$0xFFFFFFB0];
	[tilespmem:v42+s6+$0x0] =	vst.idx.msk $0xffff, v41  }
0x2e3: {  	_ =	sdelay $0x3  }
0x2e4: {  	v40 =	vld [tilespmem:s0+$0xFFFFFFF0];
	v19 =	vadd.s32 v51, v19;
	[tilespmem:v31+s6+$0x0] =	vst.idx.msk $0xffff, v29  }
0x2e5: {  	v39 =	vmov s12;
	v42 =	vld [tilespmem:s0+$0x30];
	v20 =	vadd.s32 v61, v20;
	[tilespmem:v34+s6+$0x0] =	vst.idx.msk $0xffff, v32  }
0x2e6: {  	v22 =	vadd.s32 v46, v22;
	v41 =	vshrl.u32 v39, $0x3;
	v44 =	vld [tilespmem:s0+$0x70];
	[tilespmem:v37+s6+$0x0] =	vst.idx.msk $0xffff, v35  }
0x2e7: {  	v21 =	vadd.s32 v47, v21;
	s12 =	sadd.s32 $0x200, s0;
	v29 =	vshll.u32 v41, v49;
	v45 =	vld [tilespmem:s0+$0xB0];
	[tilespmem:v23+s6+$0x0] =	vst.idx.msk $0xffff, v36  }
0x2e8: {  	v28 =	vshll.u32 v28, v49;
	v18 =	vadd.s32 v56, v18;
	v37 =	vld [tilespmem:s12+$0xFFFFFF40];
	v29 =	vbroadcast v29, $0x0;
	[tilespmem:v24+s6+$0x0] =	vst.idx.msk $0xffff, v38  }
0x2e9: {  	v33 =	vbroadcast v33, $0x0;
	v27 =	vshll.u32 v27, v49;
	v25 =	vshll.u32 v25, v49;
	v34 =	vld [tilespmem:s0+$0xFFFFFF30];
	[tilespmem:v19+s6+$0x0] =	vst.idx.msk $0xffff, v40  }
0x2ea: {  	v27 =	vbroadcast v27, $0x0;
	v24 =	vbroadcast v28, $0x0;
	v28 =	vld [tilespmem:s12+$0xC0];
	v35 =	vadd.s32 v6, v29;
	[tilespmem:v20+s6+$0x0] =	vst.idx.msk $0xffff, v42  }
0x2eb: {  	v30 =	vshrl.u32 v30, $0x3;
	v25 =	vbroadcast v25, $0x0;
	v36 =	vadd.s32 v59, v33;
	v19 =	vld [tilespmem:s12+$0xFFFFFF00];
	[tilespmem:v22+s6+$0x0] =	vst.idx.msk $0xffff, v44  }
0x2ec: {  	v30 =	vshll.u32 v30, v49;
	v39 =	vshrl.u32 v26, $0x3;
	v41 =	vadd.s32 v63, v27;
	v40 =	vld [tilespmem:s12+$0xFFFFFF80];
	[tilespmem:$0x1FC80] =	vst v63  }
0x2ed: {  	v30 =	vbroadcast v30, $0x0;
	v42 =	vshll.u32 v39, v49;
	v38 =	vadd.s32 v57, v24;
	[tilespmem:v21+s6+$0x0] =	vst.idx.msk $0xffff, v45  }
0x2ee: {  	v0 =	vshrl.u32 v0, $0x3;
	v44 =	vld [tilespmem:s12+$0xFFFFFFC0];
	v45 =	vadd.s32 v53, v25;
	[tilespmem:v18+s6+$0x0] =	vst.idx.msk $0xffff, v34;
	v21 =	vbroadcast v42, $0x0  }
0x2ef: {  	v0 =	vshll.u32 v0, v49;
	v63 =	vadd.s32 v3, v30;
	v18 =	vld [tilespmem:s12+$0x0];
	[tilespmem:v35+s6+$0x0] =	vst.idx.msk $0xffff, v28  }
0x2f0: {  	v0 =	vbroadcast v0, $0x0;
	v20 =	vld [tilespmem:s12+$0x40];
	[tilespmem:v36+s6+$0x0] =	vst.idx.msk $0xffff, v19;
	v31 =	vadd.s32 v52, v21  }
0x2f1: {  	v28 =	vadd.s32 v2, v29;
	[tilespmem:v41+s6+$0x0] =	vst.idx.msk $0xffff, v40;
	v19 =	vld [tilespmem:s12+$0xD0]  }
0x2f2: {  	v26 =	vld [tilespmem:s12+$0x80];
	v40 =	vadd.s32 v4, v0;
	[tilespmem:v38+s6+$0x0] =	vst.idx.msk $0xffff, v37  }
0x2f3: {  	v42 =	vadd.s32 v48, v24;
	v41 =	vld [tilespmem:s12+$0xFFFFFF50];
	[tilespmem:v45+s6+$0x0] =	vst.idx.msk $0xffff, v44  }
0x2f4: {  	v44 =	vld [tilespmem:s12+$0xFFFFFF90];
	v45 =	vadd.s32 v5, v27;
	[tilespmem:v63+s6+$0x0] =	vst.idx.msk $0xffff, v18  }
0x2f5: {  	v63 =	vadd.s32 v7, v25;
	v18 =	vld [tilespmem:s12+$0xFFFFFFD0];
	[tilespmem:v31+s6+$0x0] =	vst.idx.msk $0xffff, v20  }
0x2f6: {  	v31 =	vadd.s32 v8, v30;
	[tilespmem:v28+s6+$0x0] =	vst.idx.msk $0xffff, v19;
	v28 =	vld [tilespmem:s12+$0x10]  }
0x2f7: {  	v20 =	vadd.s32 v9, v29;
	[tilespmem:v40+s6+$0x0] =	vst.idx.msk $0xffff, v26;
	v19 =	vld [tilespmem:s12+$0xE0]  }
0x2f8: {  	v40 =	vld [tilespmem:s12+$0x50];
	[tilespmem:v42+s6+$0x0] =	vst.idx.msk $0xffff, v41;
	v41 =	vadd.s32 v10, v21  }
0x2f9: {  	v22 =	vld [tilespmem:s12+$0x90];
	v42 =	vadd.s32 v11, v0;
	[tilespmem:v45+s6+$0x0] =	vst.idx.msk $0xffff, v44  }
0x2fa: {  	v44 =	vld [tilespmem:s12+$0xFFFFFF10];
	v45 =	vadd.s32 v58, v33;
	[tilespmem:v63+s6+$0x0] =	vst.idx.msk $0xffff, v18  }
0x2fb: {  	v18 =	vld [tilespmem:s12+$0xFFFFFF60];
	v63 =	vadd.s32 v50, v24;
	[tilespmem:v31+s6+$0x0] =	vst.idx.msk $0xffff, v28  }
0x2fc: {  	v39 =	vadd.s32 v13, v27;
	v38 =	vld [tilespmem:s12+$0xFFFFFFA0];
	[tilespmem:v20+s6+$0x0] =	vst.idx.msk $0xffff, v19  }
0x2fd: {  	[tilespmem:v41+s6+$0x0] =	vst.idx.msk $0xffff, v40;
	v40 =	vld [tilespmem:s12+$0xFFFFFFE0];
	v41 =	vadd.s32 v16, v25  }
0x2fe: {  	v37 =	vadd.s32 v14, v29;
	[tilespmem:v42+s6+$0x0] =	vst.idx.msk $0xffff, v22;
	v19 =	vld [tilespmem:s12+$0xF0]  }
0x2ff: {  	v42 =	vld [tilespmem:s12+$0x20];
	[tilespmem:v45+s6+$0x0] =	vst.idx.msk $0xffff, v44;
	v44 =	vadd.s32 v12, v30  }
0x300: {  	v45 =	vadd.s32 v15, v21;
	[tilespmem:v63+s6+$0x0] =	vst.idx.msk $0xffff, v18;
	v18 =	vld [tilespmem:s12+$0x60]  }
0x301: {  	v36 =	vadd.s32 v17, v0;
	v63 =	vld [tilespmem:s12+$0xA0];
	[tilespmem:v39+s6+$0x0] =	vst.idx.msk $0xffff, v38  }
0x302: {  	v24 =	vadd.s32 v43, v24;
	v38 =	vld [tilespmem:s12+$0xFFFFFF70];
	[tilespmem:v41+s6+$0x0] =	vst.idx.msk $0xffff, v40  }
0x303: {  	[tilespmem:v37+s6+$0x0] =	vst.idx.msk $0xffff, v19;
	v19 =	vld [tilespmem:s12+$0xFFFFFF20];
	v37 =	vadd.s32 v62, v33  }
0x304: {  	v27 =	vadd.s32 v60, v27;
	v39 =	vld [tilespmem:s12+$0xFFFFFFB0];
	[tilespmem:v44+s6+$0x0] =	vst.idx.msk $0xffff, v42  }
0x305: {  	v41 =	vadd.s32 v51, v25;
	v40 =	vld [tilespmem:s12+$0xFFFFFFF0];
	[tilespmem:v45+s6+$0x0] =	vst.idx.msk $0xffff, v18  }
0x306: {  	v42 =	vadd.s32 v61, v30;
	v18 =	vld [tilespmem:s12+$0x30];
	[tilespmem:v36+s6+$0x0] =	vst.idx.msk $0xffff, v63  }
0x307: {  	v0 =	vadd.s32 v47, v0;
	[tilespmem:v24+s6+$0x0] =	vst.idx.msk $0xffff, v38;
	v44 =	vld [tilespmem:s12+$0xB0]  }
0x308: {  	v43 =	vadd.s32 v46, v21;
	[tilespmem:v37+s6+$0x0] =	vst.idx.msk $0xffff, v19;
	v19 =	vld [tilespmem:s12+$0x70]  }
0x309: {  	v63 =	vadd.s32 v56, v33;
	[tilespmem:v27+s6+$0x0] =	vst.idx.msk $0xffff, v39;
	v45 =	vld [tilespmem:s12+$0xFFFFFF30]  }
0x30a: {  	[tilespmem:v41+s6+$0x0] =	vst.idx.msk $0xffff, v40  }
0x30b: {  	[tilespmem:v42+s6+$0x0] =	vst.idx.msk $0xffff, v18  }
0x30c: {  	s13 =	sshll.u32 s31, $0x10;
	[tilespmem:v0+s6+$0x0] =	vst.idx.msk $0xffff, v44  }
0x30d: {  	s11 =	rddreg [dreg:$0x1];
	s0 =	sor.u32 s7, s13;
	[tilespmem:v43+s6+$0x0] =	vst.idx.msk $0xffff, v19  }
0x30e: {  	s11 =	sadd.s32 s11, s0;
	[tilespmem:v63+s6+$0x0] =	vst.idx.msk $0xffff, v45  }
0x30f: {  	[hbm4b:s11+s3] =	stream.linear.scatter [tilespmem:s6], [sflag:$0x5], $0x80, $0x38;
	[tilespmem:$0x18600] =	vst v63  }
0x310: {  	s13 =	simm.s32 $0x14288;
	s14 =	sadd.s32 $0x10, s11  }
0x311: {  	[hbm4b:s14+s3] =	stream.linear.scatter [tilespmem:s13], [sflag:$0x5], $0x80, $0x38;
	[tilespmem:$0x18600] =	vst v63  }
0x312: {  	s13 =	sadd.s32 $0x20, s11;
	s14 =	simm.s32 $0x14310  }
0x313: {  	[hbm4b:s13+s3] =	stream.linear.scatter [tilespmem:s14], [sflag:$0x5], $0x80, $0x38;
	[tilespmem:$0x18600] =	vst v63  }
0x314: {  	s13 =	sadd.s32 $0x30, s11;
	s14 =	simm.s32 $0x14398  }
0x315: {  	[hbm4b:s13+s3] =	stream.linear.scatter [tilespmem:s14], [sflag:$0x5], $0x80, $0x38;
	[tilespmem:$0x18600] =	vst v63  }
0x316: {  	s13 =	sadd.s32 $0x40, s11;
	s14 =	simm.s32 $0x14420  }
0x317: {  	[hbm4b:s13+s3] =	stream.linear.scatter [tilespmem:s14], [sflag:$0x5], $0x80, $0x38;
	[tilespmem:$0x18600] =	vst v63  }
0x318: {  	s13 =	sadd.s32 $0x50, s11;
	s14 =	simm.s32 $0x144A8  }
0x319: {  	[hbm4b:s13+s3] =	stream.linear.scatter [tilespmem:s14], [sflag:$0x5], $0x80, $0x38;
	[tilespmem:$0x18600] =	vst v63  }
0x31a: {  	s13 =	sadd.s32 $0x60, s11;
	s14 =	simm.s32 $0x14530  }
0x31b: {  	[hbm4b:s13+s3] =	stream.linear.scatter [tilespmem:s14], [sflag:$0x5], $0x80, $0x38;
	[tilespmem:$0x18600] =	vst v63  }
0x31c: {  	s11 =	sadd.s32 $0x70, s11;
	s14 =	simm.s32 $0x145B8;
	s13 =	rddreg [dreg:$0x8]  }
0x31d: {  	[hbm4b:s11+s3] =	stream.linear.scatter [tilespmem:s14], [sflag:$0x5], $0x80, $0x38;
	[tilespmem:$0x18600] =	vst v63  }
0x31e: {  	s11 =	sadd.s32 s0, s13;
	s14 =	simm.s32 $0x14640  }
0x31f: {  	[hbm4b:s11+s3] =	stream.linear.scatter [tilespmem:s14], [sflag:$0x5], $0x80, $0x38;
	[tilespmem:$0x18600] =	vst v63  }
0x320: {  	s13 =	sadd.s32 $0x10, s11;
	s14 =	simm.s32 $0x146C8  }
0x321: {  	[hbm4b:s13+s3] =	stream.linear.scatter [tilespmem:s14], [sflag:$0x5], $0x80, $0x38;
	[tilespmem:$0x18600] =	vst v63  }
0x322: {  	s13 =	sadd.s32 $0x20, s11;
	s14 =	simm.s32 $0x14750  }
0x323: {  	[hbm4b:s13+s3] =	stream.linear.scatter [tilespmem:s14], [sflag:$0x5], $0x80, $0x38;
	[tilespmem:$0x18600] =	vst v63  }
0x324: {  	s13 =	sadd.s32 $0x30, s11;
	s14 =	simm.s32 $0x147D8  }
0x325: {  	[hbm4b:s13+s3] =	stream.linear.scatter [tilespmem:s14], [sflag:$0x5], $0x80, $0x38;
	[tilespmem:$0x18600] =	vst v63  }
0x326: {  	s13 =	sadd.s32 $0x40, s11;
	s14 =	simm.s32 $0x14860  }
0x327: {  	[hbm4b:s13+s3] =	stream.linear.scatter [tilespmem:s14], [sflag:$0x5], $0x80, $0x38;
	[tilespmem:$0x18600] =	vst v63  }
0x328: {  	s13 =	sadd.s32 $0x50, s11;
	s14 =	simm.s32 $0x148E8  }
0x329: {  	[hbm4b:s13+s3] =	stream.linear.scatter [tilespmem:s14], [sflag:$0x5], $0x80, $0x38;
	[tilespmem:$0x18600] =	vst v63  }
0x32a: {  	s13 =	sadd.s32 $0x60, s11;
	s14 =	simm.s32 $0x14970  }
0x32b: {  	[hbm4b:s13+s3] =	stream.linear.scatter [tilespmem:s14], [sflag:$0x5], $0x80, $0x38;
	[tilespmem:$0x18600] =	vst v63  }
0x32c: {  	s11 =	sadd.s32 $0x70, s11;
	s14 =	simm.s32 $0x149F8;
	s13 =	rddreg [dreg:$0x9]  }
0x32d: {  	[hbm4b:s11+s3] =	stream.linear.scatter [tilespmem:s14], [sflag:$0x5], $0x80, $0x38;
	[tilespmem:$0x18600] =	vst v63  }
0x32e: {  	s11 =	sadd.s32 s0, s13;
	s14 =	simm.s32 $0x14A80  }
0x32f: {  	[hbm4b:s11+s3] =	stream.linear.scatter [tilespmem:s14], [sflag:$0x5], $0x80, $0x38;
	[tilespmem:$0x18600] =	vst v63  }
0x330: {  	s13 =	sadd.s32 $0x10, s11;
	s14 =	simm.s32 $0x14B08  }
0x331: {  	[hbm4b:s13+s3] =	stream.linear.scatter [tilespmem:s14], [sflag:$0x5], $0x80, $0x38;
	[tilespmem:$0x18600] =	vst v63  }
0x332: {  	s13 =	sadd.s32 $0x20, s11;
	s14 =	simm.s32 $0x14B90  }
0x333: {  	[hbm4b:s13+s3] =	stream.linear.scatter [tilespmem:s14], [sflag:$0x5], $0x80, $0x38;
	[tilespmem:$0x18600] =	vst v63  }
0x334: {  	s13 =	sadd.s32 $0x30, s11;
	s14 =	simm.s32 $0x14C18  }
0x335: {  	[hbm4b:s13+s3] =	stream.linear.scatter [tilespmem:s14], [sflag:$0x5], $0x80, $0x38;
	[tilespmem:$0x18600] =	vst v63  }
0x336: {  	s13 =	sadd.s32 $0x40, s11;
	s14 =	simm.s32 $0x14CA0  }
0x337: {  	[hbm4b:s13+s3] =	stream.linear.scatter [tilespmem:s14], [sflag:$0x5], $0x80, $0x38;
	[tilespmem:$0x18600] =	vst v63  }
0x338: {  	s13 =	sadd.s32 $0x50, s11;
	s14 =	simm.s32 $0x14D28  }
0x339: {  	[hbm4b:s13+s3] =	stream.linear.scatter [tilespmem:s14], [sflag:$0x5], $0x80, $0x38;
	[tilespmem:$0x18600] =	vst v63  }
0x33a: {  	s13 =	sadd.s32 $0x60, s11;
	s14 =	simm.s32 $0x14DB0  }
0x33b: {  	[hbm4b:s13+s3] =	stream.linear.scatter [tilespmem:s14], [sflag:$0x5], $0x80, $0x38;
	[tilespmem:$0x18600] =	vst v63  }
0x33c: {  	s11 =	sadd.s32 $0x70, s11;
	s14 =	simm.s32 $0x14E38;
	s13 =	rddreg [dreg:$0xa]  }
0x33d: {  	[hbm4b:s11+s3] =	stream.linear.scatter [tilespmem:s14], [sflag:$0x5], $0x80, $0x38;
	[tilespmem:$0x18600] =	vst v63  }
0x33e: {  	s11 =	sadd.s32 s0, s13;
	s14 =	simm.s32 $0x14EC0  }
0x33f: {  	[hbm4b:s11+s3] =	stream.linear.scatter [tilespmem:s14], [sflag:$0x5], $0x80, $0x38;
	[tilespmem:$0x18600] =	vst v63  }
0x340: {  	s13 =	sadd.s32 $0x10, s11;
	s14 =	simm.s32 $0x14F48  }
0x341: {  	[hbm4b:s13+s3] =	stream.linear.scatter [tilespmem:s14], [sflag:$0x5], $0x80, $0x38;
	[tilespmem:$0x18600] =	vst v63  }
0x342: {  	s13 =	sadd.s32 $0x20, s11;
	s14 =	simm.s32 $0x14FD0  }
0x343: {  	[hbm4b:s13+s3] =	stream.linear.scatter [tilespmem:s14], [sflag:$0x5], $0x80, $0x38;
	[tilespmem:$0x18600] =	vst v63  }
0x344: {  	s13 =	sadd.s32 $0x30, s11;
	s14 =	simm.s32 $0x15058  }
0x345: {  	[hbm4b:s13+s3] =	stream.linear.scatter [tilespmem:s14], [sflag:$0x5], $0x80, $0x38;
	[tilespmem:$0x18600] =	vst v63  }
0x346: {  	s13 =	sadd.s32 $0x40, s11;
	s14 =	simm.s32 $0x150E0  }
0x347: {  	[hbm4b:s13+s3] =	stream.linear.scatter [tilespmem:s14], [sflag:$0x5], $0x80, $0x38;
	[tilespmem:$0x18600] =	vst v63  }
0x348: {  	s13 =	sadd.s32 $0x50, s11;
	s14 =	simm.s32 $0x15168  }
0x349: {  	[hbm4b:s13+s3] =	stream.linear.scatter [tilespmem:s14], [sflag:$0x5], $0x80, $0x38;
	[tilespmem:$0x18600] =	vst v63  }
0x34a: {  	s13 =	sadd.s32 $0x60, s11;
	s14 =	simm.s32 $0x151F0  }
0x34b: {  	[hbm4b:s13+s3] =	stream.linear.scatter [tilespmem:s14], [sflag:$0x5], $0x80, $0x38;
	[tilespmem:$0x18600] =	vst v63  }
0x34c: {  	s11 =	sadd.s32 $0x70, s11;
	s13 =	simm.s32 $0x15278  }
0x34d: {  	[hbm4b:s11+s3] =	stream.linear.scatter [tilespmem:s13], [sflag:$0x5], $0x80, $0x38;
	[tilespmem:$0x18600] =	vst v63  }
0x34e: {  	s14 =	simm.s32 $0x15300;
	s11 =	sadd.s32 s0, s15  }
0x34f: {  	[hbm4b:s11+s3] =	stream.linear.scatter [tilespmem:s14], [sflag:$0x5], $0x80, $0x38;
	[tilespmem:$0x18600] =	vst v63  }
0x350: {  	s13 =	sadd.s32 $0x10, s11;
	s14 =	simm.s32 $0x15388  }
0x351: {  	[hbm4b:s13+s3] =	stream.linear.scatter [tilespmem:s14], [sflag:$0x5], $0x80, $0x38;
	[tilespmem:$0x18600] =	vst v63  }
0x352: {  	s13 =	sadd.s32 $0x20, s11;
	s14 =	simm.s32 $0x15410  }
0x353: {  	[hbm4b:s13+s3] =	stream.linear.scatter [tilespmem:s14], [sflag:$0x5], $0x80, $0x38;
	[tilespmem:$0x18600] =	vst v63  }
0x354: {  	s13 =	sadd.s32 $0x30, s11;
	s14 =	simm.s32 $0x15498  }
0x355: {  	[hbm4b:s13+s3] =	stream.linear.scatter [tilespmem:s14], [sflag:$0x5], $0x80, $0x38;
	[tilespmem:$0x18600] =	vst v63  }
0x356: {  	s13 =	sadd.s32 $0x40, s11;
	s14 =	simm.s32 $0x15520  }
0x357: {  	[hbm4b:s13+s3] =	stream.linear.scatter [tilespmem:s14], [sflag:$0x5], $0x80, $0x38;
	[tilespmem:$0x18600] =	vst v63  }
0x358: {  	s13 =	sadd.s32 $0x50, s11;
	s14 =	simm.s32 $0x155A8  }
0x359: {  	[hbm4b:s13+s3] =	stream.linear.scatter [tilespmem:s14], [sflag:$0x5], $0x80, $0x38;
	[tilespmem:$0x18600] =	vst v63  }
0x35a: {  	s13 =	sadd.s32 $0x60, s11;
	s14 =	simm.s32 $0x15630  }
0x35b: {  	[hbm4b:s13+s3] =	stream.linear.scatter [tilespmem:s14], [sflag:$0x5], $0x80, $0x38;
	[tilespmem:$0x18600] =	vst v63  }
0x35c: {  	s11 =	sadd.s32 $0x70, s11;
	s13 =	simm.s32 $0x156B8  }
0x35d: {  	[hbm4b:s11+s3] =	stream.linear.scatter [tilespmem:s13], [sflag:$0x5], $0x80, $0x38;
	[tilespmem:$0x18600] =	vst v63  }
0x35e: {  	s14 =	simm.s32 $0x15740;
	s11 =	sadd.s32 s0, s16  }
0x35f: {  	[hbm4b:s11+s3] =	stream.linear.scatter [tilespmem:s14], [sflag:$0x5], $0x80, $0x38;
	[tilespmem:$0x18600] =	vst v63  }
0x360: {  	s13 =	sadd.s32 $0x10, s11;
	s14 =	simm.s32 $0x157C8  }
0x361: {  	[hbm4b:s13+s3] =	stream.linear.scatter [tilespmem:s14], [sflag:$0x5], $0x80, $0x38;
	[tilespmem:$0x18600] =	vst v63  }
0x362: {  	s13 =	sadd.s32 $0x20, s11;
	s14 =	simm.s32 $0x15850  }
0x363: {  	[hbm4b:s13+s3] =	stream.linear.scatter [tilespmem:s14], [sflag:$0x5], $0x80, $0x38;
	[tilespmem:$0x18600] =	vst v63  }
0x364: {  	s13 =	sadd.s32 $0x30, s11;
	s14 =	simm.s32 $0x158D8  }
0x365: {  	[hbm4b:s13+s3] =	stream.linear.scatter [tilespmem:s14], [sflag:$0x5], $0x80, $0x38;
	[tilespmem:$0x18600] =	vst v63  }
0x366: {  	s13 =	sadd.s32 $0x40, s11;
	s14 =	simm.s32 $0x15960  }
0x367: {  	[hbm4b:s13+s3] =	stream.linear.scatter [tilespmem:s14], [sflag:$0x5], $0x80, $0x38;
	[tilespmem:$0x18600] =	vst v63  }
0x368: {  	s13 =	sadd.s32 $0x50, s11;
	s14 =	simm.s32 $0x159E8  }
0x369: {  	[hbm4b:s13+s3] =	stream.linear.scatter [tilespmem:s14], [sflag:$0x5], $0x80, $0x38;
	[tilespmem:$0x18600] =	vst v63  }
0x36a: {  	s13 =	sadd.s32 $0x60, s11;
	s14 =	simm.s32 $0x15A70  }
0x36b: {  	[hbm4b:s13+s3] =	stream.linear.scatter [tilespmem:s14], [sflag:$0x5], $0x80, $0x38;
	[tilespmem:$0x18600] =	vst v63  }
0x36c: {  	s11 =	sadd.s32 $0x70, s11;
	s13 =	simm.s32 $0x15AF8  }
0x36d: {  	[hbm4b:s11+s3] =	stream.linear.scatter [tilespmem:s13], [sflag:$0x5], $0x80, $0x38;
	[tilespmem:$0x18600] =	vst v63  }
0x36e: {  	s14 =	simm.s32 $0x15B80;
	s11 =	sadd.s32 s0, s17  }
0x36f: {  	[hbm4b:s11+s3] =	stream.linear.scatter [tilespmem:s14], [sflag:$0x5], $0x80, $0x38;
	[tilespmem:$0x18600] =	vst v63  }
0x370: {  	s13 =	sadd.s32 $0x10, s11;
	s14 =	simm.s32 $0x15C08  }
0x371: {  	[hbm4b:s13+s3] =	stream.linear.scatter [tilespmem:s14], [sflag:$0x5], $0x80, $0x38;
	[tilespmem:$0x18600] =	vst v63  }
0x372: {  	s13 =	sadd.s32 $0x20, s11;
	s14 =	simm.s32 $0x15C90  }
0x373: {  	[hbm4b:s13+s3] =	stream.linear.scatter [tilespmem:s14], [sflag:$0x5], $0x80, $0x38;
	[tilespmem:$0x18600] =	vst v63  }
0x374: {  	s13 =	sadd.s32 $0x30, s11;
	s14 =	simm.s32 $0x15D18  }
0x375: {  	[hbm4b:s13+s3] =	stream.linear.scatter [tilespmem:s14], [sflag:$0x5], $0x80, $0x38;
	[tilespmem:$0x18600] =	vst v63  }
0x376: {  	s13 =	sadd.s32 $0x40, s11;
	s14 =	simm.s32 $0x15DA0  }
0x377: {  	[hbm4b:s13+s3] =	stream.linear.scatter [tilespmem:s14], [sflag:$0x5], $0x80, $0x38;
	[tilespmem:$0x18600] =	vst v63  }
0x378: {  	s13 =	sadd.s32 $0x50, s11;
	s14 =	simm.s32 $0x15E28  }
0x379: {  	[hbm4b:s13+s3] =	stream.linear.scatter [tilespmem:s14], [sflag:$0x5], $0x80, $0x38;
	[tilespmem:$0x18600] =	vst v63  }
0x37a: {  	s13 =	sadd.s32 $0x60, s11;
	s14 =	simm.s32 $0x15EB0  }
0x37b: {  	[hbm4b:s13+s3] =	stream.linear.scatter [tilespmem:s14], [sflag:$0x5], $0x80, $0x38;
	[tilespmem:$0x18600] =	vst v63  }
0x37c: {  	s11 =	sadd.s32 $0x70, s11;
	s13 =	simm.s32 $0x15F38  }
0x37d: {  	[hbm4b:s11+s3] =	stream.linear.scatter [tilespmem:s13], [sflag:$0x5], $0x80, $0x38;
	[tilespmem:$0x18600] =	vst v63  }
0x37e: {  	s14 =	simm.s32 $0x15FC0;
	s11 =	sadd.s32 s0, s18  }
0x37f: {  	[hbm4b:s11+s3] =	stream.linear.scatter [tilespmem:s14], [sflag:$0x5], $0x80, $0x38;
	[tilespmem:$0x18600] =	vst v63  }
0x380: {  	s13 =	sadd.s32 $0x10, s11;
	s14 =	simm.s32 $0x16048  }
0x381: {  	[hbm4b:s13+s3] =	stream.linear.scatter [tilespmem:s14], [sflag:$0x5], $0x80, $0x38;
	[tilespmem:$0x18600] =	vst v63  }
0x382: {  	s13 =	sadd.s32 $0x20, s11;
	s14 =	simm.s32 $0x160D0  }
0x383: {  	[hbm4b:s13+s3] =	stream.linear.scatter [tilespmem:s14], [sflag:$0x5], $0x80, $0x38;
	[tilespmem:$0x18600] =	vst v63  }
0x384: {  	s13 =	sadd.s32 $0x30, s11;
	s14 =	simm.s32 $0x16158  }
0x385: {  	[hbm4b:s13+s3] =	stream.linear.scatter [tilespmem:s14], [sflag:$0x5], $0x80, $0x38;
	[tilespmem:$0x18600] =	vst v63  }
0x386: {  	s13 =	sadd.s32 $0x40, s11;
	s14 =	simm.s32 $0x161E0  }
0x387: {  	[hbm4b:s13+s3] =	stream.linear.scatter [tilespmem:s14], [sflag:$0x5], $0x80, $0x38;
	[tilespmem:$0x18600] =	vst v63  }
0x388: {  	p0 =	seq.s32 s31, $0x63;
	s13 =	sadd.s32 $0x50, s11;
	s14 =	simm.s32 $0x16268  }
0x389: {  	[hbm4b:s13+s3] =	stream.linear.scatter [tilespmem:s14], [sflag:$0x5], $0x80, $0x38;
	[tilespmem:$0x18600] =	vst v63  }
.Ltmp20:
0x38a: {  	_ = 	snop;
	(pc) =	sbr.rel @p0 .LBB2_39-.Ltmp20, $4  }
0x38b: {  	s13 =	sadd.s32 $0x60, s11;
	s14 =	simm.s32 $0x162F0  }
0x38c: {  	[hbm4b:s13+s3] =	stream.linear.scatter [tilespmem:s14], [sflag:$0x5], $0x80, $0x38;
	[tilespmem:$0x18600] =	vst v63  }
0x38d: {  	s11 =	sadd.s32 $0x70, s11;
	s14 =	simm.s32 $0x16378  }
0x38e: {  	v42 =	vld [tilespmem:$0x1FE20];
	[hbm4b:s11+s3] =	stream.linear.scatter [tilespmem:s14], [sflag:$0x5], $0x80, $0x38  }
0x38f: {  	s11 =	rddreg [dreg:$0x6]  }
0x390: {  	s11 =	sadd.s32 s11, s2  }
0x391: {  	s11 =	sshrl.u32 s11, $0x3  }
0x392: {  	s12 =	simm.s32 $0x10000;
	s14 =	simm.s32 $0x1;
	s11 =	sadd.s32 s4, s11  }
0x393: {  	[tilespmem:s12], [sflag:$0x1] =	stream.linear.gather [hbm4b:s11+s3], $0x80, $0x38;
	[tilespmem:$0x18600] =	vst v63  }
0x394: {  	_ =	swait.ge [sflag:s14], $0x80  }
0x395: {  	[sflag:s14] =	ssyncset.done $0x0  }
0x396: {  	[sflag:s14] =	ssyncadd.s32 $0xFFFFFF80  }
0x397: {  	v0 =	vld [tilespmem:$0x10000]  }
0x398: {  	v18 =	vld [tilespmem:$0x10010]  }
0x399: {  	v19 =	vld [tilespmem:$0x10020]  }
0x39a: {  	v20 =	vld [tilespmem:$0x10030]  }
0x39b: {  	v21 =	vld [tilespmem:$0x10040]  }
0x39c: {  	v22 =	vld [tilespmem:$0x10050]  }
0x39d: {  	v23 =	vld [tilespmem:$0x10060];
	vm0 =	vgt.s32 v0, $0xF423F;
	vm1 =	vgt.s32 v18, $0xF423F  }
0x39e: {  	v24 =	vld [tilespmem:$0x10070];
	vm14 =	vgt.s32 v19, $0xF423F;
	vm0 =	vmor vm0, vm1  }
0x39f: {  	vm15 =	vgt.s32 v20, $0xF423F;
	vm0 =	vmor vm0, vm14  }
0x3a0: {  	vm4 =	vgt.s32 v21, $0xF423F;
	vm0 =	vmor vm0, vm15  }
0x3a1: {  	vm5 =	vgt.s32 v22, $0xF423F;
	vm0 =	vmor vm0, vm4  }
0x3a2: {  	vm6 =	vgt.s32 v23, $0xF423F;
	vm0 =	vmor vm0, vm5  }
0x3a3: {  	vm7 =	vgt.s32 v24, $0xF423F;
	vm0 =	vmor vm0, vm6  }
0x3a4: {  	vm0 =	vmor vm0, vm7  }
0x3a5: {  	v25 =	vmpcnt.ones.xlane vm0;
	_ =	sdelay $0x1  }
0x3a6: {  	(v2sf) =	vpush v25, $0x0;
	_ =	sdelay $0x6  }
0x3a7: {  	vm8 =	vlt.s32 v0, $0xF4240;
	v0 =	vshll.u32 v0, $0x1  }
0x3a8: {  	vm9 =	vlt.s32 v18, $0xF4240;
	v18 =	vshll.u32 v18, $0x1;
	v0 =	vnsel vm8, $0x0, v0  }
0x3a9: {  	vm10 =	vlt.s32 v19, $0xF4240;
	[tilespmem:$0x10100] =	vst v0;
	v0 =	vnsel vm9, $0x0, v18;
	v18 =	vshll.u32 v19, $0x1  }
0x3aa: {  	vm11 =	vlt.s32 v20, $0xF4240;
	[tilespmem:$0x10110] =	vst v0;
	v0 =	vnsel vm10, $0x0, v18;
	v18 =	vshll.u32 v20, $0x1  }
0x3ab: {  	vm12 =	vlt.s32 v21, $0xF4240;
	[tilespmem:$0x10120] =	vst v0;
	v0 =	vnsel vm11, $0x0, v18;
	v18 =	vshll.u32 v21, $0x1  }
0x3ac: {  	vm13 =	vlt.s32 v22, $0xF4240;
	[tilespmem:$0x10130] =	vst v0;
	v0 =	vnsel vm12, $0x0, v18;
	v18 =	vshll.u32 v22, $0x1  }
0x3ad: {  	vm14 =	vlt.s32 v23, $0xF4240;
	[tilespmem:$0x10140] =	vst v0;
	v0 =	vnsel vm13, $0x0, v18;
	v18 =	vshll.u32 v23, $0x1  }
0x3ae: {  	vm15 =	vlt.s32 v24, $0xF4240;
	[tilespmem:$0x10150] =	vst v0;
	v0 =	vnsel vm14, $0x0, v18;
	v18 =	vshll.u32 v24, $0x1  }
0x3af: {  	[tilespmem:$0x10160] =	vst v0;
	v0 =	vnsel vm15, $0x0, v18;
	s12 =	spop (v2sf)  }
0x3b0: {  	[tilespmem:$0x10170] =	vst v0;
	[smem:$0x0] =	sst s12  }
0x3b1: {  	_ =	swait.ge [sflag:s8], $0x400  }
0x3b2: {  	[sflag:s8] =	ssyncset.done $0x0  }
0x3b3: {  	[sflag:s8] =	ssyncadd.s32 $0xFFFFFC00  }
0x3b4: {  	_ =	swait.ge [sflag:s8], $0x400  }
0x3b5: {  	[sflag:s8] =	ssyncset.done $0x0  }
0x3b6: {  	[sflag:s8] =	ssyncadd.s32 $0xFFFFFC00  }
0x3b7: {  	_ =	swait.ge [sflag:s8], $0x400  }
0x3b8: {  	[sflag:s8] =	ssyncset.done $0x0  }
0x3b9: {  	[sflag:s8] =	ssyncadd.s32 $0xFFFFFC00  }
0x3ba: {  	_ =	swait.ge [sflag:s8], $0x400  }
0x3bb: {  	[sflag:s8] =	ssyncset.done $0x0  }
0x3bc: {  	[sflag:s8] =	ssyncadd.s32 $0xFFFFFC00  }
0x3bd: {  	_ =	swait.ge [sflag:s8], $0x400  }
0x3be: {  	[sflag:s8] =	ssyncset.done $0x0  }
0x3bf: {  	[sflag:s8] =	ssyncadd.s32 $0xFFFFFC00  }
0x3c0: {  	_ =	swait.ge [sflag:s8], $0x400  }
0x3c1: {  	[sflag:s8] =	ssyncset.done $0x0  }
0x3c2: {  	[sflag:s8] =	ssyncadd.s32 $0xFFFFFC00  }
0x3c3: {  	_ =	swait.ge [sflag:s8], $0x400  }
0x3c4: {  	[sflag:s8] =	ssyncset.done $0x0  }
0x3c5: {  	[sflag:s8] =	ssyncadd.s32 $0xFFFFFC00  }
0x3c6: {  	_ =	swait.ge [sflag:s8], $0x400  }
0x3c7: {  	[sflag:s8] =	ssyncset.done $0x0  }
0x3c8: {  	s13 =	simm.s32 $0x80;
	s14 =	simm.s32 $0x10100;
	[sflag:s8] =	ssyncadd.s32 $0xFFFFFC00  }
0x3c9: {  	[tilespmem:s9], [sflag:$0x3] =	stream.indirect.gather [hbm4b:s5+s13], $0x40, s14, s13, $0xb8;
	[tilespmem:$0x18600] =	vst v63  }
.LBB2_39:
0x3ca: {  	[tilespmem:$0x1FC20] =	vst v52  }
0x3cb: {  	[tilespmem:$0x1FC30] =	vst v47  }
0x3cc: {  	[tilespmem:$0x1FC40] =	vst v51  }
0x3cd: {  	[tilespmem:$0x1FC50] =	vst v60  }
0x3ce: {  	[tilespmem:$0x1FC60] =	vst v46  }
0x3cf: {  	[tilespmem:$0x1FC70] =	vst v61  }
0x3d0: {  	_ =	swait.ge [sflag:s1], $0x2000  }
0x3d1: {  	[sflag:s1] =	ssyncset.done $0x0  }
0x3d2: {  	[sflag:s1] =	ssyncadd.s32 $0xFFFFE000  }
0x3d3: {  	s11 =	sld [smem:$0x8];
	_ =	sdelay $0x2  }
0x3d4: {  	p1 =	slt.s32 s11, $0x1  }
.Ltmp21:
0x3d5: {  	_ = 	snop;
	(pc) =	sbr.rel @p1 .LBB2_72-.Ltmp21, $4  }
0x3d6: {  	v60 =	vld [tilespmem:$0x1FF90]  }
0x3d7: {  	v34 =	vld [tilespmem:$0x1FE10]  }
0x3d8: {  	v35 =	vld [tilespmem:$0x1FDE0]  }
0x3d9: {  	v30 =	vld [tilespmem:$0x1FE70]  }
0x3da: {  	v0 =	vld [tilespmem:$0x10080];
	_ =	sdelay $0x4  }
0x3db: {  	vm0 =	vgt.s32 v0, $0xF423F  }
0x3dc: {  	v18 =	vmpcnt.ones.xlane vm0;
	_ =	sdelay $0x1  }
0x3dd: {  	(v2sf) =	vpush v18, $0x0;
	_ =	sdelay $0xe  }
0x3de: {  	s11 =	spop (v2sf)  }
0x3df: {  	p1 =	slt.s32 s11, $0x1  }
.Ltmp22:
0x3e0: {  	_ = 	snop;
	(pc) =	sbr.rel @p1 .LBB2_44-.Ltmp22, $4  }
0x3e1: {  	_ = 	snop  }
0x3e2: {  	v52 =	vld [tilespmem:$0x1FE50]  }
0x3e3: {  	v51 =	vld [tilespmem:$0x1FC90]  }
0x3e4: {  	v36 =	vld [tilespmem:$0x1FCA0];
	[tilespmem:$0x1FC10] =	vst v53  }
0x3e5: {  	s11 =	simm.s32 $0x0  }
0x3e6: {  	v18 =	vmov s11  }
0x3e7: {  	vm1 =	vgt.s32 v0, $0xF4240;
	v18 =	vshrl.u32 v18, $0x3  }
0x3e8: {  	v0 =	vnsel vm1, $0xF4240, v0;
	v18 =	vshll.u32 v18, $0x3  }
0x3e9: {  	v0 =	vshll.u32 v0, $0x6;
	v31 =	vbroadcast v18, $0x0  }
0x3ea: {  	v18 =	vadd.s32 $0xFC2F7000, v0  }
0x3eb: {  	v52 =	vld [tilespmem:$0x1FDF0];
	v19 =	vadd.s32 $0xFC2F7007, v0;
	v20 =	vadd.s32 $0xFC2F7001, v0;
	v27 =	vor.u32 v18, v31  }
0x3ec: {  	v60 =	vld [tilespmem:$0x1FDC0];
	v21 =	vadd.s32 $0xFC2F7002, v0;
	v23 =	vadd.s32 $0xFC2F7003, v0;
	v28 =	vor.u32 v31, v19  }
0x3ed: {  	v46 =	vld [tilespmem:$0x1FDD0];
	s11 =	simm.s32 $0x8;
	v22 =	vadd.s32 $0xFC2F7006, v0;
	v24 =	vadd.s32 $0xFC2F7004, v0;
	v32 =	vor.u32 v31, v20  }
0x3ee: {  	v55 =	vld [tilespmem:$0x1FE00];
	v25 =	vadd.s32 $0xFC2F7005, v0;
	v0 =	vmov s11;
	v33 =	vor.u32 v31, v22  }
0x3ef: {  	v59 =	vmov v35;
	v29 =	vshrl.u32 v0, $0x3;
	v38 =	vor.u32 v31, v25  }
0x3f0: {  	v26 =	vor.u32 v31, v23;
	v41 =	vor.u32 v31, v24;
	v40 =	vor.u32 v31, v21;
	v48 =	vld.idx.msk [tilespmem:v27+s3+$0x0], $0xffff  }
0x3f1: {  	v57 =	vmovc v51;
	v0 =	vor.u32 v52, v31;
	v50 =	vor.u32 v60, v31;
	v27 =	vshll.u32 v29, $0x3;
	v39 =	vld.idx.msk [tilespmem:v28+s3+$0x0], $0xffff  }
0x3f2: {  	v56 =	vmovc v36;
	v30 =	vor.u32 v46, v31;
	v47 =	vor.u32 v36, v31;
	v35 =	vld.idx.msk [tilespmem:v32+s3+$0x0], $0xffff;
	v29 =	vbroadcast v27, $0x0  }
0x3f3: {  	v37 =	vor.u32 v34, v31;
	v28 =	vor.u32 v55, v31;
	v32 =	vor.u32 v51, v31;
	v36 =	vld.idx.msk [tilespmem:v33+s3+$0x0], $0xffff  }
0x3f4: {  	v38 =	vld.idx.msk [tilespmem:v38+s3+$0x0], $0xffff;
	v27 =	vor.u32 v59, v31;
	v44 =	vor.u32 v18, v29;
	v34 =	vor.u32 v29, v20  }
0x3f5: {  	v40 =	vld.idx.msk [tilespmem:v40+s3+$0x0], $0xffff;
	v42 =	vor.u32 v29, v23;
	v43 =	vor.u32 v29, v24;
	v45 =	vor.u32 v29, v19  }
0x3f6: {  	v41 =	vld.idx.msk [tilespmem:v41+s3+$0x0], $0xffff;
	v31 =	vor.u32 v29, v21;
	v33 =	vor.u32 v29, v25;
	[tilespmem:v50+s29+$0x0] =	vst.idx.msk vm0, v48  }
.LBB2_42:
0x3f7: {  	_ =	sdelay $0x1  }
0x3f8: {  	v50 =	vld.idx.msk [tilespmem:v26+s3+$0x0], $0xffff  }
0x3f9: {  	v48 =	vor.u32 v29, v22;
	v53 =	vmov v29;
	v63 =	vld [tilespmem:$0x1FE10];
	[tilespmem:v47+s29+$0x0] =	vst.idx.msk vm0, v39  }
0x3fa: {  	v51 =	vmovc v0;
	v0 =	vor.u32 v52, v29;
	v52 =	vmov v28;
	v28 =	vor.u32 v55, v53;
	v55 =	vld.idx.msk [tilespmem:v44+s3+$0x0], $0xffff  }
0x3fb: {  	[tilespmem:v30+s29+$0x0] =	vst.idx.msk vm0, v35;
	v30 =	vor.u32 v46, v53;
	v46 =	vld [tilespmem:$0x1FDD0]  }
0x3fc: {  	s11 =	sadd.s32 $0x8, s11;
	v39 =	vld.idx.msk [tilespmem:v45+s3+$0x0], $0xffff  }
0x3fd: {  	v29 =	vmov s11;
	[tilespmem:v37+s29+$0x0] =	vst.idx.msk vm0, v36;
	v35 =	vld.idx.msk [tilespmem:v34+s3+$0x0], $0xffff  }
0x3fe: {  	v61 =	vor.u32 v60, v53;
	v29 =	vshrl.u32 v29, $0x3;
	v36 =	vld.idx.msk [tilespmem:v48+s3+$0x0], $0xffff  }
0x3ff: {  	v54 =	vmov v43;
	p1 =	slt.u32 s11, $0x38;
	v58 =	vor.u32 v59, v53;
	[tilespmem:v32+s29+$0x0] =	vst.idx.msk vm0, v38;
	v48 =	vld [tilespmem:$0x1FE10];
	v29 =	vshll.u32 v29, $0x3  }
.Ltmp23:
0x400: {  	v47 =	vor.u32 v56, v53;
	[tilespmem:v27+s29+$0x0] =	vst.idx.msk vm0, v40;
	v38 =	vld.idx.msk [tilespmem:v33+s3+$0x0], $0xffff;
	v29 =	vbroadcast v29, $0x0;
	(pc) =	sbr.rel @p1 .LBB2_42-.Ltmp23, $4  }
0x401: {  	v32 =	vor.u32 v57, v53;
	v37 =	vor.u32 v63, v53;
	[tilespmem:v51+s29+$0x0] =	vst.idx.msk vm0, v50;
	v40 =	vld.idx.msk [tilespmem:v31+s3+$0x0], $0xffff  }
0x402: {  	v26 =	vmov v42;
	[tilespmem:v52+s29+$0x0] =	vst.idx.msk vm0, v41;
	v52 =	vld [tilespmem:$0x1FDF0];
	v44 =	vor.u32 v18, v29;
	v34 =	vor.u32 v29, v20  }
0x403: {  	v27 =	vmov v58;
	v42 =	vor.u32 v29, v23;
	v43 =	vor.u32 v29, v24;
	[tilespmem:v61+s29+$0x0] =	vst.idx.msk vm0, v55;
	v55 =	vld [tilespmem:$0x1FE00]  }
0x404: {  	v45 =	vor.u32 v29, v19;
	v31 =	vor.u32 v29, v21;
	v33 =	vor.u32 v29, v25;
	v41 =	vld.idx.msk [tilespmem:v54+s3+$0x0], $0xffff  }
0x405: {  	_ =	sdelay $0x4  }
0x406: {  	[tilespmem:v47+s29+$0x0] =	vst.idx.msk vm0, v39  }
0x407: {  	v19 =	vld.idx.msk [tilespmem:v26+s3+$0x0], $0xffff;
	[tilespmem:v30+s29+$0x0] =	vst.idx.msk vm0, v35  }
0x408: {  	v18 =	vor.u32 v29, v22;
	v20 =	vld.idx.msk [tilespmem:v44+s3+$0x0], $0xffff;
	[tilespmem:v37+s29+$0x0] =	vst.idx.msk vm0, v36;
	v21 =	vor.u32 v60, v29  }
0x409: {  	v54 =	vld.idx.msk [tilespmem:v45+s3+$0x0], $0xffff;
	[tilespmem:v32+s29+$0x0] =	vst.idx.msk vm0, v38;
	v23 =	vor.u32 v56, v29  }
0x40a: {  	v24 =	vor.u32 v46, v29;
	v25 =	vld.idx.msk [tilespmem:v34+s3+$0x0], $0xffff;
	[tilespmem:v27+s29+$0x0] =	vst.idx.msk vm0, v40  }
0x40b: {  	v63 =	vld.idx.msk [tilespmem:v42+s3+$0x0], $0xffff;
	v61 =	vor.u32 v52, v29;
	[tilespmem:v28+s29+$0x0] =	vst.idx.msk vm0, v41  }
0x40c: {  	v58 =	vor.u32 v57, v29;
	v28 =	vld.idx.msk [tilespmem:v33+s3+$0x0], $0xffff;
	[tilespmem:v0+s29+$0x0] =	vst.idx.msk vm0, v19  }
0x40d: {  	v56 =	vor.u32 v48, v29;
	v18 =	vld.idx.msk [tilespmem:v18+s3+$0x0], $0xffff;
	[tilespmem:v21+s29+$0x0] =	vst.idx.msk vm0, v20  }
0x40e: {  	v0 =	vor.u32 v59, v29;
	v19 =	vld.idx.msk [tilespmem:v31+s3+$0x0], $0xffff;
	[tilespmem:v23+s29+$0x0] =	vst.idx.msk vm0, v54  }
0x40f: {  	v60 =	vld.idx.msk [tilespmem:v43+s3+$0x0], $0xffff;
	v59 =	vor.u32 v55, v29;
	[tilespmem:v24+s29+$0x0] =	vst.idx.msk vm0, v25  }
0x410: {  	[tilespmem:v61+s29+$0x0] =	vst.idx.msk vm0, v63  }
0x411: {  	[tilespmem:v58+s29+$0x0] =	vst.idx.msk vm0, v28  }
0x412: {  	[tilespmem:v56+s29+$0x0] =	vst.idx.msk vm0, v18  }
0x413: {  	[tilespmem:v0+s29+$0x0] =	vst.idx.msk vm0, v19  }
0x414: {  	[tilespmem:v59+s29+$0x0] =	vst.idx.msk vm0, v60  }
0x415: {  	v42 =	vld [tilespmem:$0x1FE20]  }
0x416: {  	v55 =	vld [tilespmem:$0x1FE40]  }
0x417: {  	v52 =	vld [tilespmem:$0x1FE50]  }
0x418: {  	v54 =	vld [tilespmem:$0x1FE60]  }
0x419: {  	v56 =	vld [tilespmem:$0x1FD80]  }
0x41a: {  	v57 =	vld [tilespmem:$0x1FD90]  }
0x41b: {  	v48 =	vld [tilespmem:$0x1FDA0]  }
0x41c: {  	v50 =	vld [tilespmem:$0x1FDB0]  }
0x41d: {  	v30 =	vld [tilespmem:$0x1FE70]  }
0x41e: {  	v53 =	vld [tilespmem:$0x1FC10]  }
.LBB2_44:
0x41f: {  	v0 =	vld [tilespmem:$0x10090];
	_ =	sdelay $0x4  }
0x420: {  	vm0 =	vgt.s32 v0, $0xF423F  }
0x421: {  	v18 =	vmpcnt.ones.xlane vm0;
	_ =	sdelay $0x1  }
0x422: {  	(v2sf) =	vpush v18, $0x0;
	_ =	sdelay $0xe  }
0x423: {  	s11 =	spop (v2sf)  }
0x424: {  	p1 =	slt.s32 s11, $0x1  }
.Ltmp24:
0x425: {  	_ = 	snop;
	(pc) =	sbr.rel @p1 .LBB2_48-.Ltmp24, $2  }
0x426: {  	_ =	sdelay $0x2  }
0x427: {  	v58 =	vld [tilespmem:$0x1FEF0]  }
0x428: {  	s11 =	simm.s32 $0x0  }
0x429: {  	v18 =	vmov s11  }
0x42a: {  	vm1 =	vgt.s32 v0, $0xF4240;
	v18 =	vshrl.u32 v18, $0x3  }
0x42b: {  	v0 =	vnsel vm1, $0xF4240, v0;
	v18 =	vshll.u32 v18, $0x3  }
0x42c: {  	v0 =	vshll.u32 v0, $0x6;
	v31 =	vbroadcast v18, $0x0  }
0x42d: {  	v18 =	vadd.s32 $0xFC2F7000, v0  }
0x42e: {  	v19 =	vadd.s32 $0xFC2F7007, v0;
	v20 =	vadd.s32 $0xFC2F7001, v0;
	v27 =	vor.u32 v18, v31  }
0x42f: {  	v63 =	vld [tilespmem:$0x1FE30];
	v21 =	vadd.s32 $0xFC2F7002, v0;
	v23 =	vadd.s32 $0xFC2F7003, v0;
	v28 =	vor.u32 v31, v19  }
0x430: {  	v58 =	vld [tilespmem:$0x1FF00];
	s11 =	simm.s32 $0x8;
	v22 =	vadd.s32 $0xFC2F7006, v0;
	v24 =	vadd.s32 $0xFC2F7004, v0;
	v32 =	vor.u32 v31, v20  }
0x431: {  	v59 =	vld [tilespmem:$0x1FF10];
	v25 =	vadd.s32 $0xFC2F7005, v0;
	v0 =	vmov s11;
	v33 =	vor.u32 v31, v22  }
0x432: {  	v29 =	vshrl.u32 v0, $0x3;
	v38 =	vor.u32 v31, v25  }
0x433: {  	v26 =	vor.u32 v31, v23;
	v41 =	vor.u32 v31, v24;
	v40 =	vor.u32 v31, v21;
	v46 =	vld.idx.msk [tilespmem:v27+s3+$0x0], $0xffff  }
0x434: {  	v60 =	vmovc v30;
	v0 =	vor.u32 v52, v31;
	v48 =	vor.u32 v42, v31;
	v27 =	vshll.u32 v29, $0x3;
	v39 =	vld.idx.msk [tilespmem:v28+s3+$0x0], $0xffff  }
0x435: {  	v61 =	vmovc v42;
	v30 =	vor.u32 v63, v31;
	v47 =	vor.u32 v60, v31;
	v35 =	vld.idx.msk [tilespmem:v32+s3+$0x0], $0xffff;
	v29 =	vbroadcast v27, $0x0  }
0x436: {  	v37 =	vor.u32 v59, v31;
	v28 =	vor.u32 v54, v31;
	v32 =	vor.u32 v58, v31;
	v36 =	vld.idx.msk [tilespmem:v33+s3+$0x0], $0xffff  }
0x437: {  	v38 =	vld.idx.msk [tilespmem:v38+s3+$0x0], $0xffff;
	v27 =	vor.u32 v55, v31;
	v44 =	vor.u32 v18, v29;
	v34 =	vor.u32 v29, v20  }
0x438: {  	v40 =	vld.idx.msk [tilespmem:v40+s3+$0x0], $0xffff;
	v42 =	vor.u32 v29, v23;
	v43 =	vor.u32 v29, v24;
	v45 =	vor.u32 v29, v19  }
0x439: {  	v41 =	vld.idx.msk [tilespmem:v41+s3+$0x0], $0xffff;
	v31 =	vor.u32 v29, v21;
	v33 =	vor.u32 v29, v25;
	[tilespmem:v48+s29+$0x0] =	vst.idx.msk vm0, v46  }
.LBB2_46:
0x43a: {  	_ = 	snop  }
0x43b: {  	v46 =	vor.u32 v29, v22  }
0x43c: {  	v48 =	vld.idx.msk [tilespmem:v26+s3+$0x0], $0xffff;
	v50 =	vmov v0;
	v0 =	vor.u32 v52, v29;
	v52 =	vmov v29  }
0x43d: {  	s11 =	sadd.s32 $0x8, s11;
	v51 =	vmov v28;
	[tilespmem:v47+s29+$0x0] =	vst.idx.msk vm0, v39;
	v28 =	vor.u32 v54, v52;
	v54 =	vld.idx.msk [tilespmem:v44+s3+$0x0], $0xffff  }
0x43e: {  	v26 =	vmov v42;
	v29 =	vmov s11;
	[tilespmem:v30+s29+$0x0] =	vst.idx.msk vm0, v35;
	v39 =	vld.idx.msk [tilespmem:v45+s3+$0x0], $0xffff  }
0x43f: {  	v53 =	vmov v43;
	[tilespmem:v37+s29+$0x0] =	vst.idx.msk vm0, v36;
	v30 =	vor.u32 v63, v52;
	v29 =	vshrl.u32 v29, $0x3;
	v35 =	vld.idx.msk [tilespmem:v34+s3+$0x0], $0xffff  }
0x440: {  	v42 =	vor.u32 v55, v52;
	v55 =	vor.u32 v61, v52;
	v47 =	vor.u32 v60, v52;
	v36 =	vld.idx.msk [tilespmem:v46+s3+$0x0], $0xffff  }
0x441: {  	p1 =	slt.u32 s11, $0x38;
	[tilespmem:v32+s29+$0x0] =	vst.idx.msk vm0, v38;
	v32 =	vor.u32 v58, v52;
	v37 =	vor.u32 v59, v52;
	v52 =	vld [tilespmem:$0x1FE50];
	v29 =	vshll.u32 v29, $0x3  }
.Ltmp25:
0x442: {  	[tilespmem:v27+s29+$0x0] =	vst.idx.msk vm0, v40;
	v38 =	vld.idx.msk [tilespmem:v33+s3+$0x0], $0xffff;
	v29 =	vbroadcast v29, $0x0;
	(pc) =	sbr.rel @p1 .LBB2_46-.Ltmp25, $4  }
0x443: {  	[tilespmem:v51+s29+$0x0] =	vst.idx.msk vm0, v41;
	v40 =	vld.idx.msk [tilespmem:v31+s3+$0x0], $0xffff  }
0x444: {  	[tilespmem:v50+s29+$0x0] =	vst.idx.msk vm0, v48;
	v41 =	vld.idx.msk [tilespmem:v53+s3+$0x0], $0xffff;
	v44 =	vor.u32 v18, v29;
	v34 =	vor.u32 v29, v20  }
0x445: {  	v27 =	vmov v42;
	v42 =	vor.u32 v29, v23;
	v43 =	vor.u32 v29, v24;
	[tilespmem:v55+s29+$0x0] =	vst.idx.msk vm0, v54;
	v54 =	vld [tilespmem:$0x1FE60]  }
0x446: {  	v45 =	vor.u32 v29, v19;
	v31 =	vor.u32 v29, v21;
	v33 =	vor.u32 v29, v25;
	v55 =	vld [tilespmem:$0x1FE40]  }
0x447: {  	_ =	sdelay $0x4  }
0x448: {  	[tilespmem:v47+s29+$0x0] =	vst.idx.msk vm0, v39  }
0x449: {  	v19 =	vld.idx.msk [tilespmem:v26+s3+$0x0], $0xffff;
	[tilespmem:v30+s29+$0x0] =	vst.idx.msk vm0, v35  }
0x44a: {  	v20 =	vld.idx.msk [tilespmem:v44+s3+$0x0], $0xffff;
	[tilespmem:v37+s29+$0x0] =	vst.idx.msk vm0, v36;
	v21 =	vor.u32 v61, v29  }
0x44b: {  	v18 =	vor.u32 v29, v22;
	v50 =	vld.idx.msk [tilespmem:v45+s3+$0x0], $0xffff;
	[tilespmem:v32+s29+$0x0] =	vst.idx.msk vm0, v38;
	v23 =	vor.u32 v60, v29  }
0x44c: {  	v24 =	vor.u32 v63, v29;
	v25 =	vld.idx.msk [tilespmem:v34+s3+$0x0], $0xffff;
	[tilespmem:v27+s29+$0x0] =	vst.idx.msk vm0, v40  }
0x44d: {  	v53 =	vor.u32 v58, v29;
	v58 =	vld.idx.msk [tilespmem:v33+s3+$0x0], $0xffff;
	[tilespmem:v28+s29+$0x0] =	vst.idx.msk vm0, v41  }
0x44e: {  	v61 =	vor.u32 v52, v29;
	v63 =	vld.idx.msk [tilespmem:v42+s3+$0x0], $0xffff;
	[tilespmem:v0+s29+$0x0] =	vst.idx.msk vm0, v19  }
0x44f: {  	v51 =	vor.u32 v59, v29;
	v60 =	vld.idx.msk [tilespmem:v43+s3+$0x0], $0xffff;
	v59 =	vor.u32 v54, v29;
	[tilespmem:v21+s29+$0x0] =	vst.idx.msk vm0, v20  }
0x450: {  	v18 =	vld.idx.msk [tilespmem:v18+s3+$0x0], $0xffff;
	[tilespmem:v23+s29+$0x0] =	vst.idx.msk vm0, v50  }
0x451: {  	v0 =	vor.u32 v55, v29;
	v19 =	vld.idx.msk [tilespmem:v31+s3+$0x0], $0xffff;
	[tilespmem:v24+s29+$0x0] =	vst.idx.msk vm0, v25  }
0x452: {  	[tilespmem:v53+s29+$0x0] =	vst.idx.msk vm0, v58  }
0x453: {  	[tilespmem:v61+s29+$0x0] =	vst.idx.msk vm0, v63  }
0x454: {  	[tilespmem:v59+s29+$0x0] =	vst.idx.msk vm0, v60  }
0x455: {  	[tilespmem:v51+s29+$0x0] =	vst.idx.msk vm0, v18  }
0x456: {  	[tilespmem:v0+s29+$0x0] =	vst.idx.msk vm0, v19  }
0x457: {  	v58 =	vld [tilespmem:$0x1FEF0]  }
0x458: {  	v48 =	vld [tilespmem:$0x1FDA0]  }
0x459: {  	v50 =	vld [tilespmem:$0x1FDB0]  }
0x45a: {  	v53 =	vld [tilespmem:$0x1FC10]  }
.LBB2_48:
0x45b: {  	v0 =	vld [tilespmem:$0x100A0];
	_ =	sdelay $0x4  }
0x45c: {  	vm0 =	vgt.s32 v0, $0xF423F  }
0x45d: {  	v18 =	vmpcnt.ones.xlane vm0;
	_ =	sdelay $0x1  }
0x45e: {  	(v2sf) =	vpush v18, $0x0;
	_ =	sdelay $0xe  }
0x45f: {  	s11 =	spop (v2sf)  }
0x460: {  	p1 =	slt.s32 s11, $0x1  }
.Ltmp26:
0x461: {  	_ = 	snop;
	(pc) =	sbr.rel @p1 .LBB2_52-.Ltmp26, $4  }
0x462: {  	v36 =	vld [tilespmem:$0x1FCB0]  }
0x463: {  	v63 =	vld [tilespmem:$0x1FCC0]  }
0x464: {  	v34 =	vld [tilespmem:$0x1FFC0]  }
0x465: {  	v30 =	vld [tilespmem:$0x1FEB0]  }
0x466: {  	s11 =	simm.s32 $0x0  }
0x467: {  	v18 =	vmov s11  }
0x468: {  	vm1 =	vgt.s32 v0, $0xF4240;
	v18 =	vshrl.u32 v18, $0x3  }
0x469: {  	v0 =	vnsel vm1, $0xF4240, v0;
	v18 =	vshll.u32 v18, $0x3  }
0x46a: {  	v0 =	vshll.u32 v0, $0x6;
	v31 =	vbroadcast v18, $0x0  }
0x46b: {  	v56 =	vld [tilespmem:$0x1FF30];
	v18 =	vadd.s32 $0xFC2F7000, v0  }
0x46c: {  	v57 =	vld [tilespmem:$0x1FF40];
	v19 =	vadd.s32 $0xFC2F7007, v0;
	v20 =	vadd.s32 $0xFC2F7001, v0;
	v27 =	vor.u32 v18, v31  }
0x46d: {  	v61 =	vld [tilespmem:$0x1FF70];
	v21 =	vadd.s32 $0xFC2F7002, v0;
	v23 =	vadd.s32 $0xFC2F7003, v0;
	v28 =	vor.u32 v31, v19  }
0x46e: {  	v59 =	vld [tilespmem:$0x1FF50];
	s11 =	simm.s32 $0x8;
	v22 =	vadd.s32 $0xFC2F7006, v0;
	v24 =	vadd.s32 $0xFC2F7004, v0;
	v32 =	vor.u32 v31, v20  }
0x46f: {  	v60 =	vld [tilespmem:$0x1FF60];
	v25 =	vadd.s32 $0xFC2F7005, v0;
	v0 =	vmov s11;
	v33 =	vor.u32 v31, v22  }
0x470: {  	v58 =	vld [tilespmem:$0x1FF20];
	v29 =	vshrl.u32 v0, $0x3;
	v38 =	vor.u32 v31, v25  }
0x471: {  	v26 =	vor.u32 v31, v23;
	v41 =	vor.u32 v31, v24;
	v40 =	vor.u32 v31, v21;
	v46 =	vld.idx.msk [tilespmem:v27+s3+$0x0], $0xffff  }
0x472: {  	v0 =	vor.u32 v56, v31;
	v48 =	vor.u32 v36, v31;
	v27 =	vshll.u32 v29, $0x3;
	v39 =	vld.idx.msk [tilespmem:v28+s3+$0x0], $0xffff  }
0x473: {  	v30 =	vor.u32 v63, v31;
	v47 =	vor.u32 v61, v31;
	v35 =	vld.idx.msk [tilespmem:v32+s3+$0x0], $0xffff;
	v29 =	vbroadcast v27, $0x0  }
0x474: {  	v37 =	vor.u32 v60, v31;
	v28 =	vor.u32 v57, v31;
	v32 =	vor.u32 v59, v31;
	v36 =	vld.idx.msk [tilespmem:v33+s3+$0x0], $0xffff  }
0x475: {  	v38 =	vld.idx.msk [tilespmem:v38+s3+$0x0], $0xffff;
	v27 =	vor.u32 v58, v31;
	v44 =	vor.u32 v18, v29;
	v34 =	vor.u32 v29, v20  }
0x476: {  	v40 =	vld.idx.msk [tilespmem:v40+s3+$0x0], $0xffff;
	v42 =	vor.u32 v29, v23;
	v43 =	vor.u32 v29, v24;
	v45 =	vor.u32 v29, v19  }
0x477: {  	v41 =	vld.idx.msk [tilespmem:v41+s3+$0x0], $0xffff;
	v31 =	vor.u32 v29, v21;
	v33 =	vor.u32 v29, v25;
	[tilespmem:v48+s29+$0x0] =	vst.idx.msk vm0, v46  }
.LBB2_50:
0x478: {  	v55 =	vld [tilespmem:$0x1FCB0]  }
0x479: {  	s11 =	sadd.s32 $0x8, s11;
	v46 =	vor.u32 v29, v22;
	v48 =	vld.idx.msk [tilespmem:v26+s3+$0x0], $0xffff  }
0x47a: {  	v50 =	vmovc v0;
	v0 =	vor.u32 v56, v29;
	v51 =	vmovc v28;
	v52 =	vmov v29;
	v29 =	vmov s11;
	[tilespmem:v47+s29+$0x0] =	vst.idx.msk vm0, v39  }
0x47b: {  	v26 =	vmov v42;
	v54 =	vld.idx.msk [tilespmem:v44+s3+$0x0], $0xffff;
	v28 =	vor.u32 v57, v52;
	v29 =	vshrl.u32 v29, $0x3;
	[tilespmem:v30+s29+$0x0] =	vst.idx.msk vm0, v35  }
0x47c: {  	v53 =	vmov v43;
	v42 =	vor.u32 v58, v52;
	v29 =	vshll.u32 v29, $0x3;
	[tilespmem:v37+s29+$0x0] =	vst.idx.msk vm0, v36;
	v39 =	vld.idx.msk [tilespmem:v45+s3+$0x0], $0xffff  }
0x47d: {  	p1 =	slt.u32 s11, $0x38;
	v30 =	vor.u32 v63, v52;
	[tilespmem:v32+s29+$0x0] =	vst.idx.msk vm0, v38;
	v55 =	vor.u32 v55, v52;
	v35 =	vld.idx.msk [tilespmem:v34+s3+$0x0], $0xffff  }
.Ltmp27:
0x47e: {  	v29 =	vbroadcast v29, $0x0;
	v47 =	vor.u32 v61, v52;
	[tilespmem:v27+s29+$0x0] =	vst.idx.msk vm0, v40;
	v36 =	vld.idx.msk [tilespmem:v46+s3+$0x0], $0xffff;
	(pc) =	sbr.rel @p1 .LBB2_50-.Ltmp27, $4  }
0x47f: {  	v32 =	vor.u32 v59, v52;
	v37 =	vor.u32 v60, v52;
	[tilespmem:v51+s29+$0x0] =	vst.idx.msk vm0, v41;
	v38 =	vld.idx.msk [tilespmem:v33+s3+$0x0], $0xffff  }
0x480: {  	[tilespmem:v50+s29+$0x0] =	vst.idx.msk vm0, v48;
	v40 =	vld.idx.msk [tilespmem:v31+s3+$0x0], $0xffff;
	v44 =	vor.u32 v18, v29;
	v34 =	vor.u32 v29, v20  }
0x481: {  	v27 =	vmovc v42;
	v46 =	vld [tilespmem:$0x1FCB0];
	v42 =	vor.u32 v29, v23;
	v43 =	vor.u32 v29, v24;
	v45 =	vor.u32 v29, v19  }
0x482: {  	v31 =	vor.u32 v29, v21;
	v33 =	vor.u32 v29, v25;
	v41 =	vld.idx.msk [tilespmem:v53+s3+$0x0], $0xffff;
	[tilespmem:v55+s29+$0x0] =	vst.idx.msk vm0, v54  }
0x483: {  	_ =	sdelay $0x4  }
0x484: {  	[tilespmem:v47+s29+$0x0] =	vst.idx.msk vm0, v39  }
0x485: {  	v19 =	vld.idx.msk [tilespmem:v26+s3+$0x0], $0xffff;
	[tilespmem:v30+s29+$0x0] =	vst.idx.msk vm0, v35  }
0x486: {  	v18 =	vor.u32 v29, v22;
	[tilespmem:v37+s29+$0x0] =	vst.idx.msk vm0, v36;
	v53 =	vld.idx.msk [tilespmem:v45+s3+$0x0], $0xffff;
	v23 =	vor.u32 v61, v29  }
0x487: {  	v24 =	vor.u32 v63, v29;
	v25 =	vld.idx.msk [tilespmem:v34+s3+$0x0], $0xffff;
	v54 =	vor.u32 v60, v29;
	[tilespmem:v32+s29+$0x0] =	vst.idx.msk vm0, v38  }
0x488: {  	v55 =	vor.u32 v59, v29;
	v59 =	vor.u32 v57, v29;
	v60 =	vld.idx.msk [tilespmem:v43+s3+$0x0], $0xffff;
	[tilespmem:v27+s29+$0x0] =	vst.idx.msk vm0, v40  }
0x489: {  	v61 =	vor.u32 v56, v29;
	v63 =	vld.idx.msk [tilespmem:v42+s3+$0x0], $0xffff;
	[tilespmem:v28+s29+$0x0] =	vst.idx.msk vm0, v41  }
0x48a: {  	v20 =	vld.idx.msk [tilespmem:v44+s3+$0x0], $0xffff;
	v21 =	vor.u32 v46, v29;
	[tilespmem:v0+s29+$0x0] =	vst.idx.msk vm0, v19  }
0x48b: {  	v28 =	vld.idx.msk [tilespmem:v33+s3+$0x0], $0xffff;
	[tilespmem:v23+s29+$0x0] =	vst.idx.msk vm0, v53  }
0x48c: {  	v18 =	vld.idx.msk [tilespmem:v18+s3+$0x0], $0xffff;
	[tilespmem:v24+s29+$0x0] =	vst.idx.msk vm0, v25  }
0x48d: {  	v0 =	vor.u32 v58, v29;
	v19 =	vld.idx.msk [tilespmem:v31+s3+$0x0], $0xffff;
	[tilespmem:v59+s29+$0x0] =	vst.idx.msk vm0, v60  }
0x48e: {  	[tilespmem:v61+s29+$0x0] =	vst.idx.msk vm0, v63  }
0x48f: {  	[tilespmem:v21+s29+$0x0] =	vst.idx.msk vm0, v20  }
0x490: {  	[tilespmem:v55+s29+$0x0] =	vst.idx.msk vm0, v28  }
0x491: {  	[tilespmem:v54+s29+$0x0] =	vst.idx.msk vm0, v18  }
0x492: {  	[tilespmem:v0+s29+$0x0] =	vst.idx.msk vm0, v19  }
0x493: {  	v34 =	vld [tilespmem:$0x1FFC0]  }
0x494: {  	v30 =	vld [tilespmem:$0x1FEB0]  }
0x495: {  	v58 =	vld [tilespmem:$0x1FEF0]  }
0x496: {  	v56 =	vld [tilespmem:$0x1FD80]  }
0x497: {  	v57 =	vld [tilespmem:$0x1FD90]  }
0x498: {  	v48 =	vld [tilespmem:$0x1FDA0]  }
0x499: {  	v50 =	vld [tilespmem:$0x1FDB0]  }
0x49a: {  	v53 =	vld [tilespmem:$0x1FC10]  }
.LBB2_52:
0x49b: {  	v0 =	vld [tilespmem:$0x100B0];
	_ =	sdelay $0x4  }
0x49c: {  	vm0 =	vgt.s32 v0, $0xF423F  }
0x49d: {  	v18 =	vmpcnt.ones.xlane vm0;
	_ =	sdelay $0x1  }
0x49e: {  	(v2sf) =	vpush v18, $0x0;
	_ =	sdelay $0xe  }
0x49f: {  	s11 =	spop (v2sf)  }
0x4a0: {  	p1 =	slt.s32 s11, $0x1  }
.Ltmp28:
0x4a1: {  	_ = 	snop;
	(pc) =	sbr.rel @p1 .LBB2_56-.Ltmp28, $4  }
0x4a2: {  	v60 =	vld [tilespmem:$0x1FF90]  }
0x4a3: {  	v63 =	vld [tilespmem:$0x1FCD0]  }
0x4a4: {  	v54 =	vld [tilespmem:$0x1FCE0]  }
0x4a5: {  	v37 =	vld [tilespmem:$0x1FF80]  }
0x4a6: {  	s11 =	simm.s32 $0x0  }
0x4a7: {  	v18 =	vmov s11  }
0x4a8: {  	vm1 =	vgt.s32 v0, $0xF4240;
	v18 =	vshrl.u32 v18, $0x3  }
0x4a9: {  	v0 =	vnsel vm1, $0xF4240, v0;
	v18 =	vshll.u32 v18, $0x3  }
0x4aa: {  	v0 =	vshll.u32 v0, $0x6;
	v31 =	vbroadcast v18, $0x0  }
0x4ab: {  	v18 =	vadd.s32 $0xFC2F7000, v0  }
0x4ac: {  	v19 =	vadd.s32 $0xFC2F7007, v0;
	v20 =	vadd.s32 $0xFC2F7001, v0;
	v27 =	vor.u32 v18, v31  }
0x4ad: {  	v21 =	vadd.s32 $0xFC2F7002, v0;
	v23 =	vadd.s32 $0xFC2F7003, v0;
	v28 =	vor.u32 v31, v19  }
0x4ae: {  	v56 =	vld [tilespmem:$0x1FFA0];
	s11 =	simm.s32 $0x8;
	v22 =	vadd.s32 $0xFC2F7006, v0;
	v24 =	vadd.s32 $0xFC2F7004, v0;
	v32 =	vor.u32 v31, v20  }
0x4af: {  	v57 =	vld [tilespmem:$0x1FFB0];
	v25 =	vadd.s32 $0xFC2F7005, v0;
	v0 =	vmov s11;
	v33 =	vor.u32 v31, v22  }
0x4b0: {  	v58 =	vmov v34;
	v61 =	vld [tilespmem:$0x1FE80];
	v29 =	vshrl.u32 v0, $0x3;
	v38 =	vor.u32 v31, v25  }
0x4b1: {  	v26 =	vor.u32 v31, v23;
	v41 =	vor.u32 v31, v24;
	v40 =	vor.u32 v31, v21;
	v46 =	vld.idx.msk [tilespmem:v27+s3+$0x0], $0xffff  }
0x4b2: {  	v59 =	vmovc v60;
	v0 =	vor.u32 v60, v31;
	v48 =	vor.u32 v63, v31;
	v27 =	vshll.u32 v29, $0x3;
	v39 =	vld.idx.msk [tilespmem:v28+s3+$0x0], $0xffff  }
0x4b3: {  	v30 =	vor.u32 v54, v31;
	v47 =	vor.u32 v34, v31;
	v60 =	vmovc v37;
	v35 =	vld.idx.msk [tilespmem:v32+s3+$0x0], $0xffff;
	v29 =	vbroadcast v27, $0x0  }
0x4b4: {  	v28 =	vor.u32 v56, v31;
	v32 =	vor.u32 v57, v31;
	v36 =	vld.idx.msk [tilespmem:v33+s3+$0x0], $0xffff;
	v27 =	vor.u32 v37, v31  }
0x4b5: {  	v38 =	vld.idx.msk [tilespmem:v38+s3+$0x0], $0xffff;
	v37 =	vor.u32 v61, v31;
	v44 =	vor.u32 v18, v29;
	v34 =	vor.u32 v29, v20  }
0x4b6: {  	v40 =	vld.idx.msk [tilespmem:v40+s3+$0x0], $0xffff;
	v42 =	vor.u32 v29, v23;
	v43 =	vor.u32 v29, v24;
	v45 =	vor.u32 v29, v19  }
0x4b7: {  	v41 =	vld.idx.msk [tilespmem:v41+s3+$0x0], $0xffff;
	v31 =	vor.u32 v29, v21;
	v33 =	vor.u32 v29, v25;
	[tilespmem:v48+s29+$0x0] =	vst.idx.msk vm0, v46  }
.LBB2_54:
0x4b8: {  	_ =	sdelay $0x1  }
0x4b9: {  	v46 =	vor.u32 v29, v22;
	v48 =	vld.idx.msk [tilespmem:v26+s3+$0x0], $0xffff;
	v50 =	vmov v0  }
0x4ba: {  	s11 =	sadd.s32 $0x8, s11;
	v0 =	vor.u32 v59, v29;
	v51 =	vmovc v28;
	v52 =	vmov v29;
	v26 =	vmov v42;
	[tilespmem:v47+s29+$0x0] =	vst.idx.msk vm0, v39  }
0x4bb: {  	v29 =	vmov s11;
	v28 =	vor.u32 v56, v52;
	[tilespmem:v30+s29+$0x0] =	vst.idx.msk vm0, v35;
	v30 =	vor.u32 v54, v52;
	v54 =	vld.idx.msk [tilespmem:v44+s3+$0x0], $0xffff  }
0x4bc: {  	v53 =	vmov v43;
	v42 =	vor.u32 v60, v52;
	v29 =	vshrl.u32 v29, $0x3;
	[tilespmem:v37+s29+$0x0] =	vst.idx.msk vm0, v36;
	v39 =	vld.idx.msk [tilespmem:v45+s3+$0x0], $0xffff  }
0x4bd: {  	p1 =	slt.u32 s11, $0x38;
	v55 =	vor.u32 v63, v52;
	v29 =	vshll.u32 v29, $0x3;
	[tilespmem:v32+s29+$0x0] =	vst.idx.msk vm0, v38;
	v35 =	vld.idx.msk [tilespmem:v34+s3+$0x0], $0xffff  }
.Ltmp29:
0x4be: {  	v29 =	vbroadcast v29, $0x0;
	v47 =	vor.u32 v58, v52;
	[tilespmem:v27+s29+$0x0] =	vst.idx.msk vm0, v40;
	v27 =	vmov v42;
	v36 =	vld.idx.msk [tilespmem:v46+s3+$0x0], $0xffff;
	(pc) =	sbr.rel @p1 .LBB2_54-.Ltmp29, $4  }
0x4bf: {  	v32 =	vor.u32 v57, v52;
	v37 =	vor.u32 v61, v52;
	[tilespmem:v51+s29+$0x0] =	vst.idx.msk vm0, v41;
	v38 =	vld.idx.msk [tilespmem:v33+s3+$0x0], $0xffff  }
0x4c0: {  	[tilespmem:v50+s29+$0x0] =	vst.idx.msk vm0, v48;
	v40 =	vld.idx.msk [tilespmem:v31+s3+$0x0], $0xffff;
	v44 =	vor.u32 v18, v29;
	v34 =	vor.u32 v29, v20  }
0x4c1: {  	v42 =	vor.u32 v29, v23;
	v43 =	vor.u32 v29, v24;
	v45 =	vor.u32 v29, v19;
	v41 =	vld.idx.msk [tilespmem:v53+s3+$0x0], $0xffff  }
0x4c2: {  	v31 =	vor.u32 v29, v21;
	v33 =	vor.u32 v29, v25;
	[tilespmem:v55+s29+$0x0] =	vst.idx.msk vm0, v54;
	v54 =	vld [tilespmem:$0x1FCE0]  }
0x4c3: {  	_ =	sdelay $0x4  }
0x4c4: {  	[tilespmem:v47+s29+$0x0] =	vst.idx.msk vm0, v39  }
0x4c5: {  	v19 =	vld.idx.msk [tilespmem:v26+s3+$0x0], $0xffff;
	[tilespmem:v30+s29+$0x0] =	vst.idx.msk vm0, v35  }
0x4c6: {  	v18 =	vor.u32 v29, v22;
	v20 =	vld.idx.msk [tilespmem:v44+s3+$0x0], $0xffff;
	[tilespmem:v37+s29+$0x0] =	vst.idx.msk vm0, v36;
	v21 =	vor.u32 v63, v29  }
0x4c7: {  	v53 =	vld.idx.msk [tilespmem:v45+s3+$0x0], $0xffff;
	v23 =	vor.u32 v58, v29;
	[tilespmem:v32+s29+$0x0] =	vst.idx.msk vm0, v38  }
0x4c8: {  	v55 =	vor.u32 v61, v29;
	v61 =	vor.u32 v59, v29;
	v63 =	vld.idx.msk [tilespmem:v42+s3+$0x0], $0xffff;
	[tilespmem:v27+s29+$0x0] =	vst.idx.msk vm0, v40  }
0x4c9: {  	v57 =	vor.u32 v57, v29;
	[tilespmem:v28+s29+$0x0] =	vst.idx.msk vm0, v41;
	v28 =	vld.idx.msk [tilespmem:v33+s3+$0x0], $0xffff  }
0x4ca: {  	v25 =	vld.idx.msk [tilespmem:v34+s3+$0x0], $0xffff;
	v24 =	vor.u32 v54, v29;
	[tilespmem:v0+s29+$0x0] =	vst.idx.msk vm0, v19  }
0x4cb: {  	v18 =	vld.idx.msk [tilespmem:v18+s3+$0x0], $0xffff;
	[tilespmem:v21+s29+$0x0] =	vst.idx.msk vm0, v20  }
0x4cc: {  	v0 =	vor.u32 v60, v29;
	v19 =	vld.idx.msk [tilespmem:v31+s3+$0x0], $0xffff;
	[tilespmem:v23+s29+$0x0] =	vst.idx.msk vm0, v53  }
0x4cd: {  	v58 =	vor.u32 v56, v29;
	v60 =	vld.idx.msk [tilespmem:v43+s3+$0x0], $0xffff;
	[tilespmem:v61+s29+$0x0] =	vst.idx.msk vm0, v63  }
0x4ce: {  	[tilespmem:v57+s29+$0x0] =	vst.idx.msk vm0, v28  }
0x4cf: {  	[tilespmem:v24+s29+$0x0] =	vst.idx.msk vm0, v25  }
0x4d0: {  	[tilespmem:v55+s29+$0x0] =	vst.idx.msk vm0, v18  }
0x4d1: {  	[tilespmem:v0+s29+$0x0] =	vst.idx.msk vm0, v19  }
0x4d2: {  	[tilespmem:v58+s29+$0x0] =	vst.idx.msk vm0, v60  }
0x4d3: {  	v30 =	vld [tilespmem:$0x1FEB0]  }
0x4d4: {  	v56 =	vld [tilespmem:$0x1FD80]  }
0x4d5: {  	v57 =	vld [tilespmem:$0x1FD90]  }
0x4d6: {  	v48 =	vld [tilespmem:$0x1FDA0]  }
0x4d7: {  	v50 =	vld [tilespmem:$0x1FDB0]  }
0x4d8: {  	v58 =	vld [tilespmem:$0x1FEF0]  }
0x4d9: {  	v60 =	vmov v59;
	v53 =	vld [tilespmem:$0x1FC10]  }
.LBB2_56:
0x4da: {  	v0 =	vld [tilespmem:$0x100C0];
	_ =	sdelay $0x4  }
0x4db: {  	vm0 =	vgt.s32 v0, $0xF423F  }
0x4dc: {  	v18 =	vmpcnt.ones.xlane vm0;
	_ =	sdelay $0x1  }
0x4dd: {  	(v2sf) =	vpush v18, $0x0;
	_ =	sdelay $0xe  }
0x4de: {  	s11 =	spop (v2sf)  }
0x4df: {  	p1 =	slt.s32 s11, $0x1  }
.Ltmp30:
0x4e0: {  	_ = 	snop;
	(pc) =	sbr.rel @p1 .LBB2_60-.Ltmp30, $2  }
0x4e1: {  	_ =	sdelay $0x2  }
0x4e2: {  	v55 =	vld [tilespmem:$0x1FCF0]  }
0x4e3: {  	s11 =	simm.s32 $0x0  }
0x4e4: {  	v18 =	vmov s11  }
0x4e5: {  	vm1 =	vgt.s32 v0, $0xF4240;
	v18 =	vshrl.u32 v18, $0x3  }
0x4e6: {  	v0 =	vnsel vm1, $0xF4240, v0;
	v18 =	vshll.u32 v18, $0x3  }
0x4e7: {  	v0 =	vshll.u32 v0, $0x6;
	v31 =	vbroadcast v18, $0x0  }
0x4e8: {  	v61 =	vld [tilespmem:$0x1FEA0];
	v18 =	vadd.s32 $0xFC2F7000, v0  }
0x4e9: {  	v56 =	vld [tilespmem:$0x1FD00];
	v19 =	vadd.s32 $0xFC2F7007, v0;
	v20 =	vadd.s32 $0xFC2F7001, v0;
	v27 =	vor.u32 v18, v31  }
0x4ea: {  	v62 =	vld [tilespmem:$0x1FEE0];
	v21 =	vadd.s32 $0xFC2F7002, v0;
	v23 =	vadd.s32 $0xFC2F7003, v0;
	v28 =	vor.u32 v31, v19  }
0x4eb: {  	v60 =	vld [tilespmem:$0x1FEC0];
	s11 =	simm.s32 $0x8;
	v22 =	vadd.s32 $0xFC2F7006, v0;
	v24 =	vadd.s32 $0xFC2F7004, v0;
	v32 =	vor.u32 v31, v20  }
0x4ec: {  	v58 =	vld [tilespmem:$0x1FED0];
	v25 =	vadd.s32 $0xFC2F7005, v0;
	v0 =	vmov s11;
	v33 =	vor.u32 v31, v22  }
0x4ed: {  	v57 =	vld [tilespmem:$0x1FE90];
	v29 =	vshrl.u32 v0, $0x3;
	v38 =	vor.u32 v31, v25  }
0x4ee: {  	v26 =	vor.u32 v31, v23;
	v41 =	vor.u32 v31, v24;
	v40 =	vor.u32 v31, v21;
	v46 =	vld.idx.msk [tilespmem:v27+s3+$0x0], $0xffff  }
0x4ef: {  	v0 =	vor.u32 v61, v31;
	v48 =	vor.u32 v55, v31;
	v27 =	vshll.u32 v29, $0x3;
	v39 =	vld.idx.msk [tilespmem:v28+s3+$0x0], $0xffff  }
0x4f0: {  	v59 =	vmovc v30;
	v30 =	vor.u32 v56, v31;
	v47 =	vor.u32 v62, v31;
	v35 =	vld.idx.msk [tilespmem:v32+s3+$0x0], $0xffff;
	v29 =	vbroadcast v27, $0x0  }
0x4f1: {  	v37 =	vor.u32 v58, v31;
	v28 =	vor.u32 v59, v31;
	v32 =	vor.u32 v60, v31;
	v36 =	vld.idx.msk [tilespmem:v33+s3+$0x0], $0xffff  }
0x4f2: {  	v38 =	vld.idx.msk [tilespmem:v38+s3+$0x0], $0xffff;
	v27 =	vor.u32 v57, v31;
	v44 =	vor.u32 v18, v29;
	v34 =	vor.u32 v29, v20  }
0x4f3: {  	v40 =	vld.idx.msk [tilespmem:v40+s3+$0x0], $0xffff;
	v42 =	vor.u32 v29, v23;
	v43 =	vor.u32 v29, v24;
	v45 =	vor.u32 v29, v19  }
0x4f4: {  	v41 =	vld.idx.msk [tilespmem:v41+s3+$0x0], $0xffff;
	v31 =	vor.u32 v29, v21;
	v33 =	vor.u32 v29, v25;
	[tilespmem:v48+s29+$0x0] =	vst.idx.msk vm0, v46  }
.LBB2_58:
0x4f5: {  	v46 =	vor.u32 v29, v22;
	[tilespmem:v47+s29+$0x0] =	vst.idx.msk vm0, v39;
	v50 =	vmov v0  }
0x4f6: {  	s11 =	sadd.s32 $0x8, s11;
	v48 =	vld.idx.msk [tilespmem:v26+s3+$0x0], $0xffff;
	v0 =	vor.u32 v61, v29;
	v51 =	vmovc v28;
	v52 =	vmovc v29;
	v26 =	vmov v42;
	v53 =	vmov v43  }
0x4f7: {  	v29 =	vmov s11;
	p1 =	slt.u32 s11, $0x38;
	v28 =	vor.u32 v59, v52;
	[tilespmem:v30+s29+$0x0] =	vst.idx.msk vm0, v35;
	v30 =	vor.u32 v56, v52  }
0x4f8: {  	v42 =	vor.u32 v57, v52;
	v29 =	vshrl.u32 v29, $0x3;
	v54 =	vld.idx.msk [tilespmem:v44+s3+$0x0], $0xffff;
	[tilespmem:v37+s29+$0x0] =	vst.idx.msk vm0, v36  }
0x4f9: {  	v63 =	vor.u32 v55, v52;
	v29 =	vshll.u32 v29, $0x3;
	v39 =	vld.idx.msk [tilespmem:v45+s3+$0x0], $0xffff;
	[tilespmem:v32+s29+$0x0] =	vst.idx.msk vm0, v38  }
.Ltmp31:
0x4fa: {  	v47 =	vor.u32 v62, v52;
	v29 =	vbroadcast v29, $0x0;
	v35 =	vld.idx.msk [tilespmem:v34+s3+$0x0], $0xffff;
	[tilespmem:v27+s29+$0x0] =	vst.idx.msk vm0, v40;
	v27 =	vmov v42;
	(pc) =	sbr.rel @p1 .LBB2_58-.Ltmp31, $4  }
0x4fb: {  	v37 =	vor.u32 v58, v52;
	v32 =	vor.u32 v60, v52;
	v36 =	vld.idx.msk [tilespmem:v46+s3+$0x0], $0xffff;
	[tilespmem:v51+s29+$0x0] =	vst.idx.msk vm0, v41  }
0x4fc: {  	v44 =	vor.u32 v18, v29;
	v34 =	vor.u32 v29, v20;
	v38 =	vld.idx.msk [tilespmem:v33+s3+$0x0], $0xffff;
	[tilespmem:v50+s29+$0x0] =	vst.idx.msk vm0, v48  }
0x4fd: {  	v42 =	vor.u32 v29, v23;
	v43 =	vor.u32 v29, v24;
	v45 =	vor.u32 v29, v19;
	v40 =	vld.idx.msk [tilespmem:v31+s3+$0x0], $0xffff  }
0x4fe: {  	v33 =	vor.u32 v29, v25;
	v31 =	vor.u32 v29, v21;
	[tilespmem:v63+s29+$0x0] =	vst.idx.msk vm0, v54;
	v41 =	vld.idx.msk [tilespmem:v53+s3+$0x0], $0xffff  }
0x4ff: {  	_ =	sdelay $0x4  }
0x500: {  	[tilespmem:v47+s29+$0x0] =	vst.idx.msk vm0, v39  }
0x501: {  	v19 =	vld.idx.msk [tilespmem:v26+s3+$0x0], $0xffff;
	[tilespmem:v30+s29+$0x0] =	vst.idx.msk vm0, v35  }
0x502: {  	v20 =	vld.idx.msk [tilespmem:v44+s3+$0x0], $0xffff;
	v21 =	vor.u32 v55, v29;
	[tilespmem:v37+s29+$0x0] =	vst.idx.msk vm0, v36  }
0x503: {  	v18 =	vor.u32 v29, v22;
	v54 =	vld.idx.msk [tilespmem:v45+s3+$0x0], $0xffff;
	v23 =	vor.u32 v62, v29;
	[tilespmem:v32+s29+$0x0] =	vst.idx.msk vm0, v38  }
0x504: {  	v24 =	vor.u32 v56, v29;
	v25 =	vld.idx.msk [tilespmem:v34+s3+$0x0], $0xffff;
	[tilespmem:v27+s29+$0x0] =	vst.idx.msk vm0, v40  }
0x505: {  	v55 =	vor.u32 v58, v29;
	v56 =	vor.u32 v60, v29;
	v58 =	vld.idx.msk [tilespmem:v33+s3+$0x0], $0xffff;
	[tilespmem:v28+s29+$0x0] =	vst.idx.msk vm0, v41  }
0x506: {  	v59 =	vor.u32 v59, v29;
	v60 =	vld.idx.msk [tilespmem:v43+s3+$0x0], $0xffff;
	[tilespmem:v0+s29+$0x0] =	vst.idx.msk vm0, v19  }
0x507: {  	v62 =	vor.u32 v61, v29;
	v63 =	vld.idx.msk [tilespmem:v42+s3+$0x0], $0xffff;
	[tilespmem:v21+s29+$0x0] =	vst.idx.msk vm0, v20  }
0x508: {  	v18 =	vld.idx.msk [tilespmem:v18+s3+$0x0], $0xffff;
	[tilespmem:v23+s29+$0x0] =	vst.idx.msk vm0, v54  }
0x509: {  	v0 =	vor.u32 v57, v29;
	v19 =	vld.idx.msk [tilespmem:v31+s3+$0x0], $0xffff;
	[tilespmem:v24+s29+$0x0] =	vst.idx.msk vm0, v25  }
0x50a: {  	[tilespmem:v56+s29+$0x0] =	vst.idx.msk vm0, v58  }
0x50b: {  	[tilespmem:v59+s29+$0x0] =	vst.idx.msk vm0, v60  }
0x50c: {  	[tilespmem:v62+s29+$0x0] =	vst.idx.msk vm0, v63  }
0x50d: {  	[tilespmem:v55+s29+$0x0] =	vst.idx.msk vm0, v18  }
0x50e: {  	[tilespmem:v0+s29+$0x0] =	vst.idx.msk vm0, v19  }
0x50f: {  	v58 =	vld [tilespmem:$0x1FEF0]  }
0x510: {  	v62 =	vld [tilespmem:$0x1FD70]  }
0x511: {  	v56 =	vld [tilespmem:$0x1FD80]  }
0x512: {  	v57 =	vld [tilespmem:$0x1FD90]  }
0x513: {  	v60 =	vld [tilespmem:$0x1FF90]  }
0x514: {  	v48 =	vld [tilespmem:$0x1FDA0]  }
0x515: {  	v50 =	vld [tilespmem:$0x1FDB0]  }
0x516: {  	v53 =	vld [tilespmem:$0x1FC10]  }
.LBB2_60:
0x517: {  	v0 =	vld [tilespmem:$0x100D0];
	_ =	sdelay $0x4  }
0x518: {  	vm0 =	vgt.s32 v0, $0xF423F  }
0x519: {  	v18 =	vmpcnt.ones.xlane vm0;
	_ =	sdelay $0x1  }
0x51a: {  	(v2sf) =	vpush v18, $0x0;
	_ =	sdelay $0xe  }
0x51b: {  	s11 =	spop (v2sf)  }
0x51c: {  	p1 =	slt.s32 s11, $0x1  }
.Ltmp32:
0x51d: {  	_ = 	snop;
	(pc) =	sbr.rel @p1 .LBB2_64-.Ltmp32, $3  }
0x51e: {  	_ =	sdelay $0x1  }
0x51f: {  	v63 =	vld [tilespmem:$0x1FD10]  }
0x520: {  	v36 =	vld [tilespmem:$0x1FFD0]  }
0x521: {  	s11 =	simm.s32 $0x0  }
0x522: {  	v18 =	vmov s11  }
0x523: {  	vm1 =	vgt.s32 v0, $0xF4240;
	v18 =	vshrl.u32 v18, $0x3  }
0x524: {  	v0 =	vnsel vm1, $0xF4240, v0;
	v18 =	vshll.u32 v18, $0x3  }
0x525: {  	v0 =	vshll.u32 v0, $0x6;
	v31 =	vbroadcast v18, $0x0  }
0x526: {  	v18 =	vadd.s32 $0xFC2F7000, v0  }
0x527: {  	v57 =	vld [tilespmem:$0x1FD30];
	v19 =	vadd.s32 $0xFC2F7007, v0;
	v20 =	vadd.s32 $0xFC2F7001, v0;
	v27 =	vor.u32 v18, v31  }
0x528: {  	v62 =	vld [tilespmem:$0x1FD40];
	v21 =	vadd.s32 $0xFC2F7002, v0;
	v23 =	vadd.s32 $0xFC2F7003, v0;
	v28 =	vor.u32 v31, v19  }
0x529: {  	v61 =	vld [tilespmem:$0x1FD50];
	s11 =	simm.s32 $0x8;
	v22 =	vadd.s32 $0xFC2F7006, v0;
	v24 =	vadd.s32 $0xFC2F7004, v0;
	v32 =	vor.u32 v31, v20  }
0x52a: {  	v60 =	vld [tilespmem:$0x1FD60];
	v25 =	vadd.s32 $0xFC2F7005, v0;
	v0 =	vmov s11;
	v33 =	vor.u32 v31, v22  }
0x52b: {  	v56 =	vld [tilespmem:$0x1FD20];
	v29 =	vshrl.u32 v0, $0x3;
	v38 =	vor.u32 v31, v25  }
0x52c: {  	v26 =	vor.u32 v31, v23;
	v41 =	vor.u32 v31, v24;
	v40 =	vor.u32 v31, v21;
	v46 =	vld.idx.msk [tilespmem:v27+s3+$0x0], $0xffff  }
0x52d: {  	v0 =	vor.u32 v57, v31;
	v48 =	vor.u32 v63, v31;
	v27 =	vshll.u32 v29, $0x3;
	v39 =	vld.idx.msk [tilespmem:v28+s3+$0x0], $0xffff  }
0x52e: {  	v59 =	vmovc v36;
	v30 =	vor.u32 v36, v31;
	v47 =	vor.u32 v58, v31;
	v35 =	vld.idx.msk [tilespmem:v32+s3+$0x0], $0xffff;
	v29 =	vbroadcast v27, $0x0  }
0x52f: {  	v37 =	vor.u32 v60, v31;
	v28 =	vor.u32 v62, v31;
	v32 =	vor.u32 v61, v31;
	v36 =	vld.idx.msk [tilespmem:v33+s3+$0x0], $0xffff  }
0x530: {  	v38 =	vld.idx.msk [tilespmem:v38+s3+$0x0], $0xffff;
	v27 =	vor.u32 v56, v31;
	v44 =	vor.u32 v18, v29;
	v34 =	vor.u32 v29, v20  }
0x531: {  	v40 =	vld.idx.msk [tilespmem:v40+s3+$0x0], $0xffff;
	v42 =	vor.u32 v29, v23;
	v43 =	vor.u32 v29, v24;
	v45 =	vor.u32 v29, v19  }
0x532: {  	v41 =	vld.idx.msk [tilespmem:v41+s3+$0x0], $0xffff;
	v31 =	vor.u32 v29, v21;
	v33 =	vor.u32 v29, v25;
	[tilespmem:v48+s29+$0x0] =	vst.idx.msk vm0, v46  }
.LBB2_62:
0x533: {  	v46 =	vor.u32 v29, v22;
	[tilespmem:v47+s29+$0x0] =	vst.idx.msk vm0, v39;
	v50 =	vmov v0  }
0x534: {  	s11 =	sadd.s32 $0x8, s11;
	v48 =	vld.idx.msk [tilespmem:v26+s3+$0x0], $0xffff;
	v0 =	vor.u32 v57, v29;
	v51 =	vmovc v28;
	v52 =	vmovc v29;
	v26 =	vmov v42;
	v53 =	vmov v43  }
0x535: {  	v29 =	vmov s11;
	p1 =	slt.u32 s11, $0x38;
	v28 =	vor.u32 v62, v52;
	[tilespmem:v30+s29+$0x0] =	vst.idx.msk vm0, v35;
	v30 =	vor.u32 v59, v52  }
0x536: {  	v42 =	vor.u32 v56, v52;
	v29 =	vshrl.u32 v29, $0x3;
	v54 =	vld.idx.msk [tilespmem:v44+s3+$0x0], $0xffff;
	[tilespmem:v37+s29+$0x0] =	vst.idx.msk vm0, v36  }
0x537: {  	v55 =	vor.u32 v63, v52;
	v29 =	vshll.u32 v29, $0x3;
	v39 =	vld.idx.msk [tilespmem:v45+s3+$0x0], $0xffff;
	[tilespmem:v32+s29+$0x0] =	vst.idx.msk vm0, v38  }
.Ltmp33:
0x538: {  	v47 =	vor.u32 v58, v52;
	v29 =	vbroadcast v29, $0x0;
	v35 =	vld.idx.msk [tilespmem:v34+s3+$0x0], $0xffff;
	[tilespmem:v27+s29+$0x0] =	vst.idx.msk vm0, v40;
	v27 =	vmov v42;
	(pc) =	sbr.rel @p1 .LBB2_62-.Ltmp33, $4  }
0x539: {  	v37 =	vor.u32 v60, v52;
	v32 =	vor.u32 v61, v52;
	v36 =	vld.idx.msk [tilespmem:v46+s3+$0x0], $0xffff;
	[tilespmem:v51+s29+$0x0] =	vst.idx.msk vm0, v41  }
0x53a: {  	v44 =	vor.u32 v18, v29;
	v34 =	vor.u32 v29, v20;
	v38 =	vld.idx.msk [tilespmem:v33+s3+$0x0], $0xffff;
	[tilespmem:v50+s29+$0x0] =	vst.idx.msk vm0, v48  }
0x53b: {  	v42 =	vor.u32 v29, v23;
	v43 =	vor.u32 v29, v24;
	v45 =	vor.u32 v29, v19;
	v40 =	vld.idx.msk [tilespmem:v31+s3+$0x0], $0xffff  }
0x53c: {  	v33 =	vor.u32 v29, v25;
	v31 =	vor.u32 v29, v21;
	[tilespmem:v55+s29+$0x0] =	vst.idx.msk vm0, v54;
	v41 =	vld.idx.msk [tilespmem:v53+s3+$0x0], $0xffff  }
0x53d: {  	_ =	sdelay $0x4  }
0x53e: {  	[tilespmem:v47+s29+$0x0] =	vst.idx.msk vm0, v39  }
0x53f: {  	v19 =	vld.idx.msk [tilespmem:v26+s3+$0x0], $0xffff;
	[tilespmem:v30+s29+$0x0] =	vst.idx.msk vm0, v35  }
0x540: {  	v20 =	vld.idx.msk [tilespmem:v44+s3+$0x0], $0xffff;
	v21 =	vor.u32 v63, v29;
	[tilespmem:v37+s29+$0x0] =	vst.idx.msk vm0, v36  }
0x541: {  	v18 =	vor.u32 v29, v22;
	v54 =	vld.idx.msk [tilespmem:v45+s3+$0x0], $0xffff;
	v23 =	vor.u32 v58, v29;
	[tilespmem:v32+s29+$0x0] =	vst.idx.msk vm0, v38  }
0x542: {  	v24 =	vor.u32 v59, v29;
	v25 =	vld.idx.msk [tilespmem:v34+s3+$0x0], $0xffff;
	[tilespmem:v27+s29+$0x0] =	vst.idx.msk vm0, v40  }
0x543: {  	v58 =	vor.u32 v61, v29;
	v59 =	vld.idx.msk [tilespmem:v33+s3+$0x0], $0xffff;
	[tilespmem:v28+s29+$0x0] =	vst.idx.msk vm0, v41  }
0x544: {  	v55 =	vor.u32 v60, v29;
	v60 =	vor.u32 v62, v29;
	v61 =	vld.idx.msk [tilespmem:v43+s3+$0x0], $0xffff;
	[tilespmem:v0+s29+$0x0] =	vst.idx.msk vm0, v19  }
0x545: {  	v62 =	vor.u32 v57, v29;
	v63 =	vld.idx.msk [tilespmem:v42+s3+$0x0], $0xffff;
	[tilespmem:v21+s29+$0x0] =	vst.idx.msk vm0, v20  }
0x546: {  	v18 =	vld.idx.msk [tilespmem:v18+s3+$0x0], $0xffff;
	[tilespmem:v23+s29+$0x0] =	vst.idx.msk vm0, v54  }
0x547: {  	v0 =	vor.u32 v56, v29;
	v19 =	vld.idx.msk [tilespmem:v31+s3+$0x0], $0xffff;
	[tilespmem:v24+s29+$0x0] =	vst.idx.msk vm0, v25  }
0x548: {  	[tilespmem:v58+s29+$0x0] =	vst.idx.msk vm0, v59  }
0x549: {  	[tilespmem:v60+s29+$0x0] =	vst.idx.msk vm0, v61  }
0x54a: {  	[tilespmem:v62+s29+$0x0] =	vst.idx.msk vm0, v63  }
0x54b: {  	[tilespmem:v55+s29+$0x0] =	vst.idx.msk vm0, v18  }
0x54c: {  	[tilespmem:v0+s29+$0x0] =	vst.idx.msk vm0, v19  }
0x54d: {  	v62 =	vld [tilespmem:$0x1FD70]  }
0x54e: {  	v56 =	vld [tilespmem:$0x1FD80]  }
0x54f: {  	v57 =	vld [tilespmem:$0x1FD90]  }
0x550: {  	v60 =	vld [tilespmem:$0x1FF90]  }
0x551: {  	v48 =	vld [tilespmem:$0x1FDA0]  }
0x552: {  	v50 =	vld [tilespmem:$0x1FDB0]  }
0x553: {  	v53 =	vld [tilespmem:$0x1FC10]  }
.LBB2_64:
0x554: {  	v0 =	vld [tilespmem:$0x100E0];
	_ =	sdelay $0x4  }
0x555: {  	vm0 =	vgt.s32 v0, $0xF423F  }
0x556: {  	v18 =	vmpcnt.ones.xlane vm0;
	_ =	sdelay $0x1  }
0x557: {  	(v2sf) =	vpush v18, $0x0;
	_ =	sdelay $0xe  }
0x558: {  	s11 =	spop (v2sf)  }
0x559: {  	p1 =	slt.s32 s11, $0x1  }
.Ltmp34:
0x55a: {  	_ = 	snop;
	(pc) =	sbr.rel @p1 .LBB2_68-.Ltmp34, $2  }
0x55b: {  	_ =	sdelay $0x2  }
0x55c: {  	v59 =	vld [tilespmem:$0x1FFE0]  }
0x55d: {  	vm1 =	vgt.s32 v0, $0xF4240;
	s11 =	simm.s32 $0x0  }
0x55e: {  	v0 =	vnsel vm1, $0xF4240, v0;
	v18 =	vmov s11  }
0x55f: {  	v39 =	vld [tilespmem:$0x1FDC0];
	s11 =	simm.s32 $0x8;
	v0 =	vshll.u32 v0, $0x6;
	v20 =	vshrl.u32 v18, $0x3  }
0x560: {  	v32 =	vmov s11;
	v18 =	vadd.s32 $0xFC2F7000, v0;
	v22 =	vshll.u32 v20, $0x3  }
0x561: {  	v19 =	vadd.s32 $0xFC2F7001, v0;
	v20 =	vadd.s32 $0xFC2F7002, v0;
	v34 =	vbroadcast v22, $0x0  }
0x562: {  	v21 =	vadd.s32 $0xFC2F7003, v0;
	v23 =	vadd.s32 $0xFC2F7005, v0;
	v24 =	vadd.s32 $0xFC2F7006, v0  }
0x563: {  	v25 =	vadd.s32 $0xFC2F7007, v0;
	v32 =	vshrl.u32 v32, $0x3;
	v31 =	vor.u32 v34, v21  }
0x564: {  	v22 =	vadd.s32 $0xFC2F7004, v0;
	v26 =	vor.u32 $0x1801, v39;
	v30 =	vor.u32 v34, v23  }
0x565: {  	v0 =	vor.u32 $0x1802, v39;
	v27 =	vor.u32 $0x1804, v39;
	v37 =	vor.u32 v34, v22  }
0x566: {  	v33 =	vor.u32 $0x1803, v39;
	v35 =	vor.u32 $0x1805, v39;
	v36 =	vor.u32 v34, v19  }
0x567: {  	v40 =	vor.u32 v18, v34;
	v56 =	vor.u32 v34, v20;
	v43 =	vor.u32 v34, v25  }
0x568: {  	v41 =	vor.u32 v34, v24;
	v28 =	vor.u32 v26, v34;
	v29 =	vor.u32 v0, v34;
	v47 =	vld.idx.msk [tilespmem:v31+s3+$0x0], $0xffff  }
0x569: {  	v57 =	vor.u32 v27, v34;
	v52 =	vor.u32 v33, v34;
	v31 =	vshll.u32 v32, $0x3;
	v53 =	vld.idx.msk [tilespmem:v30+s3+$0x0], $0xffff  }
0x56a: {  	v44 =	vor.u32 v35, v34;
	v32 =	vor.u32 $0x1807, v39;
	v46 =	vld.idx.msk [tilespmem:v37+s3+$0x0], $0xffff;
	v38 =	vbroadcast v31, $0x0  }
0x56b: {  	v30 =	vor.u32 $0x1800, v39;
	v54 =	vld.idx.msk [tilespmem:v36+s3+$0x0], $0xffff;
	v31 =	vor.u32 $0x1806, v39;
	v42 =	vor.u32 v32, v34  }
0x56c: {  	v51 =	vld.idx.msk [tilespmem:v43+s3+$0x0], $0xffff;
	v36 =	vor.u32 v30, v34;
	v39 =	vor.u32 v31, v34;
	v50 =	vor.u32 v38, v19  }
0x56d: {  	v34 =	vor.u32 v18, v38;
	v45 =	vor.u32 v38, v23;
	v55 =	vor.u32 v38, v21  }
0x56e: {  	v43 =	vld.idx.msk [tilespmem:v41+s3+$0x0], $0xffff;
	v37 =	vor.u32 v38, v20;
	v48 =	vor.u32 v38, v22;
	[tilespmem:v52+s29+$0x0] =	vst.idx.msk vm0, v47  }
0x56f: {  	v41 =	vor.u32 v38, v24;
	v47 =	vor.u32 v38, v25;
	[tilespmem:v44+s29+$0x0] =	vst.idx.msk vm0, v53;
	v52 =	vld.idx.msk [tilespmem:v56+s3+$0x0], $0xffff  }
0x570: {  	v40 =	vld.idx.msk [tilespmem:v40+s3+$0x0], $0xffff;
	v53 =	vor.u32 v26, v38;
	v44 =	vor.u32 v0, v38;
	[tilespmem:v57+s29+$0x0] =	vst.idx.msk vm0, v46  }
.LBB2_66:
0x571: {  	s11 =	sadd.s32 $0x8, s11;
	v46 =	vld.idx.msk [tilespmem:v50+s3+$0x0], $0xffff;
	v56 =	vor.u32 v27, v38;
	[tilespmem:v42+s29+$0x0] =	vst.idx.msk vm0, v51  }
0x572: {  	v42 =	vmov s11;
	p1 =	slt.u32 s11, $0x38;
	v57 =	vld.idx.msk [tilespmem:v55+s3+$0x0], $0xffff;
	[tilespmem:v28+s29+$0x0] =	vst.idx.msk vm0, v54;
	v28 =	vmov v53  }
0x573: {  	v53 =	vor.u32 v33, v38;
	v42 =	vshrl.u32 v42, $0x3;
	v54 =	vld.idx.msk [tilespmem:v45+s3+$0x0], $0xffff;
	[tilespmem:v39+s29+$0x0] =	vst.idx.msk vm0, v43  }
0x574: {  	v39 =	vshll.u32 v42, $0x3;
	v58 =	vld.idx.msk [tilespmem:v48+s3+$0x0], $0xffff;
	v42 =	vor.u32 v32, v38;
	[tilespmem:v29+s29+$0x0] =	vst.idx.msk vm0, v52  }
0x575: {  	v60 =	vor.u32 v35, v38;
	v29 =	vmovc v44;
	v59 =	vbroadcast v39, $0x0;
	v39 =	vor.u32 v31, v38;
	v51 =	vld.idx.msk [tilespmem:v47+s3+$0x0], $0xffff  }
0x576: {  	v43 =	vld.idx.msk [tilespmem:v41+s3+$0x0], $0xffff;
	[tilespmem:v36+s29+$0x0] =	vst.idx.msk vm0, v40;
	v36 =	vor.u32 v30, v38  }
.Ltmp35:
0x577: {  	v50 =	vor.u32 v59, v19;
	v45 =	vor.u32 v59, v23;
	v40 =	vld.idx.msk [tilespmem:v34+s3+$0x0], $0xffff;
	v34 =	vor.u32 v18, v59;
	(pc) =	sbr.rel @p1 .LBB2_66-.Ltmp35, $4  }
0x578: {  	v55 =	vor.u32 v59, v21;
	v48 =	vor.u32 v59, v22;
	v52 =	vld.idx.msk [tilespmem:v37+s3+$0x0], $0xffff;
	v37 =	vor.u32 v59, v20  }
0x579: {  	v41 =	vor.u32 v59, v24;
	v47 =	vor.u32 v59, v25;
	[tilespmem:v53+s29+$0x0] =	vst.idx.msk vm0, v57  }
0x57a: {  	v44 =	vor.u32 v0, v59;
	v53 =	vor.u32 v26, v59;
	[tilespmem:v60+s29+$0x0] =	vst.idx.msk vm0, v54;
	v54 =	vmov v46  }
0x57b: {  	v38 =	vmov v59;
	[tilespmem:v56+s29+$0x0] =	vst.idx.msk vm0, v58  }
0x57c: {  	_ =	sdelay $0x4  }
0x57d: {  	[tilespmem:v42+s29+$0x0] =	vst.idx.msk vm0, v51;
	v0 =	vld.idx.msk [tilespmem:v55+s3+$0x0], $0xffff;
	v18 =	vor.u32 v33, v38  }
0x57e: {  	[tilespmem:v28+s29+$0x0] =	vst.idx.msk vm0, v54;
	v19 =	vld.idx.msk [tilespmem:v45+s3+$0x0], $0xffff;
	v20 =	vor.u32 v35, v38  }
0x57f: {  	v21 =	vor.u32 v27, v38;
	[tilespmem:v39+s29+$0x0] =	vst.idx.msk vm0, v43;
	v22 =	vld.idx.msk [tilespmem:v48+s3+$0x0], $0xffff  }
0x580: {  	v23 =	vor.u32 v32, v38;
	v24 =	vld.idx.msk [tilespmem:v47+s3+$0x0], $0xffff;
	[tilespmem:v36+s29+$0x0] =	vst.idx.msk vm0, v40  }
0x581: {  	v25 =	vld.idx.msk [tilespmem:v50+s3+$0x0], $0xffff;
	[tilespmem:v29+s29+$0x0] =	vst.idx.msk vm0, v52  }
0x582: {  	v26 =	vor.u32 v31, v38;
	v63 =	vld.idx.msk [tilespmem:v41+s3+$0x0], $0xffff;
	[tilespmem:v18+s29+$0x0] =	vst.idx.msk vm0, v0  }
0x583: {  	v0 =	vld.idx.msk [tilespmem:v37+s3+$0x0], $0xffff;
	[tilespmem:v20+s29+$0x0] =	vst.idx.msk vm0, v19  }
0x584: {  	v18 =	vor.u32 v30, v38;
	v19 =	vld.idx.msk [tilespmem:v34+s3+$0x0], $0xffff;
	[tilespmem:v21+s29+$0x0] =	vst.idx.msk vm0, v22  }
0x585: {  	[tilespmem:v23+s29+$0x0] =	vst.idx.msk vm0, v24  }
0x586: {  	[tilespmem:v53+s29+$0x0] =	vst.idx.msk vm0, v25  }
0x587: {  	[tilespmem:v26+s29+$0x0] =	vst.idx.msk vm0, v63  }
0x588: {  	[tilespmem:v44+s29+$0x0] =	vst.idx.msk vm0, v0  }
0x589: {  	[tilespmem:v18+s29+$0x0] =	vst.idx.msk vm0, v19  }
0x58a: {  	v60 =	vld [tilespmem:$0x1FF90]  }
0x58b: {  	v56 =	vld [tilespmem:$0x1FD80]  }
0x58c: {  	v57 =	vld [tilespmem:$0x1FD90]  }
0x58d: {  	v48 =	vld [tilespmem:$0x1FDA0]  }
0x58e: {  	v50 =	vld [tilespmem:$0x1FDB0]  }
0x58f: {  	v59 =	vld [tilespmem:$0x1FFE0]  }
0x590: {  	v53 =	vld [tilespmem:$0x1FC10]  }
.LBB2_68:
0x591: {  	v0 =	vld [tilespmem:$0x100F0];
	_ =	sdelay $0x4  }
0x592: {  	vm0 =	vgt.s32 v0, $0xF423F  }
0x593: {  	v18 =	vmpcnt.ones.xlane vm0;
	_ =	sdelay $0x1  }
0x594: {  	(v2sf) =	vpush v18, $0x0;
	_ =	sdelay $0xe  }
0x595: {  	s11 =	spop (v2sf)  }
0x596: {  	p1 =	slt.s32 s11, $0x1  }
.Ltmp36:
0x597: {  	_ = 	snop;
	(pc) =	sbr.rel @p1 .LBB2_72-.Ltmp36, $4  }
0x598: {  	_ = 	snop  }
0x599: {  	v54 =	vld [tilespmem:$0x1FE60]  }
0x59a: {  	v55 =	vld [tilespmem:$0x1FE40]  }
0x59b: {  	v58 =	vld [tilespmem:$0x1FFF0]  }
0x59c: {  	vm1 =	vgt.s32 v0, $0xF4240;
	s11 =	simm.s32 $0x0  }
0x59d: {  	v0 =	vnsel vm1, $0xF4240, v0;
	v18 =	vmov s11  }
0x59e: {  	v39 =	vld [tilespmem:$0x1FDC0];
	s11 =	simm.s32 $0x8;
	v0 =	vshll.u32 v0, $0x6;
	v20 =	vshrl.u32 v18, $0x3  }
0x59f: {  	v32 =	vmov s11;
	v18 =	vadd.s32 $0xFC2F7000, v0;
	v22 =	vshll.u32 v20, $0x3  }
0x5a0: {  	v19 =	vadd.s32 $0xFC2F7001, v0;
	v20 =	vadd.s32 $0xFC2F7002, v0;
	v34 =	vbroadcast v22, $0x0  }
0x5a1: {  	v21 =	vadd.s32 $0xFC2F7003, v0;
	v23 =	vadd.s32 $0xFC2F7005, v0;
	v24 =	vadd.s32 $0xFC2F7006, v0  }
0x5a2: {  	v25 =	vadd.s32 $0xFC2F7007, v0;
	v32 =	vshrl.u32 v32, $0x3;
	v31 =	vor.u32 v34, v21  }
0x5a3: {  	v22 =	vadd.s32 $0xFC2F7004, v0;
	v26 =	vor.u32 $0x1C01, v39;
	v30 =	vor.u32 v34, v23  }
0x5a4: {  	v0 =	vor.u32 $0x1C02, v39;
	v27 =	vor.u32 $0x1C04, v39;
	v37 =	vor.u32 v34, v22  }
0x5a5: {  	v33 =	vor.u32 $0x1C03, v39;
	v35 =	vor.u32 $0x1C05, v39;
	v36 =	vor.u32 v34, v19  }
0x5a6: {  	v40 =	vor.u32 v18, v34;
	v44 =	vor.u32 v34, v20;
	v43 =	vor.u32 v34, v25  }
0x5a7: {  	v41 =	vor.u32 v34, v24;
	v28 =	vor.u32 v26, v34;
	v29 =	vor.u32 v0, v34;
	v47 =	vld.idx.msk [tilespmem:v31+s3+$0x0], $0xffff  }
0x5a8: {  	v46 =	vor.u32 v27, v34;
	v52 =	vor.u32 v33, v34;
	v31 =	vshll.u32 v32, $0x3;
	v53 =	vld.idx.msk [tilespmem:v30+s3+$0x0], $0xffff  }
0x5a9: {  	v56 =	vor.u32 v35, v34;
	v32 =	vor.u32 $0x1C07, v39;
	v57 =	vld.idx.msk [tilespmem:v37+s3+$0x0], $0xffff;
	v38 =	vbroadcast v31, $0x0  }
0x5aa: {  	v30 =	vor.u32 $0x1C00, v39;
	v54 =	vld.idx.msk [tilespmem:v36+s3+$0x0], $0xffff;
	v31 =	vor.u32 $0x1C06, v39;
	v42 =	vor.u32 v32, v34  }
0x5ab: {  	v51 =	vld.idx.msk [tilespmem:v43+s3+$0x0], $0xffff;
	v36 =	vor.u32 v30, v34;
	v39 =	vor.u32 v31, v34;
	v50 =	vor.u32 v38, v19  }
0x5ac: {  	v34 =	vor.u32 v18, v38;
	v45 =	vor.u32 v38, v23;
	v55 =	vor.u32 v38, v21  }
0x5ad: {  	v43 =	vld.idx.msk [tilespmem:v41+s3+$0x0], $0xffff;
	v37 =	vor.u32 v38, v20;
	v48 =	vor.u32 v38, v22;
	[tilespmem:v52+s29+$0x0] =	vst.idx.msk vm0, v47  }
0x5ae: {  	v41 =	vor.u32 v38, v24;
	v47 =	vor.u32 v38, v25;
	[tilespmem:v56+s29+$0x0] =	vst.idx.msk vm0, v53;
	v52 =	vld.idx.msk [tilespmem:v44+s3+$0x0], $0xffff  }
0x5af: {  	v40 =	vld.idx.msk [tilespmem:v40+s3+$0x0], $0xffff;
	v53 =	vor.u32 v26, v38;
	v44 =	vor.u32 v0, v38;
	[tilespmem:v46+s29+$0x0] =	vst.idx.msk vm0, v57  }
.LBB2_70:
0x5b0: {  	s11 =	sadd.s32 $0x8, s11;
	v46 =	vld.idx.msk [tilespmem:v50+s3+$0x0], $0xffff;
	v56 =	vor.u32 v27, v38;
	[tilespmem:v42+s29+$0x0] =	vst.idx.msk vm0, v51  }
0x5b1: {  	v42 =	vmov s11;
	p1 =	slt.u32 s11, $0x38;
	v57 =	vld.idx.msk [tilespmem:v55+s3+$0x0], $0xffff;
	[tilespmem:v28+s29+$0x0] =	vst.idx.msk vm0, v54;
	v28 =	vmov v53  }
0x5b2: {  	v53 =	vor.u32 v33, v38;
	v42 =	vshrl.u32 v42, $0x3;
	v54 =	vld.idx.msk [tilespmem:v45+s3+$0x0], $0xffff;
	[tilespmem:v39+s29+$0x0] =	vst.idx.msk vm0, v43  }
0x5b3: {  	v39 =	vshll.u32 v42, $0x3;
	v58 =	vld.idx.msk [tilespmem:v48+s3+$0x0], $0xffff;
	v42 =	vor.u32 v32, v38;
	[tilespmem:v29+s29+$0x0] =	vst.idx.msk vm0, v52  }
0x5b4: {  	v60 =	vor.u32 v35, v38;
	v29 =	vmovc v44;
	v59 =	vbroadcast v39, $0x0;
	v39 =	vor.u32 v31, v38;
	v51 =	vld.idx.msk [tilespmem:v47+s3+$0x0], $0xffff  }
0x5b5: {  	v43 =	vld.idx.msk [tilespmem:v41+s3+$0x0], $0xffff;
	[tilespmem:v36+s29+$0x0] =	vst.idx.msk vm0, v40;
	v36 =	vor.u32 v30, v38  }
.Ltmp37:
0x5b6: {  	v50 =	vor.u32 v59, v19;
	v45 =	vor.u32 v59, v23;
	v40 =	vld.idx.msk [tilespmem:v34+s3+$0x0], $0xffff;
	v34 =	vor.u32 v18, v59;
	(pc) =	sbr.rel @p1 .LBB2_70-.Ltmp37, $4  }
0x5b7: {  	v55 =	vor.u32 v59, v21;
	v48 =	vor.u32 v59, v22;
	v52 =	vld.idx.msk [tilespmem:v37+s3+$0x0], $0xffff;
	v37 =	vor.u32 v59, v20  }
0x5b8: {  	v41 =	vor.u32 v59, v24;
	v47 =	vor.u32 v59, v25;
	[tilespmem:v53+s29+$0x0] =	vst.idx.msk vm0, v57  }
0x5b9: {  	v44 =	vor.u32 v0, v59;
	v53 =	vor.u32 v26, v59;
	[tilespmem:v60+s29+$0x0] =	vst.idx.msk vm0, v54;
	v54 =	vmov v46  }
0x5ba: {  	v38 =	vmov v59;
	[tilespmem:v56+s29+$0x0] =	vst.idx.msk vm0, v58  }
0x5bb: {  	_ =	sdelay $0x4  }
0x5bc: {  	[tilespmem:v42+s29+$0x0] =	vst.idx.msk vm0, v51;
	v0 =	vld.idx.msk [tilespmem:v55+s3+$0x0], $0xffff;
	v18 =	vor.u32 v33, v38  }
0x5bd: {  	[tilespmem:v28+s29+$0x0] =	vst.idx.msk vm0, v54;
	v19 =	vld.idx.msk [tilespmem:v45+s3+$0x0], $0xffff;
	v20 =	vor.u32 v35, v38  }
0x5be: {  	v21 =	vor.u32 v27, v38;
	[tilespmem:v39+s29+$0x0] =	vst.idx.msk vm0, v43;
	v22 =	vld.idx.msk [tilespmem:v48+s3+$0x0], $0xffff  }
0x5bf: {  	v23 =	vor.u32 v32, v38;
	v24 =	vld.idx.msk [tilespmem:v47+s3+$0x0], $0xffff;
	[tilespmem:v36+s29+$0x0] =	vst.idx.msk vm0, v40  }
0x5c0: {  	v25 =	vld.idx.msk [tilespmem:v50+s3+$0x0], $0xffff;
	[tilespmem:v29+s29+$0x0] =	vst.idx.msk vm0, v52  }
0x5c1: {  	v26 =	vor.u32 v31, v38;
	v63 =	vld.idx.msk [tilespmem:v41+s3+$0x0], $0xffff;
	[tilespmem:v18+s29+$0x0] =	vst.idx.msk vm0, v0  }
0x5c2: {  	v0 =	vld.idx.msk [tilespmem:v37+s3+$0x0], $0xffff;
	[tilespmem:v20+s29+$0x0] =	vst.idx.msk vm0, v19  }
0x5c3: {  	v18 =	vor.u32 v30, v38;
	v19 =	vld.idx.msk [tilespmem:v34+s3+$0x0], $0xffff;
	[tilespmem:v21+s29+$0x0] =	vst.idx.msk vm0, v22  }
0x5c4: {  	[tilespmem:v23+s29+$0x0] =	vst.idx.msk vm0, v24  }
0x5c5: {  	[tilespmem:v53+s29+$0x0] =	vst.idx.msk vm0, v25  }
0x5c6: {  	[tilespmem:v26+s29+$0x0] =	vst.idx.msk vm0, v63  }
0x5c7: {  	[tilespmem:v44+s29+$0x0] =	vst.idx.msk vm0, v0  }
0x5c8: {  	[tilespmem:v18+s29+$0x0] =	vst.idx.msk vm0, v19  }
0x5c9: {  	v55 =	vld [tilespmem:$0x1FE40]  }
0x5ca: {  	v54 =	vld [tilespmem:$0x1FE60]  }
0x5cb: {  	v60 =	vld [tilespmem:$0x1FF90]  }
0x5cc: {  	v58 =	vld [tilespmem:$0x1FFF0]  }
0x5cd: {  	v56 =	vld [tilespmem:$0x1FD80]  }
0x5ce: {  	v57 =	vld [tilespmem:$0x1FD90]  }
0x5cf: {  	v48 =	vld [tilespmem:$0x1FDA0]  }
0x5d0: {  	v50 =	vld [tilespmem:$0x1FDB0]  }
0x5d1: {  	v59 =	vld [tilespmem:$0x1FFE0]  }
0x5d2: {  	v53 =	vld [tilespmem:$0x1FC10]  }
.LBB2_72:
0x5d3: {  	s13 =	simm.s32 $0x1  }
0x5d4: {  	v18 =	vmov s13;
	s13 =	simm.s32 $0x7  }
0x5d5: {  	s11 =	simm.s32 $0x0;
	v22 =	vmov s13  }
0x5d6: {  	v0 =	vmov s11;
	v22 =	vshrl.u32 v22, $0x3  }
0x5d7: {  	v0 =	vshrl.u32 v0, $0x3;
	v25 =	vshrl.u32 v18, $0x3;
	v18 =	vshll.u32 v22, v49  }
0x5d8: {  	s12 =	simm.s32 $0x2;
	v0 =	vshll.u32 v0, v49;
	v26 =	vbroadcast v18, $0x0  }
0x5d9: {  	s14 =	simm.s32 $0x3;
	v45 =	vld [tilespmem:$0x1FC80];
	v19 =	vmov s12;
	s11 =	simm.s32 $0x12300;
	v18 =	vbroadcast v0, $0x0;
	v0 =	vshll.u32 v25, v49  }
0x5da: {  	s12 =	simm.s32 $0x4;
	v20 =	vmov s14;
	v25 =	vld [tilespmem:s11+$0xC0];
	v29 =	vbroadcast v0, $0x0;
	v27 =	vadd.s32 v6, v26  }
0x5db: {  	v21 =	vmov s12;
	v19 =	vshrl.u32 v19, $0x3;
	v28 =	vld [tilespmem:s11+$0xFFFFFF00];
	v30 =	vadd.s32 v59, v18  }
0x5dc: {  	v20 =	vshrl.u32 v20, $0x3;
	v31 =	vld [tilespmem:s11+$0xFFFFFF40];
	v0 =	vshll.u32 v19, v49;
	v32 =	vadd.s32 v57, v29  }
0x5dd: {  	s14 =	simm.s32 $0x5;
	v21 =	vshrl.u32 v21, $0x3;
	v36 =	vbroadcast v0, $0x0;
	v0 =	vshll.u32 v20, v49  }
0x5de: {  	v23 =	vmov s14;
	s12 =	simm.s32 $0x6;
	v20 =	vbroadcast v0, $0x0;
	v0 =	vshll.u32 v21, v49  }
0x5df: {  	v33 =	vld [tilespmem:s11+$0xFFFFFF80];
	v24 =	vmov s12;
	v19 =	vbroadcast v0, $0x0;
	v0 =	vshrl.u32 v23, $0x3;
	[tilespmem:v27+s10+$0x0] =	vst.idx.msk $0xffff, v25  }
0x5e0: {  	v21 =	vshrl.u32 v24, $0x3;
	v24 =	vld [tilespmem:s11+$0x0];
	v34 =	vadd.s32 v45, v36;
	v0 =	vshll.u32 v0, v49;
	[tilespmem:v30+s10+$0x0] =	vst.idx.msk $0xffff, v28  }
0x5e1: {  	v23 =	vld [tilespmem:s11+$0xFFFFFFC0];
	v35 =	vadd.s32 v53, v20;
	v22 =	vbroadcast v0, $0x0;
	v0 =	vshll.u32 v21, v49;
	[tilespmem:v32+s10+$0x0] =	vst.idx.msk $0xffff, v31  }
0x5e2: {  	v37 =	vadd.s32 v3, v19;
	v21 =	vbroadcast v0, $0x0;
	v52 =	vld [tilespmem:$0x1FC20]  }
0x5e3: {  	v25 =	vadd.s32 v2, v26;
	v0 =	vld [tilespmem:s11+$0xD0]  }
0x5e4: {  	v30 =	vld [tilespmem:s11+$0x80];
	v31 =	vadd.s32 v4, v21  }
0x5e5: {  	v43 =	vadd.s32 v48, v29;
	[tilespmem:v34+s10+$0x0] =	vst.idx.msk $0xffff, v33;
	v32 =	vld [tilespmem:s11+$0xFFFFFF50]  }
0x5e6: {  	v44 =	vadd.s32 v5, v36;
	[tilespmem:v35+s10+$0x0] =	vst.idx.msk $0xffff, v23;
	v23 =	vld [tilespmem:s11+$0xFFFFFF90]  }
0x5e7: {  	v27 =	vld [tilespmem:s11+$0x40];
	[tilespmem:v37+s10+$0x0] =	vst.idx.msk $0xffff, v24;
	v28 =	vadd.s32 v52, v22  }
0x5e8: {  	v46 =	vadd.s32 v7, v20;
	v24 =	vld [tilespmem:s11+$0xFFFFFFD0];
	[tilespmem:v25+s10+$0x0] =	vst.idx.msk $0xffff, v0  }
0x5e9: {  	v61 =	vadd.s32 v58, v18;
	v51 =	vld [tilespmem:s11+$0xFFFFFF10];
	[tilespmem:v31+s10+$0x0] =	vst.idx.msk $0xffff, v30  }
0x5ea: {  	v25 =	vadd.s32 v9, v26;
	v0 =	vld [tilespmem:s11+$0xE0];
	[tilespmem:v43+s10+$0x0] =	vst.idx.msk $0xffff, v32  }
0x5eb: {  	v47 =	vadd.s32 v11, v21;
	[tilespmem:v44+s10+$0x0] =	vst.idx.msk $0xffff, v23;
	v23 =	vld [tilespmem:s11+$0x90]  }
0x5ec: {  	[tilespmem:v28+s10+$0x0] =	vst.idx.msk $0xffff, v27;
	v27 =	vld [tilespmem:s11+$0x10];
	v28 =	vadd.s32 v8, v19  }
0x5ed: {  	v63 =	vadd.s32 v50, v29;
	[tilespmem:v46+s10+$0x0] =	vst.idx.msk $0xffff, v24;
	v24 =	vld [tilespmem:s11+$0xFFFFFF60]  }
0x5ee: {  	v40 =	vadd.s32 v13, v36;
	[tilespmem:v61+s10+$0x0] =	vst.idx.msk $0xffff, v51;
	v39 =	vld [tilespmem:s11+$0xFFFFFFA0]  }
0x5ef: {  	v42 =	vadd.s32 v16, v20;
	v41 =	vld [tilespmem:s11+$0xFFFFFFE0];
	[tilespmem:v25+s10+$0x0] =	vst.idx.msk $0xffff, v0  }
0x5f0: {  	v31 =	vadd.s32 v10, v22;
	v30 =	vld [tilespmem:s11+$0x50];
	[tilespmem:v47+s10+$0x0] =	vst.idx.msk $0xffff, v23  }
0x5f1: {  	v38 =	vadd.s32 v14, v26;
	[tilespmem:v28+s10+$0x0] =	vst.idx.msk $0xffff, v27;
	v28 =	vld [tilespmem:s11+$0xF0]  }
0x5f2: {  	v44 =	vadd.s32 v12, v19;
	[tilespmem:v63+s10+$0x0] =	vst.idx.msk $0xffff, v24;
	v43 =	vld [tilespmem:s11+$0x20]  }
0x5f3: {  	[tilespmem:v40+s10+$0x0] =	vst.idx.msk $0xffff, v39  }
0x5f4: {  	v26 =	vld [tilespmem:s11+$0xA0];
	[tilespmem:v42+s10+$0x0] =	vst.idx.msk $0xffff, v41  }
0x5f5: {  	v33 =	vld [tilespmem:s11+$0xFFFFFF70];
	[tilespmem:v31+s10+$0x0] =	vst.idx.msk $0xffff, v30  }
0x5f6: {  	v0 =	vld [tilespmem:s11+$0x60];
	[tilespmem:v38+s10+$0x0] =	vst.idx.msk $0xffff, v28  }
0x5f7: {  	v39 =	vld [tilespmem:$0x1FC50];
	[tilespmem:v44+s10+$0x0] =	vst.idx.msk $0xffff, v43  }
0x5f8: {  	s14 =	simm.s32 $0x9;
	v46 =	vld [tilespmem:$0x1FC70]  }
0x5f9: {  	s13 =	simm.s32 $0x8;
	v35 =	vadd.s32 v1, v29;
	v37 =	vmov s14;
	v61 =	vld [tilespmem:$0x1FC60]  }
0x5fa: {  	s14 =	simm.s32 $0xB;
	v32 =	vadd.s32 v62, v18;
	v25 =	vadd.s32 v15, v22;
	v23 =	vmov s13;
	v51 =	vld [tilespmem:$0x1FC40]  }
0x5fb: {  	s13 =	simm.s32 $0xA;
	v24 =	vshrl.u32 v23, $0x3;
	v27 =	vadd.s32 v17, v21;
	v28 =	vmov s14;
	s14 =	simm.s32 $0xD;
	v47 =	vld [tilespmem:$0x1FC30]  }
0x5fc: {  	v29 =	vshll.u32 v24, v49;
	v30 =	vld [tilespmem:s11+$0xFFFFFF20];
	v38 =	vmov s13;
	s13 =	simm.s32 $0xC;
	v23 =	vmov s14;
	s14 =	simm.s32 $0xE  }
0x5fd: {  	s12 =	simm.s32 $0x10;
	v34 =	vld [tilespmem:s11+$0xFFFFFFB0];
	v31 =	vmov s13;
	s13 =	simm.s32 $0xF;
	v24 =	vmov s14;
	v36 =	vadd.s32 v39, v36  }
.LBB2_73:
0x5fe: {  	_ = 	snop  }
0x5ff: {  	v37 =	vshrl.u32 v37, $0x3;
	v40 =	vld [tilespmem:s11+$0xFFFFFFF0];
	v20 =	vadd.s32 v51, v20;
	v19 =	vadd.s32 v46, v19;
	[tilespmem:v25+s10+$0x0] =	vst.idx.msk $0xffff, v0  }
0x600: {  	v39 =	vmov s13;
	v63 =	vld [tilespmem:s11+$0x30];
	v22 =	vadd.s32 v61, v22;
	v21 =	vadd.s32 v47, v21;
	[tilespmem:v27+s10+$0x0] =	vst.idx.msk $0xffff, v26  }
0x601: {  	v25 =	vshrl.u32 v39, $0x3;
	v26 =	vshrl.u32 v28, $0x3;
	[tilespmem:v32+s10+$0x0] =	vst.idx.msk $0xffff, v30;
	v28 =	vshrl.u32 v31, $0x3;
	v27 =	vld [tilespmem:s11+$0x70]  }
0x602: {  	[tilespmem:v35+s10+$0x0] =	vst.idx.msk $0xffff, v33;
	v31 =	vshll.u32 v37, v49;
	v33 =	vadd.s32 v56, v18;
	v18 =	vbroadcast v29, $0x0;
	v30 =	vld [tilespmem:s11+$0xB0]  }
0x603: {  	v0 =	vshrl.u32 v38, $0x3;
	[tilespmem:v36+s10+$0x0] =	vst.idx.msk $0xffff, v34;
	v25 =	vshll.u32 v25, v49;
	v32 =	vld [tilespmem:s11+$0xFFFFFF30];
	s11 =	sadd.s32 $0x200, s11;
	v29 =	vbroadcast v31, $0x0  }
0x604: {  	v0 =	vshll.u32 v0, v49;
	[tilespmem:v20+s10+$0x0] =	vst.idx.msk $0xffff, v40;
	v25 =	vbroadcast v25, $0x0;
	v43 =	vld [tilespmem:s11+$0xFFFFFF00];
	v44 =	vadd.s32 v59, v18  }
0x605: {  	[tilespmem:v19+s10+$0x0] =	vst.idx.msk $0xffff, v63;
	v39 =	vbroadcast v0, $0x0;
	v0 =	vshll.u32 v26, v49;
	v26 =	vld [tilespmem:s11+$0xFFFFFF40];
	v63 =	vadd.s32 v57, v29  }
0x606: {  	v31 =	vld [tilespmem:s11+$0xC0];
	v20 =	vbroadcast v0, $0x0;
	v0 =	vshll.u32 v28, v49;
	v42 =	vadd.s32 v6, v25;
	[tilespmem:v22+s10+$0x0] =	vst.idx.msk $0xffff, v27  }
0x607: {  	v19 =	vbroadcast v0, $0x0;
	v0 =	vshrl.u32 v23, $0x3;
	v23 =	vld [tilespmem:s11+$0xFFFFFFC0];
	[tilespmem:v21+s10+$0x0] =	vst.idx.msk $0xffff, v30  }
0x608: {  	v28 =	vadd.s32 v45, v39;
	v0 =	vshll.u32 v0, v49;
	v27 =	vld [tilespmem:s11+$0xFFFFFF80];
	[tilespmem:v33+s10+$0x0] =	vst.idx.msk $0xffff, v32  }
0x609: {  	v30 =	vadd.s32 v53, v20;
	v21 =	vshrl.u32 v24, $0x3;
	v24 =	vld [tilespmem:s11+$0x0];
	v22 =	vbroadcast v0, $0x0;
	[tilespmem:v44+s10+$0x0] =	vst.idx.msk $0xffff, v43  }
0x60a: {  	v38 =	vadd.s32 v3, v19;
	v0 =	vshll.u32 v21, v49;
	[tilespmem:v63+s10+$0x0] =	vst.idx.msk $0xffff, v26;
	v26 =	vld [tilespmem:s11+$0x40]  }
0x60b: {  	v21 =	vbroadcast v0, $0x0;
	v40 =	vadd.s32 v52, v22;
	v34 =	vld [tilespmem:s11+$0xFFFFFF10];
	[tilespmem:v42+s10+$0x0] =	vst.idx.msk $0xffff, v31  }
0x60c: {  	v31 =	vadd.s32 v2, v25;
	v0 =	vld [tilespmem:s11+$0xD0]  }
0x60d: {  	[tilespmem:v28+s10+$0x0] =	vst.idx.msk $0xffff, v27;
	v27 =	vld [tilespmem:s11+$0x80];
	v28 =	vadd.s32 v4, v21  }
0x60e: {  	[tilespmem:v30+s10+$0x0] =	vst.idx.msk $0xffff, v23;
	v30 =	vadd.s32 v5, v39;
	v23 =	vld [tilespmem:s11+$0xFFFFFF90]  }
0x60f: {  	v43 =	vadd.s32 v7, v20;
	[tilespmem:v38+s10+$0x0] =	vst.idx.msk $0xffff, v24;
	v24 =	vld [tilespmem:s11+$0xFFFFFFD0]  }
0x610: {  	v41 =	vld [tilespmem:s11+$0xFFFFFF50];
	v42 =	vadd.s32 v48, v29;
	[tilespmem:v40+s10+$0x0] =	vst.idx.msk $0xffff, v26  }
0x611: {  	v35 =	vadd.s32 v58, v18;
	[tilespmem:v31+s10+$0x0] =	vst.idx.msk $0xffff, v0;
	v31 =	vld [tilespmem:s11+$0x10]  }
0x612: {  	v44 =	vadd.s32 v8, v19;
	v0 =	vld [tilespmem:s11+$0xE0];
	[tilespmem:v28+s10+$0x0] =	vst.idx.msk $0xffff, v27  }
0x613: {  	v26 =	vadd.s32 v9, v25;
	v27 =	vld [tilespmem:s11+$0x50];
	[tilespmem:v30+s10+$0x0] =	vst.idx.msk $0xffff, v23  }
0x614: {  	v28 =	vadd.s32 v10, v22;
	v23 =	vld [tilespmem:s11+$0x90];
	[tilespmem:v43+s10+$0x0] =	vst.idx.msk $0xffff, v24  }
0x615: {  	[tilespmem:v42+s10+$0x0] =	vst.idx.msk $0xffff, v41;
	v42 =	vadd.s32 v16, v20;
	v41 =	vld [tilespmem:s11+$0xFFFFFFE0]  }
0x616: {  	[tilespmem:v35+s10+$0x0] =	vst.idx.msk $0xffff, v34;
	v30 =	vadd.s32 v11, v21;
	v24 =	vld [tilespmem:s11+$0xFFFFFF60]  }
0x617: {  	v32 =	vadd.s32 v50, v29;
	v36 =	vld [tilespmem:s11+$0xFFFFFFA0];
	[tilespmem:v44+s10+$0x0] =	vst.idx.msk $0xffff, v31  }
0x618: {  	v63 =	vadd.s32 v13, v39;
	[tilespmem:v26+s10+$0x0] =	vst.idx.msk $0xffff, v0;
	v43 =	vld [tilespmem:s11+$0x20]  }
0x619: {  	v44 =	vadd.s32 v12, v19;
	[tilespmem:v28+s10+$0x0] =	vst.idx.msk $0xffff, v27;
	v31 =	vld [tilespmem:s11+$0xF0]  }
0x61a: {  	p1 =	slt.u32 s12, $0x78;
	s14 =	sadd.s32 $0x1, s12;
	s13 =	sadd.s32 $0x2, s12;
	v33 =	vadd.s32 v14, v25;
	[tilespmem:v42+s10+$0x0] =	vst.idx.msk $0xffff, v41;
	v41 =	vld [tilespmem:$0x1FC50]  }
.Ltmp38:
0x61b: {  	v37 =	vmov s14;
	v38 =	vmov s13;
	[tilespmem:v30+s10+$0x0] =	vst.idx.msk $0xffff, v23;
	v0 =	vld [tilespmem:s11+$0x60];
	(pc) =	sbr.rel @p1 .LBB2_73-.Ltmp38, $4  }
0x61c: {  	s14 =	sadd.s32 $0x3, s12;
	v25 =	vadd.s32 v15, v22;
	v35 =	vadd.s32 v1, v29;
	v23 =	vmov s12;
	[tilespmem:v32+s10+$0x0] =	vst.idx.msk $0xffff, v24;
	v30 =	vld [tilespmem:s11+$0xFFFFFF20]  }
0x61d: {  	v27 =	vadd.s32 v17, v21;
	v28 =	vmov s14;
	s14 =	sadd.s32 $0x5, s12;
	v24 =	vshrl.u32 v23, $0x3;
	v26 =	vld [tilespmem:s11+$0xA0];
	[tilespmem:v63+s10+$0x0] =	vst.idx.msk $0xffff, v36  }
0x61e: {  	s13 =	sadd.s32 $0x4, s12;
	v32 =	vadd.s32 v62, v18;
	v23 =	vmov s14;
	s14 =	sadd.s32 $0x6, s12;
	v29 =	vshll.u32 v24, v49;
	v34 =	vld [tilespmem:s11+$0xFFFFFFB0];
	[tilespmem:v44+s10+$0x0] =	vst.idx.msk $0xffff, v43  }
0x61f: {  	v24 =	vmov s14;
	[tilespmem:v33+s10+$0x0] =	vst.idx.msk $0xffff, v31;
	v31 =	vmov s13;
	v33 =	vld [tilespmem:s11+$0xFFFFFF70];
	s13 =	sadd.s32 $0x7, s12;
	s12 =	sadd.s32 $0x8, s12;
	v36 =	vadd.s32 v41, v39  }
0x620: {  	_ =	sdelay $0x2  }
0x621: {  	v37 =	vshrl.u32 v37, $0x3;
	v39 =	vmov s13  }
0x622: {  	v20 =	vadd.s32 v51, v20;
	[tilespmem:v25+s10+$0x0] =	vst.idx.msk $0xffff, v0;
	v0 =	vshrl.u32 v38, $0x3;
	v19 =	vadd.s32 v46, v19  }
0x623: {  	v40 =	vld [tilespmem:s11+$0xFFFFFFF0];
	v42 =	vshrl.u32 v28, $0x3;
	v22 =	vadd.s32 v61, v22;
	v44 =	vshrl.u32 v31, $0x3  }
0x624: {  	v38 =	vld [tilespmem:s11+$0x30];
	v18 =	vadd.s32 v56, v18;
	v63 =	vshrl.u32 v39, $0x3;
	[tilespmem:v32+s10+$0x0] =	vst.idx.msk $0xffff, v30;
	v0 =	vshll.u32 v0, v49  }
0x625: {  	v29 =	vbroadcast v29, $0x0;
	v43 =	vld [tilespmem:s11+$0x70];
	v28 =	vshll.u32 v44, v49;
	[tilespmem:v27+s10+$0x0] =	vst.idx.msk $0xffff, v26;
	v25 =	vshll.u32 v63, v49  }
0x626: {  	s13 =	sadd.s32 $0x200, s11;
	v63 =	vshll.u32 v37, v49;
	v32 =	vld [tilespmem:s11+$0xFFFFFF30];
	v26 =	vshll.u32 v42, v49;
	v25 =	vbroadcast v25, $0x0;
	[tilespmem:v36+s10+$0x0] =	vst.idx.msk $0xffff, v34  }
0x627: {  	v37 =	vld [tilespmem:s13+$0xFFFFFF00];
	v39 =	vadd.s32 v59, v29;
	v0 =	vbroadcast v0, $0x0;
	v26 =	vbroadcast v26, $0x0;
	[tilespmem:v35+s10+$0x0] =	vst.idx.msk $0xffff, v33  }
0x628: {  	v28 =	vbroadcast v28, $0x0;
	v31 =	vbroadcast v63, $0x0;
	v36 =	vld [tilespmem:s13+$0xC0];
	v6 =	vadd.s32 v6, v25;
	[tilespmem:v20+s10+$0x0] =	vst.idx.msk $0xffff, v40  }
0x629: {  	v44 =	vadd.s32 v45, v0;
	v45 =	vld [tilespmem:s13+$0xFFFFFFC0];
	[tilespmem:v19+s10+$0x0] =	vst.idx.msk $0xffff, v38;
	v53 =	vadd.s32 v53, v26  }
0x62a: {  	v23 =	vshrl.u32 v23, $0x3;
	v3 =	vadd.s32 v3, v28;
	v42 =	vadd.s32 v57, v31;
	v57 =	vld [tilespmem:s13+$0x0];
	[tilespmem:v22+s10+$0x0] =	vst.idx.msk $0xffff, v43  }
0x62b: {  	v23 =	vshll.u32 v23, v49;
	v40 =	vld [tilespmem:s13+$0xFFFFFF40];
	[tilespmem:v18+s10+$0x0] =	vst.idx.msk $0xffff, v32  }
0x62c: {  	v21 =	vadd.s32 v47, v21;
	v23 =	vbroadcast v23, $0x0;
	v30 =	vld [tilespmem:s11+$0xB0];
	[tilespmem:v39+s10+$0x0] =	vst.idx.msk $0xffff, v37  }
0x62d: {  	v43 =	vld [tilespmem:s13+$0xFFFFFF80];
	[tilespmem:v6+s10+$0x0] =	vst.idx.msk $0xffff, v36  }
0x62e: {  	v37 =	vadd.s32 v52, v23;
	v36 =	vld [tilespmem:s13+$0x40];
	[tilespmem:v53+s10+$0x0] =	vst.idx.msk $0xffff, v45  }
0x62f: {  	[tilespmem:v3+s10+$0x0] =	vst.idx.msk $0xffff, v57;
	v53 =	vld [tilespmem:s13+$0xFFFFFF10];
	v57 =	vadd.s32 v58, v29  }
0x630: {  	v24 =	vshrl.u32 v24, $0x3;
	v2 =	vadd.s32 v2, v25;
	[tilespmem:v42+s10+$0x0] =	vst.idx.msk $0xffff, v40;
	v63 =	vld [tilespmem:s13+$0xD0]  }
0x631: {  	v24 =	vshll.u32 v24, v49;
	[tilespmem:v21+s10+$0x0] =	vst.idx.msk $0xffff, v30;
	v40 =	vadd.s32 v48, v31;
	v39 =	vld [tilespmem:s13+$0xFFFFFF50]  }
0x632: {  	v7 =	vadd.s32 v7, v26;
	v6 =	vbroadcast v24, $0x0;
	[tilespmem:v44+s10+$0x0] =	vst.idx.msk $0xffff, v43;
	v43 =	vld [tilespmem:s13+$0xFFFFFFD0]  }
0x633: {  	v8 =	vadd.s32 v8, v28;
	v45 =	vld [tilespmem:s13+$0x10];
	[tilespmem:v37+s10+$0x0] =	vst.idx.msk $0xffff, v36  }
0x634: {  	v38 =	vld [tilespmem:s13+$0x80];
	v4 =	vadd.s32 v4, v6;
	[tilespmem:v57+s10+$0x0] =	vst.idx.msk $0xffff, v53  }
0x635: {  	v5 =	vadd.s32 v5, v0;
	v42 =	vld [tilespmem:s13+$0xFFFFFF90];
	[tilespmem:v2+s10+$0x0] =	vst.idx.msk $0xffff, v63  }
0x636: {  	v10 =	vadd.s32 v10, v23;
	[tilespmem:v40+s10+$0x0] =	vst.idx.msk $0xffff, v39;
	v48 =	vld [tilespmem:s13+$0x50]  }
0x637: {  	v44 =	vadd.s32 v9, v25;
	[tilespmem:v7+s10+$0x0] =	vst.idx.msk $0xffff, v43;
	v20 =	vld [tilespmem:s13+$0xE0]  }
0x638: {  	v24 =	vadd.s32 v50, v31;
	[tilespmem:v8+s10+$0x0] =	vst.idx.msk $0xffff, v45;
	v63 =	vld [tilespmem:s13+$0xFFFFFF60]  }
0x639: {  	v33 =	vadd.s32 v16, v26;
	[tilespmem:v4+s10+$0x0] =	vst.idx.msk $0xffff, v38;
	v32 =	vld [tilespmem:s13+$0xFFFFFFE0]  }
0x63a: {  	v35 =	vadd.s32 v12, v28;
	[tilespmem:v5+s10+$0x0] =	vst.idx.msk $0xffff, v42;
	v34 =	vld [tilespmem:s13+$0x20]  }
0x63b: {  	v11 =	vadd.s32 v11, v6;
	v52 =	vld [tilespmem:s13+$0x90];
	[tilespmem:v10+s10+$0x0] =	vst.idx.msk $0xffff, v48  }
0x63c: {  	v40 =	vld [tilespmem:s13+$0xFFFFFF20];
	v42 =	vadd.s32 v62, v29;
	[tilespmem:v44+s10+$0x0] =	vst.idx.msk $0xffff, v20  }
0x63d: {  	v30 =	vadd.s32 v13, v0;
	v27 =	vld [tilespmem:s13+$0xFFFFFFA0];
	[tilespmem:v24+s10+$0x0] =	vst.idx.msk $0xffff, v63  }
0x63e: {  	v37 =	vadd.s32 v15, v23;
	v36 =	vld [tilespmem:s13+$0x60];
	[tilespmem:v33+s10+$0x0] =	vst.idx.msk $0xffff, v32  }
0x63f: {  	v25 =	vadd.s32 v14, v25;
	[tilespmem:v35+s10+$0x0] =	vst.idx.msk $0xffff, v34;
	v20 =	vld [tilespmem:s13+$0xF0]  }
0x640: {  	v44 =	vadd.s32 v1, v31;
	[tilespmem:v11+s10+$0x0] =	vst.idx.msk $0xffff, v52;
	v43 =	vld [tilespmem:s13+$0xFFFFFF70]  }
0x641: {  	v39 =	vadd.s32 v17, v6;
	[tilespmem:v42+s10+$0x0] =	vst.idx.msk $0xffff, v40;
	v38 =	vld [tilespmem:s13+$0xA0]  }
0x642: {  	v50 =	vadd.s32 v51, v26;
	[tilespmem:v30+s10+$0x0] =	vst.idx.msk $0xffff, v27;
	v48 =	vld [tilespmem:s13+$0xFFFFFFF0]  }
0x643: {  	v51 =	vld [tilespmem:s13+$0x30];
	v52 =	vadd.s32 v46, v28;
	[tilespmem:v37+s10+$0x0] =	vst.idx.msk $0xffff, v36  }
0x644: {  	v63 =	vadd.s32 v56, v29;
	v62 =	vld [tilespmem:s13+$0xFFFFFF30];
	[tilespmem:v25+s10+$0x0] =	vst.idx.msk $0xffff, v20  }
0x645: {  	v0 =	vadd.s32 v41, v0;
	v45 =	vld [tilespmem:s13+$0xFFFFFFB0];
	[tilespmem:v44+s10+$0x0] =	vst.idx.msk $0xffff, v43  }
0x646: {  	v57 =	vadd.s32 v61, v23;
	v53 =	vld [tilespmem:s13+$0x70];
	[tilespmem:v39+s10+$0x0] =	vst.idx.msk $0xffff, v38  }
0x647: {  	v6 =	vadd.s32 v47, v6;
	[tilespmem:v50+s10+$0x0] =	vst.idx.msk $0xffff, v48;
	v61 =	vld [tilespmem:s13+$0xB0]  }
0x648: {  	[tilespmem:v52+s10+$0x0] =	vst.idx.msk $0xffff, v51  }
0x649: {  	[tilespmem:v63+s10+$0x0] =	vst.idx.msk $0xffff, v62  }
0x64a: {  	[tilespmem:v0+s10+$0x0] =	vst.idx.msk $0xffff, v45  }
0x64b: {  	[tilespmem:v57+s10+$0x0] =	vst.idx.msk $0xffff, v53  }
0x64c: {  	s11 =	sadd.s32 s0, s19;
	[tilespmem:v6+s10+$0x0] =	vst.idx.msk $0xffff, v61  }
0x64d: {  	[hbm4b:s11+s3] =	stream.linear.scatter [tilespmem:s10], [sflag:$0x6], $0x80, $0x38;
	[tilespmem:$0x18600] =	vst v63  }
0x64e: {  	s14 =	simm.s32 $0x16488;
	s12 =	sadd.s32 $0x10, s11  }
0x64f: {  	[hbm4b:s12+s3] =	stream.linear.scatter [tilespmem:s14], [sflag:$0x6], $0x80, $0x38;
	[tilespmem:$0x18600] =	vst v63  }
0x650: {  	s13 =	sadd.s32 $0x20, s11;
	s14 =	simm.s32 $0x16510  }
0x651: {  	[hbm4b:s13+s3] =	stream.linear.scatter [tilespmem:s14], [sflag:$0x6], $0x80, $0x38;
	[tilespmem:$0x18600] =	vst v63  }
0x652: {  	s13 =	sadd.s32 $0x30, s11;
	s14 =	simm.s32 $0x16598  }
0x653: {  	[hbm4b:s13+s3] =	stream.linear.scatter [tilespmem:s14], [sflag:$0x6], $0x80, $0x38;
	[tilespmem:$0x18600] =	vst v63  }
0x654: {  	s13 =	sadd.s32 $0x40, s11;
	s14 =	simm.s32 $0x16620  }
0x655: {  	[hbm4b:s13+s3] =	stream.linear.scatter [tilespmem:s14], [sflag:$0x6], $0x80, $0x38;
	[tilespmem:$0x18600] =	vst v63  }
0x656: {  	s13 =	sadd.s32 $0x50, s11;
	s14 =	simm.s32 $0x166A8  }
0x657: {  	[hbm4b:s13+s3] =	stream.linear.scatter [tilespmem:s14], [sflag:$0x6], $0x80, $0x38;
	[tilespmem:$0x18600] =	vst v63  }
0x658: {  	s13 =	sadd.s32 $0x60, s11;
	s14 =	simm.s32 $0x16730  }
0x659: {  	[hbm4b:s13+s3] =	stream.linear.scatter [tilespmem:s14], [sflag:$0x6], $0x80, $0x38;
	[tilespmem:$0x18600] =	vst v63  }
0x65a: {  	s11 =	sadd.s32 $0x70, s11;
	s13 =	simm.s32 $0x167B8  }
0x65b: {  	[hbm4b:s11+s3] =	stream.linear.scatter [tilespmem:s13], [sflag:$0x6], $0x80, $0x38;
	[tilespmem:$0x18600] =	vst v63  }
0x65c: {  	s14 =	simm.s32 $0x16840;
	s11 =	sadd.s32 s0, s20  }
0x65d: {  	[hbm4b:s11+s3] =	stream.linear.scatter [tilespmem:s14], [sflag:$0x6], $0x80, $0x38;
	[tilespmem:$0x18600] =	vst v63  }
0x65e: {  	s13 =	sadd.s32 $0x10, s11;
	s14 =	simm.s32 $0x168C8  }
0x65f: {  	[hbm4b:s13+s3] =	stream.linear.scatter [tilespmem:s14], [sflag:$0x6], $0x80, $0x38;
	[tilespmem:$0x18600] =	vst v63  }
0x660: {  	s13 =	sadd.s32 $0x20, s11;
	s14 =	simm.s32 $0x16950  }
0x661: {  	[hbm4b:s13+s3] =	stream.linear.scatter [tilespmem:s14], [sflag:$0x6], $0x80, $0x38;
	[tilespmem:$0x18600] =	vst v63  }
0x662: {  	s13 =	sadd.s32 $0x30, s11;
	s14 =	simm.s32 $0x169D8  }
0x663: {  	[hbm4b:s13+s3] =	stream.linear.scatter [tilespmem:s14], [sflag:$0x6], $0x80, $0x38;
	[tilespmem:$0x18600] =	vst v63  }
0x664: {  	s13 =	sadd.s32 $0x40, s11;
	s14 =	simm.s32 $0x16A60  }
0x665: {  	[hbm4b:s13+s3] =	stream.linear.scatter [tilespmem:s14], [sflag:$0x6], $0x80, $0x38;
	[tilespmem:$0x18600] =	vst v63  }
0x666: {  	s13 =	sadd.s32 $0x50, s11;
	s14 =	simm.s32 $0x16AE8  }
0x667: {  	[hbm4b:s13+s3] =	stream.linear.scatter [tilespmem:s14], [sflag:$0x6], $0x80, $0x38;
	[tilespmem:$0x18600] =	vst v63  }
0x668: {  	s13 =	sadd.s32 $0x60, s11;
	s14 =	simm.s32 $0x16B70  }
0x669: {  	[hbm4b:s13+s3] =	stream.linear.scatter [tilespmem:s14], [sflag:$0x6], $0x80, $0x38;
	[tilespmem:$0x18600] =	vst v63  }
0x66a: {  	s11 =	sadd.s32 $0x70, s11;
	s13 =	simm.s32 $0x16BF8  }
0x66b: {  	[hbm4b:s11+s3] =	stream.linear.scatter [tilespmem:s13], [sflag:$0x6], $0x80, $0x38;
	[tilespmem:$0x18600] =	vst v63  }
0x66c: {  	s14 =	simm.s32 $0x16C80;
	s11 =	sadd.s32 s0, s21  }
0x66d: {  	[hbm4b:s11+s3] =	stream.linear.scatter [tilespmem:s14], [sflag:$0x6], $0x80, $0x38;
	[tilespmem:$0x18600] =	vst v63  }
0x66e: {  	s13 =	sadd.s32 $0x10, s11;
	s14 =	simm.s32 $0x16D08  }
0x66f: {  	[hbm4b:s13+s3] =	stream.linear.scatter [tilespmem:s14], [sflag:$0x6], $0x80, $0x38;
	[tilespmem:$0x18600] =	vst v63  }
0x670: {  	s13 =	sadd.s32 $0x20, s11;
	s14 =	simm.s32 $0x16D90  }
0x671: {  	[hbm4b:s13+s3] =	stream.linear.scatter [tilespmem:s14], [sflag:$0x6], $0x80, $0x38;
	[tilespmem:$0x18600] =	vst v63  }
0x672: {  	s13 =	sadd.s32 $0x30, s11;
	s14 =	simm.s32 $0x16E18  }
0x673: {  	[hbm4b:s13+s3] =	stream.linear.scatter [tilespmem:s14], [sflag:$0x6], $0x80, $0x38;
	[tilespmem:$0x18600] =	vst v63  }
0x674: {  	s13 =	sadd.s32 $0x40, s11;
	s14 =	simm.s32 $0x16EA0  }
0x675: {  	[hbm4b:s13+s3] =	stream.linear.scatter [tilespmem:s14], [sflag:$0x6], $0x80, $0x38;
	[tilespmem:$0x18600] =	vst v63  }
0x676: {  	s13 =	sadd.s32 $0x50, s11;
	s14 =	simm.s32 $0x16F28  }
0x677: {  	[hbm4b:s13+s3] =	stream.linear.scatter [tilespmem:s14], [sflag:$0x6], $0x80, $0x38;
	[tilespmem:$0x18600] =	vst v63  }
0x678: {  	s13 =	sadd.s32 $0x60, s11;
	s14 =	simm.s32 $0x16FB0  }
0x679: {  	[hbm4b:s13+s3] =	stream.linear.scatter [tilespmem:s14], [sflag:$0x6], $0x80, $0x38;
	[tilespmem:$0x18600] =	vst v63  }
0x67a: {  	s11 =	sadd.s32 $0x70, s11;
	s13 =	simm.s32 $0x17038  }
0x67b: {  	[hbm4b:s11+s3] =	stream.linear.scatter [tilespmem:s13], [sflag:$0x6], $0x80, $0x38;
	[tilespmem:$0x18600] =	vst v63  }
0x67c: {  	s14 =	simm.s32 $0x170C0;
	s11 =	sadd.s32 s0, s22  }
0x67d: {  	[hbm4b:s11+s3] =	stream.linear.scatter [tilespmem:s14], [sflag:$0x6], $0x80, $0x38;
	[tilespmem:$0x18600] =	vst v63  }
0x67e: {  	s13 =	sadd.s32 $0x10, s11;
	s14 =	simm.s32 $0x17148  }
0x67f: {  	[hbm4b:s13+s3] =	stream.linear.scatter [tilespmem:s14], [sflag:$0x6], $0x80, $0x38;
	[tilespmem:$0x18600] =	vst v63  }
0x680: {  	s13 =	sadd.s32 $0x20, s11;
	s14 =	simm.s32 $0x171D0  }
0x681: {  	[hbm4b:s13+s3] =	stream.linear.scatter [tilespmem:s14], [sflag:$0x6], $0x80, $0x38;
	[tilespmem:$0x18600] =	vst v63  }
0x682: {  	s13 =	sadd.s32 $0x30, s11;
	s14 =	simm.s32 $0x17258  }
0x683: {  	[hbm4b:s13+s3] =	stream.linear.scatter [tilespmem:s14], [sflag:$0x6], $0x80, $0x38;
	[tilespmem:$0x18600] =	vst v63  }
0x684: {  	s13 =	sadd.s32 $0x40, s11;
	s14 =	simm.s32 $0x172E0  }
0x685: {  	[hbm4b:s13+s3] =	stream.linear.scatter [tilespmem:s14], [sflag:$0x6], $0x80, $0x38;
	[tilespmem:$0x18600] =	vst v63  }
0x686: {  	s13 =	sadd.s32 $0x50, s11;
	s14 =	simm.s32 $0x17368  }
0x687: {  	[hbm4b:s13+s3] =	stream.linear.scatter [tilespmem:s14], [sflag:$0x6], $0x80, $0x38;
	[tilespmem:$0x18600] =	vst v63  }
0x688: {  	s13 =	sadd.s32 $0x60, s11;
	s14 =	simm.s32 $0x173F0  }
0x689: {  	[hbm4b:s13+s3] =	stream.linear.scatter [tilespmem:s14], [sflag:$0x6], $0x80, $0x38;
	[tilespmem:$0x18600] =	vst v63  }
0x68a: {  	s11 =	sadd.s32 $0x70, s11;
	s13 =	simm.s32 $0x17478  }
0x68b: {  	[hbm4b:s11+s3] =	stream.linear.scatter [tilespmem:s13], [sflag:$0x6], $0x80, $0x38;
	[tilespmem:$0x18600] =	vst v63  }
0x68c: {  	s14 =	simm.s32 $0x17500;
	s11 =	sadd.s32 s0, s23  }
0x68d: {  	[hbm4b:s11+s3] =	stream.linear.scatter [tilespmem:s14], [sflag:$0x6], $0x80, $0x38;
	[tilespmem:$0x18600] =	vst v63  }
0x68e: {  	s13 =	sadd.s32 $0x10, s11;
	s14 =	simm.s32 $0x17588  }
0x68f: {  	[hbm4b:s13+s3] =	stream.linear.scatter [tilespmem:s14], [sflag:$0x6], $0x80, $0x38;
	[tilespmem:$0x18600] =	vst v63  }
0x690: {  	s13 =	sadd.s32 $0x20, s11;
	s14 =	simm.s32 $0x17610  }
0x691: {  	[hbm4b:s13+s3] =	stream.linear.scatter [tilespmem:s14], [sflag:$0x6], $0x80, $0x38;
	[tilespmem:$0x18600] =	vst v63  }
0x692: {  	s13 =	sadd.s32 $0x30, s11;
	s14 =	simm.s32 $0x17698  }
0x693: {  	[hbm4b:s13+s3] =	stream.linear.scatter [tilespmem:s14], [sflag:$0x6], $0x80, $0x38;
	[tilespmem:$0x18600] =	vst v63  }
0x694: {  	s13 =	sadd.s32 $0x40, s11;
	s14 =	simm.s32 $0x17720  }
0x695: {  	[hbm4b:s13+s3] =	stream.linear.scatter [tilespmem:s14], [sflag:$0x6], $0x80, $0x38;
	[tilespmem:$0x18600] =	vst v63  }
0x696: {  	s13 =	sadd.s32 $0x50, s11;
	s14 =	simm.s32 $0x177A8  }
0x697: {  	[hbm4b:s13+s3] =	stream.linear.scatter [tilespmem:s14], [sflag:$0x6], $0x80, $0x38;
	[tilespmem:$0x18600] =	vst v63  }
0x698: {  	s13 =	sadd.s32 $0x60, s11;
	s14 =	simm.s32 $0x17830  }
0x699: {  	[hbm4b:s13+s3] =	stream.linear.scatter [tilespmem:s14], [sflag:$0x6], $0x80, $0x38;
	[tilespmem:$0x18600] =	vst v63  }
0x69a: {  	s11 =	sadd.s32 $0x70, s11;
	s13 =	simm.s32 $0x178B8  }
0x69b: {  	[hbm4b:s11+s3] =	stream.linear.scatter [tilespmem:s13], [sflag:$0x6], $0x80, $0x38;
	[tilespmem:$0x18600] =	vst v63  }
0x69c: {  	s14 =	simm.s32 $0x17940;
	s11 =	sadd.s32 s0, s24  }
0x69d: {  	[hbm4b:s11+s3] =	stream.linear.scatter [tilespmem:s14], [sflag:$0x6], $0x80, $0x38;
	[tilespmem:$0x18600] =	vst v63  }
0x69e: {  	s13 =	sadd.s32 $0x10, s11;
	s14 =	simm.s32 $0x179C8  }
0x69f: {  	[hbm4b:s13+s3] =	stream.linear.scatter [tilespmem:s14], [sflag:$0x6], $0x80, $0x38;
	[tilespmem:$0x18600] =	vst v63  }
0x6a0: {  	s13 =	sadd.s32 $0x20, s11;
	s14 =	simm.s32 $0x17A50  }
0x6a1: {  	[hbm4b:s13+s3] =	stream.linear.scatter [tilespmem:s14], [sflag:$0x6], $0x80, $0x38;
	[tilespmem:$0x18600] =	vst v63  }
0x6a2: {  	s13 =	sadd.s32 $0x30, s11;
	s14 =	simm.s32 $0x17AD8  }
0x6a3: {  	[hbm4b:s13+s3] =	stream.linear.scatter [tilespmem:s14], [sflag:$0x6], $0x80, $0x38;
	[tilespmem:$0x18600] =	vst v63  }
0x6a4: {  	s13 =	sadd.s32 $0x40, s11;
	s14 =	simm.s32 $0x17B60  }
0x6a5: {  	[hbm4b:s13+s3] =	stream.linear.scatter [tilespmem:s14], [sflag:$0x6], $0x80, $0x38;
	[tilespmem:$0x18600] =	vst v63  }
0x6a6: {  	s13 =	sadd.s32 $0x50, s11;
	s14 =	simm.s32 $0x17BE8  }
0x6a7: {  	[hbm4b:s13+s3] =	stream.linear.scatter [tilespmem:s14], [sflag:$0x6], $0x80, $0x38;
	[tilespmem:$0x18600] =	vst v63  }
0x6a8: {  	s13 =	sadd.s32 $0x60, s11;
	s14 =	simm.s32 $0x17C70  }
0x6a9: {  	[hbm4b:s13+s3] =	stream.linear.scatter [tilespmem:s14], [sflag:$0x6], $0x80, $0x38;
	[tilespmem:$0x18600] =	vst v63  }
0x6aa: {  	s11 =	sadd.s32 $0x70, s11;
	s13 =	simm.s32 $0x17CF8  }
0x6ab: {  	[hbm4b:s11+s3] =	stream.linear.scatter [tilespmem:s13], [sflag:$0x6], $0x80, $0x38;
	[tilespmem:$0x18600] =	vst v63  }
0x6ac: {  	s14 =	simm.s32 $0x17D80;
	s11 =	sadd.s32 s0, s26  }
0x6ad: {  	[hbm4b:s11+s3] =	stream.linear.scatter [tilespmem:s14], [sflag:$0x6], $0x80, $0x38;
	[tilespmem:$0x18600] =	vst v63  }
0x6ae: {  	s13 =	sadd.s32 $0x10, s11;
	s14 =	simm.s32 $0x17E08  }
0x6af: {  	[hbm4b:s13+s3] =	stream.linear.scatter [tilespmem:s14], [sflag:$0x6], $0x80, $0x38;
	[tilespmem:$0x18600] =	vst v63  }
0x6b0: {  	s13 =	sadd.s32 $0x20, s11;
	s14 =	simm.s32 $0x17E90  }
0x6b1: {  	[hbm4b:s13+s3] =	stream.linear.scatter [tilespmem:s14], [sflag:$0x6], $0x80, $0x38;
	[tilespmem:$0x18600] =	vst v63  }
0x6b2: {  	s13 =	sadd.s32 $0x30, s11;
	s14 =	simm.s32 $0x17F18  }
0x6b3: {  	[hbm4b:s13+s3] =	stream.linear.scatter [tilespmem:s14], [sflag:$0x6], $0x80, $0x38;
	[tilespmem:$0x18600] =	vst v63  }
0x6b4: {  	s13 =	sadd.s32 $0x40, s11;
	s14 =	simm.s32 $0x17FA0  }
0x6b5: {  	[hbm4b:s13+s3] =	stream.linear.scatter [tilespmem:s14], [sflag:$0x6], $0x80, $0x38;
	[tilespmem:$0x18600] =	vst v63  }
0x6b6: {  	s13 =	sadd.s32 $0x50, s11;
	s14 =	simm.s32 $0x18028  }
0x6b7: {  	[hbm4b:s13+s3] =	stream.linear.scatter [tilespmem:s14], [sflag:$0x6], $0x80, $0x38;
	[tilespmem:$0x18600] =	vst v63  }
0x6b8: {  	s13 =	sadd.s32 $0x60, s11;
	s14 =	simm.s32 $0x180B0  }
0x6b9: {  	[hbm4b:s13+s3] =	stream.linear.scatter [tilespmem:s14], [sflag:$0x6], $0x80, $0x38;
	[tilespmem:$0x18600] =	vst v63  }
0x6ba: {  	s11 =	sadd.s32 $0x70, s11;
	s14 =	simm.s32 $0x18138  }
0x6bb: {  	[hbm4b:s11+s3] =	stream.linear.scatter [tilespmem:s14], [sflag:$0x6], $0x80, $0x38;
	[tilespmem:$0x18600] =	vst v63  }
0x6bc: {  	s12 =	simm.s32 $0x181C0;
	s0 =	sadd.s32 s0, s28  }
0x6bd: {  	[hbm4b:s0+s3] =	stream.linear.scatter [tilespmem:s12], [sflag:$0x6], $0x80, $0x38;
	[tilespmem:$0x18600] =	vst v63  }
0x6be: {  	s13 =	sadd.s32 $0x10, s0;
	s14 =	simm.s32 $0x18248  }
0x6bf: {  	[hbm4b:s13+s3] =	stream.linear.scatter [tilespmem:s14], [sflag:$0x6], $0x80, $0x38;
	[tilespmem:$0x18600] =	vst v63  }
0x6c0: {  	s13 =	sadd.s32 $0x20, s0;
	s14 =	simm.s32 $0x182D0  }
0x6c1: {  	[hbm4b:s13+s3] =	stream.linear.scatter [tilespmem:s14], [sflag:$0x6], $0x80, $0x38;
	[tilespmem:$0x18600] =	vst v63  }
0x6c2: {  	s13 =	sadd.s32 $0x30, s0;
	s14 =	simm.s32 $0x18358  }
0x6c3: {  	[hbm4b:s13+s3] =	stream.linear.scatter [tilespmem:s14], [sflag:$0x6], $0x80, $0x38;
	[tilespmem:$0x18600] =	vst v63  }
0x6c4: {  	s13 =	sadd.s32 $0x40, s0;
	s14 =	simm.s32 $0x183E0  }
0x6c5: {  	[hbm4b:s13+s3] =	stream.linear.scatter [tilespmem:s14], [sflag:$0x6], $0x80, $0x38;
	[tilespmem:$0x18600] =	vst v63  }
0x6c6: {  	s13 =	sadd.s32 $0x50, s0;
	s14 =	simm.s32 $0x18468  }
0x6c7: {  	[hbm4b:s13+s3] =	stream.linear.scatter [tilespmem:s14], [sflag:$0x6], $0x80, $0x38;
	[tilespmem:$0x18600] =	vst v63  }
.Ltmp39:
0x6c8: {  	_ = 	snop;
	(pc) =	sbr.rel @p0 .LBB2_76-.Ltmp39, $4  }
0x6c9: {  	s12 =	sadd.s32 $0x60, s0;
	s13 =	simm.s32 $0x184F0  }
0x6ca: {  	[hbm4b:s12+s3] =	stream.linear.scatter [tilespmem:s13], [sflag:$0x6], $0x80, $0x38;
	[tilespmem:$0x18600] =	vst v63  }
0x6cb: {  	s0 =	sadd.s32 $0x70, s0;
	s14 =	simm.s32 $0x18578  }
0x6cc: {  	[hbm4b:s0+s3] =	stream.linear.scatter [tilespmem:s14], [sflag:$0x6], $0x80, $0x38;
	[tilespmem:$0x18600] =	vst v63  }
0x6cd: {  	v45 =	vld [tilespmem:$0x1FF20]  }
0x6ce: {  	v48 =	vld [tilespmem:$0x1FF30]  }
0x6cf: {  	v50 =	vld [tilespmem:$0x1FF40]  }
0x6d0: {  	v53 =	vld [tilespmem:$0x1FF50]  }
0x6d1: {  	v56 =	vld [tilespmem:$0x1FF60]  }
0x6d2: {  	v57 =	vld [tilespmem:$0x1FF70]  }
0x6d3: {  	v62 =	vld [tilespmem:$0x1FFA0]  }
0x6d4: {  	v63 =	vld [tilespmem:$0x1FFB0]  }
0x6d5: {  	v38 =	vld [tilespmem:$0x1FE80]  }
0x6d6: {  	v39 =	vld [tilespmem:$0x1FE90]  }
0x6d7: {  	v40 =	vld [tilespmem:$0x1FEA0]  }
0x6d8: {  	v41 =	vld [tilespmem:$0x1FEC0]  }
0x6d9: {  	v42 =	vld [tilespmem:$0x1FED0]  }
0x6da: {  	v43 =	vld [tilespmem:$0x1FF80]  }
.Ltmp40:
0x6db: {  	s0 =	rddreg [dreg:$0x7];
	v61 =	vld [tilespmem:$0x1FE30];
	(pc) =	sbr.rel .LBB2_2-.Ltmp40, $4  }
0x6dc: {  	v44 =	vld [tilespmem:$0x1FE20];
	s0 =	sadd.s32 s0, s2  }
0x6dd: {  	v46 =	vld [tilespmem:$0x1FE70];
	s0 =	sshrl.u32 s0, $0x3  }
0x6de: {  	s14 =	simm.s32 $0x10080;
	s31 =	sadd.s32 $0x1, s31;
	v51 =	vld [tilespmem:$0x1FFC0];
	s0 =	sadd.s32 s4, s0  }
0x6df: {  	v52 =	vld [tilespmem:$0x1FE50];
	[tilespmem:s14], [sflag:$0x2] =	stream.linear.gather [hbm4b:s0+s3], $0x80, $0x38  }
.LBB2_77:
0x6e0: {  	_ =	sfence.sel $0x180000  }
0x6e1: {  	[bflag:$0x0] =	sbarrier.arrive $0xFFFF  }
0x6e2: {  	_ =	strace $0x9000004A  }
0x6e3: {  	s0 =	stileid.u32;
	[bflag:$0x2] =	sbarrier.arrive $0xFFFF  }
0x6e4: {  	p0 =	sne.s32 s0, $0x0;
	s0 =	rddreg [dreg:$0x2]  }
0x6e5: {  	s0 =	sadd.s32 @!p0 $0x100000, s0  }
0x6e6: {  	[sflag:s0] =	ssyncadd.tile.s32 @!p0 $0x1;
	_ =	shalt  }
.Lfunc_end2:
_tile_overlayer_lowered:
.L_overlay_start_2:
0x6e7: {  	(tag) =	ssettag $0x2  }
0x6e8: {  	s0 =	rddreg [dreg:$0x0];
	s2 =	stileid.u32  }
0x6e9: {  	s1 =	rddreg [dreg:$0x1];
	p0 =	sne.s32 s2, $0x0  }
0x6ea: {  	s3 =	rddreg [dreg:$0x2];
	[bflag:$0x3] =	sbarrier.arrive $0xFFFF;
	s2 =	simm.s32 @!p0 $0x1C07  }
0x6eb: {  	[timem:s3], [sflag:s2] =	dma.local @!p0 [hbm:s0], s1  }
0x6ec: {  	s0 =	simm.s32 @!p0 $0x7  }
0x6ed: {  	_ =	swait.ge @!p0 [sflag:s0], s1  }
0x6ee: {  	s1 =	ssub.s32 @!p0 $0x0, s1;
	[sflag:s0] =	ssyncset.done @!p0 $0x0  }
0x6ef: {  	[sflag:s0] =	ssyncadd.s32 @!p0 s1  }
0x6f0: {  	[bflag:$0x3] =	sbarrier.arrive $0xFFFF  }
0x6f1: {  	_ =	shalt  }

// kernel: sparse-core-data-format-call.cloned.1.call-start
scs
called_computation_lowered:
.L_overlay_start_0:
0x0: {  	s2 =	sld [smem:$0x3FD9]  }
0x1: {  	s3 =	sld [smem:$0x3FFE];
	_ =	sdelay $0x1  }
0x2: {  	s1 =	srdreg.scid  }
0x3: {  	s0 =	sand.u32 $0x1, s1  }
0x4: {  	s18 =	sshll.u32 s0, $0xA;
	s2 =	sadd.s32 s3, s2  }
0x5: {  	s2 =	sadd.s32 s2, s18  }
0x6: {  	[smem:$0x3FC5] =	sst s2  }
0x7: {  	_ = 	snop  }
0x8: {  	s2 =	sld [smem:$0x3FC8];
	(tm) =	ssettm $0x1  }
0x9: {  	s19 =	sld [smem:$0x3FFB];
	_ =	sdelay $0x3  }
0xa: {  	_ =	strace s19  }
0xb: {  	s3 =	sld [smem:$0x3FFC];
	_ =	sdelay $0x3  }
0xc: {  	_ =	strace s3  }
0xd: {  	s3 =	sld [smem:$0x3FFD];
	_ =	sdelay $0x3  }
0xe: {  	_ =	strace s3  }
0xf: {  	_ =	strace $0x8FFFFFFF  }
0x10: {  	s20 =	sld [smem:$0x3FDB];
	_ =	sdelay $0x1  }
0x11: {  	s4 =	simm.s32 $_scs_section_size  }
0x12: {  	s5 =	simm.s32 $_size__tile_overlayer_lowered;
	s6 =	simm.s32 $_tile_overlayer_lowered  }
0x13: {  	s23 =	simm.s32 $0x1BFF;
	s22 =	sshll.u32 s6, $0x1;
	s3 =	sadd.s32 s4, s20  }
0x14: {  	s7 =	simm.s32 $0x0;
	s21 =	sshll.u32 s5, $0x1;
	s5 =	sadd.s32 s22, s3  }
0x15: {  	[timem:s7], [sflag:s23] =	dma.local [hbm:s5], s21  }
0x16: {  	_ =	swait.ge [sflag:s23], s21  }
0x17: {  	s4 =	ssub.s32 $0x0, s21;
	[sflag:s23] =	ssyncset.done $0x0  }
0x18: {  	[sflag:s23] =	ssyncadd.s32 s4;
	_ =	sdelay $0x1  }
0x19: {  	s24 =	simm.s32 $0x1B8B  }
0x1a: {  	_ =	swait.ge [sflag:s24], $0x1  }
0x1b: {  	[sflag:s24] =	ssyncset.done $0x0  }
0x1c: {  	s26 =	simm.s32 $0x1B8E;
	s25 =	sld [smem:$0x3FFE];
	[sflag:s24] =	ssyncadd.s32 $0xFFFFFFFF  }
0x1d: {  	s27 =	simm.s32 $execute0_lowered;
	[smem:$0x3FD2] =	sst s26  }
0x1e: {  	s5 =	sshll.u32 s27, $0x1;
	_ =	strace $0x80000046;
	[dreg:$0x1] =	wrdreg $0xFFFFFFFF  }
0x1f: {  	s28 =	simm.s32 $_size_execute0_lowered;
	s3 =	sadd.s32 s3, s5;
	[dreg:$0x0] =	wrdreg $0x0  }
0x20: {  	s5 =	sshll.u32 s28, $0x1;
	[dreg:$0x2] =	wrdreg s3  }
0x21: {  	[dreg:$0x3] =	wrdreg s5  }
0x22: {  	[dreg:$0x4] =	wrdreg $0xC0  }
0x23: {  	_ =	task [dreg:s7], $0x5FFFF  }
0x24: {  	[dreg:$0x1] =	wrdreg $0xFFFFFFFF  }
0x25: {  	[dreg:$0x0] =	wrdreg $0x60  }
0x26: {  	[dreg:$0x2] =	wrdreg s2  }
0x27: {  	[dreg:$0x3] =	wrdreg s25  }
0x28: {  	[dreg:$0x4] =	wrdreg $0x9  }
0x29: {  	_ =	task.clear_ibuf [dreg:s7], $0x5FFFF;
	_ =	strace $0x90000046  }
0x2a: {  	s29 =	simm.s32 $0x9;
	_ =	strace $0x80000048  }
0x2b: {  	_ =	swait.ge [sflag:s29], $0x1  }
0x2c: {  	[sflag:s29] =	ssyncadd.s32 $0xFFFFFFFF  }
0x2d: {  	_ =	strace $0x90000048  }
0x2e: {  	_ =	sfence  }
0x2f: {  	s30 =	sld [smem:$0x0];
	_ =	sdelay $0x2  }
0x30: {  	s31 =	sshll.u32 s1, $0xD;
	s1 =	sshrl.u32 s1, $0x2  }
0x31: {  	s3 =	sand.u32 $0x4000, s31;
	s1 =	sadd.s32 s1, s30  }
0x32: {  	s0 =	sor.u32 s3, s0;
	s1 =	sshll.u32 s1, $0x11  }
0x33: {  	s0 =	sor.u32 s1, s0  }
0x34: {  	s0 =	sadd.s32 $0x8F2B, s0  }
0x35: {  	[sflag:s0] =	ssyncadd.remote.s32 $0x1  }
0x36: {  	_ =	sfence.sel $0xFFFF  }
0x37: {  	[dreg:$0x0] =	wrdreg $0xFFFFFFFF;
	(pc) =	sbr.abs _section_cstart, $3  }
0x38: {  	[dreg:$0x1] =	wrdreg $0xFFFFFFFF  }
0x39: {  	_ =	task.clear_ibuf [dreg:s7], $0x2FFFF;
	_ =	strace $0x9FFFFFFF  }
0x3a: {  	(tm) =	ssettm $0x7FFFFFFF  }
0x3b: {  	_ =	shalt  }
tec
execute0_lowered:
.L_overlay_start_1:
0x0: {  	(tag) =	ssettag $0x1  }
0x1: {  	s0 =	srdreg.scid;
	s2 =	rddreg [dreg:$0x0]  }
0x2: {  	s5 =	rddreg [dreg:$0x1];
	s1 =	stileid.u32  }
0x3: {  	s4 =	simm.s32 $0x1;
	s6 =	simm.s32 $0x2;
	s15 =	simm.s32 $0x0  }
0x4: {  	p0 =	por $0x0, $0x0;
	s8 =	simm.s32 $0x80;
	s0 =	sshll.u32 s0, $0x4  }
0x5: {  	s14 =	simm.s32 $0x0;
	s9 =	simm.s32 $0x0;
	s3 =	sand.u32 $0x10, s0  }
.Ltmp0:
0x6: {  	s10 =	simm.s32 $0x0;
	s3 =	sor.u32 s1, s3;
	(pc) =	sbr.rel .LBB1_1-.Ltmp0, $4  }
0x7: {  	s0 =	rddreg [dreg:$0x2];
	_ =	strace $0x80000047;
	s3 =	sshll.u32 s3, $0x7  }
0x8: {  	s12 =	simm.s32 $0x0;
	[sflag:s4] =	ssyncpa.u1 $0x0;
	s7 =	ssub.s32 $0xF4200, s3  }
0x9: {  	s13 =	simm.s32 $0x0;
	[sflag:s6] =	ssyncpa.u1 $0x0;
	s6 =	sshrl.u32 s7, $0xC  }
0xa: {  	s5 =	sadd.s32 $0xC00, s5;
	s11 =	smov.u32 s3;
	s7 =	sadd.s32 $0x2, s6  }
.LBB1_5:
0xb: {  	p1 =	slt.u32 s13, $0x2  }
0xc: {  	s17 =	smov.u32 s15;
	p2 =	sgt.s32 @!p1 s15, $0xF41C0;
	s16 =	sshra.s32 @!p1 s15, $0x1F  }
0xd: {  	p3 =	sgt.s32 @!p1 s14, $0x40;
	s18 =	sshra.s32 @!p1 s14, $0x1F;
	p2 =	por !p2, p1  }
0xe: {  	s15 =	sand.u32 @!p1 s16, s15;
	p3 =	por !p3, p1;
	s16 =	smov.u32 s14  }
0xf: {  	s14 =	sand.u32 @!p1 s18, s14;
	s17 =	simm.s32 @p2 $0xF41C0;
	s16 =	simm.s32 @p3 $0x40  }
0x10: {  	s15 =	ssub.s32 @!p1 s17, s15;
	s14 =	ssub.s32 @!p1 s16, s14  }
0x11: {  	s18 =	smov.u32 s12;
	s16 =	sadd.s32 @!p1 $0xFFF0BE40, s15;
	s17 =	sadd.s32 @!p1 $0xFFFFFFC0, s14  }
0x12: {  	s15 =	ssub.s32 @!p1 $0xF4240, s15;
	p2 =	sgt.s32 @!p1 s16, $0x7F;
	p3 =	sgt.s32 @!p1 s17, $0x3F  }
0x13: {  	s14 =	ssub.s32 @!p1 $0x80, s14;
	p2 =	por !p2, p1;
	p3 =	por !p3, p1  }
0x14: {  	s16 =	sadd.s32 $0x1000, s11;
	s15 =	simm.s32 @!p2 $0x0;
	s14 =	simm.s32 @!p3 $0x0  }
0x15: {  	p2 =	sgt.s32 s16, $0xF423F;
	s14 =	smul.u32 @!p1 s14, s15;
	s15 =	sadd.s32 $0x40, s12  }
0x16: {  	s18 =	smov.u32 @p2 s15  }
0x17: {  	s16 =	smov.u32 @p2 s3;
	p2 =	sgt.s32 s18, $0x3F  }
0x18: {  	s18 =	simm.s32 @p2 $0x0;
	p2 =	sne.s32 s13, s7  }
.Ltmp1:
0x19: {  	p0 =	por !p0, !p0;
	s17 =	simm.s32 @!p1 $0x2;
	(pc) =	sbr.rel @!p2 .LBB1_6-.Ltmp1, $4  }
0x1a: {  	s15 =	smov.u32 s9;
	s9 =	smov.u32 s11;
	s14 =	sand.u32 @!p1 $0x3FFFFFFF, s14  }
0x1b: {  	s11 =	smov.u32 s16;
	_ =	swait.ge @!p1 [sflag:s17], s14;
	s19 =	ssub.s32 @!p1 $0x0, s14  }
0x1c: {  	s14 =	smov.u32 s10;
	s13 =	sadd.s32 $0x1, s13;
	[sflag:s17] =	ssyncset.done @!p1 $0x0  }
0x1d: {  	s10 =	smov.u32 s12;
	s12 =	smov.u32 s18;
	[sflag:s17] =	ssyncadd.s32 @!p1 s19  }
.LBB1_1:
0x1e: {  	p1 =	sgt.u32 s13, s6  }
0x1f: {  	s16 =	sshrl.u32 @!p1 s12, $0x3  }
0x20: {  	s17 =	sshll.u32 @!p1 s11, $0x3;
	s16 =	smul.u32 @!p1 $0x7A1400, s16  }
0x21: {  	s18 =	sshll.u32 @!p1 s12, $0x7;
	s17 =	sand.u32 @!p1 $0xFFFFFC00, s17  }
0x22: {  	s16 =	sadd.s32 @!p1 s16, s17;
	s17 =	sand.u32 @!p1 $0x380, s18  }
0x23: {  	s18 =	sand.u32 @!p1 $0x7F, s11;
	s16 =	sor.u32 @!p1 s17, s16  }
0x24: {  	s17 =	sor.u32 @!p1 s18, s16  }
0x25: {  	s18 =	smulhi.u32 @!p1 $0x218D6287, s17;
	_ =	sdelay $0x1  }
0x26: {  	s16 =	smulhi.u32 @!p1 $0x218D6287, s16;
	s18 =	sshrl.u32 @!p1 s18, $0x11  }
0x27: {  	s18 =	smul.u32 @!p1 $0xF4280, s18  }
0x28: {  	s19 =	sxor.u32 @!p1 $0xFFFFFFFF, s13;
	s16 =	sshrl.u32 @!p1 s16, $0x11  }
0x29: {  	s19 =	sshll.u32 @!p1 s19, $0xD;
	s16 =	sand.u32 @!p1 $0x3F, s16;
	s17 =	ssub.s32 @!p1 s17, s18  }
0x2a: {  	s16 =	smul.u32 @!p1 $0x1E850, s16;
	s18 =	sshrl.u32 @!p1 s17, $0x3;
	s17 =	sand.u32 @!p1 $0x7, s17  }
0x2b: {  	s19 =	sand.u32 @!p1 $0x2000, s19;
	s18 =	sadd.s32 @!p1 s2, s18;
	s17 =	sshll.u32 @!p1 s17, $0x12  }
0x2c: {  	s16 =	sadd.s32 @!p1 s16, s18;
	s17 =	sor.u32 @!p1 $0x400, s17;
	s18 =	simm.s32 @!p1 $0x7A1400  }
0x2d: {  	[tilespmem:s19], [sflag:$0x1] =	stream.strided.gather @!p1 [hbm4b:s16+s17], $0x2000, s18, s17, $0x38;
	[tilespmem:$0x8100] =	vst v63  }
0x2e: {  	p1 =	seq.s32 s13, $0x0  }
0x2f: {  	p2 =	sge.u32 @!p1 s13, s7  }
0x30: {  	p1 =	por p1, p2  }
.Ltmp2:
0x31: {  	_ = 	snop;
	(pc) =	sbr.rel @p1 .LBB1_5-.Ltmp2, $1  }
0x32: {  	_ =	sdelay $0x3  }
0x33: {  	s16 =	simm.s32 $0x1  }
0x34: {  	_ =	swait.ge [sflag:s4], $0x2000;
	s16 =	simm.s32 @!p0 $0x0  }
0x35: {  	[sflag:s4] =	ssyncset.done $0x0;
	s17 =	sshll.u32 s16, $0xD  }
0x36: {  	[sflag:s4] =	ssyncadd.s32 $0xFFFFE000;
	s17 =	sor.u32 $0x40, s17  }
0x37: {  	s16 =	smul.u32 $0x8200, s16;
	v0 =	vld [tilespmem:s17+$0x30]  }
0x38: {  	v1 =	vld [tilespmem:s17+$0xFFFFFFD0]  }
0x39: {  	s16 =	sshrl.u32 s16, $0x2;
	v5 =	vld [tilespmem:s17+$0xFFFFFFE0]  }
0x3a: {  	v6 =	vld [tilespmem:s17+$0xFFFFFFF0];
	s19 =	sor.u32 $0x4000, s16  }
0x3b: {  	s31 =	sand.u32 $0x1, s13;
	v4 =	vld [tilespmem:s17+$0x0];
	s18 =	sadd.s32 $0x0, s19  }
0x3c: {  	v3 =	vld [tilespmem:s17+$0x10];
	s16 =	smul.u32 $0x8200, s31;
	[tilespmem:s18+$0x1C70 ss:$0x41] =	vst.msk $0xffff, v0  }
0x3d: {  	v2 =	vld [tilespmem:s17+$0x20];
	[tilespmem:s18+$0x410 ss:$0x41] =	vst.msk $0xffff, v1  }
0x3e: {  	s16 =	sshrl.u32 s16, $0x2;
	v1 =	vld [tilespmem:s17+$0xFFFFFFC0];
	[tilespmem:s18+$0x820 ss:$0x41] =	vst.msk $0xffff, v5;
	s17 =	sadd.s32 $0x80, s17  }
0x3f: {  	s20 =	simm.s32 $0x4;
	s21 =	simm.s32 $0x8;
	s16 =	sor.u32 $0x4000, s16;
	[tilespmem:s18+$0xC30 ss:$0x41] =	vst.msk $0xffff, v6;
	v0 =	vld [tilespmem:s17+$0x30]  }
.LBB1_3:
0x40: {  	p1 =	sne.s32 s21, $0xFC;
	v5 =	vld [tilespmem:s17+$0xFFFFFFD0];
	[tilespmem:s18+$0x1040 ss:$0x41] =	vst.msk $0xffff, v4  }
0x41: {  	v6 =	vld [tilespmem:s17+$0xFFFFFFE0];
	[tilespmem:s18+$0x1450 ss:$0x41] =	vst.msk $0xffff, v3  }
0x42: {  	s22 =	sshra.s32 s20, $0x2;
	s20 =	smov.u32 s21;
	v7 =	vld [tilespmem:s17+$0xFFFFFFF0];
	[tilespmem:s18+$0x1860 ss:$0x41] =	vst.msk $0xffff, v2  }
.Ltmp3:
0x43: {  	v4 =	vld [tilespmem:s17+$0x0];
	[tilespmem:s18+$0x0 ss:$0x41] =	vst.msk $0xffff, v1;
	s18 =	sadd.s32 s22, s19;
	(pc) =	sbr.rel @p1 .LBB1_3-.Ltmp3, $4  }
0x44: {  	v3 =	vld [tilespmem:s17+$0x10];
	[tilespmem:s18+$0x1C70 ss:$0x41] =	vst.msk $0xffff, v0  }
0x45: {  	[tilespmem:s18+$0x410 ss:$0x41] =	vst.msk $0xffff, v5;
	v2 =	vld [tilespmem:s17+$0x20]  }
0x46: {  	v1 =	vld [tilespmem:s17+$0xFFFFFFC0];
	[tilespmem:s18+$0x820 ss:$0x41] =	vst.msk $0xffff, v6;
	s17 =	sadd.s32 $0x80, s17  }
0x47: {  	s21 =	sadd.s32 $0x4, s21;
	v0 =	vld [tilespmem:s17+$0x30];
	[tilespmem:s18+$0xC30 ss:$0x41] =	vst.msk $0xffff, v7  }
0x48: {  	s21 =	sshll.u32 s9, $0x7;
	s22 =	sshll.u32 s10, $0x3;
	s20 =	sshra.s32 s20, $0x2  }
0x49: {  	p1 =	sgt.s32 s9, $0xF41C0;
	s30 =	sshra.s32 s9, $0x1F;
	s25 =	sshra.s32 s10, $0x1F  }
0x4a: {  	v5 =	vld [tilespmem:s17+$0xFFFFFFD0];
	s28 =	sshrl.u32 s10, $0x3;
	s23 =	sand.u32 $0xFFFFFC00, s21;
	s22 =	sand.u32 $0xFFFFFC00, s22  }
0x4b: {  	[tilespmem:s18+$0x1040 ss:$0x41] =	vst.msk $0xffff, v4;
	v58 =	vld [tilespmem:s17+$0xFFFFFFE0];
	s21 =	sand.u32 $0x380, s21;
	s19 =	sadd.s32 s20, s19;
	s22 =	sadd.s32 s22, s23  }
0x4c: {  	v59 =	vld [tilespmem:s17+$0xFFFFFFF0];
	[tilespmem:s18+$0x1450 ss:$0x41] =	vst.msk $0xffff, v3;
	s29 =	sor.u32 s21, s22;
	s21 =	smov.u32 s9;
	s22 =	sand.u32 s30, s9  }
0x4d: {  	v60 =	vld [tilespmem:s17+$0x0];
	[tilespmem:s18+$0x1860 ss:$0x41] =	vst.msk $0xffff, v2;
	s30 =	sand.u32 $0x7, s10;
	s20 =	sshrl.u32 s29, $0x7;
	s21 =	simm.s32 @!p1 $0xF41C0  }
0x4e: {  	v61 =	vld [tilespmem:s17+$0x10];
	[tilespmem:s18+$0x0 ss:$0x41] =	vst.msk $0xffff, v1;
	p1 =	sgt.s32 s10, $0x40;
	s24 =	ssub.s32 s21, s22;
	s21 =	smov.u32 s10  }
0x4f: {  	v62 =	vld [tilespmem:s17+$0x20];
	[tilespmem:s19+$0x1C70 ss:$0x41] =	vst.msk $0xffff, v0;
	s31 =	smulhi.u32 $0x218DEF5, s20;
	s22 =	sand.u32 s25, s10;
	s21 =	simm.s32 @!p1 $0x40  }
0x50: {  	v63 =	vld [tilespmem:s17+$0xFFFFFFC0];
	[tilespmem:s19+$0x410 ss:$0x41] =	vst.msk $0xffff, v5;
	s26 =	sadd.s32 $0xFFF0BE40, s24;
	s17 =	ssub.s32 $0xF4240, s24;
	s21 =	ssub.s32 s21, s22  }
0x51: {  	[tilespmem:s19+$0x820 ss:$0x41] =	vst.msk $0xffff, v58;
	s23 =	sshrl.u32 s31, $0xD;
	p1 =	sgt.s32 s26, $0x7F;
	s27 =	sadd.s32 $0xFFFFFFC0, s21  }
0x52: {  	[tilespmem:s19+$0xC30 ss:$0x41] =	vst.msk $0xffff, v59;
	s23 =	smul.u32 $0xF4240, s23;
	s18 =	ssub.s32 $0x80, s21;
	p2 =	sgt.s32 s27, $0x3F  }
.Ltmp4:
0x53: {  	[tilespmem:s19+$0x1040 ss:$0x41] =	vst.msk $0xffff, v60;
	s17 =	simm.s32 @p1 $0x0;
	s18 =	simm.s32 @p2 $0x0;
	(pc) =	sbr.rel .LBB1_5-.Ltmp4, $4  }
0x54: {  	s29 =	sand.u32 $0xF, s28;
	[tilespmem:s19+$0x1450 ss:$0x41] =	vst.msk $0xffff, v61;
	s20 =	ssub.s32 s20, s23;
	s17 =	smul.u32 s18, s17  }
0x55: {  	[tilespmem:s19+$0x1860 ss:$0x41] =	vst.msk $0xffff, v62;
	s21 =	sshll.u32 s30, $0x12;
	s20 =	sshll.u32 s20, $0x4;
	s18 =	sadd.s32 s5, s29  }
0x56: {  	[tilespmem:s19+$0x0 ss:$0x41] =	vst.msk $0xffff, v63;
	s31 =	sor.u32 $0x40, s21;
	s18 =	sadd.s32 s20, s18;
	s17 =	sand.u32 $0x3FFFFFFF, s17  }
0x57: {  	[hbm4b:s18+s31] =	stream.strided.scatter [tilespmem:s16], [sflag:$0x2], s17, s8, s31, $0x18;
	[tilespmem:$0x8100] =	vst v63  }
.LBB1_6:
0x58: {  	_ =	sfence.sel $0x180000  }
0x59: {  	s2 =	simm.s32 $0x1;
	[bflag:$0x0] =	sbarrier.arrive $0xFFFF  }
0x5a: {  	s31 =	simm.s32 $0x2;
	[sflag:s2] =	ssyncpa.u1 $0x1  }
0x5b: {  	[sflag:s31] =	ssyncpa.u1 $0x1  }
0x5c: {  	p0 =	sne.s32 s1, $0x0;
	_ =	strace $0x90000047  }
0x5d: {  	s0 =	sadd.s32 @!p0 $0x100000, s0;
	[bflag:$0x2] =	sbarrier.arrive $0xFFFF  }
0x5e: {  	[sflag:s0] =	ssyncadd.tile.s32 @!p0 $0x1;
	_ =	shalt  }
.Lfunc_end1:
_tile_overlayer_lowered:
.L_overlay_start_2:
0x5f: {  	(tag) =	ssettag $0x2  }
0x60: {  	s0 =	rddreg [dreg:$0x0];
	s2 =	stileid.u32  }
0x61: {  	s1 =	rddreg [dreg:$0x1];
	p0 =	sne.s32 s2, $0x0  }
0x62: {  	s3 =	rddreg [dreg:$0x2];
	[bflag:$0x3] =	sbarrier.arrive $0xFFFF;
	s2 =	simm.s32 @!p0 $0x1C01  }
0x63: {  	[timem:s3], [sflag:s2] =	dma.local @!p0 [hbm:s0], s1  }
0x64: {  	s0 =	simm.s32 @!p0 $0x1  }
0x65: {  	_ =	swait.ge @!p0 [sflag:s0], s1  }
0x66: {  	s1 =	ssub.s32 @!p0 $0x0, s1;
	[sflag:s0] =	ssyncset.done @!p0 $0x0  }
0x67: {  	[sflag:s0] =	ssyncadd.s32 @!p0 s1  }
0x68: {  	[bflag:$0x3] =	sbarrier.arrive $0xFFFF  }
0x69: {  	_ =	shalt  }

</sc_bundles>
